<compile_context>
chip_gen: v7x
topology: tpu7x:2x2x1
jax: 0.10.2.dev20260603
libtpu: 0.0.44.dev20260713+nightly
codegen_flags: <defaults>
</compile_context>

<pallas_src>
import jax
import jax.numpy as jnp
from jax import lax
from jax.experimental import pallas as pl
from jax.experimental.pallas import tpu as pltpu
from jax.experimental.pallas import tpu_sc as plsc

B = 4096
D = 64
LEN_VOCAB = 51
OUT_W = 3 * D + LEN_VOCAB
PAD_W = 256

_info = plsc.get_sparse_core_info()
NC = _info.num_cores
NS = _info.num_subcores
NW = NC * NS
BPW = B // NW


def _sc_adv_body(adv_id, adv_t, g_adv, ia, ra, sa):
    wid = lax.axis_index("s") * NC + lax.axis_index("c")
    base = wid * BPW
    pltpu.sync_copy(adv_id.at[pl.ds(base, BPW)], ia)
    pltpu.async_copy(adv_t.at[ia], ra, sa).wait()
    pltpu.sync_copy(ra, g_adv.at[pl.ds(base, BPW)])


def _sc_main_body(brd_id, ind_id, len_id, brd_t, ind_t, g_adv,
                  out, ib, ii, il, ra, rb, ri, out_v, sb, si):
    wid = lax.axis_index("s") * NC + lax.axis_index("c")
    base = wid * BPW

    pltpu.sync_copy(brd_id.at[pl.ds(base, BPW)], ib)
    pltpu.sync_copy(ind_id.at[pl.ds(base, BPW)], ii)
    pltpu.sync_copy(len_id.at[pl.ds(base, BPW)], il)

    cb = pltpu.async_copy(brd_t.at[ib], rb, sb)
    ci = pltpu.async_copy(ind_t.at[ii], ri, si)
    pltpu.sync_copy(g_adv.at[pl.ds(base, BPW)], ra)
    cb.wait()
    ci.wait()

    iota = lax.iota(jnp.int32, 16)
    one = jnp.full((16,), 1.0, jnp.float32)
    zero = jnp.zeros((16,), jnp.float32)

    def body(g, carry):
        s = g * 16
        vl = il[pl.ds(s, 16)]
        for j in range(16):
            r = s + j
            for c in range(4):
                out_v[r, pl.ds(c * 16, 16)] = ra[r, pl.ds(c * 16, 16)]
            for c in range(4):
                out_v[r, pl.ds(D + c * 16, 16)] = rb[r, pl.ds(c * 16, 16)]
            for c in range(4):
                out_v[r, pl.ds(2 * D + c * 16, 16)] = jnp.where(
                    iota + (c * 16) == vl[j], one, zero)
            for c in range(4):
                out_v[r, pl.ds(2 * D + LEN_VOCAB + c * 16, 16)] = \
                    ri[r, pl.ds(c * 16, 16)]
        return carry

    lax.fori_loop(0, BPW // 16, body, 0)
    pltpu.sync_copy(out_v, out.at[pl.ds(base, BPW)])


def kernel(advertiser_id, brand_id, industry, campaign_length,
           adv_table, brand_table, ind_table):
    mesh = plsc.VectorSubcoreMesh(core_axis_name="c", subcore_axis_name="s")
    adv_gather = pl.kernel(
        _sc_adv_body,
        mesh=mesh,
        compiler_params=pltpu.CompilerParams(use_tc_tiling_on_sc=False),
        out_type=jax.ShapeDtypeStruct((B, D), jnp.float32),
        scratch_types=[
            pltpu.VMEM((BPW,), jnp.int32),
            pltpu.VMEM((BPW, D), jnp.float32),
            pltpu.SemaphoreType.DMA,
        ],
    )
    g_adv = adv_gather(advertiser_id, adv_table)

    main = pl.kernel(
        _sc_main_body,
        mesh=mesh,
        compiler_params=pltpu.CompilerParams(use_tc_tiling_on_sc=False),
        out_type=jax.ShapeDtypeStruct((B, PAD_W), jnp.float32),
        scratch_types=[
            pltpu.VMEM((BPW,), jnp.int32),
            pltpu.VMEM((BPW,), jnp.int32),
            pltpu.VMEM((BPW,), jnp.int32),
            pltpu.VMEM((BPW, D), jnp.float32),
            pltpu.VMEM((BPW, D), jnp.float32),
            pltpu.VMEM((BPW, D), jnp.float32),
            pltpu.VMEM((BPW, PAD_W), jnp.float32),
            pltpu.SemaphoreType.DMA,
            pltpu.SemaphoreType.DMA,
        ],
    )
    padded = main(brand_id, industry, campaign_length,
                  brand_table, ind_table, g_adv)
    return padded[:, :OUT_W]

# --- scband reference (transcript-rebuilt; emitter-appended) ---
"""Pipeline reference for scband-user-model-24421184045568 (READ-ONLY COPY).

The authoritative reference and input builder live on the scoring server;
editing this copy changes nothing except your own understanding.
"""

import jax, jax.numpy as jnp
import numpy as np

B = 4096
D = 64
ADV_VOCAB = 100001  # len(unique_advertiser_ids) + 1 (StringLookup OOV row)
BRD_VOCAB = 100001  # len(unique_brand_ids) + 1
IND_VOCAB = 1001    # len(unique_industry_ids) + 1
LEN_VOCAB = 51      # len(tokens_len) + 1 (one-hot depth)


def setup_inputs(seed: int = 0) -> dict:
    key = jax.random.key(seed)
    k1, k2, k3, k4, k5, k6, k7 = jax.random.split(key, 7)
    return {
        "advertiser_id": jax.random.randint(k1, (B,), 0, ADV_VOCAB, dtype=jnp.int64 if jax.config.jax_enable_x64 else jnp.int32).astype(jnp.int32),
        "brand_id": jax.random.randint(k2, (B,), 0, BRD_VOCAB).astype(jnp.int32),
        "industry": jax.random.randint(k3, (B,), 0, IND_VOCAB).astype(jnp.int32),
        "campaign_length": jax.random.randint(k4, (B,), 0, LEN_VOCAB).astype(jnp.int32),
        "adv_table": jax.random.normal(k5, (ADV_VOCAB, D), dtype=jnp.float32) * 0.05,
        "brand_table": jax.random.normal(k6, (BRD_VOCAB, D), dtype=jnp.float32) * 0.05,
        "ind_table": jax.random.normal(k7, (IND_VOCAB, D), dtype=jnp.float32) * 0.05,
    }


def reference(advertiser_id, brand_id, industry, campaign_length, adv_table, brand_table, ind_table):
    # StringLookup is modeled as precomputed integer indices; Embedding is a table gather.
    adv_emb = jnp.take(adv_table, advertiser_id, axis=0)          # [B, D]
    brd_emb = jnp.take(brand_table, brand_id, axis=0)             # [B, D]
    len_oh = jax.nn.one_hot(campaign_length, LEN_VOCAB, dtype=jnp.float32)  # [B, LEN_VOCAB]
    ind_emb = jnp.take(ind_table, industry, axis=0)               # [B, D]
    return jnp.concatenate([adv_emb, brd_emb, len_oh, ind_emb], axis=1)  # [B, 2*D + LEN_VOCAB + D]

if __name__ == "__main__":
    import jax
    _d = setup_inputs()
    print(jax.jit(kernel)(*tuple(_d.values())))

</pallas_src>

<mosaic_0001>
#map = affine_map<(d0, d1) -> (0)>
#map1 = affine_map<(d0, d1) -> (0, 0)>
module attributes {stable_mosaic.version = 14 : i64} {
  func.func @_sc_main_body(%arg0: i32, %arg1: i32, %arg2: memref<4096xi32, #tpu.memory_space<hbm>>, %arg3: memref<4096xi32, #tpu.memory_space<hbm>>, %arg4: memref<4096xi32, #tpu.memory_space<hbm>>, %arg5: memref<100001x64xf32, #tpu.memory_space<hbm>>, %arg6: memref<1001x64xf32, #tpu.memory_space<hbm>>, %arg7: memref<4096x64xf32, #tpu.memory_space<hbm>>, %arg8: memref<4096x256xf32, #tpu.memory_space<hbm>>, %arg9: memref<128xi32, #tpu.memory_space<vmem>>, %arg10: memref<128xi32, #tpu.memory_space<vmem>>, %arg11: memref<128xi32, #tpu.memory_space<vmem>>, %arg12: memref<128x64xf32, #tpu.memory_space<vmem>>, %arg13: memref<128x64xf32, #tpu.memory_space<vmem>>, %arg14: memref<128x64xf32, #tpu.memory_space<vmem>>, %arg15: memref<128x256xf32, #tpu.memory_space<vmem>>, %arg16: memref<!tpu.dma_semaphore, #tpu.memory_space<semaphore_mem>>, %arg17: memref<!tpu.dma_semaphore, #tpu.memory_space<semaphore_mem>>) attributes {dimension_semantics = [#tpu.dimension_semantics<core_parallel>, #tpu.dimension_semantics<subcore_parallel>], iteration_bounds = array<i64: 2, 16>, scalar_prefetch = 0 : i64, scratch_operands = 9 : i64, tpu.core_type = #tpu.core_type<sc_vector_subcore>, window_params = [{transform_indices = #map}, {transform_indices = #map}, {transform_indices = #map}, {transform_indices = #map1}, {transform_indices = #map1}, {transform_indices = #map1}, {transform_indices = #map1}]} {
    %mul3A = arith.constant 2 : i32
    %mul3A_0 = arith.muli %arg1, %mul3A : i32
    %add3A = arith.addi %mul3A_0, %arg0 : i32
    %mul3A_1 = arith.constant 128 : i32
    %mul3A_2 = arith.muli %add3A, %mul3A_1 : i32
    "tpu.region"() ({
      %run_scoped3A = tpu.sem_alloc : memref<!tpu.dma_semaphore, #tpu.memory_space<semaphore_mem>>
      %dma_start3A_21 = tpu.memref_slice %arg2[%mul3A_2] : memref<4096xi32, #tpu.memory_space<hbm>> -> memref<128xi32, #tpu.memory_space<hbm>>
      %dma_start3A_22 = tpu.memref_slice %arg2[%mul3A_2] : memref<4096xi32, #tpu.memory_space<hbm>> -> memref<128xi32, #tpu.memory_space<hbm>>
      tpu.enqueue_dma source(%dma_start3A_22 : memref<128xi32, #tpu.memory_space<hbm>>) target(%arg9 : memref<128xi32, #tpu.memory_space<vmem>>) target_semaphore(%run_scoped3A : memref<!tpu.dma_semaphore, #tpu.memory_space<semaphore_mem>>)
      %dma_wait3A_23 = tpu.memref_slice %arg2[%mul3A_2] : memref<4096xi32, #tpu.memory_space<hbm>> -> memref<128xi32, #tpu.memory_space<hbm>>
      %dma_wait3A_24 = tpu.memref_slice %arg2[%mul3A_2] : memref<4096xi32, #tpu.memory_space<hbm>> -> memref<128xi32, #tpu.memory_space<hbm>>
      tpu.wait_dma2 semaphore(%run_scoped3A : memref<!tpu.dma_semaphore, #tpu.memory_space<semaphore_mem>>) src(%dma_wait3A_24 : memref<128xi32, #tpu.memory_space<hbm>>) dst(%arg9 : memref<128xi32, #tpu.memory_space<vmem>>)
      tpu.yield
    }) : () -> ()
    "tpu.region"() ({
      %run_scoped3A = tpu.sem_alloc : memref<!tpu.dma_semaphore, #tpu.memory_space<semaphore_mem>>
      %dma_start3A_21 = tpu.memref_slice %arg3[%mul3A_2] : memref<4096xi32, #tpu.memory_space<hbm>> -> memref<128xi32, #tpu.memory_space<hbm>>
      %dma_start3A_22 = tpu.memref_slice %arg3[%mul3A_2] : memref<4096xi32, #tpu.memory_space<hbm>> -> memref<128xi32, #tpu.memory_space<hbm>>
      tpu.enqueue_dma source(%dma_start3A_22 : memref<128xi32, #tpu.memory_space<hbm>>) target(%arg10 : memref<128xi32, #tpu.memory_space<vmem>>) target_semaphore(%run_scoped3A : memref<!tpu.dma_semaphore, #tpu.memory_space<semaphore_mem>>)
      %dma_wait3A_23 = tpu.memref_slice %arg3[%mul3A_2] : memref<4096xi32, #tpu.memory_space<hbm>> -> memref<128xi32, #tpu.memory_space<hbm>>
      %dma_wait3A_24 = tpu.memref_slice %arg3[%mul3A_2] : memref<4096xi32, #tpu.memory_space<hbm>> -> memref<128xi32, #tpu.memory_space<hbm>>
      tpu.wait_dma2 semaphore(%run_scoped3A : memref<!tpu.dma_semaphore, #tpu.memory_space<semaphore_mem>>) src(%dma_wait3A_24 : memref<128xi32, #tpu.memory_space<hbm>>) dst(%arg10 : memref<128xi32, #tpu.memory_space<vmem>>)
      tpu.yield
    }) : () -> ()
    "tpu.region"() ({
      %run_scoped3A = tpu.sem_alloc : memref<!tpu.dma_semaphore, #tpu.memory_space<semaphore_mem>>
      %dma_start3A_21 = tpu.memref_slice %arg4[%mul3A_2] : memref<4096xi32, #tpu.memory_space<hbm>> -> memref<128xi32, #tpu.memory_space<hbm>>
      %dma_start3A_22 = tpu.memref_slice %arg4[%mul3A_2] : memref<4096xi32, #tpu.memory_space<hbm>> -> memref<128xi32, #tpu.memory_space<hbm>>
      tpu.enqueue_dma source(%dma_start3A_22 : memref<128xi32, #tpu.memory_space<hbm>>) target(%arg11 : memref<128xi32, #tpu.memory_space<vmem>>) target_semaphore(%run_scoped3A : memref<!tpu.dma_semaphore, #tpu.memory_space<semaphore_mem>>)
      %dma_wait3A_23 = tpu.memref_slice %arg4[%mul3A_2] : memref<4096xi32, #tpu.memory_space<hbm>> -> memref<128xi32, #tpu.memory_space<hbm>>
      %dma_wait3A_24 = tpu.memref_slice %arg4[%mul3A_2] : memref<4096xi32, #tpu.memory_space<hbm>> -> memref<128xi32, #tpu.memory_space<hbm>>
      tpu.wait_dma2 semaphore(%run_scoped3A : memref<!tpu.dma_semaphore, #tpu.memory_space<semaphore_mem>>) src(%dma_wait3A_24 : memref<128xi32, #tpu.memory_space<hbm>>) dst(%arg11 : memref<128xi32, #tpu.memory_space<vmem>>)
      tpu.yield
    }) : () -> ()
    %dma_start3A = arith.constant 0 : i32
    %dma_start3A_3 = arith.constant 0 : i32
    %dma_start3A_4 = tpu.memref_slice %arg5[%dma_start3A, %dma_start3A_3] : memref<100001x64xf32, #tpu.memory_space<hbm>> -> memref<100001x64xf32, #tpu.memory_space<hbm>>
    tpu.enqueue_indirect_dma source(%dma_start3A_4 : memref<100001x64xf32, #tpu.memory_space<hbm>>) target(%arg13 : memref<128x64xf32, #tpu.memory_space<vmem>>) offsets(%arg9 : memref<128xi32, #tpu.memory_space<vmem>>) semaphore(%arg16 : memref<!tpu.dma_semaphore, #tpu.memory_space<semaphore_mem>>)
    %dma_start3A_5 = arith.constant 0 : i32
    %dma_start3A_6 = arith.constant 0 : i32
    %dma_start3A_7 = tpu.memref_slice %arg6[%dma_start3A_5, %dma_start3A_6] : memref<1001x64xf32, #tpu.memory_space<hbm>> -> memref<1001x64xf32, #tpu.memory_space<hbm>>
    tpu.enqueue_indirect_dma source(%dma_start3A_7 : memref<1001x64xf32, #tpu.memory_space<hbm>>) target(%arg14 : memref<128x64xf32, #tpu.memory_space<vmem>>) offsets(%arg10 : memref<128xi32, #tpu.memory_space<vmem>>) semaphore(%arg17 : memref<!tpu.dma_semaphore, #tpu.memory_space<semaphore_mem>>)
    "tpu.region"() ({
      %run_scoped3A = tpu.sem_alloc : memref<!tpu.dma_semaphore, #tpu.memory_space<semaphore_mem>>
      %dma_start3A_21 = arith.constant 0 : i32
      %dma_start3A_22 = tpu.memref_slice %arg7[%mul3A_2, %dma_start3A_21] : memref<4096x64xf32, #tpu.memory_space<hbm>> -> memref<128x64xf32, #tpu.memory_space<hbm>>
      %dma_start3A_23 = arith.constant 0 : i32
      %dma_start3A_24 = tpu.memref_slice %arg7[%mul3A_2, %dma_start3A_23] : memref<4096x64xf32, #tpu.memory_space<hbm>> -> memref<128x64xf32, #tpu.memory_space<hbm>>
      tpu.enqueue_dma source(%dma_start3A_24 : memref<128x64xf32, #tpu.memory_space<hbm>>) target(%arg12 : memref<128x64xf32, #tpu.memory_space<vmem>>) target_semaphore(%run_scoped3A : memref<!tpu.dma_semaphore, #tpu.memory_space<semaphore_mem>>)
      %dma_wait3A_25 = arith.constant 0 : i32
      %dma_wait3A_26 = tpu.memref_slice %arg7[%mul3A_2, %dma_wait3A_25] : memref<4096x64xf32, #tpu.memory_space<hbm>> -> memref<128x64xf32, #tpu.memory_space<hbm>>
      %dma_wait3A_27 = arith.constant 0 : i32
      %dma_wait3A_28 = tpu.memref_slice %arg7[%mul3A_2, %dma_wait3A_27] : memref<4096x64xf32, #tpu.memory_space<hbm>> -> memref<128x64xf32, #tpu.memory_space<hbm>>
      tpu.wait_dma2 semaphore(%run_scoped3A : memref<!tpu.dma_semaphore, #tpu.memory_space<semaphore_mem>>) src(%dma_wait3A_28 : memref<128x64xf32, #tpu.memory_space<hbm>>) dst(%arg12 : memref<128x64xf32, #tpu.memory_space<vmem>>)
      tpu.yield
    }) : () -> ()
    %dma_wait3A = arith.constant 0 : i32
    %dma_wait3A_8 = arith.constant 0 : i32
    %dma_wait3A_9 = tpu.memref_slice %arg5[%dma_wait3A, %dma_wait3A_8] : memref<100001x64xf32, #tpu.memory_space<hbm>> -> memref<100001x64xf32, #tpu.memory_space<hbm>>
    tpu.wait_indirect_dma semaphore(%arg16 : memref<!tpu.dma_semaphore, #tpu.memory_space<semaphore_mem>>) src(%dma_wait3A_9 : memref<100001x64xf32, #tpu.memory_space<hbm>>) dst(%arg13 : memref<128x64xf32, #tpu.memory_space<vmem>>)
    %dma_wait3A_10 = arith.constant 0 : i32
    %dma_wait3A_11 = arith.constant 0 : i32
    %dma_wait3A_12 = tpu.memref_slice %arg6[%dma_wait3A_10, %dma_wait3A_11] : memref<1001x64xf32, #tpu.memory_space<hbm>> -> memref<1001x64xf32, #tpu.memory_space<hbm>>
    tpu.wait_indirect_dma semaphore(%arg17 : memref<!tpu.dma_semaphore, #tpu.memory_space<semaphore_mem>>) src(%dma_wait3A_12 : memref<1001x64xf32, #tpu.memory_space<hbm>>) dst(%arg14 : memref<128x64xf32, #tpu.memory_space<vmem>>)
    %iota3A = tpu.iota {dimensions = array<i32: 0>} : vector<16xi32>
    %broadcast_in_dim3A = arith.constant 1.000000e+00 : f32
    %broadcast_in_dim3A_13 = vector.broadcast %broadcast_in_dim3A : f32 to vector<16xf32>
    %broadcast_in_dim3A_14 = arith.constant 0.000000e+00 : f32
    %broadcast_in_dim3A_15 = vector.broadcast %broadcast_in_dim3A_14 : f32 to vector<16xf32>
    %scan3A = arith.constant 0 : i32
    %scan3A_16 = arith.constant 0 : i32
    %scan3A_17 = arith.constant 8 : i32
    %scan3A_18 = arith.addi %scan3A_16, %scan3A_17 : i32
    %scan3A_19 = arith.constant 1 : i32
    scf.for %scan3A_21 = %scan3A_16 to %scan3A_18 step %scan3A_19  : i32 {
      %mul3A_22 = arith.constant 16 : i32
      %mul3A_23 = arith.muli %scan3A_21, %mul3A_22 : i32
      %get3A = arith.index_cast %mul3A_23 : i32 to index
      %get3A_24 = tpu.vector_load %arg11[%get3A] {strides = array<i32>} : memref<128xi32, #tpu.memory_space<vmem>>, vector<16xi32>,
      %get3A_25 = vector.shape_cast %get3A_24 : vector<16xi32> to vector<16xi32>
      %add3A_26 = arith.constant 0 : i32
      %add3A_27 = arith.addi %mul3A_23, %add3A_26 : i32
      %get3A_28 = arith.index_cast %add3A_27 : i32 to index
      %get3A_29 = arith.constant 0 : index
      %get3A_30 = tpu.vector_load %arg12[%get3A_28, %get3A_29] {strides = array<i32>} : memref<128x64xf32, #tpu.memory_space<vmem>>, vector<1x16xf32>,
      %get3A_31 = vector.shape_cast %get3A_30 : vector<1x16xf32> to vector<16xf32>
      %swap3A = arith.index_cast %add3A_27 : i32 to index
      %swap3A_32 = arith.constant 0 : index
      %swap3A_33 = tpu.vector_load %arg15[%swap3A, %swap3A_32] {strides = array<i32>} : memref<128x256xf32, #tpu.memory_space<vmem>>, vector<1x16xf32>,
      %swap3A_34 = vector.shape_cast %swap3A_33 : vector<1x16xf32> to vector<16xf32>
      %swap3A_35 = vector.shape_cast %get3A_31 : vector<16xf32> to vector<1x16xf32>
      tpu.vector_store %arg15[%swap3A, %swap3A_32], %swap3A_35 {strides = array<i32>} : memref<128x256xf32, #tpu.memory_space<vmem>>, vector<1x16xf32>,
      %get3A_36 = arith.index_cast %add3A_27 : i32 to index
      %get3A_37 = arith.constant 16 : index
      %get3A_38 = tpu.vector_load %arg12[%get3A_36, %get3A_37] {strides = array<i32>} : memref<128x64xf32, #tpu.memory_space<vmem>>, vector<1x16xf32>,
      %get3A_39 = vector.shape_cast %get3A_38 : vector<1x16xf32> to vector<16xf32>
      %swap3A_40 = arith.index_cast %add3A_27 : i32 to index
      %swap3A_41 = arith.constant 16 : index
      %swap3A_42 = tpu.vector_load %arg15[%swap3A_40, %swap3A_41] {strides = array<i32>} : memref<128x256xf32, #tpu.memory_space<vmem>>, vector<1x16xf32>,
      %swap3A_43 = vector.shape_cast %swap3A_42 : vector<1x16xf32> to vector<16xf32>
      %swap3A_44 = vector.shape_cast %get3A_39 : vector<16xf32> to vector<1x16xf32>
      tpu.vector_store %arg15[%swap3A_40, %swap3A_41], %swap3A_44 {strides = array<i32>} : memref<128x256xf32, #tpu.memory_space<vmem>>, vector<1x16xf32>,
      %get3A_45 = arith.index_cast %add3A_27 : i32 to index
      %get3A_46 = arith.constant 32 : index
      %get3A_47 = tpu.vector_load %arg12[%get3A_45, %get3A_46] {strides = array<i32>} : memref<128x64xf32, #tpu.memory_space<vmem>>, vector<1x16xf32>,
      %get3A_48 = vector.shape_cast %get3A_47 : vector<1x16xf32> to vector<16xf32>
      %swap3A_49 = arith.index_cast %add3A_27 : i32 to index
      %swap3A_50 = arith.constant 32 : index
      %swap3A_51 = tpu.vector_load %arg15[%swap3A_49, %swap3A_50] {strides = array<i32>} : memref<128x256xf32, #tpu.memory_space<vmem>>, vector<1x16xf32>,
      %swap3A_52 = vector.shape_cast %swap3A_51 : vector<1x16xf32> to vector<16xf32>
      %swap3A_53 = vector.shape_cast %get3A_48 : vector<16xf32> to vector<1x16xf32>
      tpu.vector_store %arg15[%swap3A_49, %swap3A_50], %swap3A_53 {strides = array<i32>} : memref<128x256xf32, #tpu.memory_space<vmem>>, vector<1x16xf32>,
      %get3A_54 = arith.index_cast %add3A_27 : i32 to index
      %get3A_55 = arith.constant 48 : index
      %get3A_56 = tpu.vector_load %arg12[%get3A_54, %get3A_55] {strides = array<i32>} : memref<128x64xf32, #tpu.memory_space<vmem>>, vector<1x16xf32>,
      %get3A_57 = vector.shape_cast %get3A_56 : vector<1x16xf32> to vector<16xf32>
      %swap3A_58 = arith.index_cast %add3A_27 : i32 to index
      %swap3A_59 = arith.constant 48 : index
      %swap3A_60 = tpu.vector_load %arg15[%swap3A_58, %swap3A_59] {strides = array<i32>} : memref<128x256xf32, #tpu.memory_space<vmem>>, vector<1x16xf32>,
      %swap3A_61 = vector.shape_cast %swap3A_60 : vector<1x16xf32> to vector<16xf32>
      %swap3A_62 = vector.shape_cast %get3A_57 : vector<16xf32> to vector<1x16xf32>
      tpu.vector_store %arg15[%swap3A_58, %swap3A_59], %swap3A_62 {strides = array<i32>} : memref<128x256xf32, #tpu.memory_space<vmem>>, vector<1x16xf32>,
      %get3A_63 = arith.index_cast %add3A_27 : i32 to index
      %get3A_64 = arith.constant 0 : index
      %get3A_65 = tpu.vector_load %arg13[%get3A_63, %get3A_64] {strides = array<i32>} : memref<128x64xf32, #tpu.memory_space<vmem>>, vector<1x16xf32>,
      %get3A_66 = vector.shape_cast %get3A_65 : vector<1x16xf32> to vector<16xf32>
      %swap3A_67 = arith.index_cast %add3A_27 : i32 to index
      %swap3A_68 = arith.constant 64 : index
      %swap3A_69 = tpu.vector_load %arg15[%swap3A_67, %swap3A_68] {strides = array<i32>} : memref<128x256xf32, #tpu.memory_space<vmem>>, vector<1x16xf32>,
      %swap3A_70 = vector.shape_cast %swap3A_69 : vector<1x16xf32> to vector<16xf32>
      %swap3A_71 = vector.shape_cast %get3A_66 : vector<16xf32> to vector<1x16xf32>
      tpu.vector_store %arg15[%swap3A_67, %swap3A_68], %swap3A_71 {strides = array<i32>} : memref<128x256xf32, #tpu.memory_space<vmem>>, vector<1x16xf32>,
      %get3A_72 = arith.index_cast %add3A_27 : i32 to index
      %get3A_73 = arith.constant 16 : index
      %get3A_74 = tpu.vector_load %arg13[%get3A_72, %get3A_73] {strides = array<i32>} : memref<128x64xf32, #tpu.memory_space<vmem>>, vector<1x16xf32>,
      %get3A_75 = vector.shape_cast %get3A_74 : vector<1x16xf32> to vector<16xf32>
      %swap3A_76 = arith.index_cast %add3A_27 : i32 to index
      %swap3A_77 = arith.constant 80 : index
      %swap3A_78 = tpu.vector_load %arg15[%swap3A_76, %swap3A_77] {strides = array<i32>} : memref<128x256xf32, #tpu.memory_space<vmem>>, vector<1x16xf32>,
      %swap3A_79 = vector.shape_cast %swap3A_78 : vector<1x16xf32> to vector<16xf32>
      %swap3A_80 = vector.shape_cast %get3A_75 : vector<16xf32> to vector<1x16xf32>
      tpu.vector_store %arg15[%swap3A_76, %swap3A_77], %swap3A_80 {strides = array<i32>} : memref<128x256xf32, #tpu.memory_space<vmem>>, vector<1x16xf32>,
      %get3A_81 = arith.index_cast %add3A_27 : i32 to index
      %get3A_82 = arith.constant 32 : index
      %get3A_83 = tpu.vector_load %arg13[%get3A_81, %get3A_82] {strides = array<i32>} : memref<128x64xf32, #tpu.memory_space<vmem>>, vector<1x16xf32>,
      %get3A_84 = vector.shape_cast %get3A_83 : vector<1x16xf32> to vector<16xf32>
      %swap3A_85 = arith.index_cast %add3A_27 : i32 to index
      %swap3A_86 = arith.constant 96 : index
      %swap3A_87 = tpu.vector_load %arg15[%swap3A_85, %swap3A_86] {strides = array<i32>} : memref<128x256xf32, #tpu.memory_space<vmem>>, vector<1x16xf32>,
      %swap3A_88 = vector.shape_cast %swap3A_87 : vector<1x16xf32> to vector<16xf32>
      %swap3A_89 = vector.shape_cast %get3A_84 : vector<16xf32> to vector<1x16xf32>
      tpu.vector_store %arg15[%swap3A_85, %swap3A_86], %swap3A_89 {strides = array<i32>} : memref<128x256xf32, #tpu.memory_space<vmem>>, vector<1x16xf32>,
      %get3A_90 = arith.index_cast %add3A_27 : i32 to index
      %get3A_91 = arith.constant 48 : index
      %get3A_92 = tpu.vector_load %arg13[%get3A_90, %get3A_91] {strides = array<i32>} : memref<128x64xf32, #tpu.memory_space<vmem>>, vector<1x16xf32>,
      %get3A_93 = vector.shape_cast %get3A_92 : vector<1x16xf32> to vector<16xf32>
      %swap3A_94 = arith.index_cast %add3A_27 : i32 to index
      %swap3A_95 = arith.constant 112 : index
      %swap3A_96 = tpu.vector_load %arg15[%swap3A_94, %swap3A_95] {strides = array<i32>} : memref<128x256xf32, #tpu.memory_space<vmem>>, vector<1x16xf32>,
      %swap3A_97 = vector.shape_cast %swap3A_96 : vector<1x16xf32> to vector<16xf32>
      %swap3A_98 = vector.shape_cast %get3A_93 : vector<16xf32> to vector<1x16xf32>
      tpu.vector_store %arg15[%swap3A_94, %swap3A_95], %swap3A_98 {strides = array<i32>} : memref<128x256xf32, #tpu.memory_space<vmem>>, vector<1x16xf32>,
      %add3A_99 = arith.constant 0 : i32
      %add3A_100 = vector.broadcast %add3A_99 : i32 to vector<16xi32>
      %add3A_101 = arith.addi %iota3A, %add3A_100 : vector<16xi32>
      %slice3A = vector.extract_strided_slice %get3A_25 {offsets = [0], sizes = [1], strides = [1]} : vector<16xi32> to vector<1xi32>
      %squeeze3A = vector.extract %slice3A[0] : i32 from vector<1xi32>
      %eq3A = vector.broadcast %squeeze3A : i32 to vector<16xi32>
      %eq3A_102 = arith.cmpi eq, %add3A_101, %eq3A : vector<16xi32>
      %select_n3A = arith.select %eq3A_102, %broadcast_in_dim3A_13, %broadcast_in_dim3A_15 : vector<16xi1>, vector<16xf32>
      %swap3A_103 = arith.index_cast %add3A_27 : i32 to index
      %swap3A_104 = arith.constant 128 : index
      %swap3A_105 = tpu.vector_load %arg15[%swap3A_103, %swap3A_104] {strides = array<i32>} : memref<128x256xf32, #tpu.memory_space<vmem>>, vector<1x16xf32>,
      %swap3A_106 = vector.shape_cast %swap3A_105 : vector<1x16xf32> to vector<16xf32>
      %swap3A_107 = vector.shape_cast %select_n3A : vector<16xf32> to vector<1x16xf32>
      tpu.vector_store %arg15[%swap3A_103, %swap3A_104], %swap3A_107 {strides = array<i32>} : memref<128x256xf32, #tpu.memory_space<vmem>>, vector<1x16xf32>,
      %add3A_108 = arith.constant 16 : i32
      %add3A_109 = vector.broadcast %add3A_108 : i32 to vector<16xi32>
      %add3A_110 = arith.addi %iota3A, %add3A_109 : vector<16xi32>
      %slice3A_111 = vector.extract_strided_slice %get3A_25 {offsets = [0], sizes = [1], strides = [1]} : vector<16xi32> to vector<1xi32>
      %squeeze3A_112 = vector.extract %slice3A_111[0] : i32 from vector<1xi32>
      %eq3A_113 = vector.broadcast %squeeze3A_112 : i32 to vector<16xi32>
      %eq3A_114 = arith.cmpi eq, %add3A_110, %eq3A_113 : vector<16xi32>
      %select_n3A_115 = arith.select %eq3A_114, %broadcast_in_dim3A_13, %broadcast_in_dim3A_15 : vector<16xi1>, vector<16xf32>
      %swap3A_116 = arith.index_cast %add3A_27 : i32 to index
      %swap3A_117 = arith.constant 144 : index
      %swap3A_118 = tpu.vector_load %arg15[%swap3A_116, %swap3A_117] {strides = array<i32>} : memref<128x256xf32, #tpu.memory_space<vmem>>, vector<1x16xf32>,
      %swap3A_119 = vector.shape_cast %swap3A_118 : vector<1x16xf32> to vector<16xf32>
      %swap3A_120 = vector.shape_cast %select_n3A_115 : vector<16xf32> to vector<1x16xf32>
      tpu.vector_store %arg15[%swap3A_116, %swap3A_117], %swap3A_120 {strides = array<i32>} : memref<128x256xf32, #tpu.memory_space<vmem>>, vector<1x16xf32>,
      %add3A_121 = arith.constant 32 : i32
      %add3A_122 = vector.broadcast %add3A_121 : i32 to vector<16xi32>
      %add3A_123 = arith.addi %iota3A, %add3A_122 : vector<16xi32>
      %slice3A_124 = vector.extract_strided_slice %get3A_25 {offsets = [0], sizes = [1], strides = [1]} : vector<16xi32> to vector<1xi32>
      %squeeze3A_125 = vector.extract %slice3A_124[0] : i32 from vector<1xi32>
      %eq3A_126 = vector.broadcast %squeeze3A_125 : i32 to vector<16xi32>
      %eq3A_127 = arith.cmpi eq, %add3A_123, %eq3A_126 : vector<16xi32>
      %select_n3A_128 = arith.select %eq3A_127, %broadcast_in_dim3A_13, %broadcast_in_dim3A_15 : vector<16xi1>, vector<16xf32>
      %swap3A_129 = arith.index_cast %add3A_27 : i32 to index
      %swap3A_130 = arith.constant 160 : index
      %swap3A_131 = tpu.vector_load %arg15[%swap3A_129, %swap3A_130] {strides = array<i32>} : memref<128x256xf32, #tpu.memory_space<vmem>>, vector<1x16xf32>,
      %swap3A_132 = vector.shape_cast %swap3A_131 : vector<1x16xf32> to vector<16xf32>
      %swap3A_133 = vector.shape_cast %select_n3A_128 : vector<16xf32> to vector<1x16xf32>
      tpu.vector_store %arg15[%swap3A_129, %swap3A_130], %swap3A_133 {strides = array<i32>} : memref<128x256xf32, #tpu.memory_space<vmem>>, vector<1x16xf32>,
      %add3A_134 = arith.constant 48 : i32
      %add3A_135 = vector.broadcast %add3A_134 : i32 to vector<16xi32>
      %add3A_136 = arith.addi %iota3A, %add3A_135 : vector<16xi32>
      %slice3A_137 = vector.extract_strided_slice %get3A_25 {offsets = [0], sizes = [1], strides = [1]} : vector<16xi32> to vector<1xi32>
      %squeeze3A_138 = vector.extract %slice3A_137[0] : i32 from vector<1xi32>
      %eq3A_139 = vector.broadcast %squeeze3A_138 : i32 to vector<16xi32>
      %eq3A_140 = arith.cmpi eq, %add3A_136, %eq3A_139 : vector<16xi32>
      %select_n3A_141 = arith.select %eq3A_140, %broadcast_in_dim3A_13, %broadcast_in_dim3A_15 : vector<16xi1>, vector<16xf32>
      %swap3A_142 = arith.index_cast %add3A_27 : i32 to index
      %swap3A_143 = arith.constant 176 : index
      %swap3A_144 = tpu.vector_load %arg15[%swap3A_142, %swap3A_143] {strides = array<i32>} : memref<128x256xf32, #tpu.memory_space<vmem>>, vector<1x16xf32>,
      %swap3A_145 = vector.shape_cast %swap3A_144 : vector<1x16xf32> to vector<16xf32>
      %swap3A_146 = vector.shape_cast %select_n3A_141 : vector<16xf32> to vector<1x16xf32>
      tpu.vector_store %arg15[%swap3A_142, %swap3A_143], %swap3A_146 {strides = array<i32>} : memref<128x256xf32, #tpu.memory_space<vmem>>, vector<1x16xf32>,
      %get3A_147 = arith.index_cast %add3A_27 : i32 to index
      %get3A_148 = arith.constant 0 : index
      %get3A_149 = tpu.vector_load %arg14[%get3A_147, %get3A_148] {strides = array<i32>} : memref<128x64xf32, #tpu.memory_space<vmem>>, vector<1x16xf32>,
      %get3A_150 = vector.shape_cast %get3A_149 : vector<1x16xf32> to vector<16xf32>
      %swap3A_151 = arith.index_cast %add3A_27 : i32 to index
      %swap3A_152 = arith.constant 179 : index
      %swap3A_153 = tpu.vector_load %arg15[%swap3A_151, %swap3A_152] {strides = array<i32>} : memref<128x256xf32, #tpu.memory_space<vmem>>, vector<1x16xf32>,
      %swap3A_154 = vector.shape_cast %swap3A_153 : vector<1x16xf32> to vector<16xf32>
      %swap3A_155 = vector.shape_cast %get3A_150 : vector<16xf32> to vector<1x16xf32>
      tpu.vector_store %arg15[%swap3A_151, %swap3A_152], %swap3A_155 {strides = array<i32>} : memref<128x256xf32, #tpu.memory_space<vmem>>, vector<1x16xf32>,
      %get3A_156 = arith.index_cast %add3A_27 : i32 to index
      %get3A_157 = arith.constant 16 : index
      %get3A_158 = tpu.vector_load %arg14[%get3A_156, %get3A_157] {strides = array<i32>} : memref<128x64xf32, #tpu.memory_space<vmem>>, vector<1x16xf32>,
      %get3A_159 = vector.shape_cast %get3A_158 : vector<1x16xf32> to vector<16xf32>
      %swap3A_160 = arith.index_cast %add3A_27 : i32 to index
      %swap3A_161 = arith.constant 195 : index
      %swap3A_162 = tpu.vector_load %arg15[%swap3A_160, %swap3A_161] {strides = array<i32>} : memref<128x256xf32, #tpu.memory_space<vmem>>, vector<1x16xf32>,
      %swap3A_163 = vector.shape_cast %swap3A_162 : vector<1x16xf32> to vector<16xf32>
      %swap3A_164 = vector.shape_cast %get3A_159 : vector<16xf32> to vector<1x16xf32>
      tpu.vector_store %arg15[%swap3A_160, %swap3A_161], %swap3A_164 {strides = array<i32>} : memref<128x256xf32, #tpu.memory_space<vmem>>, vector<1x16xf32>,
      %get3A_165 = arith.index_cast %add3A_27 : i32 to index
      %get3A_166 = arith.constant 32 : index
      %get3A_167 = tpu.vector_load %arg14[%get3A_165, %get3A_166] {strides = array<i32>} : memref<128x64xf32, #tpu.memory_space<vmem>>, vector<1x16xf32>,
      %get3A_168 = vector.shape_cast %get3A_167 : vector<1x16xf32> to vector<16xf32>
      %swap3A_169 = arith.index_cast %add3A_27 : i32 to index
      %swap3A_170 = arith.constant 211 : index
      %swap3A_171 = tpu.vector_load %arg15[%swap3A_169, %swap3A_170] {strides = array<i32>} : memref<128x256xf32, #tpu.memory_space<vmem>>, vector<1x16xf32>,
      %swap3A_172 = vector.shape_cast %swap3A_171 : vector<1x16xf32> to vector<16xf32>
      %swap3A_173 = vector.shape_cast %get3A_168 : vector<16xf32> to vector<1x16xf32>
      tpu.vector_store %arg15[%swap3A_169, %swap3A_170], %swap3A_173 {strides = array<i32>} : memref<128x256xf32, #tpu.memory_space<vmem>>, vector<1x16xf32>,
      %get3A_174 = arith.index_cast %add3A_27 : i32 to index
      %get3A_175 = arith.constant 48 : index
      %get3A_176 = tpu.vector_load %arg14[%get3A_174, %get3A_175] {strides = array<i32>} : memref<128x64xf32, #tpu.memory_space<vmem>>, vector<1x16xf32>,
      %get3A_177 = vector.shape_cast %get3A_176 : vector<1x16xf32> to vector<16xf32>
      %swap3A_178 = arith.index_cast %add3A_27 : i32 to index
      %swap3A_179 = arith.constant 227 : index
      %swap3A_180 = tpu.vector_load %arg15[%swap3A_178, %swap3A_179] {strides = array<i32>} : memref<128x256xf32, #tpu.memory_space<vmem>>, vector<1x16xf32>,
      %swap3A_181 = vector.shape_cast %swap3A_180 : vector<1x16xf32> to vector<16xf32>
      %swap3A_182 = vector.shape_cast %get3A_177 : vector<16xf32> to vector<1x16xf32>
      tpu.vector_store %arg15[%swap3A_178, %swap3A_179], %swap3A_182 {strides = array<i32>} : memref<128x256xf32, #tpu.memory_space<vmem>>, vector<1x16xf32>,
      %add3A_183 = arith.constant 1 : i32
      %add3A_184 = arith.addi %mul3A_23, %add3A_183 : i32
      %get3A_185 = arith.index_cast %add3A_184 : i32 to index
      %get3A_186 = arith.constant 0 : index
      %get3A_187 = tpu.vector_load %arg12[%get3A_185, %get3A_186] {strides = array<i32>} : memref<128x64xf32, #tpu.memory_space<vmem>>, vector<1x16xf32>,
      %get3A_188 = vector.shape_cast %get3A_187 : vector<1x16xf32> to vector<16xf32>
      %swap3A_189 = arith.index_cast %add3A_184 : i32 to index
      %swap3A_190 = arith.constant 0 : index
      %swap3A_191 = tpu.vector_load %arg15[%swap3A_189, %swap3A_190] {strides = array<i32>} : memref<128x256xf32, #tpu.memory_space<vmem>>, vector<1x16xf32>,
      %swap3A_192 = vector.shape_cast %swap3A_191 : vector<1x16xf32> to vector<16xf32>
      %swap3A_193 = vector.shape_cast %get3A_188 : vector<16xf32> to vector<1x16xf32>
      tpu.vector_store %arg15[%swap3A_189, %swap3A_190], %swap3A_193 {strides = array<i32>} : memref<128x256xf32, #tpu.memory_space<vmem>>, vector<1x16xf32>,
      %get3A_194 = arith.index_cast %add3A_184 : i32 to index
      %get3A_195 = arith.constant 16 : index
      %get3A_196 = tpu.vector_load %arg12[%get3A_194, %get3A_195] {strides = array<i32>} : memref<128x64xf32, #tpu.memory_space<vmem>>, vector<1x16xf32>,
      %get3A_197 = vector.shape_cast %get3A_196 : vector<1x16xf32> to vector<16xf32>
      %swap3A_198 = arith.index_cast %add3A_184 : i32 to index
      %swap3A_199 = arith.constant 16 : index
      %swap3A_200 = tpu.vector_load %arg15[%swap3A_198, %swap3A_199] {strides = array<i32>} : memref<128x256xf32, #tpu.memory_space<vmem>>, vector<1x16xf32>,
      %swap3A_201 = vector.shape_cast %swap3A_200 : vector<1x16xf32> to vector<16xf32>
      %swap3A_202 = vector.shape_cast %get3A_197 : vector<16xf32> to vector<1x16xf32>
      tpu.vector_store %arg15[%swap3A_198, %swap3A_199], %swap3A_202 {strides = array<i32>} : memref<128x256xf32, #tpu.memory_space<vmem>>, vector<1x16xf32>,
      %get3A_203 = arith.index_cast %add3A_184 : i32 to index
      %get3A_204 = arith.constant 32 : index
      %get3A_205 = tpu.vector_load %arg12[%get3A_203, %get3A_204] {strides = array<i32>} : memref<128x64xf32, #tpu.memory_space<vmem>>, vector<1x16xf32>,
      %get3A_206 = vector.shape_cast %get3A_205 : vector<1x16xf32> to vector<16xf32>
      %swap3A_207 = arith.index_cast %add3A_184 : i32 to index
      %swap3A_208 = arith.constant 32 : index
      %swap3A_209 = tpu.vector_load %arg15[%swap3A_207, %swap3A_208] {strides = array<i32>} : memref<128x256xf32, #tpu.memory_space<vmem>>, vector<1x16xf32>,
      %swap3A_210 = vector.shape_cast %swap3A_209 : vector<1x16xf32> to vector<16xf32>
      %swap3A_211 = vector.shape_cast %get3A_206 : vector<16xf32> to vector<1x16xf32>
      tpu.vector_store %arg15[%swap3A_207, %swap3A_208], %swap3A_211 {strides = array<i32>} : memref<128x256xf32, #tpu.memory_space<vmem>>, vector<1x16xf32>,
      %get3A_212 = arith.index_cast %add3A_184 : i32 to index
      %get3A_213 = arith.constant 48 : index
      %get3A_214 = tpu.vector_load %arg12[%get3A_212, %get3A_213] {strides = array<i32>} : memref<128x64xf32, #tpu.memory_space<vmem>>, vector<1x16xf32>,
      %get3A_215 = vector.shape_cast %get3A_214 : vector<1x16xf32> to vector<16xf32>
      %swap3A_216 = arith.index_cast %add3A_184 : i32 to index
      %swap3A_217 = arith.constant 48 : index
      %swap3A_218 = tpu.vector_load %arg15[%swap3A_216, %swap3A_217] {strides = array<i32>} : memref<128x256xf32, #tpu.memory_space<vmem>>, vector<1x16xf32>,
      %swap3A_219 = vector.shape_cast %swap3A_218 : vector<1x16xf32> to vector<16xf32>
      %swap3A_220 = vector.shape_cast %get3A_215 : vector<16xf32> to vector<1x16xf32>
      tpu.vector_store %arg15[%swap3A_216, %swap3A_217], %swap3A_220 {strides = array<i32>} : memref<128x256xf32, #tpu.memory_space<vmem>>, vector<1x16xf32>,
      %get3A_221 = arith.index_cast %add3A_184 : i32 to index
      %get3A_222 = arith.constant 0 : index
      %get3A_223 = tpu.vector_load %arg13[%get3A_221, %get3A_222] {strides = array<i32>} : memref<128x64xf32, #tpu.memory_space<vmem>>, vector<1x16xf32>,
      %get3A_224 = vector.shape_cast %get3A_223 : vector<1x16xf32> to vector<16xf32>
      %swap3A_225 = arith.index_cast %add3A_184 : i32 to index
      %swap3A_226 = arith.constant 64 : index
      %swap3A_227 = tpu.vector_load %arg15[%swap3A_225, %swap3A_226] {strides = array<i32>} : memref<128x256xf32, #tpu.memory_space<vmem>>, vector<1x16xf32>,
      %swap3A_228 = vector.shape_cast %swap3A_227 : vector<1x16xf32> to vector<16xf32>
      %swap3A_229 = vector.shape_cast %get3A_224 : vector<16xf32> to vector<1x16xf32>
      tpu.vector_store %arg15[%swap3A_225, %swap3A_226], %swap3A_229 {strides = array<i32>} : memref<128x256xf32, #tpu.memory_space<vmem>>, vector<1x16xf32>,
      %get3A_230 = arith.index_cast %add3A_184 : i32 to index
      %get3A_231 = arith.constant 16 : index
      %get3A_232 = tpu.vector_load %arg13[%get3A_230, %get3A_231] {strides = array<i32>} : memref<128x64xf32, #tpu.memory_space<vmem>>, vector<1x16xf32>,
      %get3A_233 = vector.shape_cast %get3A_232 : vector<1x16xf32> to vector<16xf32>
      %swap3A_234 = arith.index_cast %add3A_184 : i32 to index
      %swap3A_235 = arith.constant 80 : index
      %swap3A_236 = tpu.vector_load %arg15[%swap3A_234, %swap3A_235] {strides = array<i32>} : memref<128x256xf32, #tpu.memory_space<vmem>>, vector<1x16xf32>,
      %swap3A_237 = vector.shape_cast %swap3A_236 : vector<1x16xf32> to vector<16xf32>
      %swap3A_238 = vector.shape_cast %get3A_233 : vector<16xf32> to vector<1x16xf32>
      tpu.vector_store %arg15[%swap3A_234, %swap3A_235], %swap3A_238 {strides = array<i32>} : memref<128x256xf32, #tpu.memory_space<vmem>>, vector<1x16xf32>,
      %get3A_239 = arith.index_cast %add3A_184 : i32 to index
      %get3A_240 = arith.constant 32 : index
      %get3A_241 = tpu.vector_load %arg13[%get3A_239, %get3A_240] {strides = array<i32>} : memref<128x64xf32, #tpu.memory_space<vmem>>, vector<1x16xf32>,
      %get3A_242 = vector.shape_cast %get3A_241 : vector<1x16xf32> to vector<16xf32>
      %swap3A_243 = arith.index_cast %add3A_184 : i32 to index
      %swap3A_244 = arith.constant 96 : index
      %swap3A_245 = tpu.vector_load %arg15[%swap3A_243, %swap3A_244] {strides = array<i32>} : memref<128x256xf32, #tpu.memory_space<vmem>>, vector<1x16xf32>,
      %swap3A_246 = vector.shape_cast %swap3A_245 : vector<1x16xf32> to vector<16xf32>
      %swap3A_247 = vector.shape_cast %get3A_242 : vector<16xf32> to vector<1x16xf32>
      tpu.vector_store %arg15[%swap3A_243, %swap3A_244], %swap3A_247 {strides = array<i32>} : memref<128x256xf32, #tpu.memory_space<vmem>>, vector<1x16xf32>,
      %get3A_248 = arith.index_cast %add3A_184 : i32 to index
      %get3A_249 = arith.constant 48 : index
      %get3A_250 = tpu.vector_load %arg13[%get3A_248, %get3A_249] {strides = array<i32>} : memref<128x64xf32, #tpu.memory_space<vmem>>, vector<1x16xf32>,
      %get3A_251 = vector.shape_cast %get3A_250 : vector<1x16xf32> to vector<16xf32>
      %swap3A_252 = arith.index_cast %add3A_184 : i32 to index
      %swap3A_253 = arith.constant 112 : index
      %swap3A_254 = tpu.vector_load %arg15[%swap3A_252, %swap3A_253] {strides = array<i32>} : memref<128x256xf32, #tpu.memory_space<vmem>>, vector<1x16xf32>,
      %swap3A_255 = vector.shape_cast %swap3A_254 : vector<1x16xf32> to vector<16xf32>
      %swap3A_256 = vector.shape_cast %get3A_251 : vector<16xf32> to vector<1x16xf32>
      tpu.vector_store %arg15[%swap3A_252, %swap3A_253], %swap3A_256 {strides = array<i32>} : memref<128x256xf32, #tpu.memory_space<vmem>>, vector<1x16xf32>,
      %add3A_257 = arith.constant 0 : i32
      %add3A_258 = vector.broadcast %add3A_257 : i32 to vector<16xi32>
      %add3A_259 = arith.addi %iota3A, %add3A_258 : vector<16xi32>
      %slice3A_260 = vector.extract_strided_slice %get3A_25 {offsets = [1], sizes = [1], strides = [1]} : vector<16xi32> to vector<1xi32>
      %squeeze3A_261 = vector.extract %slice3A_260[0] : i32 from vector<1xi32>
      %eq3A_262 = vector.broadcast %squeeze3A_261 : i32 to vector<16xi32>
      %eq3A_263 = arith.cmpi eq, %add3A_259, %eq3A_262 : vector<16xi32>
      %select_n3A_264 = arith.select %eq3A_263, %broadcast_in_dim3A_13, %broadcast_in_dim3A_15 : vector<16xi1>, vector<16xf32>
      %swap3A_265 = arith.index_cast %add3A_184 : i32 to index
      %swap3A_266 = arith.constant 128 : index
      %swap3A_267 = tpu.vector_load %arg15[%swap3A_265, %swap3A_266] {strides = array<i32>} : memref<128x256xf32, #tpu.memory_space<vmem>>, vector<1x16xf32>,
      %swap3A_268 = vector.shape_cast %swap3A_267 : vector<1x16xf32> to vector<16xf32>
      %swap3A_269 = vector.shape_cast %select_n3A_264 : vector<16xf32> to vector<1x16xf32>
      tpu.vector_store %arg15[%swap3A_265, %swap3A_266], %swap3A_269 {strides = array<i32>} : memref<128x256xf32, #tpu.memory_space<vmem>>, vector<1x16xf32>,
      %add3A_270 = arith.constant 16 : i32
      %add3A_271 = vector.broadcast %add3A_270 : i32 to vector<16xi32>
      %add3A_272 = arith.addi %iota3A, %add3A_271 : vector<16xi32>
      %slice3A_273 = vector.extract_strided_slice %get3A_25 {offsets = [1], sizes = [1], strides = [1]} : vector<16xi32> to vector<1xi32>
      %squeeze3A_274 = vector.extract %slice3A_273[0] : i32 from vector<1xi32>
      %eq3A_275 = vector.broadcast %squeeze3A_274 : i32 to vector<16xi32>
      %eq3A_276 = arith.cmpi eq, %add3A_272, %eq3A_275 : vector<16xi32>
      %select_n3A_277 = arith.select %eq3A_276, %broadcast_in_dim3A_13, %broadcast_in_dim3A_15 : vector<16xi1>, vector<16xf32>
      %swap3A_278 = arith.index_cast %add3A_184 : i32 to index
      %swap3A_279 = arith.constant 144 : index
      %swap3A_280 = tpu.vector_load %arg15[%swap3A_278, %swap3A_279] {strides = array<i32>} : memref<128x256xf32, #tpu.memory_space<vmem>>, vector<1x16xf32>,
      %swap3A_281 = vector.shape_cast %swap3A_280 : vector<1x16xf32> to vector<16xf32>
      %swap3A_282 = vector.shape_cast %select_n3A_277 : vector<16xf32> to vector<1x16xf32>
      tpu.vector_store %arg15[%swap3A_278, %swap3A_279], %swap3A_282 {strides = array<i32>} : memref<128x256xf32, #tpu.memory_space<vmem>>, vector<1x16xf32>,
      %add3A_283 = arith.constant 32 : i32
      %add3A_284 = vector.broadcast %add3A_283 : i32 to vector<16xi32>
      %add3A_285 = arith.addi %iota3A, %add3A_284 : vector<16xi32>
      %slice3A_286 = vector.extract_strided_slice %get3A_25 {offsets = [1], sizes = [1], strides = [1]} : vector<16xi32> to vector<1xi32>
      %squeeze3A_287 = vector.extract %slice3A_286[0] : i32 from vector<1xi32>
      %eq3A_288 = vector.broadcast %squeeze3A_287 : i32 to vector<16xi32>
      %eq3A_289 = arith.cmpi eq, %add3A_285, %eq3A_288 : vector<16xi32>
      %select_n3A_290 = arith.select %eq3A_289, %broadcast_in_dim3A_13, %broadcast_in_dim3A_15 : vector<16xi1>, vector<16xf32>
      %swap3A_291 = arith.index_cast %add3A_184 : i32 to index
      %swap3A_292 = arith.constant 160 : index
      %swap3A_293 = tpu.vector_load %arg15[%swap3A_291, %swap3A_292] {strides = array<i32>} : memref<128x256xf32, #tpu.memory_space<vmem>>, vector<1x16xf32>,
      %swap3A_294 = vector.shape_cast %swap3A_293 : vector<1x16xf32> to vector<16xf32>
      %swap3A_295 = vector.shape_cast %select_n3A_290 : vector<16xf32> to vector<1x16xf32>
      tpu.vector_store %arg15[%swap3A_291, %swap3A_292], %swap3A_295 {strides = array<i32>} : memref<128x256xf32, #tpu.memory_space<vmem>>, vector<1x16xf32>,
      %add3A_296 = arith.constant 48 : i32
      %add3A_297 = vector.broadcast %add3A_296 : i32 to vector<16xi32>
      %add3A_298 = arith.addi %iota3A, %add3A_297 : vector<16xi32>
      %slice3A_299 = vector.extract_strided_slice %get3A_25 {offsets = [1], sizes = [1], strides = [1]} : vector<16xi32> to vector<1xi32>
      %squeeze3A_300 = vector.extract %slice3A_299[0] : i32 from vector<1xi32>
      %eq3A_301 = vector.broadcast %squeeze3A_300 : i32 to vector<16xi32>
      %eq3A_302 = arith.cmpi eq, %add3A_298, %eq3A_301 : vector<16xi32>
      %select_n3A_303 = arith.select %eq3A_302, %broadcast_in_dim3A_13, %broadcast_in_dim3A_15 : vector<16xi1>, vector<16xf32>
      %swap3A_304 = arith.index_cast %add3A_184 : i32 to index
      %swap3A_305 = arith.constant 176 : index
      %swap3A_306 = tpu.vector_load %arg15[%swap3A_304, %swap3A_305] {strides = array<i32>} : memref<128x256xf32, #tpu.memory_space<vmem>>, vector<1x16xf32>,
      %swap3A_307 = vector.shape_cast %swap3A_306 : vector<1x16xf32> to vector<16xf32>
      %swap3A_308 = vector.shape_cast %select_n3A_303 : vector<16xf32> to vector<1x16xf32>
      tpu.vector_store %arg15[%swap3A_304, %swap3A_305], %swap3A_308 {strides = array<i32>} : memref<128x256xf32, #tpu.memory_space<vmem>>, vector<1x16xf32>,
      %get3A_309 = arith.index_cast %add3A_184 : i32 to index
      %get3A_310 = arith.constant 0 : index
      %get3A_311 = tpu.vector_load %arg14[%get3A_309, %get3A_310] {strides = array<i32>} : memref<128x64xf32, #tpu.memory_space<vmem>>, vector<1x16xf32>,
      %get3A_312 = vector.shape_cast %get3A_311 : vector<1x16xf32> to vector<16xf32>
      %swap3A_313 = arith.index_cast %add3A_184 : i32 to index
      %swap3A_314 = arith.constant 179 : index
      %swap3A_315 = tpu.vector_load %arg15[%swap3A_313, %swap3A_314] {strides = array<i32>} : memref<128x256xf32, #tpu.memory_space<vmem>>, vector<1x16xf32>,
      %swap3A_316 = vector.shape_cast %swap3A_315 : vector<1x16xf32> to vector<16xf32>
      %swap3A_317 = vector.shape_cast %get3A_312 : vector<16xf32> to vector<1x16xf32>
      tpu.vector_store %arg15[%swap3A_313, %swap3A_314], %swap3A_317 {strides = array<i32>} : memref<128x256xf32, #tpu.memory_space<vmem>>, vector<1x16xf32>,
      %get3A_318 = arith.index_cast %add3A_184 : i32 to index
      %get3A_319 = arith.constant 16 : index
      %get3A_320 = tpu.vector_load %arg14[%get3A_318, %get3A_319] {strides = array<i32>} : memref<128x64xf32, #tpu.memory_space<vmem>>, vector<1x16xf32>,
      %get3A_321 = vector.shape_cast %get3A_320 : vector<1x16xf32> to vector<16xf32>
      %swap3A_322 = arith.index_cast %add3A_184 : i32 to index
      %swap3A_323 = arith.constant 195 : index
      %swap3A_324 = tpu.vector_load %arg15[%swap3A_322, %swap3A_323] {strides = array<i32>} : memref<128x256xf32, #tpu.memory_space<vmem>>, vector<1x16xf32>,
      %swap3A_325 = vector.shape_cast %swap3A_324 : vector<1x16xf32> to vector<16xf32>
      %swap3A_326 = vector.shape_cast %get3A_321 : vector<16xf32> to vector<1x16xf32>
      tpu.vector_store %arg15[%swap3A_322, %swap3A_323], %swap3A_326 {strides = array<i32>} : memref<128x256xf32, #tpu.memory_space<vmem>>, vector<1x16xf32>,
      %get3A_327 = arith.index_cast %add3A_184 : i32 to index
      %get3A_328 = arith.constant 32 : index
      %get3A_329 = tpu.vector_load %arg14[%get3A_327, %get3A_328] {strides = array<i32>} : memref<128x64xf32, #tpu.memory_space<vmem>>, vector<1x16xf32>,
      %get3A_330 = vector.shape_cast %get3A_329 : vector<1x16xf32> to vector<16xf32>
      %swap3A_331 = arith.index_cast %add3A_184 : i32 to index
      %swap3A_332 = arith.constant 211 : index
      %swap3A_333 = tpu.vector_load %arg15[%swap3A_331, %swap3A_332] {strides = array<i32>} : memref<128x256xf32, #tpu.memory_space<vmem>>, vector<1x16xf32>,
      %swap3A_334 = vector.shape_cast %swap3A_333 : vector<1x16xf32> to vector<16xf32>
      %swap3A_335 = vector.shape_cast %get3A_330 : vector<16xf32> to vector<1x16xf32>
      tpu.vector_store %arg15[%swap3A_331, %swap3A_332], %swap3A_335 {strides = array<i32>} : memref<128x256xf32, #tpu.memory_space<vmem>>, vector<1x16xf32>,
      %get3A_336 = arith.index_cast %add3A_184 : i32 to index
      %get3A_337 = arith.constant 48 : index
      %get3A_338 = tpu.vector_load %arg14[%get3A_336, %get3A_337] {strides = array<i32>} : memref<128x64xf32, #tpu.memory_space<vmem>>, vector<1x16xf32>,
      %get3A_339 = vector.shape_cast %get3A_338 : vector<1x16xf32> to vector<16xf32>
      %swap3A_340 = arith.index_cast %add3A_184 : i32 to index
      %swap3A_341 = arith.constant 227 : index
      %swap3A_342 = tpu.vector_load %arg15[%swap3A_340, %swap3A_341] {strides = array<i32>} : memref<128x256xf32, #tpu.memory_space<vmem>>, vector<1x16xf32>,
      %swap3A_343 = vector.shape_cast %swap3A_342 : vector<1x16xf32> to vector<16xf32>
      %swap3A_344 = vector.shape_cast %get3A_339 : vector<16xf32> to vector<1x16xf32>
      tpu.vector_store %arg15[%swap3A_340, %swap3A_341], %swap3A_344 {strides = array<i32>} : memref<128x256xf32, #tpu.memory_space<vmem>>, vector<1x16xf32>,
      %add3A_345 = arith.constant 2 : i32
      %add3A_346 = arith.addi %mul3A_23, %add3A_345 : i32
      %get3A_347 = arith.index_cast %add3A_346 : i32 to index
      %get3A_348 = arith.constant 0 : index
      %get3A_349 = tpu.vector_load %arg12[%get3A_347, %get3A_348] {strides = array<i32>} : memref<128x64xf32, #tpu.memory_space<vmem>>, vector<1x16xf32>,
      %get3A_350 = vector.shape_cast %get3A_349 : vector<1x16xf32> to vector<16xf32>
      %swap3A_351 = arith.index_cast %add3A_346 : i32 to index
      %swap3A_352 = arith.constant 0 : index
      %swap3A_353 = tpu.vector_load %arg15[%swap3A_351, %swap3A_352] {strides = array<i32>} : memref<128x256xf32, #tpu.memory_space<vmem>>, vector<1x16xf32>,
      %swap3A_354 = vector.shape_cast %swap3A_353 : vector<1x16xf32> to vector<16xf32>
      %swap3A_355 = vector.shape_cast %get3A_350 : vector<16xf32> to vector<1x16xf32>
      tpu.vector_store %arg15[%swap3A_351, %swap3A_352], %swap3A_355 {strides = array<i32>} : memref<128x256xf32, #tpu.memory_space<vmem>>, vector<1x16xf32>,
      %get3A_356 = arith.index_cast %add3A_346 : i32 to index
      %get3A_357 = arith.constant 16 : index
      %get3A_358 = tpu.vector_load %arg12[%get3A_356, %get3A_357] {strides = array<i32>} : memref<128x64xf32, #tpu.memory_space<vmem>>, vector<1x16xf32>,
      %get3A_359 = vector.shape_cast %get3A_358 : vector<1x16xf32> to vector<16xf32>
      %swap3A_360 = arith.index_cast %add3A_346 : i32 to index
      %swap3A_361 = arith.constant 16 : index
      %swap3A_362 = tpu.vector_load %arg15[%swap3A_360, %swap3A_361] {strides = array<i32>} : memref<128x256xf32, #tpu.memory_space<vmem>>, vector<1x16xf32>,
      %swap3A_363 = vector.shape_cast %swap3A_362 : vector<1x16xf32> to vector<16xf32>
      %swap3A_364 = vector.shape_cast %get3A_359 : vector<16xf32> to vector<1x16xf32>
      tpu.vector_store %arg15[%swap3A_360, %swap3A_361], %swap3A_364 {strides = array<i32>} : memref<128x256xf32, #tpu.memory_space<vmem>>, vector<1x16xf32>,
      %get3A_365 = arith.index_cast %add3A_346 : i32 to index
      %get3A_366 = arith.constant 32 : index
      %get3A_367 = tpu.vector_load %arg12[%get3A_365, %get3A_366] {strides = array<i32>} : memref<128x64xf32, #tpu.memory_space<vmem>>, vector<1x16xf32>,
      %get3A_368 = vector.shape_cast %get3A_367 : vector<1x16xf32> to vector<16xf32>
      %swap3A_369 = arith.index_cast %add3A_346 : i32 to index
      %swap3A_370 = arith.constant 32 : index
      %swap3A_371 = tpu.vector_load %arg15[%swap3A_369, %swap3A_370] {strides = array<i32>} : memref<128x256xf32, #tpu.memory_space<vmem>>, vector<1x16xf32>,
      %swap3A_372 = vector.shape_cast %swap3A_371 : vector<1x16xf32> to vector<16xf32>
      %swap3A_373 = vector.shape_cast %get3A_368 : vector<16xf32> to vector<1x16xf32>
      tpu.vector_store %arg15[%swap3A_369, %swap3A_370], %swap3A_373 {strides = array<i32>} : memref<128x256xf32, #tpu.memory_space<vmem>>, vector<1x16xf32>,
      %get3A_374 = arith.index_cast %add3A_346 : i32 to index
      %get3A_375 = arith.constant 48 : index
      %get3A_376 = tpu.vector_load %arg12[%get3A_374, %get3A_375] {strides = array<i32>} : memref<128x64xf32, #tpu.memory_space<vmem>>, vector<1x16xf32>,
      %get3A_377 = vector.shape_cast %get3A_376 : vector<1x16xf32> to vector<16xf32>
      %swap3A_378 = arith.index_cast %add3A_346 : i32 to index
      %swap3A_379 = arith.constant 48 : index
      %swap3A_380 = tpu.vector_load %arg15[%swap3A_378, %swap3A_379] {strides = array<i32>} : memref<128x256xf32, #tpu.memory_space<vmem>>, vector<1x16xf32>,
      %swap3A_381 = vector.shape_cast %swap3A_380 : vector<1x16xf32> to vector<16xf32>
      %swap3A_382 = vector.shape_cast %get3A_377 : vector<16xf32> to vector<1x16xf32>
      tpu.vector_store %arg15[%swap3A_378, %swap3A_379], %swap3A_382 {strides = array<i32>} : memref<128x256xf32, #tpu.memory_space<vmem>>, vector<1x16xf32>,
      %get3A_383 = arith.index_cast %add3A_346 : i32 to index
      %get3A_384 = arith.constant 0 : index
      %get3A_385 = tpu.vector_load %arg13[%get3A_383, %get3A_384] {strides = array<i32>} : memref<128x64xf32, #tpu.memory_space<vmem>>, vector<1x16xf32>,
      %get3A_386 = vector.shape_cast %get3A_385 : vector<1x16xf32> to vector<16xf32>
      %swap3A_387 = arith.index_cast %add3A_346 : i32 to index
      %swap3A_388 = arith.constant 64 : index
      %swap3A_389 = tpu.vector_load %arg15[%swap3A_387, %swap3A_388] {strides = array<i32>} : memref<128x256xf32, #tpu.memory_space<vmem>>, vector<1x16xf32>,
      %swap3A_390 = vector.shape_cast %swap3A_389 : vector<1x16xf32> to vector<16xf32>
      %swap3A_391 = vector.shape_cast %get3A_386 : vector<16xf32> to vector<1x16xf32>
      tpu.vector_store %arg15[%swap3A_387, %swap3A_388], %swap3A_391 {strides = array<i32>} : memref<128x256xf32, #tpu.memory_space<vmem>>, vector<1x16xf32>,
      %get3A_392 = arith.index_cast %add3A_346 : i32 to index
      %get3A_393 = arith.constant 16 : index
      %get3A_394 = tpu.vector_load %arg13[%get3A_392, %get3A_393] {strides = array<i32>} : memref<128x64xf32, #tpu.memory_space<vmem>>, vector<1x16xf32>,
      %get3A_395 = vector.shape_cast %get3A_394 : vector<1x16xf32> to vector<16xf32>
      %swap3A_396 = arith.index_cast %add3A_346 : i32 to index
      %swap3A_397 = arith.constant 80 : index
      %swap3A_398 = tpu.vector_load %arg15[%swap3A_396, %swap3A_397] {strides = array<i32>} : memref<128x256xf32, #tpu.memory_space<vmem>>, vector<1x16xf32>,
      %swap3A_399 = vector.shape_cast %swap3A_398 : vector<1x16xf32> to vector<16xf32>
      %swap3A_400 = vector.shape_cast %get3A_395 : vector<16xf32> to vector<1x16xf32>
      tpu.vector_store %arg15[%swap3A_396, %swap3A_397], %swap3A_400 {strides = array<i32>} : memref<128x256xf32, #tpu.memory_space<vmem>>, vector<1x16xf32>,
      %get3A_401 = arith.index_cast %add3A_346 : i32 to index
      %get3A_402 = arith.constant 32 : index
      %get3A_403 = tpu.vector_load %arg13[%get3A_401, %get3A_402] {strides = array<i32>} : memref<128x64xf32, #tpu.memory_space<vmem>>, vector<1x16xf32>,
      %get3A_404 = vector.shape_cast %get3A_403 : vector<1x16xf32> to vector<16xf32>
      %swap3A_405 = arith.index_cast %add3A_346 : i32 to index
      %swap3A_406 = arith.constant 96 : index
      %swap3A_407 = tpu.vector_load %arg15[%swap3A_405, %swap3A_406] {strides = array<i32>} : memref<128x256xf32, #tpu.memory_space<vmem>>, vector<1x16xf32>,
      %swap3A_408 = vector.shape_cast %swap3A_407 : vector<1x16xf32> to vector<16xf32>
      %swap3A_409 = vector.shape_cast %get3A_404 : vector<16xf32> to vector<1x16xf32>
      tpu.vector_store %arg15[%swap3A_405, %swap3A_406], %swap3A_409 {strides = array<i32>} : memref<128x256xf32, #tpu.memory_space<vmem>>, vector<1x16xf32>,
      %get3A_410 = arith.index_cast %add3A_346 : i32 to index
      %get3A_411 = arith.constant 48 : index
      %get3A_412 = tpu.vector_load %arg13[%get3A_410, %get3A_411] {strides = array<i32>} : memref<128x64xf32, #tpu.memory_space<vmem>>, vector<1x16xf32>,
      %get3A_413 = vector.shape_cast %get3A_412 : vector<1x16xf32> to vector<16xf32>
      %swap3A_414 = arith.index_cast %add3A_346 : i32 to index
      %swap3A_415 = arith.constant 112 : index
      %swap3A_416 = tpu.vector_load %arg15[%swap3A_414, %swap3A_415] {strides = array<i32>} : memref<128x256xf32, #tpu.memory_space<vmem>>, vector<1x16xf32>,
      %swap3A_417 = vector.shape_cast %swap3A_416 : vector<1x16xf32> to vector<16xf32>
      %swap3A_418 = vector.shape_cast %get3A_413 : vector<16xf32> to vector<1x16xf32>
      tpu.vector_store %arg15[%swap3A_414, %swap3A_415], %swap3A_418 {strides = array<i32>} : memref<128x256xf32, #tpu.memory_space<vmem>>, vector<1x16xf32>,
      %add3A_419 = arith.constant 0 : i32
      %add3A_420 = vector.broadcast %add3A_419 : i32 to vector<16xi32>
      %add3A_421 = arith.addi %iota3A, %add3A_420 : vector<16xi32>
      %slice3A_422 = vector.extract_strided_slice %get3A_25 {offsets = [2], sizes = [1], strides = [1]} : vector<16xi32> to vector<1xi32>
      %squeeze3A_423 = vector.extract %slice3A_422[0] : i32 from vector<1xi32>
      %eq3A_424 = vector.broadcast %squeeze3A_423 : i32 to vector<16xi32>
      %eq3A_425 = arith.cmpi eq, %add3A_421, %eq3A_424 : vector<16xi32>
      %select_n3A_426 = arith.select %eq3A_425, %broadcast_in_dim3A_13, %broadcast_in_dim3A_15 : vector<16xi1>, vector<16xf32>
      %swap3A_427 = arith.index_cast %add3A_346 : i32 to index
      %swap3A_428 = arith.constant 128 : index
      %swap3A_429 = tpu.vector_load %arg15[%swap3A_427, %swap3A_428] {strides = array<i32>} : memref<128x256xf32, #tpu.memory_space<vmem>>, vector<1x16xf32>,
      %swap3A_430 = vector.shape_cast %swap3A_429 : vector<1x16xf32> to vector<16xf32>
      %swap3A_431 = vector.shape_cast %select_n3A_426 : vector<16xf32> to vector<1x16xf32>
      tpu.vector_store %arg15[%swap3A_427, %swap3A_428], %swap3A_431 {strides = array<i32>} : memref<128x256xf32, #tpu.memory_space<vmem>>, vector<1x16xf32>,
      %add3A_432 = arith.constant 16 : i32
      %add3A_433 = vector.broadcast %add3A_432 : i32 to vector<16xi32>
      %add3A_434 = arith.addi %iota3A, %add3A_433 : vector<16xi32>
      %slice3A_435 = vector.extract_strided_slice %get3A_25 {offsets = [2], sizes = [1], strides = [1]} : vector<16xi32> to vector<1xi32>
      %squeeze3A_436 = vector.extract %slice3A_435[0] : i32 from vector<1xi32>
      %eq3A_437 = vector.broadcast %squeeze3A_436 : i32 to vector<16xi32>
      %eq3A_438 = arith.cmpi eq, %add3A_434, %eq3A_437 : vector<16xi32>
      %select_n3A_439 = arith.select %eq3A_438, %broadcast_in_dim3A_13, %broadcast_in_dim3A_15 : vector<16xi1>, vector<16xf32>
      %swap3A_440 = arith.index_cast %add3A_346 : i32 to index
      %swap3A_441 = arith.constant 144 : index
      %swap3A_442 = tpu.vector_load %arg15[%swap3A_440, %swap3A_441] {strides = array<i32>} : memref<128x256xf32, #tpu.memory_space<vmem>>, vector<1x16xf32>,
      %swap3A_443 = vector.shape_cast %swap3A_442 : vector<1x16xf32> to vector<16xf32>
      %swap3A_444 = vector.shape_cast %select_n3A_439 : vector<16xf32> to vector<1x16xf32>
      tpu.vector_store %arg15[%swap3A_440, %swap3A_441], %swap3A_444 {strides = array<i32>} : memref<128x256xf32, #tpu.memory_space<vmem>>, vector<1x16xf32>,
      %add3A_445 = arith.constant 32 : i32
      %add3A_446 = vector.broadcast %add3A_445 : i32 to vector<16xi32>
      %add3A_447 = arith.addi %iota3A, %add3A_446 : vector<16xi32>
      %slice3A_448 = vector.extract_strided_slice %get3A_25 {offsets = [2], sizes = [1], strides = [1]} : vector<16xi32> to vector<1xi32>
      %squeeze3A_449 = vector.extract %slice3A_448[0] : i32 from vector<1xi32>
      %eq3A_450 = vector.broadcast %squeeze3A_449 : i32 to vector<16xi32>
      %eq3A_451 = arith.cmpi eq, %add3A_447, %eq3A_450 : vector<16xi32>
      %select_n3A_452 = arith.select %eq3A_451, %broadcast_in_dim3A_13, %broadcast_in_dim3A_15 : vector<16xi1>, vector<16xf32>
      %swap3A_453 = arith.index_cast %add3A_346 : i32 to index
      %swap3A_454 = arith.constant 160 : index
      %swap3A_455 = tpu.vector_load %arg15[%swap3A_453, %swap3A_454] {strides = array<i32>} : memref<128x256xf32, #tpu.memory_space<vmem>>, vector<1x16xf32>,
      %swap3A_456 = vector.shape_cast %swap3A_455 : vector<1x16xf32> to vector<16xf32>
      %swap3A_457 = vector.shape_cast %select_n3A_452 : vector<16xf32> to vector<1x16xf32>
      tpu.vector_store %arg15[%swap3A_453, %swap3A_454], %swap3A_457 {strides = array<i32>} : memref<128x256xf32, #tpu.memory_space<vmem>>, vector<1x16xf32>,
      %add3A_458 = arith.constant 48 : i32
      %add3A_459 = vector.broadcast %add3A_458 : i32 to vector<16xi32>
      %add3A_460 = arith.addi %iota3A, %add3A_459 : vector<16xi32>
      %slice3A_461 = vector.extract_strided_slice %get3A_25 {offsets = [2], sizes = [1], strides = [1]} : vector<16xi32> to vector<1xi32>
      %squeeze3A_462 = vector.extract %slice3A_461[0] : i32 from vector<1xi32>
      %eq3A_463 = vector.broadcast %squeeze3A_462 : i32 to vector<16xi32>
      %eq3A_464 = arith.cmpi eq, %add3A_460, %eq3A_463 : vector<16xi32>
      %select_n3A_465 = arith.select %eq3A_464, %broadcast_in_dim3A_13, %broadcast_in_dim3A_15 : vector<16xi1>, vector<16xf32>
      %swap3A_466 = arith.index_cast %add3A_346 : i32 to index
      %swap3A_467 = arith.constant 176 : index
      %swap3A_468 = tpu.vector_load %arg15[%swap3A_466, %swap3A_467] {strides = array<i32>} : memref<128x256xf32, #tpu.memory_space<vmem>>, vector<1x16xf32>,
      %swap3A_469 = vector.shape_cast %swap3A_468 : vector<1x16xf32> to vector<16xf32>
      %swap3A_470 = vector.shape_cast %select_n3A_465 : vector<16xf32> to vector<1x16xf32>
      tpu.vector_store %arg15[%swap3A_466, %swap3A_467], %swap3A_470 {strides = array<i32>} : memref<128x256xf32, #tpu.memory_space<vmem>>, vector<1x16xf32>,
      %get3A_471 = arith.index_cast %add3A_346 : i32 to index
      %get3A_472 = arith.constant 0 : index
      %get3A_473 = tpu.vector_load %arg14[%get3A_471, %get3A_472] {strides = array<i32>} : memref<128x64xf32, #tpu.memory_space<vmem>>, vector<1x16xf32>,
      %get3A_474 = vector.shape_cast %get3A_473 : vector<1x16xf32> to vector<16xf32>
      %swap3A_475 = arith.index_cast %add3A_346 : i32 to index
      %swap3A_476 = arith.constant 179 : index
      %swap3A_477 = tpu.vector_load %arg15[%swap3A_475, %swap3A_476] {strides = array<i32>} : memref<128x256xf32, #tpu.memory_space<vmem>>, vector<1x16xf32>,
      %swap3A_478 = vector.shape_cast %swap3A_477 : vector<1x16xf32> to vector<16xf32>
      %swap3A_479 = vector.shape_cast %get3A_474 : vector<16xf32> to vector<1x16xf32>
      tpu.vector_store %arg15[%swap3A_475, %swap3A_476], %swap3A_479 {strides = array<i32>} : memref<128x256xf32, #tpu.memory_space<vmem>>, vector<1x16xf32>,
      %get3A_480 = arith.index_cast %add3A_346 : i32 to index
      %get3A_481 = arith.constant 16 : index
      %get3A_482 = tpu.vector_load %arg14[%get3A_480, %get3A_481] {strides = array<i32>} : memref<128x64xf32, #tpu.memory_space<vmem>>, vector<1x16xf32>,
      %get3A_483 = vector.shape_cast %get3A_482 : vector<1x16xf32> to vector<16xf32>
      %swap3A_484 = arith.index_cast %add3A_346 : i32 to index
      %swap3A_485 = arith.constant 195 : index
      %swap3A_486 = tpu.vector_load %arg15[%swap3A_484, %swap3A_485] {strides = array<i32>} : memref<128x256xf32, #tpu.memory_space<vmem>>, vector<1x16xf32>,
      %swap3A_487 = vector.shape_cast %swap3A_486 : vector<1x16xf32> to vector<16xf32>
      %swap3A_488 = vector.shape_cast %get3A_483 : vector<16xf32> to vector<1x16xf32>
      tpu.vector_store %arg15[%swap3A_484, %swap3A_485], %swap3A_488 {strides = array<i32>} : memref<128x256xf32, #tpu.memory_space<vmem>>, vector<1x16xf32>,
      %get3A_489 = arith.index_cast %add3A_346 : i32 to index
      %get3A_490 = arith.constant 32 : index
      %get3A_491 = tpu.vector_load %arg14[%get3A_489, %get3A_490] {strides = array<i32>} : memref<128x64xf32, #tpu.memory_space<vmem>>, vector<1x16xf32>,
      %get3A_492 = vector.shape_cast %get3A_491 : vector<1x16xf32> to vector<16xf32>
      %swap3A_493 = arith.index_cast %add3A_346 : i32 to index
      %swap3A_494 = arith.constant 211 : index
      %swap3A_495 = tpu.vector_load %arg15[%swap3A_493, %swap3A_494] {strides = array<i32>} : memref<128x256xf32, #tpu.memory_space<vmem>>, vector<1x16xf32>,
      %swap3A_496 = vector.shape_cast %swap3A_495 : vector<1x16xf32> to vector<16xf32>
      %swap3A_497 = vector.shape_cast %get3A_492 : vector<16xf32> to vector<1x16xf32>
      tpu.vector_store %arg15[%swap3A_493, %swap3A_494], %swap3A_497 {strides = array<i32>} : memref<128x256xf32, #tpu.memory_space<vmem>>, vector<1x16xf32>,
      %get3A_498 = arith.index_cast %add3A_346 : i32 to index
      %get3A_499 = arith.constant 48 : index
      %get3A_500 = tpu.vector_load %arg14[%get3A_498, %get3A_499] {strides = array<i32>} : memref<128x64xf32, #tpu.memory_space<vmem>>, vector<1x16xf32>,
      %get3A_501 = vector.shape_cast %get3A_500 : vector<1x16xf32> to vector<16xf32>
      %swap3A_502 = arith.index_cast %add3A_346 : i32 to index
      %swap3A_503 = arith.constant 227 : index
      %swap3A_504 = tpu.vector_load %arg15[%swap3A_502, %swap3A_503] {strides = array<i32>} : memref<128x256xf32, #tpu.memory_space<vmem>>, vector<1x16xf32>,
      %swap3A_505 = vector.shape_cast %swap3A_504 : vector<1x16xf32> to vector<16xf32>
      %swap3A_506 = vector.shape_cast %get3A_501 : vector<16xf32> to vector<1x16xf32>
      tpu.vector_store %arg15[%swap3A_502, %swap3A_503], %swap3A_506 {strides = array<i32>} : memref<128x256xf32, #tpu.memory_space<vmem>>, vector<1x16xf32>,
      %add3A_507 = arith.constant 3 : i32
      %add3A_508 = arith.addi %mul3A_23, %add3A_507 : i32
      %get3A_509 = arith.index_cast %add3A_508 : i32 to index
      %get3A_510 = arith.constant 0 : index
      %get3A_511 = tpu.vector_load %arg12[%get3A_509, %get3A_510] {strides = array<i32>} : memref<128x64xf32, #tpu.memory_space<vmem>>, vector<1x16xf32>,
      %get3A_512 = vector.shape_cast %get3A_511 : vector<1x16xf32> to vector<16xf32>
      %swap3A_513 = arith.index_cast %add3A_508 : i32 to index
      %swap3A_514 = arith.constant 0 : index
      %swap3A_515 = tpu.vector_load %arg15[%swap3A_513, %swap3A_514] {strides = array<i32>} : memref<128x256xf32, #tpu.memory_space<vmem>>, vector<1x16xf32>,
      %swap3A_516 = vector.shape_cast %swap3A_515 : vector<1x16xf32> to vector<16xf32>
      %swap3A_517 = vector.shape_cast %get3A_512 : vector<16xf32> to vector<1x16xf32>
      tpu.vector_store %arg15[%swap3A_513, %swap3A_514], %swap3A_517 {strides = array<i32>} : memref<128x256xf32, #tpu.memory_space<vmem>>, vector<1x16xf32>,
      %get3A_518 = arith.index_cast %add3A_508 : i32 to index
      %get3A_519 = arith.constant 16 : index
      %get3A_520 = tpu.vector_load %arg12[%get3A_518, %get3A_519] {strides = array<i32>} : memref<128x64xf32, #tpu.memory_space<vmem>>, vector<1x16xf32>,
      %get3A_521 = vector.shape_cast %get3A_520 : vector<1x16xf32> to vector<16xf32>
      %swap3A_522 = arith.index_cast %add3A_508 : i32 to index
      %swap3A_523 = arith.constant 16 : index
      %swap3A_524 = tpu.vector_load %arg15[%swap3A_522, %swap3A_523] {strides = array<i32>} : memref<128x256xf32, #tpu.memory_space<vmem>>, vector<1x16xf32>,
      %swap3A_525 = vector.shape_cast %swap3A_524 : vector<1x16xf32> to vector<16xf32>
      %swap3A_526 = vector.shape_cast %get3A_521 : vector<16xf32> to vector<1x16xf32>
      tpu.vector_store %arg15[%swap3A_522, %swap3A_523], %swap3A_526 {strides = array<i32>} : memref<128x256xf32, #tpu.memory_space<vmem>>, vector<1x16xf32>,
      %get3A_527 = arith.index_cast %add3A_508 : i32 to index
      %get3A_528 = arith.constant 32 : index
      %get3A_529 = tpu.vector_load %arg12[%get3A_527, %get3A_528] {strides = array<i32>} : memref<128x64xf32, #tpu.memory_space<vmem>>, vector<1x16xf32>,
      %get3A_530 = vector.shape_cast %get3A_529 : vector<1x16xf32> to vector<16xf32>
      %swap3A_531 = arith.index_cast %add3A_508 : i32 to index
      %swap3A_532 = arith.constant 32 : index
      %swap3A_533 = tpu.vector_load %arg15[%swap3A_531, %swap3A_532] {strides = array<i32>} : memref<128x256xf32, #tpu.memory_space<vmem>>, vector<1x16xf32>,
      %swap3A_534 = vector.shape_cast %swap3A_533 : vector<1x16xf32> to vector<16xf32>
      %swap3A_535 = vector.shape_cast %get3A_530 : vector<16xf32> to vector<1x16xf32>
      tpu.vector_store %arg15[%swap3A_531, %swap3A_532], %swap3A_535 {strides = array<i32>} : memref<128x256xf32, #tpu.memory_space<vmem>>, vector<1x16xf32>,
      %get3A_536 = arith.index_cast %add3A_508 : i32 to index
      %get3A_537 = arith.constant 48 : index
      %get3A_538 = tpu.vector_load %arg12[%get3A_536, %get3A_537] {strides = array<i32>} : memref<128x64xf32, #tpu.memory_space<vmem>>, vector<1x16xf32>,
      %get3A_539 = vector.shape_cast %get3A_538 : vector<1x16xf32> to vector<16xf32>
      %swap3A_540 = arith.index_cast %add3A_508 : i32 to index
      %swap3A_541 = arith.constant 48 : index
      %swap3A_542 = tpu.vector_load %arg15[%swap3A_540, %swap3A_541] {strides = array<i32>} : memref<128x256xf32, #tpu.memory_space<vmem>>, vector<1x16xf32>,
      %swap3A_543 = vector.shape_cast %swap3A_542 : vector<1x16xf32> to vector<16xf32>
      %swap3A_544 = vector.shape_cast %get3A_539 : vector<16xf32> to vector<1x16xf32>
      tpu.vector_store %arg15[%swap3A_540, %swap3A_541], %swap3A_544 {strides = array<i32>} : memref<128x256xf32, #tpu.memory_space<vmem>>, vector<1x16xf32>,
      %get3A_545 = arith.index_cast %add3A_508 : i32 to index
      %get3A_546 = arith.constant 0 : index
      %get3A_547 = tpu.vector_load %arg13[%get3A_545, %get3A_546] {strides = array<i32>} : memref<128x64xf32, #tpu.memory_space<vmem>>, vector<1x16xf32>,
      %get3A_548 = vector.shape_cast %get3A_547 : vector<1x16xf32> to vector<16xf32>
      %swap3A_549 = arith.index_cast %add3A_508 : i32 to index
      %swap3A_550 = arith.constant 64 : index
      %swap3A_551 = tpu.vector_load %arg15[%swap3A_549, %swap3A_550] {strides = array<i32>} : memref<128x256xf32, #tpu.memory_space<vmem>>, vector<1x16xf32>,
      %swap3A_552 = vector.shape_cast %swap3A_551 : vector<1x16xf32> to vector<16xf32>
      %swap3A_553 = vector.shape_cast %get3A_548 : vector<16xf32> to vector<1x16xf32>
      tpu.vector_store %arg15[%swap3A_549, %swap3A_550], %swap3A_553 {strides = array<i32>} : memref<128x256xf32, #tpu.memory_space<vmem>>, vector<1x16xf32>,
      %get3A_554 = arith.index_cast %add3A_508 : i32 to index
      %get3A_555 = arith.constant 16 : index
      %get3A_556 = tpu.vector_load %arg13[%get3A_554, %get3A_555] {strides = array<i32>} : memref<128x64xf32, #tpu.memory_space<vmem>>, vector<1x16xf32>,
      %get3A_557 = vector.shape_cast %get3A_556 : vector<1x16xf32> to vector<16xf32>
      %swap3A_558 = arith.index_cast %add3A_508 : i32 to index
      %swap3A_559 = arith.constant 80 : index
      %swap3A_560 = tpu.vector_load %arg15[%swap3A_558, %swap3A_559] {strides = array<i32>} : memref<128x256xf32, #tpu.memory_space<vmem>>, vector<1x16xf32>,
      %swap3A_561 = vector.shape_cast %swap3A_560 : vector<1x16xf32> to vector<16xf32>
      %swap3A_562 = vector.shape_cast %get3A_557 : vector<16xf32> to vector<1x16xf32>
      tpu.vector_store %arg15[%swap3A_558, %swap3A_559], %swap3A_562 {strides = array<i32>} : memref<128x256xf32, #tpu.memory_space<vmem>>, vector<1x16xf32>,
      %get3A_563 = arith.index_cast %add3A_508 : i32 to index
      %get3A_564 = arith.constant 32 : index
      %get3A_565 = tpu.vector_load %arg13[%get3A_563, %get3A_564] {strides = array<i32>} : memref<128x64xf32, #tpu.memory_space<vmem>>, vector<1x16xf32>,
      %get3A_566 = vector.shape_cast %get3A_565 : vector<1x16xf32> to vector<16xf32>
      %swap3A_567 = arith.index_cast %add3A_508 : i32 to index
      %swap3A_568 = arith.constant 96 : index
      %swap3A_569 = tpu.vector_load %arg15[%swap3A_567, %swap3A_568] {strides = array<i32>} : memref<128x256xf32, #tpu.memory_space<vmem>>, vector<1x16xf32>,
      %swap3A_570 = vector.shape_cast %swap3A_569 : vector<1x16xf32> to vector<16xf32>
      %swap3A_571 = vector.shape_cast %get3A_566 : vector<16xf32> to vector<1x16xf32>
      tpu.vector_store %arg15[%swap3A_567, %swap3A_568], %swap3A_571 {strides = array<i32>} : memref<128x256xf32, #tpu.memory_space<vmem>>, vector<1x16xf32>,
      %get3A_572 = arith.index_cast %add3A_508 : i32 to index
      %get3A_573 = arith.constant 48 : index
      %get3A_574 = tpu.vector_load %arg13[%get3A_572, %get3A_573] {strides = array<i32>} : memref<128x64xf32, #tpu.memory_space<vmem>>, vector<1x16xf32>,
      %get3A_575 = vector.shape_cast %get3A_574 : vector<1x16xf32> to vector<16xf32>
      %swap3A_576 = arith.index_cast %add3A_508 : i32 to index
      %swap3A_577 = arith.constant 112 : index
      %swap3A_578 = tpu.vector_load %arg15[%swap3A_576, %swap3A_577] {strides = array<i32>} : memref<128x256xf32, #tpu.memory_space<vmem>>, vector<1x16xf32>,
      %swap3A_579 = vector.shape_cast %swap3A_578 : vector<1x16xf32> to vector<16xf32>
      %swap3A_580 = vector.shape_cast %get3A_575 : vector<16xf32> to vector<1x16xf32>
      tpu.vector_store %arg15[%swap3A_576, %swap3A_577], %swap3A_580 {strides = array<i32>} : memref<128x256xf32, #tpu.memory_space<vmem>>, vector<1x16xf32>,
      %add3A_581 = arith.constant 0 : i32
      %add3A_582 = vector.broadcast %add3A_581 : i32 to vector<16xi32>
      %add3A_583 = arith.addi %iota3A, %add3A_582 : vector<16xi32>
      %slice3A_584 = vector.extract_strided_slice %get3A_25 {offsets = [3], sizes = [1], strides = [1]} : vector<16xi32> to vector<1xi32>
      %squeeze3A_585 = vector.extract %slice3A_584[0] : i32 from vector<1xi32>
      %eq3A_586 = vector.broadcast %squeeze3A_585 : i32 to vector<16xi32>
      %eq3A_587 = arith.cmpi eq, %add3A_583, %eq3A_586 : vector<16xi32>
      %select_n3A_588 = arith.select %eq3A_587, %broadcast_in_dim3A_13, %broadcast_in_dim3A_15 : vector<16xi1>, vector<16xf32>
      %swap3A_589 = arith.index_cast %add3A_508 : i32 to index
      %swap3A_590 = arith.constant 128 : index
      %swap3A_591 = tpu.vector_load %arg15[%swap3A_589, %swap3A_590] {strides = array<i32>} : memref<128x256xf32, #tpu.memory_space<vmem>>, vector<1x16xf32>,
      %swap3A_592 = vector.shape_cast %swap3A_591 : vector<1x16xf32> to vector<16xf32>
      %swap3A_593 = vector.shape_cast %select_n3A_588 : vector<16xf32> to vector<1x16xf32>
      tpu.vector_store %arg15[%swap3A_589, %swap3A_590], %swap3A_593 {strides = array<i32>} : memref<128x256xf32, #tpu.memory_space<vmem>>, vector<1x16xf32>,
      %add3A_594 = arith.constant 16 : i32
      %add3A_595 = vector.broadcast %add3A_594 : i32 to vector<16xi32>
      %add3A_596 = arith.addi %iota3A, %add3A_595 : vector<16xi32>
      %slice3A_597 = vector.extract_strided_slice %get3A_25 {offsets = [3], sizes = [1], strides = [1]} : vector<16xi32> to vector<1xi32>
      %squeeze3A_598 = vector.extract %slice3A_597[0] : i32 from vector<1xi32>
      %eq3A_599 = vector.broadcast %squeeze3A_598 : i32 to vector<16xi32>
      %eq3A_600 = arith.cmpi eq, %add3A_596, %eq3A_599 : vector<16xi32>
      %select_n3A_601 = arith.select %eq3A_600, %broadcast_in_dim3A_13, %broadcast_in_dim3A_15 : vector<16xi1>, vector<16xf32>
      %swap3A_602 = arith.index_cast %add3A_508 : i32 to index
      %swap3A_603 = arith.constant 144 : index
      %swap3A_604 = tpu.vector_load %arg15[%swap3A_602, %swap3A_603] {strides = array<i32>} : memref<128x256xf32, #tpu.memory_space<vmem>>, vector<1x16xf32>,
      %swap3A_605 = vector.shape_cast %swap3A_604 : vector<1x16xf32> to vector<16xf32>
      %swap3A_606 = vector.shape_cast %select_n3A_601 : vector<16xf32> to vector<1x16xf32>
      tpu.vector_store %arg15[%swap3A_602, %swap3A_603], %swap3A_606 {strides = array<i32>} : memref<128x256xf32, #tpu.memory_space<vmem>>, vector<1x16xf32>,
      %add3A_607 = arith.constant 32 : i32
      %add3A_608 = vector.broadcast %add3A_607 : i32 to vector<16xi32>
      %add3A_609 = arith.addi %iota3A, %add3A_608 : vector<16xi32>
      %slice3A_610 = vector.extract_strided_slice %get3A_25 {offsets = [3], sizes = [1], strides = [1]} : vector<16xi32> to vector<1xi32>
      %squeeze3A_611 = vector.extract %slice3A_610[0] : i32 from vector<1xi32>
      %eq3A_612 = vector.broadcast %squeeze3A_611 : i32 to vector<16xi32>
      %eq3A_613 = arith.cmpi eq, %add3A_609, %eq3A_612 : vector<16xi32>
      %select_n3A_614 = arith.select %eq3A_613, %broadcast_in_dim3A_13, %broadcast_in_dim3A_15 : vector<16xi1>, vector<16xf32>
      %swap3A_615 = arith.index_cast %add3A_508 : i32 to index
      %swap3A_616 = arith.constant 160 : index
      %swap3A_617 = tpu.vector_load %arg15[%swap3A_615, %swap3A_616] {strides = array<i32>} : memref<128x256xf32, #tpu.memory_space<vmem>>, vector<1x16xf32>,
      %swap3A_618 = vector.shape_cast %swap3A_617 : vector<1x16xf32> to vector<16xf32>
      %swap3A_619 = vector.shape_cast %select_n3A_614 : vector<16xf32> to vector<1x16xf32>
      tpu.vector_store %arg15[%swap3A_615, %swap3A_616], %swap3A_619 {strides = array<i32>} : memref<128x256xf32, #tpu.memory_space<vmem>>, vector<1x16xf32>,
      %add3A_620 = arith.constant 48 : i32
      %add3A_621 = vector.broadcast %add3A_620 : i32 to vector<16xi32>
      %add3A_622 = arith.addi %iota3A, %add3A_621 : vector<16xi32>
      %slice3A_623 = vector.extract_strided_slice %get3A_25 {offsets = [3], sizes = [1], strides = [1]} : vector<16xi32> to vector<1xi32>
      %squeeze3A_624 = vector.extract %slice3A_623[0] : i32 from vector<1xi32>
      %eq3A_625 = vector.broadcast %squeeze3A_624 : i32 to vector<16xi32>
      %eq3A_626 = arith.cmpi eq, %add3A_622, %eq3A_625 : vector<16xi32>
      %select_n3A_627 = arith.select %eq3A_626, %broadcast_in_dim3A_13, %broadcast_in_dim3A_15 : vector<16xi1>, vector<16xf32>
      %swap3A_628 = arith.index_cast %add3A_508 : i32 to index
      %swap3A_629 = arith.constant 176 : index
      %swap3A_630 = tpu.vector_load %arg15[%swap3A_628, %swap3A_629] {strides = array<i32>} : memref<128x256xf32, #tpu.memory_space<vmem>>, vector<1x16xf32>,
      %swap3A_631 = vector.shape_cast %swap3A_630 : vector<1x16xf32> to vector<16xf32>
      %swap3A_632 = vector.shape_cast %select_n3A_627 : vector<16xf32> to vector<1x16xf32>
      tpu.vector_store %arg15[%swap3A_628, %swap3A_629], %swap3A_632 {strides = array<i32>} : memref<128x256xf32, #tpu.memory_space<vmem>>, vector<1x16xf32>,
      %get3A_633 = arith.index_cast %add3A_508 : i32 to index
      %get3A_634 = arith.constant 0 : index
      %get3A_635 = tpu.vector_load %arg14[%get3A_633, %get3A_634] {strides = array<i32>} : memref<128x64xf32, #tpu.memory_space<vmem>>, vector<1x16xf32>,
      %get3A_636 = vector.shape_cast %get3A_635 : vector<1x16xf32> to vector<16xf32>
      %swap3A_637 = arith.index_cast %add3A_508 : i32 to index
      %swap3A_638 = arith.constant 179 : index
      %swap3A_639 = tpu.vector_load %arg15[%swap3A_637, %swap3A_638] {strides = array<i32>} : memref<128x256xf32, #tpu.memory_space<vmem>>, vector<1x16xf32>,
      %swap3A_640 = vector.shape_cast %swap3A_639 : vector<1x16xf32> to vector<16xf32>
      %swap3A_641 = vector.shape_cast %get3A_636 : vector<16xf32> to vector<1x16xf32>
      tpu.vector_store %arg15[%swap3A_637, %swap3A_638], %swap3A_641 {strides = array<i32>} : memref<128x256xf32, #tpu.memory_space<vmem>>, vector<1x16xf32>,
      %get3A_642 = arith.index_cast %add3A_508 : i32 to index
      %get3A_643 = arith.constant 16 : index
      %get3A_644 = tpu.vector_load %arg14[%get3A_642, %get3A_643] {strides = array<i32>} : memref<128x64xf32, #tpu.memory_space<vmem>>, vector<1x16xf32>,
      %get3A_645 = vector.shape_cast %get3A_644 : vector<1x16xf32> to vector<16xf32>
      %swap3A_646 = arith.index_cast %add3A_508 : i32 to index
      %swap3A_647 = arith.constant 195 : index
      %swap3A_648 = tpu.vector_load %arg15[%swap3A_646, %swap3A_647] {strides = array<i32>} : memref<128x256xf32, #tpu.memory_space<vmem>>, vector<1x16xf32>,
      %swap3A_649 = vector.shape_cast %swap3A_648 : vector<1x16xf32> to vector<16xf32>
      %swap3A_650 = vector.shape_cast %get3A_645 : vector<16xf32> to vector<1x16xf32>
      tpu.vector_store %arg15[%swap3A_646, %swap3A_647], %swap3A_650 {strides = array<i32>} : memref<128x256xf32, #tpu.memory_space<vmem>>, vector<1x16xf32>,
      %get3A_651 = arith.index_cast %add3A_508 : i32 to index
      %get3A_652 = arith.constant 32 : index
      %get3A_653 = tpu.vector_load %arg14[%get3A_651, %get3A_652] {strides = array<i32>} : memref<128x64xf32, #tpu.memory_space<vmem>>, vector<1x16xf32>,
      %get3A_654 = vector.shape_cast %get3A_653 : vector<1x16xf32> to vector<16xf32>
      %swap3A_655 = arith.index_cast %add3A_508 : i32 to index
      %swap3A_656 = arith.constant 211 : index
      %swap3A_657 = tpu.vector_load %arg15[%swap3A_655, %swap3A_656] {strides = array<i32>} : memref<128x256xf32, #tpu.memory_space<vmem>>, vector<1x16xf32>,
      %swap3A_658 = vector.shape_cast %swap3A_657 : vector<1x16xf32> to vector<16xf32>
      %swap3A_659 = vector.shape_cast %get3A_654 : vector<16xf32> to vector<1x16xf32>
      tpu.vector_store %arg15[%swap3A_655, %swap3A_656], %swap3A_659 {strides = array<i32>} : memref<128x256xf32, #tpu.memory_space<vmem>>, vector<1x16xf32>,
      %get3A_660 = arith.index_cast %add3A_508 : i32 to index
      %get3A_661 = arith.constant 48 : index
      %get3A_662 = tpu.vector_load %arg14[%get3A_660, %get3A_661] {strides = array<i32>} : memref<128x64xf32, #tpu.memory_space<vmem>>, vector<1x16xf32>,
      %get3A_663 = vector.shape_cast %get3A_662 : vector<1x16xf32> to vector<16xf32>
      %swap3A_664 = arith.index_cast %add3A_508 : i32 to index
      %swap3A_665 = arith.constant 227 : index
      %swap3A_666 = tpu.vector_load %arg15[%swap3A_664, %swap3A_665] {strides = array<i32>} : memref<128x256xf32, #tpu.memory_space<vmem>>, vector<1x16xf32>,
      %swap3A_667 = vector.shape_cast %swap3A_666 : vector<1x16xf32> to vector<16xf32>
      %swap3A_668 = vector.shape_cast %get3A_663 : vector<16xf32> to vector<1x16xf32>
      tpu.vector_store %arg15[%swap3A_664, %swap3A_665], %swap3A_668 {strides = array<i32>} : memref<128x256xf32, #tpu.memory_space<vmem>>, vector<1x16xf32>,
      %add3A_669 = arith.constant 4 : i32
      %add3A_670 = arith.addi %mul3A_23, %add3A_669 : i32
      %get3A_671 = arith.index_cast %add3A_670 : i32 to index
      %get3A_672 = arith.constant 0 : index
      %get3A_673 = tpu.vector_load %arg12[%get3A_671, %get3A_672] {strides = array<i32>} : memref<128x64xf32, #tpu.memory_space<vmem>>, vector<1x16xf32>,
      %get3A_674 = vector.shape_cast %get3A_673 : vector<1x16xf32> to vector<16xf32>
      %swap3A_675 = arith.index_cast %add3A_670 : i32 to index
      %swap3A_676 = arith.constant 0 : index
      %swap3A_677 = tpu.vector_load %arg15[%swap3A_675, %swap3A_676] {strides = array<i32>} : memref<128x256xf32, #tpu.memory_space<vmem>>, vector<1x16xf32>,
      %swap3A_678 = vector.shape_cast %swap3A_677 : vector<1x16xf32> to vector<16xf32>
      %swap3A_679 = vector.shape_cast %get3A_674 : vector<16xf32> to vector<1x16xf32>
      tpu.vector_store %arg15[%swap3A_675, %swap3A_676], %swap3A_679 {strides = array<i32>} : memref<128x256xf32, #tpu.memory_space<vmem>>, vector<1x16xf32>,
      %get3A_680 = arith.index_cast %add3A_670 : i32 to index
      %get3A_681 = arith.constant 16 : index
      %get3A_682 = tpu.vector_load %arg12[%get3A_680, %get3A_681] {strides = array<i32>} : memref<128x64xf32, #tpu.memory_space<vmem>>, vector<1x16xf32>,
      %get3A_683 = vector.shape_cast %get3A_682 : vector<1x16xf32> to vector<16xf32>
      %swap3A_684 = arith.index_cast %add3A_670 : i32 to index
      %swap3A_685 = arith.constant 16 : index
      %swap3A_686 = tpu.vector_load %arg15[%swap3A_684, %swap3A_685] {strides = array<i32>} : memref<128x256xf32, #tpu.memory_space<vmem>>, vector<1x16xf32>,
      %swap3A_687 = vector.shape_cast %swap3A_686 : vector<1x16xf32> to vector<16xf32>
      %swap3A_688 = vector.shape_cast %get3A_683 : vector<16xf32> to vector<1x16xf32>
      tpu.vector_store %arg15[%swap3A_684, %swap3A_685], %swap3A_688 {strides = array<i32>} : memref<128x256xf32, #tpu.memory_space<vmem>>, vector<1x16xf32>,
      %get3A_689 = arith.index_cast %add3A_670 : i32 to index
      %get3A_690 = arith.constant 32 : index
      %get3A_691 = tpu.vector_load %arg12[%get3A_689, %get3A_690] {strides = array<i32>} : memref<128x64xf32, #tpu.memory_space<vmem>>, vector<1x16xf32>,
      %get3A_692 = vector.shape_cast %get3A_691 : vector<1x16xf32> to vector<16xf32>
      %swap3A_693 = arith.index_cast %add3A_670 : i32 to index
      %swap3A_694 = arith.constant 32 : index
      %swap3A_695 = tpu.vector_load %arg15[%swap3A_693, %swap3A_694] {strides = array<i32>} : memref<128x256xf32, #tpu.memory_space<vmem>>, vector<1x16xf32>,
      %swap3A_696 = vector.shape_cast %swap3A_695 : vector<1x16xf32> to vector<16xf32>
      %swap3A_697 = vector.shape_cast %get3A_692 : vector<16xf32> to vector<1x16xf32>
      tpu.vector_store %arg15[%swap3A_693, %swap3A_694], %swap3A_697 {strides = array<i32>} : memref<128x256xf32, #tpu.memory_space<vmem>>, vector<1x16xf32>,
      %get3A_698 = arith.index_cast %add3A_670 : i32 to index
      %get3A_699 = arith.constant 48 : index
      %get3A_700 = tpu.vector_load %arg12[%get3A_698, %get3A_699] {strides = array<i32>} : memref<128x64xf32, #tpu.memory_space<vmem>>, vector<1x16xf32>,
      %get3A_701 = vector.shape_cast %get3A_700 : vector<1x16xf32> to vector<16xf32>
      %swap3A_702 = arith.index_cast %add3A_670 : i32 to index
      %swap3A_703 = arith.constant 48 : index
      %swap3A_704 = tpu.vector_load %arg15[%swap3A_702, %swap3A_703] {strides = array<i32>} : memref<128x256xf32, #tpu.memory_space<vmem>>, vector<1x16xf32>,
      %swap3A_705 = vector.shape_cast %swap3A_704 : vector<1x16xf32> to vector<16xf32>
      %swap3A_706 = vector.shape_cast %get3A_701 : vector<16xf32> to vector<1x16xf32>
      tpu.vector_store %arg15[%swap3A_702, %swap3A_703], %swap3A_706 {strides = array<i32>} : memref<128x256xf32, #tpu.memory_space<vmem>>, vector<1x16xf32>,
      %get3A_707 = arith.index_cast %add3A_670 : i32 to index
      %get3A_708 = arith.constant 0 : index
      %get3A_709 = tpu.vector_load %arg13[%get3A_707, %get3A_708] {strides = array<i32>} : memref<128x64xf32, #tpu.memory_space<vmem>>, vector<1x16xf32>,
      %get3A_710 = vector.shape_cast %get3A_709 : vector<1x16xf32> to vector<16xf32>
      %swap3A_711 = arith.index_cast %add3A_670 : i32 to index
      %swap3A_712 = arith.constant 64 : index
      %swap3A_713 = tpu.vector_load %arg15[%swap3A_711, %swap3A_712] {strides = array<i32>} : memref<128x256xf32, #tpu.memory_space<vmem>>, vector<1x16xf32>,
      %swap3A_714 = vector.shape_cast %swap3A_713 : vector<1x16xf32> to vector<16xf32>
      %swap3A_715 = vector.shape_cast %get3A_710 : vector<16xf32> to vector<1x16xf32>
      tpu.vector_store %arg15[%swap3A_711, %swap3A_712], %swap3A_715 {strides = array<i32>} : memref<128x256xf32, #tpu.memory_space<vmem>>, vector<1x16xf32>,
      %get3A_716 = arith.index_cast %add3A_670 : i32 to index
      %get3A_717 = arith.constant 16 : index
      %get3A_718 = tpu.vector_load %arg13[%get3A_716, %get3A_717] {strides = array<i32>} : memref<128x64xf32, #tpu.memory_space<vmem>>, vector<1x16xf32>,
      %get3A_719 = vector.shape_cast %get3A_718 : vector<1x16xf32> to vector<16xf32>
      %swap3A_720 = arith.index_cast %add3A_670 : i32 to index
      %swap3A_721 = arith.constant 80 : index
      %swap3A_722 = tpu.vector_load %arg15[%swap3A_720, %swap3A_721] {strides = array<i32>} : memref<128x256xf32, #tpu.memory_space<vmem>>, vector<1x16xf32>,
      %swap3A_723 = vector.shape_cast %swap3A_722 : vector<1x16xf32> to vector<16xf32>
      %swap3A_724 = vector.shape_cast %get3A_719 : vector<16xf32> to vector<1x16xf32>
      tpu.vector_store %arg15[%swap3A_720, %swap3A_721], %swap3A_724 {strides = array<i32>} : memref<128x256xf32, #tpu.memory_space<vmem>>, vector<1x16xf32>,
      %get3A_725 = arith.index_cast %add3A_670 : i32 to index
      %get3A_726 = arith.constant 32 : index
      %get3A_727 = tpu.vector_load %arg13[%get3A_725, %get3A_726] {strides = array<i32>} : memref<128x64xf32, #tpu.memory_space<vmem>>, vector<1x16xf32>,
      %get3A_728 = vector.shape_cast %get3A_727 : vector<1x16xf32> to vector<16xf32>
      %swap3A_729 = arith.index_cast %add3A_670 : i32 to index
      %swap3A_730 = arith.constant 96 : index
      %swap3A_731 = tpu.vector_load %arg15[%swap3A_729, %swap3A_730] {strides = array<i32>} : memref<128x256xf32, #tpu.memory_space<vmem>>, vector<1x16xf32>,
      %swap3A_732 = vector.shape_cast %swap3A_731 : vector<1x16xf32> to vector<16xf32>
      %swap3A_733 = vector.shape_cast %get3A_728 : vector<16xf32> to vector<1x16xf32>
      tpu.vector_store %arg15[%swap3A_729, %swap3A_730], %swap3A_733 {strides = array<i32>} : memref<128x256xf32, #tpu.memory_space<vmem>>, vector<1x16xf32>,
      %get3A_734 = arith.index_cast %add3A_670 : i32 to index
      %get3A_735 = arith.constant 48 : index
      %get3A_736 = tpu.vector_load %arg13[%get3A_734, %get3A_735] {strides = array<i32>} : memref<128x64xf32, #tpu.memory_space<vmem>>, vector<1x16xf32>,
      %get3A_737 = vector.shape_cast %get3A_736 : vector<1x16xf32> to vector<16xf32>
      %swap3A_738 = arith.index_cast %add3A_670 : i32 to index
      %swap3A_739 = arith.constant 112 : index
      %swap3A_740 = tpu.vector_load %arg15[%swap3A_738, %swap3A_739] {strides = array<i32>} : memref<128x256xf32, #tpu.memory_space<vmem>>, vector<1x16xf32>,
      %swap3A_741 = vector.shape_cast %swap3A_740 : vector<1x16xf32> to vector<16xf32>
      %swap3A_742 = vector.shape_cast %get3A_737 : vector<16xf32> to vector<1x16xf32>
      tpu.vector_store %arg15[%swap3A_738, %swap3A_739], %swap3A_742 {strides = array<i32>} : memref<128x256xf32, #tpu.memory_space<vmem>>, vector<1x16xf32>,
      %add3A_743 = arith.constant 0 : i32
      %add3A_744 = vector.broadcast %add3A_743 : i32 to vector<16xi32>
      %add3A_745 = arith.addi %iota3A, %add3A_744 : vector<16xi32>
      %slice3A_746 = vector.extract_strided_slice %get3A_25 {offsets = [4], sizes = [1], strides = [1]} : vector<16xi32> to vector<1xi32>
      %squeeze3A_747 = vector.extract %slice3A_746[0] : i32 from vector<1xi32>
      %eq3A_748 = vector.broadcast %squeeze3A_747 : i32 to vector<16xi32>
      %eq3A_749 = arith.cmpi eq, %add3A_745, %eq3A_748 : vector<16xi32>
      %select_n3A_750 = arith.select %eq3A_749, %broadcast_in_dim3A_13, %broadcast_in_dim3A_15 : vector<16xi1>, vector<16xf32>
      %swap3A_751 = arith.index_cast %add3A_670 : i32 to index
      %swap3A_752 = arith.constant 128 : index
      %swap3A_753 = tpu.vector_load %arg15[%swap3A_751, %swap3A_752] {strides = array<i32>} : memref<128x256xf32, #tpu.memory_space<vmem>>, vector<1x16xf32>,
      %swap3A_754 = vector.shape_cast %swap3A_753 : vector<1x16xf32> to vector<16xf32>
      %swap3A_755 = vector.shape_cast %select_n3A_750 : vector<16xf32> to vector<1x16xf32>
      tpu.vector_store %arg15[%swap3A_751, %swap3A_752], %swap3A_755 {strides = array<i32>} : memref<128x256xf32, #tpu.memory_space<vmem>>, vector<1x16xf32>,
      %add3A_756 = arith.constant 16 : i32
      %add3A_757 = vector.broadcast %add3A_756 : i32 to vector<16xi32>
      %add3A_758 = arith.addi %iota3A, %add3A_757 : vector<16xi32>
      %slice3A_759 = vector.extract_strided_slice %get3A_25 {offsets = [4], sizes = [1], strides = [1]} : vector<16xi32> to vector<1xi32>
      %squeeze3A_760 = vector.extract %slice3A_759[0] : i32 from vector<1xi32>
      %eq3A_761 = vector.broadcast %squeeze3A_760 : i32 to vector<16xi32>
      %eq3A_762 = arith.cmpi eq, %add3A_758, %eq3A_761 : vector<16xi32>
      %select_n3A_763 = arith.select %eq3A_762, %broadcast_in_dim3A_13, %broadcast_in_dim3A_15 : vector<16xi1>, vector<16xf32>
      %swap3A_764 = arith.index_cast %add3A_670 : i32 to index
      %swap3A_765 = arith.constant 144 : index
      %swap3A_766 = tpu.vector_load %arg15[%swap3A_764, %swap3A_765] {strides = array<i32>} : memref<128x256xf32, #tpu.memory_space<vmem>>, vector<1x16xf32>,
      %swap3A_767 = vector.shape_cast %swap3A_766 : vector<1x16xf32> to vector<16xf32>
      %swap3A_768 = vector.shape_cast %select_n3A_763 : vector<16xf32> to vector<1x16xf32>
      tpu.vector_store %arg15[%swap3A_764, %swap3A_765], %swap3A_768 {strides = array<i32>} : memref<128x256xf32, #tpu.memory_space<vmem>>, vector<1x16xf32>,
      %add3A_769 = arith.constant 32 : i32
      %add3A_770 = vector.broadcast %add3A_769 : i32 to vector<16xi32>
      %add3A_771 = arith.addi %iota3A, %add3A_770 : vector<16xi32>
      %slice3A_772 = vector.extract_strided_slice %get3A_25 {offsets = [4], sizes = [1], strides = [1]} : vector<16xi32> to vector<1xi32>
      %squeeze3A_773 = vector.extract %slice3A_772[0] : i32 from vector<1xi32>
      %eq3A_774 = vector.broadcast %squeeze3A_773 : i32 to vector<16xi32>
      %eq3A_775 = arith.cmpi eq, %add3A_771, %eq3A_774 : vector<16xi32>
      %select_n3A_776 = arith.select %eq3A_775, %broadcast_in_dim3A_13, %broadcast_in_dim3A_15 : vector<16xi1>, vector<16xf32>
      %swap3A_777 = arith.index_cast %add3A_670 : i32 to index
      %swap3A_778 = arith.constant 160 : index
      %swap3A_779 = tpu.vector_load %arg15[%swap3A_777, %swap3A_778] {strides = array<i32>} : memref<128x256xf32, #tpu.memory_space<vmem>>, vector<1x16xf32>,
      %swap3A_780 = vector.shape_cast %swap3A_779 : vector<1x16xf32> to vector<16xf32>
      %swap3A_781 = vector.shape_cast %select_n3A_776 : vector<16xf32> to vector<1x16xf32>
      tpu.vector_store %arg15[%swap3A_777, %swap3A_778], %swap3A_781 {strides = array<i32>} : memref<128x256xf32, #tpu.memory_space<vmem>>, vector<1x16xf32>,
      %add3A_782 = arith.constant 48 : i32
      %add3A_783 = vector.broadcast %add3A_782 : i32 to vector<16xi32>
      %add3A_784 = arith.addi %iota3A, %add3A_783 : vector<16xi32>
      %slice3A_785 = vector.extract_strided_slice %get3A_25 {offsets = [4], sizes = [1], strides = [1]} : vector<16xi32> to vector<1xi32>
      %squeeze3A_786 = vector.extract %slice3A_785[0] : i32 from vector<1xi32>
      %eq3A_787 = vector.broadcast %squeeze3A_786 : i32 to vector<16xi32>
      %eq3A_788 = arith.cmpi eq, %add3A_784, %eq3A_787 : vector<16xi32>
      %select_n3A_789 = arith.select %eq3A_788, %broadcast_in_dim3A_13, %broadcast_in_dim3A_15 : vector<16xi1>, vector<16xf32>
      %swap3A_790 = arith.index_cast %add3A_670 : i32 to index
      %swap3A_791 = arith.constant 176 : index
      %swap3A_792 = tpu.vector_load %arg15[%swap3A_790, %swap3A_791] {strides = array<i32>} : memref<128x256xf32, #tpu.memory_space<vmem>>, vector<1x16xf32>,
      %swap3A_793 = vector.shape_cast %swap3A_792 : vector<1x16xf32> to vector<16xf32>
      %swap3A_794 = vector.shape_cast %select_n3A_789 : vector<16xf32> to vector<1x16xf32>
      tpu.vector_store %arg15[%swap3A_790, %swap3A_791], %swap3A_794 {strides = array<i32>} : memref<128x256xf32, #tpu.memory_space<vmem>>, vector<1x16xf32>,
      %get3A_795 = arith.index_cast %add3A_670 : i32 to index
      %get3A_796 = arith.constant 0 : index
      %get3A_797 = tpu.vector_load %arg14[%get3A_795, %get3A_796] {strides = array<i32>} : memref<128x64xf32, #tpu.memory_space<vmem>>, vector<1x16xf32>,
      %get3A_798 = vector.shape_cast %get3A_797 : vector<1x16xf32> to vector<16xf32>
      %swap3A_799 = arith.index_cast %add3A_670 : i32 to index
      %swap3A_800 = arith.constant 179 : index
      %swap3A_801 = tpu.vector_load %arg15[%swap3A_799, %swap3A_800] {strides = array<i32>} : memref<128x256xf32, #tpu.memory_space<vmem>>, vector<1x16xf32>,
      %swap3A_802 = vector.shape_cast %swap3A_801 : vector<1x16xf32> to vector<16xf32>
      %swap3A_803 = vector.shape_cast %get3A_798 : vector<16xf32> to vector<1x16xf32>
      tpu.vector_store %arg15[%swap3A_799, %swap3A_800], %swap3A_803 {strides = array<i32>} : memref<128x256xf32, #tpu.memory_space<vmem>>, vector<1x16xf32>,
      %get3A_804 = arith.index_cast %add3A_670 : i32 to index
      %get3A_805 = arith.constant 16 : index
      %get3A_806 = tpu.vector_load %arg14[%get3A_804, %get3A_805] {strides = array<i32>} : memref<128x64xf32, #tpu.memory_space<vmem>>, vector<1x16xf32>,
      %get3A_807 = vector.shape_cast %get3A_806 : vector<1x16xf32> to vector<16xf32>
      %swap3A_808 = arith.index_cast %add3A_670 : i32 to index
      %swap3A_809 = arith.constant 195 : index
      %swap3A_810 = tpu.vector_load %arg15[%swap3A_808, %swap3A_809] {strides = array<i32>} : memref<128x256xf32, #tpu.memory_space<vmem>>, vector<1x16xf32>,
      %swap3A_811 = vector.shape_cast %swap3A_810 : vector<1x16xf32> to vector<16xf32>
      %swap3A_812 = vector.shape_cast %get3A_807 : vector<16xf32> to vector<1x16xf32>
      tpu.vector_store %arg15[%swap3A_808, %swap3A_809], %swap3A_812 {strides = array<i32>} : memref<128x256xf32, #tpu.memory_space<vmem>>, vector<1x16xf32>,
      %get3A_813 = arith.index_cast %add3A_670 : i32 to index
      %get3A_814 = arith.constant 32 : index
      %get3A_815 = tpu.vector_load %arg14[%get3A_813, %get3A_814] {strides = array<i32>} : memref<128x64xf32, #tpu.memory_space<vmem>>, vector<1x16xf32>,
      %get3A_816 = vector.shape_cast %get3A_815 : vector<1x16xf32> to vector<16xf32>
      %swap3A_817 = arith.index_cast %add3A_670 : i32 to index
      %swap3A_818 = arith.constant 211 : index
      %swap3A_819 = tpu.vector_load %arg15[%swap3A_817, %swap3A_818] {strides = array<i32>} : memref<128x256xf32, #tpu.memory_space<vmem>>, vector<1x16xf32>,
      %swap3A_820 = vector.shape_cast %swap3A_819 : vector<1x16xf32> to vector<16xf32>
      %swap3A_821 = vector.shape_cast %get3A_816 : vector<16xf32> to vector<1x16xf32>
      tpu.vector_store %arg15[%swap3A_817, %swap3A_818], %swap3A_821 {strides = array<i32>} : memref<128x256xf32, #tpu.memory_space<vmem>>, vector<1x16xf32>,
      %get3A_822 = arith.index_cast %add3A_670 : i32 to index
      %get3A_823 = arith.constant 48 : index
      %get3A_824 = tpu.vector_load %arg14[%get3A_822, %get3A_823] {strides = array<i32>} : memref<128x64xf32, #tpu.memory_space<vmem>>, vector<1x16xf32>,
      %get3A_825 = vector.shape_cast %get3A_824 : vector<1x16xf32> to vector<16xf32>
      %swap3A_826 = arith.index_cast %add3A_670 : i32 to index
      %swap3A_827 = arith.constant 227 : index
      %swap3A_828 = tpu.vector_load %arg15[%swap3A_826, %swap3A_827] {strides = array<i32>} : memref<128x256xf32, #tpu.memory_space<vmem>>, vector<1x16xf32>,
      %swap3A_829 = vector.shape_cast %swap3A_828 : vector<1x16xf32> to vector<16xf32>
      %swap3A_830 = vector.shape_cast %get3A_825 : vector<16xf32> to vector<1x16xf32>
      tpu.vector_store %arg15[%swap3A_826, %swap3A_827], %swap3A_830 {strides = array<i32>} : memref<128x256xf32, #tpu.memory_space<vmem>>, vector<1x16xf32>,
      %add3A_831 = arith.constant 5 : i32
      %add3A_832 = arith.addi %mul3A_23, %add3A_831 : i32
      %get3A_833 = arith.index_cast %add3A_832 : i32 to index
      %get3A_834 = arith.constant 0 : index
      %get3A_835 = tpu.vector_load %arg12[%get3A_833, %get3A_834] {strides = array<i32>} : memref<128x64xf32, #tpu.memory_space<vmem>>, vector<1x16xf32>,
      %get3A_836 = vector.shape_cast %get3A_835 : vector<1x16xf32> to vector<16xf32>
      %swap3A_837 = arith.index_cast %add3A_832 : i32 to index
      %swap3A_838 = arith.constant 0 : index
      %swap3A_839 = tpu.vector_load %arg15[%swap3A_837, %swap3A_838] {strides = array<i32>} : memref<128x256xf32, #tpu.memory_space<vmem>>, vector<1x16xf32>,
      %swap3A_840 = vector.shape_cast %swap3A_839 : vector<1x16xf32> to vector<16xf32>
      %swap3A_841 = vector.shape_cast %get3A_836 : vector<16xf32> to vector<1x16xf32>
      tpu.vector_store %arg15[%swap3A_837, %swap3A_838], %swap3A_841 {strides = array<i32>} : memref<128x256xf32, #tpu.memory_space<vmem>>, vector<1x16xf32>,
      %get3A_842 = arith.index_cast %add3A_832 : i32 to index
      %get3A_843 = arith.constant 16 : index
      %get3A_844 = tpu.vector_load %arg12[%get3A_842, %get3A_843] {strides = array<i32>} : memref<128x64xf32, #tpu.memory_space<vmem>>, vector<1x16xf32>,
      %get3A_845 = vector.shape_cast %get3A_844 : vector<1x16xf32> to vector<16xf32>
      %swap3A_846 = arith.index_cast %add3A_832 : i32 to index
      %swap3A_847 = arith.constant 16 : index
      %swap3A_848 = tpu.vector_load %arg15[%swap3A_846, %swap3A_847] {strides = array<i32>} : memref<128x256xf32, #tpu.memory_space<vmem>>, vector<1x16xf32>,
      %swap3A_849 = vector.shape_cast %swap3A_848 : vector<1x16xf32> to vector<16xf32>
      %swap3A_850 = vector.shape_cast %get3A_845 : vector<16xf32> to vector<1x16xf32>
      tpu.vector_store %arg15[%swap3A_846, %swap3A_847], %swap3A_850 {strides = array<i32>} : memref<128x256xf32, #tpu.memory_space<vmem>>, vector<1x16xf32>,
      %get3A_851 = arith.index_cast %add3A_832 : i32 to index
      %get3A_852 = arith.constant 32 : index
      %get3A_853 = tpu.vector_load %arg12[%get3A_851, %get3A_852] {strides = array<i32>} : memref<128x64xf32, #tpu.memory_space<vmem>>, vector<1x16xf32>,
      %get3A_854 = vector.shape_cast %get3A_853 : vector<1x16xf32> to vector<16xf32>
      %swap3A_855 = arith.index_cast %add3A_832 : i32 to index
      %swap3A_856 = arith.constant 32 : index
      %swap3A_857 = tpu.vector_load %arg15[%swap3A_855, %swap3A_856] {strides = array<i32>} : memref<128x256xf32, #tpu.memory_space<vmem>>, vector<1x16xf32>,
      %swap3A_858 = vector.shape_cast %swap3A_857 : vector<1x16xf32> to vector<16xf32>
      %swap3A_859 = vector.shape_cast %get3A_854 : vector<16xf32> to vector<1x16xf32>
      tpu.vector_store %arg15[%swap3A_855, %swap3A_856], %swap3A_859 {strides = array<i32>} : memref<128x256xf32, #tpu.memory_space<vmem>>, vector<1x16xf32>,
      %get3A_860 = arith.index_cast %add3A_832 : i32 to index
      %get3A_861 = arith.constant 48 : index
      %get3A_862 = tpu.vector_load %arg12[%get3A_860, %get3A_861] {strides = array<i32>} : memref<128x64xf32, #tpu.memory_space<vmem>>, vector<1x16xf32>,
      %get3A_863 = vector.shape_cast %get3A_862 : vector<1x16xf32> to vector<16xf32>
      %swap3A_864 = arith.index_cast %add3A_832 : i32 to index
      %swap3A_865 = arith.constant 48 : index
      %swap3A_866 = tpu.vector_load %arg15[%swap3A_864, %swap3A_865] {strides = array<i32>} : memref<128x256xf32, #tpu.memory_space<vmem>>, vector<1x16xf32>,
      %swap3A_867 = vector.shape_cast %swap3A_866 : vector<1x16xf32> to vector<16xf32>
      %swap3A_868 = vector.shape_cast %get3A_863 : vector<16xf32> to vector<1x16xf32>
      tpu.vector_store %arg15[%swap3A_864, %swap3A_865], %swap3A_868 {strides = array<i32>} : memref<128x256xf32, #tpu.memory_space<vmem>>, vector<1x16xf32>,
      %get3A_869 = arith.index_cast %add3A_832 : i32 to index
      %get3A_870 = arith.constant 0 : index
      %get3A_871 = tpu.vector_load %arg13[%get3A_869, %get3A_870] {strides = array<i32>} : memref<128x64xf32, #tpu.memory_space<vmem>>, vector<1x16xf32>,
      %get3A_872 = vector.shape_cast %get3A_871 : vector<1x16xf32> to vector<16xf32>
      %swap3A_873 = arith.index_cast %add3A_832 : i32 to index
      %swap3A_874 = arith.constant 64 : index
      %swap3A_875 = tpu.vector_load %arg15[%swap3A_873, %swap3A_874] {strides = array<i32>} : memref<128x256xf32, #tpu.memory_space<vmem>>, vector<1x16xf32>,
      %swap3A_876 = vector.shape_cast %swap3A_875 : vector<1x16xf32> to vector<16xf32>
      %swap3A_877 = vector.shape_cast %get3A_872 : vector<16xf32> to vector<1x16xf32>
      tpu.vector_store %arg15[%swap3A_873, %swap3A_874], %swap3A_877 {strides = array<i32>} : memref<128x256xf32, #tpu.memory_space<vmem>>, vector<1x16xf32>,
      %get3A_878 = arith.index_cast %add3A_832 : i32 to index
      %get3A_879 = arith.constant 16 : index
      %get3A_880 = tpu.vector_load %arg13[%get3A_878, %get3A_879] {strides = array<i32>} : memref<128x64xf32, #tpu.memory_space<vmem>>, vector<1x16xf32>,
      %get3A_881 = vector.shape_cast %get3A_880 : vector<1x16xf32> to vector<16xf32>
      %swap3A_882 = arith.index_cast %add3A_832 : i32 to index
      %swap3A_883 = arith.constant 80 : index
      %swap3A_884 = tpu.vector_load %arg15[%swap3A_882, %swap3A_883] {strides = array<i32>} : memref<128x256xf32, #tpu.memory_space<vmem>>, vector<1x16xf32>,
      %swap3A_885 = vector.shape_cast %swap3A_884 : vector<1x16xf32> to vector<16xf32>
      %swap3A_886 = vector.shape_cast %get3A_881 : vector<16xf32> to vector<1x16xf32>
      tpu.vector_store %arg15[%swap3A_882, %swap3A_883], %swap3A_886 {strides = array<i32>} : memref<128x256xf32, #tpu.memory_space<vmem>>, vector<1x16xf32>,
      %get3A_887 = arith.index_cast %add3A_832 : i32 to index
      %get3A_888 = arith.constant 32 : index
      %get3A_889 = tpu.vector_load %arg13[%get3A_887, %get3A_888] {strides = array<i32>} : memref<128x64xf32, #tpu.memory_space<vmem>>, vector<1x16xf32>,
      %get3A_890 = vector.shape_cast %get3A_889 : vector<1x16xf32> to vector<16xf32>
      %swap3A_891 = arith.index_cast %add3A_832 : i32 to index
      %swap3A_892 = arith.constant 96 : index
      %swap3A_893 = tpu.vector_load %arg15[%swap3A_891, %swap3A_892] {strides = array<i32>} : memref<128x256xf32, #tpu.memory_space<vmem>>, vector<1x16xf32>,
      %swap3A_894 = vector.shape_cast %swap3A_893 : vector<1x16xf32> to vector<16xf32>
      %swap3A_895 = vector.shape_cast %get3A_890 : vector<16xf32> to vector<1x16xf32>
      tpu.vector_store %arg15[%swap3A_891, %swap3A_892], %swap3A_895 {strides = array<i32>} : memref<128x256xf32, #tpu.memory_space<vmem>>, vector<1x16xf32>,
      %get3A_896 = arith.index_cast %add3A_832 : i32 to index
      %get3A_897 = arith.constant 48 : index
      %get3A_898 = tpu.vector_load %arg13[%get3A_896, %get3A_897] {strides = array<i32>} : memref<128x64xf32, #tpu.memory_space<vmem>>, vector<1x16xf32>,
      %get3A_899 = vector.shape_cast %get3A_898 : vector<1x16xf32> to vector<16xf32>
      %swap3A_900 = arith.index_cast %add3A_832 : i32 to index
      %swap3A_901 = arith.constant 112 : index
      %swap3A_902 = tpu.vector_load %arg15[%swap3A_900, %swap3A_901] {strides = array<i32>} : memref<128x256xf32, #tpu.memory_space<vmem>>, vector<1x16xf32>,
      %swap3A_903 = vector.shape_cast %swap3A_902 : vector<1x16xf32> to vector<16xf32>
      %swap3A_904 = vector.shape_cast %get3A_899 : vector<16xf32> to vector<1x16xf32>
      tpu.vector_store %arg15[%swap3A_900, %swap3A_901], %swap3A_904 {strides = array<i32>} : memref<128x256xf32, #tpu.memory_space<vmem>>, vector<1x16xf32>,
      %add3A_905 = arith.constant 0 : i32
      %add3A_906 = vector.broadcast %add3A_905 : i32 to vector<16xi32>
      %add3A_907 = arith.addi %iota3A, %add3A_906 : vector<16xi32>
      %slice3A_908 = vector.extract_strided_slice %get3A_25 {offsets = [5], sizes = [1], strides = [1]} : vector<16xi32> to vector<1xi32>
      %squeeze3A_909 = vector.extract %slice3A_908[0] : i32 from vector<1xi32>
      %eq3A_910 = vector.broadcast %squeeze3A_909 : i32 to vector<16xi32>
      %eq3A_911 = arith.cmpi eq, %add3A_907, %eq3A_910 : vector<16xi32>
      %select_n3A_912 = arith.select %eq3A_911, %broadcast_in_dim3A_13, %broadcast_in_dim3A_15 : vector<16xi1>, vector<16xf32>
      %swap3A_913 = arith.index_cast %add3A_832 : i32 to index
      %swap3A_914 = arith.constant 128 : index
      %swap3A_915 = tpu.vector_load %arg15[%swap3A_913, %swap3A_914] {strides = array<i32>} : memref<128x256xf32, #tpu.memory_space<vmem>>, vector<1x16xf32>,
      %swap3A_916 = vector.shape_cast %swap3A_915 : vector<1x16xf32> to vector<16xf32>
      %swap3A_917 = vector.shape_cast %select_n3A_912 : vector<16xf32> to vector<1x16xf32>
      tpu.vector_store %arg15[%swap3A_913, %swap3A_914], %swap3A_917 {strides = array<i32>} : memref<128x256xf32, #tpu.memory_space<vmem>>, vector<1x16xf32>,
      %add3A_918 = arith.constant 16 : i32
      %add3A_919 = vector.broadcast %add3A_918 : i32 to vector<16xi32>
      %add3A_920 = arith.addi %iota3A, %add3A_919 : vector<16xi32>
      %slice3A_921 = vector.extract_strided_slice %get3A_25 {offsets = [5], sizes = [1], strides = [1]} : vector<16xi32> to vector<1xi32>
      %squeeze3A_922 = vector.extract %slice3A_921[0] : i32 from vector<1xi32>
      %eq3A_923 = vector.broadcast %squeeze3A_922 : i32 to vector<16xi32>
      %eq3A_924 = arith.cmpi eq, %add3A_920, %eq3A_923 : vector<16xi32>
      %select_n3A_925 = arith.select %eq3A_924, %broadcast_in_dim3A_13, %broadcast_in_dim3A_15 : vector<16xi1>, vector<16xf32>
      %swap3A_926 = arith.index_cast %add3A_832 : i32 to index
      %swap3A_927 = arith.constant 144 : index
      %swap3A_928 = tpu.vector_load %arg15[%swap3A_926, %swap3A_927] {strides = array<i32>} : memref<128x256xf32, #tpu.memory_space<vmem>>, vector<1x16xf32>,
      %swap3A_929 = vector.shape_cast %swap3A_928 : vector<1x16xf32> to vector<16xf32>
      %swap3A_930 = vector.shape_cast %select_n3A_925 : vector<16xf32> to vector<1x16xf32>
      tpu.vector_store %arg15[%swap3A_926, %swap3A_927], %swap3A_930 {strides = array<i32>} : memref<128x256xf32, #tpu.memory_space<vmem>>, vector<1x16xf32>,
      %add3A_931 = arith.constant 32 : i32
      %add3A_932 = vector.broadcast %add3A_931 : i32 to vector<16xi32>
      %add3A_933 = arith.addi %iota3A, %add3A_932 : vector<16xi32>
      %slice3A_934 = vector.extract_strided_slice %get3A_25 {offsets = [5], sizes = [1], strides = [1]} : vector<16xi32> to vector<1xi32>
      %squeeze3A_935 = vector.extract %slice3A_934[0] : i32 from vector<1xi32>
      %eq3A_936 = vector.broadcast %squeeze3A_935 : i32 to vector<16xi32>
      %eq3A_937 = arith.cmpi eq, %add3A_933, %eq3A_936 : vector<16xi32>
      %select_n3A_938 = arith.select %eq3A_937, %broadcast_in_dim3A_13, %broadcast_in_dim3A_15 : vector<16xi1>, vector<16xf32>
      %swap3A_939 = arith.index_cast %add3A_832 : i32 to index
      %swap3A_940 = arith.constant 160 : index
      %swap3A_941 = tpu.vector_load %arg15[%swap3A_939, %swap3A_940] {strides = array<i32>} : memref<128x256xf32, #tpu.memory_space<vmem>>, vector<1x16xf32>,
      %swap3A_942 = vector.shape_cast %swap3A_941 : vector<1x16xf32> to vector<16xf32>
      %swap3A_943 = vector.shape_cast %select_n3A_938 : vector<16xf32> to vector<1x16xf32>
      tpu.vector_store %arg15[%swap3A_939, %swap3A_940], %swap3A_943 {strides = array<i32>} : memref<128x256xf32, #tpu.memory_space<vmem>>, vector<1x16xf32>,
      %add3A_944 = arith.constant 48 : i32
      %add3A_945 = vector.broadcast %add3A_944 : i32 to vector<16xi32>
      %add3A_946 = arith.addi %iota3A, %add3A_945 : vector<16xi32>
      %slice3A_947 = vector.extract_strided_slice %get3A_25 {offsets = [5], sizes = [1], strides = [1]} : vector<16xi32> to vector<1xi32>
      %squeeze3A_948 = vector.extract %slice3A_947[0] : i32 from vector<1xi32>
      %eq3A_949 = vector.broadcast %squeeze3A_948 : i32 to vector<16xi32>
      %eq3A_950 = arith.cmpi eq, %add3A_946, %eq3A_949 : vector<16xi32>
      %select_n3A_951 = arith.select %eq3A_950, %broadcast_in_dim3A_13, %broadcast_in_dim3A_15 : vector<16xi1>, vector<16xf32>
      %swap3A_952 = arith.index_cast %add3A_832 : i32 to index
      %swap3A_953 = arith.constant 176 : index
      %swap3A_954 = tpu.vector_load %arg15[%swap3A_952, %swap3A_953] {strides = array<i32>} : memref<128x256xf32, #tpu.memory_space<vmem>>, vector<1x16xf32>,
      %swap3A_955 = vector.shape_cast %swap3A_954 : vector<1x16xf32> to vector<16xf32>
      %swap3A_956 = vector.shape_cast %select_n3A_951 : vector<16xf32> to vector<1x16xf32>
      tpu.vector_store %arg15[%swap3A_952, %swap3A_953], %swap3A_956 {strides = array<i32>} : memref<128x256xf32, #tpu.memory_space<vmem>>, vector<1x16xf32>,
      %get3A_957 = arith.index_cast %add3A_832 : i32 to index
      %get3A_958 = arith.constant 0 : index
      %get3A_959 = tpu.vector_load %arg14[%get3A_957, %get3A_958] {strides = array<i32>} : memref<128x64xf32, #tpu.memory_space<vmem>>, vector<1x16xf32>,
      %get3A_960 = vector.shape_cast %get3A_959 : vector<1x16xf32> to vector<16xf32>
      %swap3A_961 = arith.index_cast %add3A_832 : i32 to index
      %swap3A_962 = arith.constant 179 : index
      %swap3A_963 = tpu.vector_load %arg15[%swap3A_961, %swap3A_962] {strides = array<i32>} : memref<128x256xf32, #tpu.memory_space<vmem>>, vector<1x16xf32>,
      %swap3A_964 = vector.shape_cast %swap3A_963 : vector<1x16xf32> to vector<16xf32>
      %swap3A_965 = vector.shape_cast %get3A_960 : vector<16xf32> to vector<1x16xf32>
      tpu.vector_store %arg15[%swap3A_961, %swap3A_962], %swap3A_965 {strides = array<i32>} : memref<128x256xf32, #tpu.memory_space<vmem>>, vector<1x16xf32>,
      %get3A_966 = arith.index_cast %add3A_832 : i32 to index
      %get3A_967 = arith.constant 16 : index
      %get3A_968 = tpu.vector_load %arg14[%get3A_966, %get3A_967] {strides = array<i32>} : memref<128x64xf32, #tpu.memory_space<vmem>>, vector<1x16xf32>,
      %get3A_969 = vector.shape_cast %get3A_968 : vector<1x16xf32> to vector<16xf32>
      %swap3A_970 = arith.index_cast %add3A_832 : i32 to index
      %swap3A_971 = arith.constant 195 : index
      %swap3A_972 = tpu.vector_load %arg15[%swap3A_970, %swap3A_971] {strides = array<i32>} : memref<128x256xf32, #tpu.memory_space<vmem>>, vector<1x16xf32>,
      %swap3A_973 = vector.shape_cast %swap3A_972 : vector<1x16xf32> to vector<16xf32>
      %swap3A_974 = vector.shape_cast %get3A_969 : vector<16xf32> to vector<1x16xf32>
      tpu.vector_store %arg15[%swap3A_970, %swap3A_971], %swap3A_974 {strides = array<i32>} : memref<128x256xf32, #tpu.memory_space<vmem>>, vector<1x16xf32>,
      %get3A_975 = arith.index_cast %add3A_832 : i32 to index
      %get3A_976 = arith.constant 32 : index
      %get3A_977 = tpu.vector_load %arg14[%get3A_975, %get3A_976] {strides = array<i32>} : memref<128x64xf32, #tpu.memory_space<vmem>>, vector<1x16xf32>,
      %get3A_978 = vector.shape_cast %get3A_977 : vector<1x16xf32> to vector<16xf32>
      %swap3A_979 = arith.index_cast %add3A_832 : i32 to index
      %swap3A_980 = arith.constant 211 : index
      %swap3A_981 = tpu.vector_load %arg15[%swap3A_979, %swap3A_980] {strides = array<i32>} : memref<128x256xf32, #tpu.memory_space<vmem>>, vector<1x16xf32>,
      %swap3A_982 = vector.shape_cast %swap3A_981 : vector<1x16xf32> to vector<16xf32>
      %swap3A_983 = vector.shape_cast %get3A_978 : vector<16xf32> to vector<1x16xf32>
      tpu.vector_store %arg15[%swap3A_979, %swap3A_980], %swap3A_983 {strides = array<i32>} : memref<128x256xf32, #tpu.memory_space<vmem>>, vector<1x16xf32>,
      %get3A_984 = arith.index_cast %add3A_832 : i32 to index
      %get3A_985 = arith.constant 48 : index
      %get3A_986 = tpu.vector_load %arg14[%get3A_984, %get3A_985] {strides = array<i32>} : memref<128x64xf32, #tpu.memory_space<vmem>>, vector<1x16xf32>,
      %get3A_987 = vector.shape_cast %get3A_986 : vector<1x16xf32> to vector<16xf32>
      %swap3A_988 = arith.index_cast %add3A_832 : i32 to index
      %swap3A_989 = arith.constant 227 : index
      %swap3A_990 = tpu.vector_load %arg15[%swap3A_988, %swap3A_989] {strides = array<i32>} : memref<128x256xf32, #tpu.memory_space<vmem>>, vector<1x16xf32>,
      %swap3A_991 = vector.shape_cast %swap3A_990 : vector<1x16xf32> to vector<16xf32>
      %swap3A_992 = vector.shape_cast %get3A_987 : vector<16xf32> to vector<1x16xf32>
      tpu.vector_store %arg15[%swap3A_988, %swap3A_989], %swap3A_992 {strides = array<i32>} : memref<128x256xf32, #tpu.memory_space<vmem>>, vector<1x16xf32>,
      %add3A_993 = arith.constant 6 : i32
      %add3A_994 = arith.addi %mul3A_23, %add3A_993 : i32
      %get3A_995 = arith.index_cast %add3A_994 : i32 to index
      %get3A_996 = arith.constant 0 : index
      %get3A_997 = tpu.vector_load %arg12[%get3A_995, %get3A_996] {strides = array<i32>} : memref<128x64xf32, #tpu.memory_space<vmem>>, vector<1x16xf32>,
      %get3A_998 = vector.shape_cast %get3A_997 : vector<1x16xf32> to vector<16xf32>
      %swap3A_999 = arith.index_cast %add3A_994 : i32 to index
      %swap3A_1000 = arith.constant 0 : index
      %swap3A_1001 = tpu.vector_load %arg15[%swap3A_999, %swap3A_1000] {strides = array<i32>} : memref<128x256xf32, #tpu.memory_space<vmem>>, vector<1x16xf32>,
      %swap3A_1002 = vector.shape_cast %swap3A_1001 : vector<1x16xf32> to vector<16xf32>
      %swap3A_1003 = vector.shape_cast %get3A_998 : vector<16xf32> to vector<1x16xf32>
      tpu.vector_store %arg15[%swap3A_999, %swap3A_1000], %swap3A_1003 {strides = array<i32>} : memref<128x256xf32, #tpu.memory_space<vmem>>, vector<1x16xf32>,
      %get3A_1004 = arith.index_cast %add3A_994 : i32 to index
      %get3A_1005 = arith.constant 16 : index
      %get3A_1006 = tpu.vector_load %arg12[%get3A_1004, %get3A_1005] {strides = array<i32>} : memref<128x64xf32, #tpu.memory_space<vmem>>, vector<1x16xf32>,
      %get3A_1007 = vector.shape_cast %get3A_1006 : vector<1x16xf32> to vector<16xf32>
      %swap3A_1008 = arith.index_cast %add3A_994 : i32 to index
      %swap3A_1009 = arith.constant 16 : index
      %swap3A_1010 = tpu.vector_load %arg15[%swap3A_1008, %swap3A_1009] {strides = array<i32>} : memref<128x256xf32, #tpu.memory_space<vmem>>, vector<1x16xf32>,
      %swap3A_1011 = vector.shape_cast %swap3A_1010 : vector<1x16xf32> to vector<16xf32>
      %swap3A_1012 = vector.shape_cast %get3A_1007 : vector<16xf32> to vector<1x16xf32>
      tpu.vector_store %arg15[%swap3A_1008, %swap3A_1009], %swap3A_1012 {strides = array<i32>} : memref<128x256xf32, #tpu.memory_space<vmem>>, vector<1x16xf32>,
      %get3A_1013 = arith.index_cast %add3A_994 : i32 to index
      %get3A_1014 = arith.constant 32 : index
      %get3A_1015 = tpu.vector_load %arg12[%get3A_1013, %get3A_1014] {strides = array<i32>} : memref<128x64xf32, #tpu.memory_space<vmem>>, vector<1x16xf32>,
      %get3A_1016 = vector.shape_cast %get3A_1015 : vector<1x16xf32> to vector<16xf32>
      %swap3A_1017 = arith.index_cast %add3A_994 : i32 to index
      %swap3A_1018 = arith.constant 32 : index
      %swap3A_1019 = tpu.vector_load %arg15[%swap3A_1017, %swap3A_1018] {strides = array<i32>} : memref<128x256xf32, #tpu.memory_space<vmem>>, vector<1x16xf32>,
      %swap3A_1020 = vector.shape_cast %swap3A_1019 : vector<1x16xf32> to vector<16xf32>
      %swap3A_1021 = vector.shape_cast %get3A_1016 : vector<16xf32> to vector<1x16xf32>
      tpu.vector_store %arg15[%swap3A_1017, %swap3A_1018], %swap3A_1021 {strides = array<i32>} : memref<128x256xf32, #tpu.memory_space<vmem>>, vector<1x16xf32>,
      %get3A_1022 = arith.index_cast %add3A_994 : i32 to index
      %get3A_1023 = arith.constant 48 : index
      %get3A_1024 = tpu.vector_load %arg12[%get3A_1022, %get3A_1023] {strides = array<i32>} : memref<128x64xf32, #tpu.memory_space<vmem>>, vector<1x16xf32>,
      %get3A_1025 = vector.shape_cast %get3A_1024 : vector<1x16xf32> to vector<16xf32>
      %swap3A_1026 = arith.index_cast %add3A_994 : i32 to index
      %swap3A_1027 = arith.constant 48 : index
      %swap3A_1028 = tpu.vector_load %arg15[%swap3A_1026, %swap3A_1027] {strides = array<i32>} : memref<128x256xf32, #tpu.memory_space<vmem>>, vector<1x16xf32>,
      %swap3A_1029 = vector.shape_cast %swap3A_1028 : vector<1x16xf32> to vector<16xf32>
      %swap3A_1030 = vector.shape_cast %get3A_1025 : vector<16xf32> to vector<1x16xf32>
      tpu.vector_store %arg15[%swap3A_1026, %swap3A_1027], %swap3A_1030 {strides = array<i32>} : memref<128x256xf32, #tpu.memory_space<vmem>>, vector<1x16xf32>,
      %get3A_1031 = arith.index_cast %add3A_994 : i32 to index
      %get3A_1032 = arith.constant 0 : index
      %get3A_1033 = tpu.vector_load %arg13[%get3A_1031, %get3A_1032] {strides = array<i32>} : memref<128x64xf32, #tpu.memory_space<vmem>>, vector<1x16xf32>,
      %get3A_1034 = vector.shape_cast %get3A_1033 : vector<1x16xf32> to vector<16xf32>
      %swap3A_1035 = arith.index_cast %add3A_994 : i32 to index
      %swap3A_1036 = arith.constant 64 : index
      %swap3A_1037 = tpu.vector_load %arg15[%swap3A_1035, %swap3A_1036] {strides = array<i32>} : memref<128x256xf32, #tpu.memory_space<vmem>>, vector<1x16xf32>,
      %swap3A_1038 = vector.shape_cast %swap3A_1037 : vector<1x16xf32> to vector<16xf32>
      %swap3A_1039 = vector.shape_cast %get3A_1034 : vector<16xf32> to vector<1x16xf32>
      tpu.vector_store %arg15[%swap3A_1035, %swap3A_1036], %swap3A_1039 {strides = array<i32>} : memref<128x256xf32, #tpu.memory_space<vmem>>, vector<1x16xf32>,
      %get3A_1040 = arith.index_cast %add3A_994 : i32 to index
      %get3A_1041 = arith.constant 16 : index
      %get3A_1042 = tpu.vector_load %arg13[%get3A_1040, %get3A_1041] {strides = array<i32>} : memref<128x64xf32, #tpu.memory_space<vmem>>, vector<1x16xf32>,
      %get3A_1043 = vector.shape_cast %get3A_1042 : vector<1x16xf32> to vector<16xf32>
      %swap3A_1044 = arith.index_cast %add3A_994 : i32 to index
      %swap3A_1045 = arith.constant 80 : index
      %swap3A_1046 = tpu.vector_load %arg15[%swap3A_1044, %swap3A_1045] {strides = array<i32>} : memref<128x256xf32, #tpu.memory_space<vmem>>, vector<1x16xf32>,
      %swap3A_1047 = vector.shape_cast %swap3A_1046 : vector<1x16xf32> to vector<16xf32>
      %swap3A_1048 = vector.shape_cast %get3A_1043 : vector<16xf32> to vector<1x16xf32>
      tpu.vector_store %arg15[%swap3A_1044, %swap3A_1045], %swap3A_1048 {strides = array<i32>} : memref<128x256xf32, #tpu.memory_space<vmem>>, vector<1x16xf32>,
      %get3A_1049 = arith.index_cast %add3A_994 : i32 to index
      %get3A_1050 = arith.constant 32 : index
      %get3A_1051 = tpu.vector_load %arg13[%get3A_1049, %get3A_1050] {strides = array<i32>} : memref<128x64xf32, #tpu.memory_space<vmem>>, vector<1x16xf32>,
      %get3A_1052 = vector.shape_cast %get3A_1051 : vector<1x16xf32> to vector<16xf32>
      %swap3A_1053 = arith.index_cast %add3A_994 : i32 to index
      %swap3A_1054 = arith.constant 96 : index
      %swap3A_1055 = tpu.vector_load %arg15[%swap3A_1053, %swap3A_1054] {strides = array<i32>} : memref<128x256xf32, #tpu.memory_space<vmem>>, vector<1x16xf32>,
      %swap3A_1056 = vector.shape_cast %swap3A_1055 : vector<1x16xf32> to vector<16xf32>
      %swap3A_1057 = vector.shape_cast %get3A_1052 : vector<16xf32> to vector<1x16xf32>
      tpu.vector_store %arg15[%swap3A_1053, %swap3A_1054], %swap3A_1057 {strides = array<i32>} : memref<128x256xf32, #tpu.memory_space<vmem>>, vector<1x16xf32>,
      %get3A_1058 = arith.index_cast %add3A_994 : i32 to index
      %get3A_1059 = arith.constant 48 : index
      %get3A_1060 = tpu.vector_load %arg13[%get3A_1058, %get3A_1059] {strides = array<i32>} : memref<128x64xf32, #tpu.memory_space<vmem>>, vector<1x16xf32>,
      %get3A_1061 = vector.shape_cast %get3A_1060 : vector<1x16xf32> to vector<16xf32>
      %swap3A_1062 = arith.index_cast %add3A_994 : i32 to index
      %swap3A_1063 = arith.constant 112 : index
      %swap3A_1064 = tpu.vector_load %arg15[%swap3A_1062, %swap3A_1063] {strides = array<i32>} : memref<128x256xf32, #tpu.memory_space<vmem>>, vector<1x16xf32>,
      %swap3A_1065 = vector.shape_cast %swap3A_1064 : vector<1x16xf32> to vector<16xf32>
      %swap3A_1066 = vector.shape_cast %get3A_1061 : vector<16xf32> to vector<1x16xf32>
      tpu.vector_store %arg15[%swap3A_1062, %swap3A_1063], %swap3A_1066 {strides = array<i32>} : memref<128x256xf32, #tpu.memory_space<vmem>>, vector<1x16xf32>,
      %add3A_1067 = arith.constant 0 : i32
      %add3A_1068 = vector.broadcast %add3A_1067 : i32 to vector<16xi32>
      %add3A_1069 = arith.addi %iota3A, %add3A_1068 : vector<16xi32>
      %slice3A_1070 = vector.extract_strided_slice %get3A_25 {offsets = [6], sizes = [1], strides = [1]} : vector<16xi32> to vector<1xi32>
      %squeeze3A_1071 = vector.extract %slice3A_1070[0] : i32 from vector<1xi32>
      %eq3A_1072 = vector.broadcast %squeeze3A_1071 : i32 to vector<16xi32>
      %eq3A_1073 = arith.cmpi eq, %add3A_1069, %eq3A_1072 : vector<16xi32>
      %select_n3A_1074 = arith.select %eq3A_1073, %broadcast_in_dim3A_13, %broadcast_in_dim3A_15 : vector<16xi1>, vector<16xf32>
      %swap3A_1075 = arith.index_cast %add3A_994 : i32 to index
      %swap3A_1076 = arith.constant 128 : index
      %swap3A_1077 = tpu.vector_load %arg15[%swap3A_1075, %swap3A_1076] {strides = array<i32>} : memref<128x256xf32, #tpu.memory_space<vmem>>, vector<1x16xf32>,
      %swap3A_1078 = vector.shape_cast %swap3A_1077 : vector<1x16xf32> to vector<16xf32>
      %swap3A_1079 = vector.shape_cast %select_n3A_1074 : vector<16xf32> to vector<1x16xf32>
      tpu.vector_store %arg15[%swap3A_1075, %swap3A_1076], %swap3A_1079 {strides = array<i32>} : memref<128x256xf32, #tpu.memory_space<vmem>>, vector<1x16xf32>,
      %add3A_1080 = arith.constant 16 : i32
      %add3A_1081 = vector.broadcast %add3A_1080 : i32 to vector<16xi32>
      %add3A_1082 = arith.addi %iota3A, %add3A_1081 : vector<16xi32>
      %slice3A_1083 = vector.extract_strided_slice %get3A_25 {offsets = [6], sizes = [1], strides = [1]} : vector<16xi32> to vector<1xi32>
      %squeeze3A_1084 = vector.extract %slice3A_1083[0] : i32 from vector<1xi32>
      %eq3A_1085 = vector.broadcast %squeeze3A_1084 : i32 to vector<16xi32>
      %eq3A_1086 = arith.cmpi eq, %add3A_1082, %eq3A_1085 : vector<16xi32>
      %select_n3A_1087 = arith.select %eq3A_1086, %broadcast_in_dim3A_13, %broadcast_in_dim3A_15 : vector<16xi1>, vector<16xf32>
      %swap3A_1088 = arith.index_cast %add3A_994 : i32 to index
      %swap3A_1089 = arith.constant 144 : index
      %swap3A_1090 = tpu.vector_load %arg15[%swap3A_1088, %swap3A_1089] {strides = array<i32>} : memref<128x256xf32, #tpu.memory_space<vmem>>, vector<1x16xf32>,
      %swap3A_1091 = vector.shape_cast %swap3A_1090 : vector<1x16xf32> to vector<16xf32>
      %swap3A_1092 = vector.shape_cast %select_n3A_1087 : vector<16xf32> to vector<1x16xf32>
      tpu.vector_store %arg15[%swap3A_1088, %swap3A_1089], %swap3A_1092 {strides = array<i32>} : memref<128x256xf32, #tpu.memory_space<vmem>>, vector<1x16xf32>,
      %add3A_1093 = arith.constant 32 : i32
      %add3A_1094 = vector.broadcast %add3A_1093 : i32 to vector<16xi32>
      %add3A_1095 = arith.addi %iota3A, %add3A_1094 : vector<16xi32>
      %slice3A_1096 = vector.extract_strided_slice %get3A_25 {offsets = [6], sizes = [1], strides = [1]} : vector<16xi32> to vector<1xi32>
      %squeeze3A_1097 = vector.extract %slice3A_1096[0] : i32 from vector<1xi32>
      %eq3A_1098 = vector.broadcast %squeeze3A_1097 : i32 to vector<16xi32>
      %eq3A_1099 = arith.cmpi eq, %add3A_1095, %eq3A_1098 : vector<16xi32>
      %select_n3A_1100 = arith.select %eq3A_1099, %broadcast_in_dim3A_13, %broadcast_in_dim3A_15 : vector<16xi1>, vector<16xf32>
      %swap3A_1101 = arith.index_cast %add3A_994 : i32 to index
      %swap3A_1102 = arith.constant 160 : index
      %swap3A_1103 = tpu.vector_load %arg15[%swap3A_1101, %swap3A_1102] {strides = array<i32>} : memref<128x256xf32, #tpu.memory_space<vmem>>, vector<1x16xf32>,
      %swap3A_1104 = vector.shape_cast %swap3A_1103 : vector<1x16xf32> to vector<16xf32>
      %swap3A_1105 = vector.shape_cast %select_n3A_1100 : vector<16xf32> to vector<1x16xf32>
      tpu.vector_store %arg15[%swap3A_1101, %swap3A_1102], %swap3A_1105 {strides = array<i32>} : memref<128x256xf32, #tpu.memory_space<vmem>>, vector<1x16xf32>,
      %add3A_1106 = arith.constant 48 : i32
      %add3A_1107 = vector.broadcast %add3A_1106 : i32 to vector<16xi32>
      %add3A_1108 = arith.addi %iota3A, %add3A_1107 : vector<16xi32>
      %slice3A_1109 = vector.extract_strided_slice %get3A_25 {offsets = [6], sizes = [1], strides = [1]} : vector<16xi32> to vector<1xi32>
      %squeeze3A_1110 = vector.extract %slice3A_1109[0] : i32 from vector<1xi32>
      %eq3A_1111 = vector.broadcast %squeeze3A_1110 : i32 to vector<16xi32>
      %eq3A_1112 = arith.cmpi eq, %add3A_1108, %eq3A_1111 : vector<16xi32>
      %select_n3A_1113 = arith.select %eq3A_1112, %broadcast_in_dim3A_13, %broadcast_in_dim3A_15 : vector<16xi1>, vector<16xf32>
      %swap3A_1114 = arith.index_cast %add3A_994 : i32 to index
      %swap3A_1115 = arith.constant 176 : index
      %swap3A_1116 = tpu.vector_load %arg15[%swap3A_1114, %swap3A_1115] {strides = array<i32>} : memref<128x256xf32, #tpu.memory_space<vmem>>, vector<1x16xf32>,
      %swap3A_1117 = vector.shape_cast %swap3A_1116 : vector<1x16xf32> to vector<16xf32>
      %swap3A_1118 = vector.shape_cast %select_n3A_1113 : vector<16xf32> to vector<1x16xf32>
      tpu.vector_store %arg15[%swap3A_1114, %swap3A_1115], %swap3A_1118 {strides = array<i32>} : memref<128x256xf32, #tpu.memory_space<vmem>>, vector<1x16xf32>,
      %get3A_1119 = arith.index_cast %add3A_994 : i32 to index
      %get3A_1120 = arith.constant 0 : index
      %get3A_1121 = tpu.vector_load %arg14[%get3A_1119, %get3A_1120] {strides = array<i32>} : memref<128x64xf32, #tpu.memory_space<vmem>>, vector<1x16xf32>,
      %get3A_1122 = vector.shape_cast %get3A_1121 : vector<1x16xf32> to vector<16xf32>
      %swap3A_1123 = arith.index_cast %add3A_994 : i32 to index
      %swap3A_1124 = arith.constant 179 : index
      %swap3A_1125 = tpu.vector_load %arg15[%swap3A_1123, %swap3A_1124] {strides = array<i32>} : memref<128x256xf32, #tpu.memory_space<vmem>>, vector<1x16xf32>,
      %swap3A_1126 = vector.shape_cast %swap3A_1125 : vector<1x16xf32> to vector<16xf32>
      %swap3A_1127 = vector.shape_cast %get3A_1122 : vector<16xf32> to vector<1x16xf32>
      tpu.vector_store %arg15[%swap3A_1123, %swap3A_1124], %swap3A_1127 {strides = array<i32>} : memref<128x256xf32, #tpu.memory_space<vmem>>, vector<1x16xf32>,
      %get3A_1128 = arith.index_cast %add3A_994 : i32 to index
      %get3A_1129 = arith.constant 16 : index
      %get3A_1130 = tpu.vector_load %arg14[%get3A_1128, %get3A_1129] {strides = array<i32>} : memref<128x64xf32, #tpu.memory_space<vmem>>, vector<1x16xf32>,
      %get3A_1131 = vector.shape_cast %get3A_1130 : vector<1x16xf32> to vector<16xf32>
      %swap3A_1132 = arith.index_cast %add3A_994 : i32 to index
      %swap3A_1133 = arith.constant 195 : index
      %swap3A_1134 = tpu.vector_load %arg15[%swap3A_1132, %swap3A_1133] {strides = array<i32>} : memref<128x256xf32, #tpu.memory_space<vmem>>, vector<1x16xf32>,
      %swap3A_1135 = vector.shape_cast %swap3A_1134 : vector<1x16xf32> to vector<16xf32>
      %swap3A_1136 = vector.shape_cast %get3A_1131 : vector<16xf32> to vector<1x16xf32>
      tpu.vector_store %arg15[%swap3A_1132, %swap3A_1133], %swap3A_1136 {strides = array<i32>} : memref<128x256xf32, #tpu.memory_space<vmem>>, vector<1x16xf32>,
      %get3A_1137 = arith.index_cast %add3A_994 : i32 to index
      %get3A_1138 = arith.constant 32 : index
      %get3A_1139 = tpu.vector_load %arg14[%get3A_1137, %get3A_1138] {strides = array<i32>} : memref<128x64xf32, #tpu.memory_space<vmem>>, vector<1x16xf32>,
      %get3A_1140 = vector.shape_cast %get3A_1139 : vector<1x16xf32> to vector<16xf32>
      %swap3A_1141 = arith.index_cast %add3A_994 : i32 to index
      %swap3A_1142 = arith.constant 211 : index
      %swap3A_1143 = tpu.vector_load %arg15[%swap3A_1141, %swap3A_1142] {strides = array<i32>} : memref<128x256xf32, #tpu.memory_space<vmem>>, vector<1x16xf32>,
      %swap3A_1144 = vector.shape_cast %swap3A_1143 : vector<1x16xf32> to vector<16xf32>
      %swap3A_1145 = vector.shape_cast %get3A_1140 : vector<16xf32> to vector<1x16xf32>
      tpu.vector_store %arg15[%swap3A_1141, %swap3A_1142], %swap3A_1145 {strides = array<i32>} : memref<128x256xf32, #tpu.memory_space<vmem>>, vector<1x16xf32>,
      %get3A_1146 = arith.index_cast %add3A_994 : i32 to index
      %get3A_1147 = arith.constant 48 : index
      %get3A_1148 = tpu.vector_load %arg14[%get3A_1146, %get3A_1147] {strides = array<i32>} : memref<128x64xf32, #tpu.memory_space<vmem>>, vector<1x16xf32>,
      %get3A_1149 = vector.shape_cast %get3A_1148 : vector<1x16xf32> to vector<16xf32>
      %swap3A_1150 = arith.index_cast %add3A_994 : i32 to index
      %swap3A_1151 = arith.constant 227 : index
      %swap3A_1152 = tpu.vector_load %arg15[%swap3A_1150, %swap3A_1151] {strides = array<i32>} : memref<128x256xf32, #tpu.memory_space<vmem>>, vector<1x16xf32>,
      %swap3A_1153 = vector.shape_cast %swap3A_1152 : vector<1x16xf32> to vector<16xf32>
      %swap3A_1154 = vector.shape_cast %get3A_1149 : vector<16xf32> to vector<1x16xf32>
      tpu.vector_store %arg15[%swap3A_1150, %swap3A_1151], %swap3A_1154 {strides = array<i32>} : memref<128x256xf32, #tpu.memory_space<vmem>>, vector<1x16xf32>,
      %add3A_1155 = arith.constant 7 : i32
      %add3A_1156 = arith.addi %mul3A_23, %add3A_1155 : i32
      %get3A_1157 = arith.index_cast %add3A_1156 : i32 to index
      %get3A_1158 = arith.constant 0 : index
      %get3A_1159 = tpu.vector_load %arg12[%get3A_1157, %get3A_1158] {strides = array<i32>} : memref<128x64xf32, #tpu.memory_space<vmem>>, vector<1x16xf32>,
      %get3A_1160 = vector.shape_cast %get3A_1159 : vector<1x16xf32> to vector<16xf32>
      %swap3A_1161 = arith.index_cast %add3A_1156 : i32 to index
      %swap3A_1162 = arith.constant 0 : index
      %swap3A_1163 = tpu.vector_load %arg15[%swap3A_1161, %swap3A_1162] {strides = array<i32>} : memref<128x256xf32, #tpu.memory_space<vmem>>, vector<1x16xf32>,
      %swap3A_1164 = vector.shape_cast %swap3A_1163 : vector<1x16xf32> to vector<16xf32>
      %swap3A_1165 = vector.shape_cast %get3A_1160 : vector<16xf32> to vector<1x16xf32>
      tpu.vector_store %arg15[%swap3A_1161, %swap3A_1162], %swap3A_1165 {strides = array<i32>} : memref<128x256xf32, #tpu.memory_space<vmem>>, vector<1x16xf32>,
      %get3A_1166 = arith.index_cast %add3A_1156 : i32 to index
      %get3A_1167 = arith.constant 16 : index
      %get3A_1168 = tpu.vector_load %arg12[%get3A_1166, %get3A_1167] {strides = array<i32>} : memref<128x64xf32, #tpu.memory_space<vmem>>, vector<1x16xf32>,
      %get3A_1169 = vector.shape_cast %get3A_1168 : vector<1x16xf32> to vector<16xf32>
      %swap3A_1170 = arith.index_cast %add3A_1156 : i32 to index
      %swap3A_1171 = arith.constant 16 : index
      %swap3A_1172 = tpu.vector_load %arg15[%swap3A_1170, %swap3A_1171] {strides = array<i32>} : memref<128x256xf32, #tpu.memory_space<vmem>>, vector<1x16xf32>,
      %swap3A_1173 = vector.shape_cast %swap3A_1172 : vector<1x16xf32> to vector<16xf32>
      %swap3A_1174 = vector.shape_cast %get3A_1169 : vector<16xf32> to vector<1x16xf32>
      tpu.vector_store %arg15[%swap3A_1170, %swap3A_1171], %swap3A_1174 {strides = array<i32>} : memref<128x256xf32, #tpu.memory_space<vmem>>, vector<1x16xf32>,
      %get3A_1175 = arith.index_cast %add3A_1156 : i32 to index
      %get3A_1176 = arith.constant 32 : index
      %get3A_1177 = tpu.vector_load %arg12[%get3A_1175, %get3A_1176] {strides = array<i32>} : memref<128x64xf32, #tpu.memory_space<vmem>>, vector<1x16xf32>,
      %get3A_1178 = vector.shape_cast %get3A_1177 : vector<1x16xf32> to vector<16xf32>
      %swap3A_1179 = arith.index_cast %add3A_1156 : i32 to index
      %swap3A_1180 = arith.constant 32 : index
      %swap3A_1181 = tpu.vector_load %arg15[%swap3A_1179, %swap3A_1180] {strides = array<i32>} : memref<128x256xf32, #tpu.memory_space<vmem>>, vector<1x16xf32>,
      %swap3A_1182 = vector.shape_cast %swap3A_1181 : vector<1x16xf32> to vector<16xf32>
      %swap3A_1183 = vector.shape_cast %get3A_1178 : vector<16xf32> to vector<1x16xf32>
      tpu.vector_store %arg15[%swap3A_1179, %swap3A_1180], %swap3A_1183 {strides = array<i32>} : memref<128x256xf32, #tpu.memory_space<vmem>>, vector<1x16xf32>,
      %get3A_1184 = arith.index_cast %add3A_1156 : i32 to index
      %get3A_1185 = arith.constant 48 : index
      %get3A_1186 = tpu.vector_load %arg12[%get3A_1184, %get3A_1185] {strides = array<i32>} : memref<128x64xf32, #tpu.memory_space<vmem>>, vector<1x16xf32>,
      %get3A_1187 = vector.shape_cast %get3A_1186 : vector<1x16xf32> to vector<16xf32>
      %swap3A_1188 = arith.index_cast %add3A_1156 : i32 to index
      %swap3A_1189 = arith.constant 48 : index
      %swap3A_1190 = tpu.vector_load %arg15[%swap3A_1188, %swap3A_1189] {strides = array<i32>} : memref<128x256xf32, #tpu.memory_space<vmem>>, vector<1x16xf32>,
      %swap3A_1191 = vector.shape_cast %swap3A_1190 : vector<1x16xf32> to vector<16xf32>
      %swap3A_1192 = vector.shape_cast %get3A_1187 : vector<16xf32> to vector<1x16xf32>
      tpu.vector_store %arg15[%swap3A_1188, %swap3A_1189], %swap3A_1192 {strides = array<i32>} : memref<128x256xf32, #tpu.memory_space<vmem>>, vector<1x16xf32>,
      %get3A_1193 = arith.index_cast %add3A_1156 : i32 to index
      %get3A_1194 = arith.constant 0 : index
      %get3A_1195 = tpu.vector_load %arg13[%get3A_1193, %get3A_1194] {strides = array<i32>} : memref<128x64xf32, #tpu.memory_space<vmem>>, vector<1x16xf32>,
      %get3A_1196 = vector.shape_cast %get3A_1195 : vector<1x16xf32> to vector<16xf32>
      %swap3A_1197 = arith.index_cast %add3A_1156 : i32 to index
      %swap3A_1198 = arith.constant 64 : index
      %swap3A_1199 = tpu.vector_load %arg15[%swap3A_1197, %swap3A_1198] {strides = array<i32>} : memref<128x256xf32, #tpu.memory_space<vmem>>, vector<1x16xf32>,
      %swap3A_1200 = vector.shape_cast %swap3A_1199 : vector<1x16xf32> to vector<16xf32>
      %swap3A_1201 = vector.shape_cast %get3A_1196 : vector<16xf32> to vector<1x16xf32>
      tpu.vector_store %arg15[%swap3A_1197, %swap3A_1198], %swap3A_1201 {strides = array<i32>} : memref<128x256xf32, #tpu.memory_space<vmem>>, vector<1x16xf32>,
      %get3A_1202 = arith.index_cast %add3A_1156 : i32 to index
      %get3A_1203 = arith.constant 16 : index
      %get3A_1204 = tpu.vector_load %arg13[%get3A_1202, %get3A_1203] {strides = array<i32>} : memref<128x64xf32, #tpu.memory_space<vmem>>, vector<1x16xf32>,
      %get3A_1205 = vector.shape_cast %get3A_1204 : vector<1x16xf32> to vector<16xf32>
      %swap3A_1206 = arith.index_cast %add3A_1156 : i32 to index
      %swap3A_1207 = arith.constant 80 : index
      %swap3A_1208 = tpu.vector_load %arg15[%swap3A_1206, %swap3A_1207] {strides = array<i32>} : memref<128x256xf32, #tpu.memory_space<vmem>>, vector<1x16xf32>,
      %swap3A_1209 = vector.shape_cast %swap3A_1208 : vector<1x16xf32> to vector<16xf32>
      %swap3A_1210 = vector.shape_cast %get3A_1205 : vector<16xf32> to vector<1x16xf32>
      tpu.vector_store %arg15[%swap3A_1206, %swap3A_1207], %swap3A_1210 {strides = array<i32>} : memref<128x256xf32, #tpu.memory_space<vmem>>, vector<1x16xf32>,
      %get3A_1211 = arith.index_cast %add3A_1156 : i32 to index
      %get3A_1212 = arith.constant 32 : index
      %get3A_1213 = tpu.vector_load %arg13[%get3A_1211, %get3A_1212] {strides = array<i32>} : memref<128x64xf32, #tpu.memory_space<vmem>>, vector<1x16xf32>,
      %get3A_1214 = vector.shape_cast %get3A_1213 : vector<1x16xf32> to vector<16xf32>
      %swap3A_1215 = arith.index_cast %add3A_1156 : i32 to index
      %swap3A_1216 = arith.constant 96 : index
      %swap3A_1217 = tpu.vector_load %arg15[%swap3A_1215, %swap3A_1216] {strides = array<i32>} : memref<128x256xf32, #tpu.memory_space<vmem>>, vector<1x16xf32>,
      %swap3A_1218 = vector.shape_cast %swap3A_1217 : vector<1x16xf32> to vector<16xf32>
      %swap3A_1219 = vector.shape_cast %get3A_1214 : vector<16xf32> to vector<1x16xf32>
      tpu.vector_store %arg15[%swap3A_1215, %swap3A_1216], %swap3A_1219 {strides = array<i32>} : memref<128x256xf32, #tpu.memory_space<vmem>>, vector<1x16xf32>,
      %get3A_1220 = arith.index_cast %add3A_1156 : i32 to index
      %get3A_1221 = arith.constant 48 : index
      %get3A_1222 = tpu.vector_load %arg13[%get3A_1220, %get3A_1221] {strides = array<i32>} : memref<128x64xf32, #tpu.memory_space<vmem>>, vector<1x16xf32>,
      %get3A_1223 = vector.shape_cast %get3A_1222 : vector<1x16xf32> to vector<16xf32>
      %swap3A_1224 = arith.index_cast %add3A_1156 : i32 to index
      %swap3A_1225 = arith.constant 112 : index
      %swap3A_1226 = tpu.vector_load %arg15[%swap3A_1224, %swap3A_1225] {strides = array<i32>} : memref<128x256xf32, #tpu.memory_space<vmem>>, vector<1x16xf32>,
      %swap3A_1227 = vector.shape_cast %swap3A_1226 : vector<1x16xf32> to vector<16xf32>
      %swap3A_1228 = vector.shape_cast %get3A_1223 : vector<16xf32> to vector<1x16xf32>
      tpu.vector_store %arg15[%swap3A_1224, %swap3A_1225], %swap3A_1228 {strides = array<i32>} : memref<128x256xf32, #tpu.memory_space<vmem>>, vector<1x16xf32>,
      %add3A_1229 = arith.constant 0 : i32
      %add3A_1230 = vector.broadcast %add3A_1229 : i32 to vector<16xi32>
      %add3A_1231 = arith.addi %iota3A, %add3A_1230 : vector<16xi32>
      %slice3A_1232 = vector.extract_strided_slice %get3A_25 {offsets = [7], sizes = [1], strides = [1]} : vector<16xi32> to vector<1xi32>
      %squeeze3A_1233 = vector.extract %slice3A_1232[0] : i32 from vector<1xi32>
      %eq3A_1234 = vector.broadcast %squeeze3A_1233 : i32 to vector<16xi32>
      %eq3A_1235 = arith.cmpi eq, %add3A_1231, %eq3A_1234 : vector<16xi32>
      %select_n3A_1236 = arith.select %eq3A_1235, %broadcast_in_dim3A_13, %broadcast_in_dim3A_15 : vector<16xi1>, vector<16xf32>
      %swap3A_1237 = arith.index_cast %add3A_1156 : i32 to index
      %swap3A_1238 = arith.constant 128 : index
      %swap3A_1239 = tpu.vector_load %arg15[%swap3A_1237, %swap3A_1238] {strides = array<i32>} : memref<128x256xf32, #tpu.memory_space<vmem>>, vector<1x16xf32>,
      %swap3A_1240 = vector.shape_cast %swap3A_1239 : vector<1x16xf32> to vector<16xf32>
      %swap3A_1241 = vector.shape_cast %select_n3A_1236 : vector<16xf32> to vector<1x16xf32>
      tpu.vector_store %arg15[%swap3A_1237, %swap3A_1238], %swap3A_1241 {strides = array<i32>} : memref<128x256xf32, #tpu.memory_space<vmem>>, vector<1x16xf32>,
      %add3A_1242 = arith.constant 16 : i32
      %add3A_1243 = vector.broadcast %add3A_1242 : i32 to vector<16xi32>
      %add3A_1244 = arith.addi %iota3A, %add3A_1243 : vector<16xi32>
      %slice3A_1245 = vector.extract_strided_slice %get3A_25 {offsets = [7], sizes = [1], strides = [1]} : vector<16xi32> to vector<1xi32>
      %squeeze3A_1246 = vector.extract %slice3A_1245[0] : i32 from vector<1xi32>
      %eq3A_1247 = vector.broadcast %squeeze3A_1246 : i32 to vector<16xi32>
      %eq3A_1248 = arith.cmpi eq, %add3A_1244, %eq3A_1247 : vector<16xi32>
      %select_n3A_1249 = arith.select %eq3A_1248, %broadcast_in_dim3A_13, %broadcast_in_dim3A_15 : vector<16xi1>, vector<16xf32>
      %swap3A_1250 = arith.index_cast %add3A_1156 : i32 to index
      %swap3A_1251 = arith.constant 144 : index
      %swap3A_1252 = tpu.vector_load %arg15[%swap3A_1250, %swap3A_1251] {strides = array<i32>} : memref<128x256xf32, #tpu.memory_space<vmem>>, vector<1x16xf32>,
      %swap3A_1253 = vector.shape_cast %swap3A_1252 : vector<1x16xf32> to vector<16xf32>
      %swap3A_1254 = vector.shape_cast %select_n3A_1249 : vector<16xf32> to vector<1x16xf32>
      tpu.vector_store %arg15[%swap3A_1250, %swap3A_1251], %swap3A_1254 {strides = array<i32>} : memref<128x256xf32, #tpu.memory_space<vmem>>, vector<1x16xf32>,
      %add3A_1255 = arith.constant 32 : i32
      %add3A_1256 = vector.broadcast %add3A_1255 : i32 to vector<16xi32>
      %add3A_1257 = arith.addi %iota3A, %add3A_1256 : vector<16xi32>
      %slice3A_1258 = vector.extract_strided_slice %get3A_25 {offsets = [7], sizes = [1], strides = [1]} : vector<16xi32> to vector<1xi32>
      %squeeze3A_1259 = vector.extract %slice3A_1258[0] : i32 from vector<1xi32>
      %eq3A_1260 = vector.broadcast %squeeze3A_1259 : i32 to vector<16xi32>
      %eq3A_1261 = arith.cmpi eq, %add3A_1257, %eq3A_1260 : vector<16xi32>
      %select_n3A_1262 = arith.select %eq3A_1261, %broadcast_in_dim3A_13, %broadcast_in_dim3A_15 : vector<16xi1>, vector<16xf32>
      %swap3A_1263 = arith.index_cast %add3A_1156 : i32 to index
      %swap3A_1264 = arith.constant 160 : index
      %swap3A_1265 = tpu.vector_load %arg15[%swap3A_1263, %swap3A_1264] {strides = array<i32>} : memref<128x256xf32, #tpu.memory_space<vmem>>, vector<1x16xf32>,
      %swap3A_1266 = vector.shape_cast %swap3A_1265 : vector<1x16xf32> to vector<16xf32>
      %swap3A_1267 = vector.shape_cast %select_n3A_1262 : vector<16xf32> to vector<1x16xf32>
      tpu.vector_store %arg15[%swap3A_1263, %swap3A_1264], %swap3A_1267 {strides = array<i32>} : memref<128x256xf32, #tpu.memory_space<vmem>>, vector<1x16xf32>,
      %add3A_1268 = arith.constant 48 : i32
      %add3A_1269 = vector.broadcast %add3A_1268 : i32 to vector<16xi32>
      %add3A_1270 = arith.addi %iota3A, %add3A_1269 : vector<16xi32>
      %slice3A_1271 = vector.extract_strided_slice %get3A_25 {offsets = [7], sizes = [1], strides = [1]} : vector<16xi32> to vector<1xi32>
      %squeeze3A_1272 = vector.extract %slice3A_1271[0] : i32 from vector<1xi32>
      %eq3A_1273 = vector.broadcast %squeeze3A_1272 : i32 to vector<16xi32>
      %eq3A_1274 = arith.cmpi eq, %add3A_1270, %eq3A_1273 : vector<16xi32>
      %select_n3A_1275 = arith.select %eq3A_1274, %broadcast_in_dim3A_13, %broadcast_in_dim3A_15 : vector<16xi1>, vector<16xf32>
      %swap3A_1276 = arith.index_cast %add3A_1156 : i32 to index
      %swap3A_1277 = arith.constant 176 : index
      %swap3A_1278 = tpu.vector_load %arg15[%swap3A_1276, %swap3A_1277] {strides = array<i32>} : memref<128x256xf32, #tpu.memory_space<vmem>>, vector<1x16xf32>,
      %swap3A_1279 = vector.shape_cast %swap3A_1278 : vector<1x16xf32> to vector<16xf32>
      %swap3A_1280 = vector.shape_cast %select_n3A_1275 : vector<16xf32> to vector<1x16xf32>
      tpu.vector_store %arg15[%swap3A_1276, %swap3A_1277], %swap3A_1280 {strides = array<i32>} : memref<128x256xf32, #tpu.memory_space<vmem>>, vector<1x16xf32>,
      %get3A_1281 = arith.index_cast %add3A_1156 : i32 to index
      %get3A_1282 = arith.constant 0 : index
      %get3A_1283 = tpu.vector_load %arg14[%get3A_1281, %get3A_1282] {strides = array<i32>} : memref<128x64xf32, #tpu.memory_space<vmem>>, vector<1x16xf32>,
      %get3A_1284 = vector.shape_cast %get3A_1283 : vector<1x16xf32> to vector<16xf32>
      %swap3A_1285 = arith.index_cast %add3A_1156 : i32 to index
      %swap3A_1286 = arith.constant 179 : index
      %swap3A_1287 = tpu.vector_load %arg15[%swap3A_1285, %swap3A_1286] {strides = array<i32>} : memref<128x256xf32, #tpu.memory_space<vmem>>, vector<1x16xf32>,
      %swap3A_1288 = vector.shape_cast %swap3A_1287 : vector<1x16xf32> to vector<16xf32>
      %swap3A_1289 = vector.shape_cast %get3A_1284 : vector<16xf32> to vector<1x16xf32>
      tpu.vector_store %arg15[%swap3A_1285, %swap3A_1286], %swap3A_1289 {strides = array<i32>} : memref<128x256xf32, #tpu.memory_space<vmem>>, vector<1x16xf32>,
      %get3A_1290 = arith.index_cast %add3A_1156 : i32 to index
      %get3A_1291 = arith.constant 16 : index
      %get3A_1292 = tpu.vector_load %arg14[%get3A_1290, %get3A_1291] {strides = array<i32>} : memref<128x64xf32, #tpu.memory_space<vmem>>, vector<1x16xf32>,
      %get3A_1293 = vector.shape_cast %get3A_1292 : vector<1x16xf32> to vector<16xf32>
      %swap3A_1294 = arith.index_cast %add3A_1156 : i32 to index
      %swap3A_1295 = arith.constant 195 : index
      %swap3A_1296 = tpu.vector_load %arg15[%swap3A_1294, %swap3A_1295] {strides = array<i32>} : memref<128x256xf32, #tpu.memory_space<vmem>>, vector<1x16xf32>,
      %swap3A_1297 = vector.shape_cast %swap3A_1296 : vector<1x16xf32> to vector<16xf32>
      %swap3A_1298 = vector.shape_cast %get3A_1293 : vector<16xf32> to vector<1x16xf32>
      tpu.vector_store %arg15[%swap3A_1294, %swap3A_1295], %swap3A_1298 {strides = array<i32>} : memref<128x256xf32, #tpu.memory_space<vmem>>, vector<1x16xf32>,
      %get3A_1299 = arith.index_cast %add3A_1156 : i32 to index
      %get3A_1300 = arith.constant 32 : index
      %get3A_1301 = tpu.vector_load %arg14[%get3A_1299, %get3A_1300] {strides = array<i32>} : memref<128x64xf32, #tpu.memory_space<vmem>>, vector<1x16xf32>,
      %get3A_1302 = vector.shape_cast %get3A_1301 : vector<1x16xf32> to vector<16xf32>
      %swap3A_1303 = arith.index_cast %add3A_1156 : i32 to index
      %swap3A_1304 = arith.constant 211 : index
      %swap3A_1305 = tpu.vector_load %arg15[%swap3A_1303, %swap3A_1304] {strides = array<i32>} : memref<128x256xf32, #tpu.memory_space<vmem>>, vector<1x16xf32>,
      %swap3A_1306 = vector.shape_cast %swap3A_1305 : vector<1x16xf32> to vector<16xf32>
      %swap3A_1307 = vector.shape_cast %get3A_1302 : vector<16xf32> to vector<1x16xf32>
      tpu.vector_store %arg15[%swap3A_1303, %swap3A_1304], %swap3A_1307 {strides = array<i32>} : memref<128x256xf32, #tpu.memory_space<vmem>>, vector<1x16xf32>,
      %get3A_1308 = arith.index_cast %add3A_1156 : i32 to index
      %get3A_1309 = arith.constant 48 : index
      %get3A_1310 = tpu.vector_load %arg14[%get3A_1308, %get3A_1309] {strides = array<i32>} : memref<128x64xf32, #tpu.memory_space<vmem>>, vector<1x16xf32>,
      %get3A_1311 = vector.shape_cast %get3A_1310 : vector<1x16xf32> to vector<16xf32>
      %swap3A_1312 = arith.index_cast %add3A_1156 : i32 to index
      %swap3A_1313 = arith.constant 227 : index
      %swap3A_1314 = tpu.vector_load %arg15[%swap3A_1312, %swap3A_1313] {strides = array<i32>} : memref<128x256xf32, #tpu.memory_space<vmem>>, vector<1x16xf32>,
      %swap3A_1315 = vector.shape_cast %swap3A_1314 : vector<1x16xf32> to vector<16xf32>
      %swap3A_1316 = vector.shape_cast %get3A_1311 : vector<16xf32> to vector<1x16xf32>
      tpu.vector_store %arg15[%swap3A_1312, %swap3A_1313], %swap3A_1316 {strides = array<i32>} : memref<128x256xf32, #tpu.memory_space<vmem>>, vector<1x16xf32>,
      %add3A_1317 = arith.constant 8 : i32
      %add3A_1318 = arith.addi %mul3A_23, %add3A_1317 : i32
      %get3A_1319 = arith.index_cast %add3A_1318 : i32 to index
      %get3A_1320 = arith.constant 0 : index
      %get3A_1321 = tpu.vector_load %arg12[%get3A_1319, %get3A_1320] {strides = array<i32>} : memref<128x64xf32, #tpu.memory_space<vmem>>, vector<1x16xf32>,
      %get3A_1322 = vector.shape_cast %get3A_1321 : vector<1x16xf32> to vector<16xf32>
      %swap3A_1323 = arith.index_cast %add3A_1318 : i32 to index
      %swap3A_1324 = arith.constant 0 : index
      %swap3A_1325 = tpu.vector_load %arg15[%swap3A_1323, %swap3A_1324] {strides = array<i32>} : memref<128x256xf32, #tpu.memory_space<vmem>>, vector<1x16xf32>,
      %swap3A_1326 = vector.shape_cast %swap3A_1325 : vector<1x16xf32> to vector<16xf32>
      %swap3A_1327 = vector.shape_cast %get3A_1322 : vector<16xf32> to vector<1x16xf32>
      tpu.vector_store %arg15[%swap3A_1323, %swap3A_1324], %swap3A_1327 {strides = array<i32>} : memref<128x256xf32, #tpu.memory_space<vmem>>, vector<1x16xf32>,
      %get3A_1328 = arith.index_cast %add3A_1318 : i32 to index
      %get3A_1329 = arith.constant 16 : index
      %get3A_1330 = tpu.vector_load %arg12[%get3A_1328, %get3A_1329] {strides = array<i32>} : memref<128x64xf32, #tpu.memory_space<vmem>>, vector<1x16xf32>,
      %get3A_1331 = vector.shape_cast %get3A_1330 : vector<1x16xf32> to vector<16xf32>
      %swap3A_1332 = arith.index_cast %add3A_1318 : i32 to index
      %swap3A_1333 = arith.constant 16 : index
      %swap3A_1334 = tpu.vector_load %arg15[%swap3A_1332, %swap3A_1333] {strides = array<i32>} : memref<128x256xf32, #tpu.memory_space<vmem>>, vector<1x16xf32>,
      %swap3A_1335 = vector.shape_cast %swap3A_1334 : vector<1x16xf32> to vector<16xf32>
      %swap3A_1336 = vector.shape_cast %get3A_1331 : vector<16xf32> to vector<1x16xf32>
      tpu.vector_store %arg15[%swap3A_1332, %swap3A_1333], %swap3A_1336 {strides = array<i32>} : memref<128x256xf32, #tpu.memory_space<vmem>>, vector<1x16xf32>,
      %get3A_1337 = arith.index_cast %add3A_1318 : i32 to index
      %get3A_1338 = arith.constant 32 : index
      %get3A_1339 = tpu.vector_load %arg12[%get3A_1337, %get3A_1338] {strides = array<i32>} : memref<128x64xf32, #tpu.memory_space<vmem>>, vector<1x16xf32>,
      %get3A_1340 = vector.shape_cast %get3A_1339 : vector<1x16xf32> to vector<16xf32>
      %swap3A_1341 = arith.index_cast %add3A_1318 : i32 to index
      %swap3A_1342 = arith.constant 32 : index
      %swap3A_1343 = tpu.vector_load %arg15[%swap3A_1341, %swap3A_1342] {strides = array<i32>} : memref<128x256xf32, #tpu.memory_space<vmem>>, vector<1x16xf32>,
      %swap3A_1344 = vector.shape_cast %swap3A_1343 : vector<1x16xf32> to vector<16xf32>
      %swap3A_1345 = vector.shape_cast %get3A_1340 : vector<16xf32> to vector<1x16xf32>
      tpu.vector_store %arg15[%swap3A_1341, %swap3A_1342], %swap3A_1345 {strides = array<i32>} : memref<128x256xf32, #tpu.memory_space<vmem>>, vector<1x16xf32>,
      %get3A_1346 = arith.index_cast %add3A_1318 : i32 to index
      %get3A_1347 = arith.constant 48 : index
      %get3A_1348 = tpu.vector_load %arg12[%get3A_1346, %get3A_1347] {strides = array<i32>} : memref<128x64xf32, #tpu.memory_space<vmem>>, vector<1x16xf32>,
      %get3A_1349 = vector.shape_cast %get3A_1348 : vector<1x16xf32> to vector<16xf32>
      %swap3A_1350 = arith.index_cast %add3A_1318 : i32 to index
      %swap3A_1351 = arith.constant 48 : index
      %swap3A_1352 = tpu.vector_load %arg15[%swap3A_1350, %swap3A_1351] {strides = array<i32>} : memref<128x256xf32, #tpu.memory_space<vmem>>, vector<1x16xf32>,
      %swap3A_1353 = vector.shape_cast %swap3A_1352 : vector<1x16xf32> to vector<16xf32>
      %swap3A_1354 = vector.shape_cast %get3A_1349 : vector<16xf32> to vector<1x16xf32>
      tpu.vector_store %arg15[%swap3A_1350, %swap3A_1351], %swap3A_1354 {strides = array<i32>} : memref<128x256xf32, #tpu.memory_space<vmem>>, vector<1x16xf32>,
      %get3A_1355 = arith.index_cast %add3A_1318 : i32 to index
      %get3A_1356 = arith.constant 0 : index
      %get3A_1357 = tpu.vector_load %arg13[%get3A_1355, %get3A_1356] {strides = array<i32>} : memref<128x64xf32, #tpu.memory_space<vmem>>, vector<1x16xf32>,
      %get3A_1358 = vector.shape_cast %get3A_1357 : vector<1x16xf32> to vector<16xf32>
      %swap3A_1359 = arith.index_cast %add3A_1318 : i32 to index
      %swap3A_1360 = arith.constant 64 : index
      %swap3A_1361 = tpu.vector_load %arg15[%swap3A_1359, %swap3A_1360] {strides = array<i32>} : memref<128x256xf32, #tpu.memory_space<vmem>>, vector<1x16xf32>,
      %swap3A_1362 = vector.shape_cast %swap3A_1361 : vector<1x16xf32> to vector<16xf32>
      %swap3A_1363 = vector.shape_cast %get3A_1358 : vector<16xf32> to vector<1x16xf32>
      tpu.vector_store %arg15[%swap3A_1359, %swap3A_1360], %swap3A_1363 {strides = array<i32>} : memref<128x256xf32, #tpu.memory_space<vmem>>, vector<1x16xf32>,
      %get3A_1364 = arith.index_cast %add3A_1318 : i32 to index
      %get3A_1365 = arith.constant 16 : index
      %get3A_1366 = tpu.vector_load %arg13[%get3A_1364, %get3A_1365] {strides = array<i32>} : memref<128x64xf32, #tpu.memory_space<vmem>>, vector<1x16xf32>,
      %get3A_1367 = vector.shape_cast %get3A_1366 : vector<1x16xf32> to vector<16xf32>
      %swap3A_1368 = arith.index_cast %add3A_1318 : i32 to index
      %swap3A_1369 = arith.constant 80 : index
      %swap3A_1370 = tpu.vector_load %arg15[%swap3A_1368, %swap3A_1369] {strides = array<i32>} : memref<128x256xf32, #tpu.memory_space<vmem>>, vector<1x16xf32>,
      %swap3A_1371 = vector.shape_cast %swap3A_1370 : vector<1x16xf32> to vector<16xf32>
      %swap3A_1372 = vector.shape_cast %get3A_1367 : vector<16xf32> to vector<1x16xf32>
      tpu.vector_store %arg15[%swap3A_1368, %swap3A_1369], %swap3A_1372 {strides = array<i32>} : memref<128x256xf32, #tpu.memory_space<vmem>>, vector<1x16xf32>,
      %get3A_1373 = arith.index_cast %add3A_1318 : i32 to index
      %get3A_1374 = arith.constant 32 : index
      %get3A_1375 = tpu.vector_load %arg13[%get3A_1373, %get3A_1374] {strides = array<i32>} : memref<128x64xf32, #tpu.memory_space<vmem>>, vector<1x16xf32>,
      %get3A_1376 = vector.shape_cast %get3A_1375 : vector<1x16xf32> to vector<16xf32>
      %swap3A_1377 = arith.index_cast %add3A_1318 : i32 to index
      %swap3A_1378 = arith.constant 96 : index
      %swap3A_1379 = tpu.vector_load %arg15[%swap3A_1377, %swap3A_1378] {strides = array<i32>} : memref<128x256xf32, #tpu.memory_space<vmem>>, vector<1x16xf32>,
      %swap3A_1380 = vector.shape_cast %swap3A_1379 : vector<1x16xf32> to vector<16xf32>
      %swap3A_1381 = vector.shape_cast %get3A_1376 : vector<16xf32> to vector<1x16xf32>
      tpu.vector_store %arg15[%swap3A_1377, %swap3A_1378], %swap3A_1381 {strides = array<i32>} : memref<128x256xf32, #tpu.memory_space<vmem>>, vector<1x16xf32>,
      %get3A_1382 = arith.index_cast %add3A_1318 : i32 to index
      %get3A_1383 = arith.constant 48 : index
      %get3A_1384 = tpu.vector_load %arg13[%get3A_1382, %get3A_1383] {strides = array<i32>} : memref<128x64xf32, #tpu.memory_space<vmem>>, vector<1x16xf32>,
      %get3A_1385 = vector.shape_cast %get3A_1384 : vector<1x16xf32> to vector<16xf32>
      %swap3A_1386 = arith.index_cast %add3A_1318 : i32 to index
      %swap3A_1387 = arith.constant 112 : index
      %swap3A_1388 = tpu.vector_load %arg15[%swap3A_1386, %swap3A_1387] {strides = array<i32>} : memref<128x256xf32, #tpu.memory_space<vmem>>, vector<1x16xf32>,
      %swap3A_1389 = vector.shape_cast %swap3A_1388 : vector<1x16xf32> to vector<16xf32>
      %swap3A_1390 = vector.shape_cast %get3A_1385 : vector<16xf32> to vector<1x16xf32>
      tpu.vector_store %arg15[%swap3A_1386, %swap3A_1387], %swap3A_1390 {strides = array<i32>} : memref<128x256xf32, #tpu.memory_space<vmem>>, vector<1x16xf32>,
      %add3A_1391 = arith.constant 0 : i32
      %add3A_1392 = vector.broadcast %add3A_1391 : i32 to vector<16xi32>
      %add3A_1393 = arith.addi %iota3A, %add3A_1392 : vector<16xi32>
      %slice3A_1394 = vector.extract_strided_slice %get3A_25 {offsets = [8], sizes = [1], strides = [1]} : vector<16xi32> to vector<1xi32>
      %squeeze3A_1395 = vector.extract %slice3A_1394[0] : i32 from vector<1xi32>
      %eq3A_1396 = vector.broadcast %squeeze3A_1395 : i32 to vector<16xi32>
      %eq3A_1397 = arith.cmpi eq, %add3A_1393, %eq3A_1396 : vector<16xi32>
      %select_n3A_1398 = arith.select %eq3A_1397, %broadcast_in_dim3A_13, %broadcast_in_dim3A_15 : vector<16xi1>, vector<16xf32>
      %swap3A_1399 = arith.index_cast %add3A_1318 : i32 to index
      %swap3A_1400 = arith.constant 128 : index
      %swap3A_1401 = tpu.vector_load %arg15[%swap3A_1399, %swap3A_1400] {strides = array<i32>} : memref<128x256xf32, #tpu.memory_space<vmem>>, vector<1x16xf32>,
      %swap3A_1402 = vector.shape_cast %swap3A_1401 : vector<1x16xf32> to vector<16xf32>
      %swap3A_1403 = vector.shape_cast %select_n3A_1398 : vector<16xf32> to vector<1x16xf32>
      tpu.vector_store %arg15[%swap3A_1399, %swap3A_1400], %swap3A_1403 {strides = array<i32>} : memref<128x256xf32, #tpu.memory_space<vmem>>, vector<1x16xf32>,
      %add3A_1404 = arith.constant 16 : i32
      %add3A_1405 = vector.broadcast %add3A_1404 : i32 to vector<16xi32>
      %add3A_1406 = arith.addi %iota3A, %add3A_1405 : vector<16xi32>
      %slice3A_1407 = vector.extract_strided_slice %get3A_25 {offsets = [8], sizes = [1], strides = [1]} : vector<16xi32> to vector<1xi32>
      %squeeze3A_1408 = vector.extract %slice3A_1407[0] : i32 from vector<1xi32>
      %eq3A_1409 = vector.broadcast %squeeze3A_1408 : i32 to vector<16xi32>
      %eq3A_1410 = arith.cmpi eq, %add3A_1406, %eq3A_1409 : vector<16xi32>
      %select_n3A_1411 = arith.select %eq3A_1410, %broadcast_in_dim3A_13, %broadcast_in_dim3A_15 : vector<16xi1>, vector<16xf32>
      %swap3A_1412 = arith.index_cast %add3A_1318 : i32 to index
      %swap3A_1413 = arith.constant 144 : index
      %swap3A_1414 = tpu.vector_load %arg15[%swap3A_1412, %swap3A_1413] {strides = array<i32>} : memref<128x256xf32, #tpu.memory_space<vmem>>, vector<1x16xf32>,
      %swap3A_1415 = vector.shape_cast %swap3A_1414 : vector<1x16xf32> to vector<16xf32>
      %swap3A_1416 = vector.shape_cast %select_n3A_1411 : vector<16xf32> to vector<1x16xf32>
      tpu.vector_store %arg15[%swap3A_1412, %swap3A_1413], %swap3A_1416 {strides = array<i32>} : memref<128x256xf32, #tpu.memory_space<vmem>>, vector<1x16xf32>,
      %add3A_1417 = arith.constant 32 : i32
      %add3A_1418 = vector.broadcast %add3A_1417 : i32 to vector<16xi32>
      %add3A_1419 = arith.addi %iota3A, %add3A_1418 : vector<16xi32>
      %slice3A_1420 = vector.extract_strided_slice %get3A_25 {offsets = [8], sizes = [1], strides = [1]} : vector<16xi32> to vector<1xi32>
      %squeeze3A_1421 = vector.extract %slice3A_1420[0] : i32 from vector<1xi32>
      %eq3A_1422 = vector.broadcast %squeeze3A_1421 : i32 to vector<16xi32>
      %eq3A_1423 = arith.cmpi eq, %add3A_1419, %eq3A_1422 : vector<16xi32>
      %select_n3A_1424 = arith.select %eq3A_1423, %broadcast_in_dim3A_13, %broadcast_in_dim3A_15 : vector<16xi1>, vector<16xf32>
      %swap3A_1425 = arith.index_cast %add3A_1318 : i32 to index
      %swap3A_1426 = arith.constant 160 : index
      %swap3A_1427 = tpu.vector_load %arg15[%swap3A_1425, %swap3A_1426] {strides = array<i32>} : memref<128x256xf32, #tpu.memory_space<vmem>>, vector<1x16xf32>,
      %swap3A_1428 = vector.shape_cast %swap3A_1427 : vector<1x16xf32> to vector<16xf32>
      %swap3A_1429 = vector.shape_cast %select_n3A_1424 : vector<16xf32> to vector<1x16xf32>
      tpu.vector_store %arg15[%swap3A_1425, %swap3A_1426], %swap3A_1429 {strides = array<i32>} : memref<128x256xf32, #tpu.memory_space<vmem>>, vector<1x16xf32>,
      %add3A_1430 = arith.constant 48 : i32
      %add3A_1431 = vector.broadcast %add3A_1430 : i32 to vector<16xi32>
      %add3A_1432 = arith.addi %iota3A, %add3A_1431 : vector<16xi32>
      %slice3A_1433 = vector.extract_strided_slice %get3A_25 {offsets = [8], sizes = [1], strides = [1]} : vector<16xi32> to vector<1xi32>
      %squeeze3A_1434 = vector.extract %slice3A_1433[0] : i32 from vector<1xi32>
      %eq3A_1435 = vector.broadcast %squeeze3A_1434 : i32 to vector<16xi32>
      %eq3A_1436 = arith.cmpi eq, %add3A_1432, %eq3A_1435 : vector<16xi32>
      %select_n3A_1437 = arith.select %eq3A_1436, %broadcast_in_dim3A_13, %broadcast_in_dim3A_15 : vector<16xi1>, vector<16xf32>
      %swap3A_1438 = arith.index_cast %add3A_1318 : i32 to index
      %swap3A_1439 = arith.constant 176 : index
      %swap3A_1440 = tpu.vector_load %arg15[%swap3A_1438, %swap3A_1439] {strides = array<i32>} : memref<128x256xf32, #tpu.memory_space<vmem>>, vector<1x16xf32>,
      %swap3A_1441 = vector.shape_cast %swap3A_1440 : vector<1x16xf32> to vector<16xf32>
      %swap3A_1442 = vector.shape_cast %select_n3A_1437 : vector<16xf32> to vector<1x16xf32>
      tpu.vector_store %arg15[%swap3A_1438, %swap3A_1439], %swap3A_1442 {strides = array<i32>} : memref<128x256xf32, #tpu.memory_space<vmem>>, vector<1x16xf32>,
      %get3A_1443 = arith.index_cast %add3A_1318 : i32 to index
      %get3A_1444 = arith.constant 0 : index
      %get3A_1445 = tpu.vector_load %arg14[%get3A_1443, %get3A_1444] {strides = array<i32>} : memref<128x64xf32, #tpu.memory_space<vmem>>, vector<1x16xf32>,
      %get3A_1446 = vector.shape_cast %get3A_1445 : vector<1x16xf32> to vector<16xf32>
      %swap3A_1447 = arith.index_cast %add3A_1318 : i32 to index
      %swap3A_1448 = arith.constant 179 : index
      %swap3A_1449 = tpu.vector_load %arg15[%swap3A_1447, %swap3A_1448] {strides = array<i32>} : memref<128x256xf32, #tpu.memory_space<vmem>>, vector<1x16xf32>,
      %swap3A_1450 = vector.shape_cast %swap3A_1449 : vector<1x16xf32> to vector<16xf32>
      %swap3A_1451 = vector.shape_cast %get3A_1446 : vector<16xf32> to vector<1x16xf32>
      tpu.vector_store %arg15[%swap3A_1447, %swap3A_1448], %swap3A_1451 {strides = array<i32>} : memref<128x256xf32, #tpu.memory_space<vmem>>, vector<1x16xf32>,
      %get3A_1452 = arith.index_cast %add3A_1318 : i32 to index
      %get3A_1453 = arith.constant 16 : index
      %get3A_1454 = tpu.vector_load %arg14[%get3A_1452, %get3A_1453] {strides = array<i32>} : memref<128x64xf32, #tpu.memory_space<vmem>>, vector<1x16xf32>,
      %get3A_1455 = vector.shape_cast %get3A_1454 : vector<1x16xf32> to vector<16xf32>
      %swap3A_1456 = arith.index_cast %add3A_1318 : i32 to index
      %swap3A_1457 = arith.constant 195 : index
      %swap3A_1458 = tpu.vector_load %arg15[%swap3A_1456, %swap3A_1457] {strides = array<i32>} : memref<128x256xf32, #tpu.memory_space<vmem>>, vector<1x16xf32>,
      %swap3A_1459 = vector.shape_cast %swap3A_1458 : vector<1x16xf32> to vector<16xf32>
      %swap3A_1460 = vector.shape_cast %get3A_1455 : vector<16xf32> to vector<1x16xf32>
      tpu.vector_store %arg15[%swap3A_1456, %swap3A_1457], %swap3A_1460 {strides = array<i32>} : memref<128x256xf32, #tpu.memory_space<vmem>>, vector<1x16xf32>,
      %get3A_1461 = arith.index_cast %add3A_1318 : i32 to index
      %get3A_1462 = arith.constant 32 : index
      %get3A_1463 = tpu.vector_load %arg14[%get3A_1461, %get3A_1462] {strides = array<i32>} : memref<128x64xf32, #tpu.memory_space<vmem>>, vector<1x16xf32>,
      %get3A_1464 = vector.shape_cast %get3A_1463 : vector<1x16xf32> to vector<16xf32>
      %swap3A_1465 = arith.index_cast %add3A_1318 : i32 to index
      %swap3A_1466 = arith.constant 211 : index
      %swap3A_1467 = tpu.vector_load %arg15[%swap3A_1465, %swap3A_1466] {strides = array<i32>} : memref<128x256xf32, #tpu.memory_space<vmem>>, vector<1x16xf32>,
      %swap3A_1468 = vector.shape_cast %swap3A_1467 : vector<1x16xf32> to vector<16xf32>
      %swap3A_1469 = vector.shape_cast %get3A_1464 : vector<16xf32> to vector<1x16xf32>
      tpu.vector_store %arg15[%swap3A_1465, %swap3A_1466], %swap3A_1469 {strides = array<i32>} : memref<128x256xf32, #tpu.memory_space<vmem>>, vector<1x16xf32>,
      %get3A_1470 = arith.index_cast %add3A_1318 : i32 to index
      %get3A_1471 = arith.constant 48 : index
      %get3A_1472 = tpu.vector_load %arg14[%get3A_1470, %get3A_1471] {strides = array<i32>} : memref<128x64xf32, #tpu.memory_space<vmem>>, vector<1x16xf32>,
      %get3A_1473 = vector.shape_cast %get3A_1472 : vector<1x16xf32> to vector<16xf32>
      %swap3A_1474 = arith.index_cast %add3A_1318 : i32 to index
      %swap3A_1475 = arith.constant 227 : index
      %swap3A_1476 = tpu.vector_load %arg15[%swap3A_1474, %swap3A_1475] {strides = array<i32>} : memref<128x256xf32, #tpu.memory_space<vmem>>, vector<1x16xf32>,
      %swap3A_1477 = vector.shape_cast %swap3A_1476 : vector<1x16xf32> to vector<16xf32>
      %swap3A_1478 = vector.shape_cast %get3A_1473 : vector<16xf32> to vector<1x16xf32>
      tpu.vector_store %arg15[%swap3A_1474, %swap3A_1475], %swap3A_1478 {strides = array<i32>} : memref<128x256xf32, #tpu.memory_space<vmem>>, vector<1x16xf32>,
      %add3A_1479 = arith.constant 9 : i32
      %add3A_1480 = arith.addi %mul3A_23, %add3A_1479 : i32
      %get3A_1481 = arith.index_cast %add3A_1480 : i32 to index
      %get3A_1482 = arith.constant 0 : index
      %get3A_1483 = tpu.vector_load %arg12[%get3A_1481, %get3A_1482] {strides = array<i32>} : memref<128x64xf32, #tpu.memory_space<vmem>>, vector<1x16xf32>,
      %get3A_1484 = vector.shape_cast %get3A_1483 : vector<1x16xf32> to vector<16xf32>
      %swap3A_1485 = arith.index_cast %add3A_1480 : i32 to index
      %swap3A_1486 = arith.constant 0 : index
      %swap3A_1487 = tpu.vector_load %arg15[%swap3A_1485, %swap3A_1486] {strides = array<i32>} : memref<128x256xf32, #tpu.memory_space<vmem>>, vector<1x16xf32>,
      %swap3A_1488 = vector.shape_cast %swap3A_1487 : vector<1x16xf32> to vector<16xf32>
      %swap3A_1489 = vector.shape_cast %get3A_1484 : vector<16xf32> to vector<1x16xf32>
      tpu.vector_store %arg15[%swap3A_1485, %swap3A_1486], %swap3A_1489 {strides = array<i32>} : memref<128x256xf32, #tpu.memory_space<vmem>>, vector<1x16xf32>,
      %get3A_1490 = arith.index_cast %add3A_1480 : i32 to index
      %get3A_1491 = arith.constant 16 : index
      %get3A_1492 = tpu.vector_load %arg12[%get3A_1490, %get3A_1491] {strides = array<i32>} : memref<128x64xf32, #tpu.memory_space<vmem>>, vector<1x16xf32>,
      %get3A_1493 = vector.shape_cast %get3A_1492 : vector<1x16xf32> to vector<16xf32>
      %swap3A_1494 = arith.index_cast %add3A_1480 : i32 to index
      %swap3A_1495 = arith.constant 16 : index
      %swap3A_1496 = tpu.vector_load %arg15[%swap3A_1494, %swap3A_1495] {strides = array<i32>} : memref<128x256xf32, #tpu.memory_space<vmem>>, vector<1x16xf32>,
      %swap3A_1497 = vector.shape_cast %swap3A_1496 : vector<1x16xf32> to vector<16xf32>
      %swap3A_1498 = vector.shape_cast %get3A_1493 : vector<16xf32> to vector<1x16xf32>
      tpu.vector_store %arg15[%swap3A_1494, %swap3A_1495], %swap3A_1498 {strides = array<i32>} : memref<128x256xf32, #tpu.memory_space<vmem>>, vector<1x16xf32>,
      %get3A_1499 = arith.index_cast %add3A_1480 : i32 to index
      %get3A_1500 = arith.constant 32 : index
      %get3A_1501 = tpu.vector_load %arg12[%get3A_1499, %get3A_1500] {strides = array<i32>} : memref<128x64xf32, #tpu.memory_space<vmem>>, vector<1x16xf32>,
      %get3A_1502 = vector.shape_cast %get3A_1501 : vector<1x16xf32> to vector<16xf32>
      %swap3A_1503 = arith.index_cast %add3A_1480 : i32 to index
      %swap3A_1504 = arith.constant 32 : index
      %swap3A_1505 = tpu.vector_load %arg15[%swap3A_1503, %swap3A_1504] {strides = array<i32>} : memref<128x256xf32, #tpu.memory_space<vmem>>, vector<1x16xf32>,
      %swap3A_1506 = vector.shape_cast %swap3A_1505 : vector<1x16xf32> to vector<16xf32>
      %swap3A_1507 = vector.shape_cast %get3A_1502 : vector<16xf32> to vector<1x16xf32>
      tpu.vector_store %arg15[%swap3A_1503, %swap3A_1504], %swap3A_1507 {strides = array<i32>} : memref<128x256xf32, #tpu.memory_space<vmem>>, vector<1x16xf32>,
      %get3A_1508 = arith.index_cast %add3A_1480 : i32 to index
      %get3A_1509 = arith.constant 48 : index
      %get3A_1510 = tpu.vector_load %arg12[%get3A_1508, %get3A_1509] {strides = array<i32>} : memref<128x64xf32, #tpu.memory_space<vmem>>, vector<1x16xf32>,
      %get3A_1511 = vector.shape_cast %get3A_1510 : vector<1x16xf32> to vector<16xf32>
      %swap3A_1512 = arith.index_cast %add3A_1480 : i32 to index
      %swap3A_1513 = arith.constant 48 : index
      %swap3A_1514 = tpu.vector_load %arg15[%swap3A_1512, %swap3A_1513] {strides = array<i32>} : memref<128x256xf32, #tpu.memory_space<vmem>>, vector<1x16xf32>,
      %swap3A_1515 = vector.shape_cast %swap3A_1514 : vector<1x16xf32> to vector<16xf32>
      %swap3A_1516 = vector.shape_cast %get3A_1511 : vector<16xf32> to vector<1x16xf32>
      tpu.vector_store %arg15[%swap3A_1512, %swap3A_1513], %swap3A_1516 {strides = array<i32>} : memref<128x256xf32, #tpu.memory_space<vmem>>, vector<1x16xf32>,
      %get3A_1517 = arith.index_cast %add3A_1480 : i32 to index
      %get3A_1518 = arith.constant 0 : index
      %get3A_1519 = tpu.vector_load %arg13[%get3A_1517, %get3A_1518] {strides = array<i32>} : memref<128x64xf32, #tpu.memory_space<vmem>>, vector<1x16xf32>,
      %get3A_1520 = vector.shape_cast %get3A_1519 : vector<1x16xf32> to vector<16xf32>
      %swap3A_1521 = arith.index_cast %add3A_1480 : i32 to index
      %swap3A_1522 = arith.constant 64 : index
      %swap3A_1523 = tpu.vector_load %arg15[%swap3A_1521, %swap3A_1522] {strides = array<i32>} : memref<128x256xf32, #tpu.memory_space<vmem>>, vector<1x16xf32>,
      %swap3A_1524 = vector.shape_cast %swap3A_1523 : vector<1x16xf32> to vector<16xf32>
      %swap3A_1525 = vector.shape_cast %get3A_1520 : vector<16xf32> to vector<1x16xf32>
      tpu.vector_store %arg15[%swap3A_1521, %swap3A_1522], %swap3A_1525 {strides = array<i32>} : memref<128x256xf32, #tpu.memory_space<vmem>>, vector<1x16xf32>,
      %get3A_1526 = arith.index_cast %add3A_1480 : i32 to index
      %get3A_1527 = arith.constant 16 : index
      %get3A_1528 = tpu.vector_load %arg13[%get3A_1526, %get3A_1527] {strides = array<i32>} : memref<128x64xf32, #tpu.memory_space<vmem>>, vector<1x16xf32>,
      %get3A_1529 = vector.shape_cast %get3A_1528 : vector<1x16xf32> to vector<16xf32>
      %swap3A_1530 = arith.index_cast %add3A_1480 : i32 to index
      %swap3A_1531 = arith.constant 80 : index
      %swap3A_1532 = tpu.vector_load %arg15[%swap3A_1530, %swap3A_1531] {strides = array<i32>} : memref<128x256xf32, #tpu.memory_space<vmem>>, vector<1x16xf32>,
      %swap3A_1533 = vector.shape_cast %swap3A_1532 : vector<1x16xf32> to vector<16xf32>
      %swap3A_1534 = vector.shape_cast %get3A_1529 : vector<16xf32> to vector<1x16xf32>
      tpu.vector_store %arg15[%swap3A_1530, %swap3A_1531], %swap3A_1534 {strides = array<i32>} : memref<128x256xf32, #tpu.memory_space<vmem>>, vector<1x16xf32>,
      %get3A_1535 = arith.index_cast %add3A_1480 : i32 to index
      %get3A_1536 = arith.constant 32 : index
      %get3A_1537 = tpu.vector_load %arg13[%get3A_1535, %get3A_1536] {strides = array<i32>} : memref<128x64xf32, #tpu.memory_space<vmem>>, vector<1x16xf32>,
      %get3A_1538 = vector.shape_cast %get3A_1537 : vector<1x16xf32> to vector<16xf32>
      %swap3A_1539 = arith.index_cast %add3A_1480 : i32 to index
      %swap3A_1540 = arith.constant 96 : index
      %swap3A_1541 = tpu.vector_load %arg15[%swap3A_1539, %swap3A_1540] {strides = array<i32>} : memref<128x256xf32, #tpu.memory_space<vmem>>, vector<1x16xf32>,
      %swap3A_1542 = vector.shape_cast %swap3A_1541 : vector<1x16xf32> to vector<16xf32>
      %swap3A_1543 = vector.shape_cast %get3A_1538 : vector<16xf32> to vector<1x16xf32>
      tpu.vector_store %arg15[%swap3A_1539, %swap3A_1540], %swap3A_1543 {strides = array<i32>} : memref<128x256xf32, #tpu.memory_space<vmem>>, vector<1x16xf32>,
      %get3A_1544 = arith.index_cast %add3A_1480 : i32 to index
      %get3A_1545 = arith.constant 48 : index
      %get3A_1546 = tpu.vector_load %arg13[%get3A_1544, %get3A_1545] {strides = array<i32>} : memref<128x64xf32, #tpu.memory_space<vmem>>, vector<1x16xf32>,
      %get3A_1547 = vector.shape_cast %get3A_1546 : vector<1x16xf32> to vector<16xf32>
      %swap3A_1548 = arith.index_cast %add3A_1480 : i32 to index
      %swap3A_1549 = arith.constant 112 : index
      %swap3A_1550 = tpu.vector_load %arg15[%swap3A_1548, %swap3A_1549] {strides = array<i32>} : memref<128x256xf32, #tpu.memory_space<vmem>>, vector<1x16xf32>,
      %swap3A_1551 = vector.shape_cast %swap3A_1550 : vector<1x16xf32> to vector<16xf32>
      %swap3A_1552 = vector.shape_cast %get3A_1547 : vector<16xf32> to vector<1x16xf32>
      tpu.vector_store %arg15[%swap3A_1548, %swap3A_1549], %swap3A_1552 {strides = array<i32>} : memref<128x256xf32, #tpu.memory_space<vmem>>, vector<1x16xf32>,
      %add3A_1553 = arith.constant 0 : i32
      %add3A_1554 = vector.broadcast %add3A_1553 : i32 to vector<16xi32>
      %add3A_1555 = arith.addi %iota3A, %add3A_1554 : vector<16xi32>
      %slice3A_1556 = vector.extract_strided_slice %get3A_25 {offsets = [9], sizes = [1], strides = [1]} : vector<16xi32> to vector<1xi32>
      %squeeze3A_1557 = vector.extract %slice3A_1556[0] : i32 from vector<1xi32>
      %eq3A_1558 = vector.broadcast %squeeze3A_1557 : i32 to vector<16xi32>
      %eq3A_1559 = arith.cmpi eq, %add3A_1555, %eq3A_1558 : vector<16xi32>
      %select_n3A_1560 = arith.select %eq3A_1559, %broadcast_in_dim3A_13, %broadcast_in_dim3A_15 : vector<16xi1>, vector<16xf32>
      %swap3A_1561 = arith.index_cast %add3A_1480 : i32 to index
      %swap3A_1562 = arith.constant 128 : index
      %swap3A_1563 = tpu.vector_load %arg15[%swap3A_1561, %swap3A_1562] {strides = array<i32>} : memref<128x256xf32, #tpu.memory_space<vmem>>, vector<1x16xf32>,
      %swap3A_1564 = vector.shape_cast %swap3A_1563 : vector<1x16xf32> to vector<16xf32>
      %swap3A_1565 = vector.shape_cast %select_n3A_1560 : vector<16xf32> to vector<1x16xf32>
      tpu.vector_store %arg15[%swap3A_1561, %swap3A_1562], %swap3A_1565 {strides = array<i32>} : memref<128x256xf32, #tpu.memory_space<vmem>>, vector<1x16xf32>,
      %add3A_1566 = arith.constant 16 : i32
      %add3A_1567 = vector.broadcast %add3A_1566 : i32 to vector<16xi32>
      %add3A_1568 = arith.addi %iota3A, %add3A_1567 : vector<16xi32>
      %slice3A_1569 = vector.extract_strided_slice %get3A_25 {offsets = [9], sizes = [1], strides = [1]} : vector<16xi32> to vector<1xi32>
      %squeeze3A_1570 = vector.extract %slice3A_1569[0] : i32 from vector<1xi32>
      %eq3A_1571 = vector.broadcast %squeeze3A_1570 : i32 to vector<16xi32>
      %eq3A_1572 = arith.cmpi eq, %add3A_1568, %eq3A_1571 : vector<16xi32>
      %select_n3A_1573 = arith.select %eq3A_1572, %broadcast_in_dim3A_13, %broadcast_in_dim3A_15 : vector<16xi1>, vector<16xf32>
      %swap3A_1574 = arith.index_cast %add3A_1480 : i32 to index
      %swap3A_1575 = arith.constant 144 : index
      %swap3A_1576 = tpu.vector_load %arg15[%swap3A_1574, %swap3A_1575] {strides = array<i32>} : memref<128x256xf32, #tpu.memory_space<vmem>>, vector<1x16xf32>,
      %swap3A_1577 = vector.shape_cast %swap3A_1576 : vector<1x16xf32> to vector<16xf32>
      %swap3A_1578 = vector.shape_cast %select_n3A_1573 : vector<16xf32> to vector<1x16xf32>
      tpu.vector_store %arg15[%swap3A_1574, %swap3A_1575], %swap3A_1578 {strides = array<i32>} : memref<128x256xf32, #tpu.memory_space<vmem>>, vector<1x16xf32>,
      %add3A_1579 = arith.constant 32 : i32
      %add3A_1580 = vector.broadcast %add3A_1579 : i32 to vector<16xi32>
      %add3A_1581 = arith.addi %iota3A, %add3A_1580 : vector<16xi32>
      %slice3A_1582 = vector.extract_strided_slice %get3A_25 {offsets = [9], sizes = [1], strides = [1]} : vector<16xi32> to vector<1xi32>
      %squeeze3A_1583 = vector.extract %slice3A_1582[0] : i32 from vector<1xi32>
      %eq3A_1584 = vector.broadcast %squeeze3A_1583 : i32 to vector<16xi32>
      %eq3A_1585 = arith.cmpi eq, %add3A_1581, %eq3A_1584 : vector<16xi32>
      %select_n3A_1586 = arith.select %eq3A_1585, %broadcast_in_dim3A_13, %broadcast_in_dim3A_15 : vector<16xi1>, vector<16xf32>
      %swap3A_1587 = arith.index_cast %add3A_1480 : i32 to index
      %swap3A_1588 = arith.constant 160 : index
      %swap3A_1589 = tpu.vector_load %arg15[%swap3A_1587, %swap3A_1588] {strides = array<i32>} : memref<128x256xf32, #tpu.memory_space<vmem>>, vector<1x16xf32>,
      %swap3A_1590 = vector.shape_cast %swap3A_1589 : vector<1x16xf32> to vector<16xf32>
      %swap3A_1591 = vector.shape_cast %select_n3A_1586 : vector<16xf32> to vector<1x16xf32>
      tpu.vector_store %arg15[%swap3A_1587, %swap3A_1588], %swap3A_1591 {strides = array<i32>} : memref<128x256xf32, #tpu.memory_space<vmem>>, vector<1x16xf32>,
      %add3A_1592 = arith.constant 48 : i32
      %add3A_1593 = vector.broadcast %add3A_1592 : i32 to vector<16xi32>
      %add3A_1594 = arith.addi %iota3A, %add3A_1593 : vector<16xi32>
      %slice3A_1595 = vector.extract_strided_slice %get3A_25 {offsets = [9], sizes = [1], strides = [1]} : vector<16xi32> to vector<1xi32>
      %squeeze3A_1596 = vector.extract %slice3A_1595[0] : i32 from vector<1xi32>
      %eq3A_1597 = vector.broadcast %squeeze3A_1596 : i32 to vector<16xi32>
      %eq3A_1598 = arith.cmpi eq, %add3A_1594, %eq3A_1597 : vector<16xi32>
      %select_n3A_1599 = arith.select %eq3A_1598, %broadcast_in_dim3A_13, %broadcast_in_dim3A_15 : vector<16xi1>, vector<16xf32>
      %swap3A_1600 = arith.index_cast %add3A_1480 : i32 to index
      %swap3A_1601 = arith.constant 176 : index
      %swap3A_1602 = tpu.vector_load %arg15[%swap3A_1600, %swap3A_1601] {strides = array<i32>} : memref<128x256xf32, #tpu.memory_space<vmem>>, vector<1x16xf32>,
      %swap3A_1603 = vector.shape_cast %swap3A_1602 : vector<1x16xf32> to vector<16xf32>
      %swap3A_1604 = vector.shape_cast %select_n3A_1599 : vector<16xf32> to vector<1x16xf32>
      tpu.vector_store %arg15[%swap3A_1600, %swap3A_1601], %swap3A_1604 {strides = array<i32>} : memref<128x256xf32, #tpu.memory_space<vmem>>, vector<1x16xf32>,
      %get3A_1605 = arith.index_cast %add3A_1480 : i32 to index
      %get3A_1606 = arith.constant 0 : index
      %get3A_1607 = tpu.vector_load %arg14[%get3A_1605, %get3A_1606] {strides = array<i32>} : memref<128x64xf32, #tpu.memory_space<vmem>>, vector<1x16xf32>,
      %get3A_1608 = vector.shape_cast %get3A_1607 : vector<1x16xf32> to vector<16xf32>
      %swap3A_1609 = arith.index_cast %add3A_1480 : i32 to index
      %swap3A_1610 = arith.constant 179 : index
      %swap3A_1611 = tpu.vector_load %arg15[%swap3A_1609, %swap3A_1610] {strides = array<i32>} : memref<128x256xf32, #tpu.memory_space<vmem>>, vector<1x16xf32>,
      %swap3A_1612 = vector.shape_cast %swap3A_1611 : vector<1x16xf32> to vector<16xf32>
      %swap3A_1613 = vector.shape_cast %get3A_1608 : vector<16xf32> to vector<1x16xf32>
      tpu.vector_store %arg15[%swap3A_1609, %swap3A_1610], %swap3A_1613 {strides = array<i32>} : memref<128x256xf32, #tpu.memory_space<vmem>>, vector<1x16xf32>,
      %get3A_1614 = arith.index_cast %add3A_1480 : i32 to index
      %get3A_1615 = arith.constant 16 : index
      %get3A_1616 = tpu.vector_load %arg14[%get3A_1614, %get3A_1615] {strides = array<i32>} : memref<128x64xf32, #tpu.memory_space<vmem>>, vector<1x16xf32>,
      %get3A_1617 = vector.shape_cast %get3A_1616 : vector<1x16xf32> to vector<16xf32>
      %swap3A_1618 = arith.index_cast %add3A_1480 : i32 to index
      %swap3A_1619 = arith.constant 195 : index
      %swap3A_1620 = tpu.vector_load %arg15[%swap3A_1618, %swap3A_1619] {strides = array<i32>} : memref<128x256xf32, #tpu.memory_space<vmem>>, vector<1x16xf32>,
      %swap3A_1621 = vector.shape_cast %swap3A_1620 : vector<1x16xf32> to vector<16xf32>
      %swap3A_1622 = vector.shape_cast %get3A_1617 : vector<16xf32> to vector<1x16xf32>
      tpu.vector_store %arg15[%swap3A_1618, %swap3A_1619], %swap3A_1622 {strides = array<i32>} : memref<128x256xf32, #tpu.memory_space<vmem>>, vector<1x16xf32>,
      %get3A_1623 = arith.index_cast %add3A_1480 : i32 to index
      %get3A_1624 = arith.constant 32 : index
      %get3A_1625 = tpu.vector_load %arg14[%get3A_1623, %get3A_1624] {strides = array<i32>} : memref<128x64xf32, #tpu.memory_space<vmem>>, vector<1x16xf32>,
      %get3A_1626 = vector.shape_cast %get3A_1625 : vector<1x16xf32> to vector<16xf32>
      %swap3A_1627 = arith.index_cast %add3A_1480 : i32 to index
      %swap3A_1628 = arith.constant 211 : index
      %swap3A_1629 = tpu.vector_load %arg15[%swap3A_1627, %swap3A_1628] {strides = array<i32>} : memref<128x256xf32, #tpu.memory_space<vmem>>, vector<1x16xf32>,
      %swap3A_1630 = vector.shape_cast %swap3A_1629 : vector<1x16xf32> to vector<16xf32>
      %swap3A_1631 = vector.shape_cast %get3A_1626 : vector<16xf32> to vector<1x16xf32>
      tpu.vector_store %arg15[%swap3A_1627, %swap3A_1628], %swap3A_1631 {strides = array<i32>} : memref<128x256xf32, #tpu.memory_space<vmem>>, vector<1x16xf32>,
      %get3A_1632 = arith.index_cast %add3A_1480 : i32 to index
      %get3A_1633 = arith.constant 48 : index
      %get3A_1634 = tpu.vector_load %arg14[%get3A_1632, %get3A_1633] {strides = array<i32>} : memref<128x64xf32, #tpu.memory_space<vmem>>, vector<1x16xf32>,
      %get3A_1635 = vector.shape_cast %get3A_1634 : vector<1x16xf32> to vector<16xf32>
      %swap3A_1636 = arith.index_cast %add3A_1480 : i32 to index
      %swap3A_1637 = arith.constant 227 : index
      %swap3A_1638 = tpu.vector_load %arg15[%swap3A_1636, %swap3A_1637] {strides = array<i32>} : memref<128x256xf32, #tpu.memory_space<vmem>>, vector<1x16xf32>,
      %swap3A_1639 = vector.shape_cast %swap3A_1638 : vector<1x16xf32> to vector<16xf32>
      %swap3A_1640 = vector.shape_cast %get3A_1635 : vector<16xf32> to vector<1x16xf32>
      tpu.vector_store %arg15[%swap3A_1636, %swap3A_1637], %swap3A_1640 {strides = array<i32>} : memref<128x256xf32, #tpu.memory_space<vmem>>, vector<1x16xf32>,
      %add3A_1641 = arith.constant 10 : i32
      %add3A_1642 = arith.addi %mul3A_23, %add3A_1641 : i32
      %get3A_1643 = arith.index_cast %add3A_1642 : i32 to index
      %get3A_1644 = arith.constant 0 : index
      %get3A_1645 = tpu.vector_load %arg12[%get3A_1643, %get3A_1644] {strides = array<i32>} : memref<128x64xf32, #tpu.memory_space<vmem>>, vector<1x16xf32>,
      %get3A_1646 = vector.shape_cast %get3A_1645 : vector<1x16xf32> to vector<16xf32>
      %swap3A_1647 = arith.index_cast %add3A_1642 : i32 to index
      %swap3A_1648 = arith.constant 0 : index
      %swap3A_1649 = tpu.vector_load %arg15[%swap3A_1647, %swap3A_1648] {strides = array<i32>} : memref<128x256xf32, #tpu.memory_space<vmem>>, vector<1x16xf32>,
      %swap3A_1650 = vector.shape_cast %swap3A_1649 : vector<1x16xf32> to vector<16xf32>
      %swap3A_1651 = vector.shape_cast %get3A_1646 : vector<16xf32> to vector<1x16xf32>
      tpu.vector_store %arg15[%swap3A_1647, %swap3A_1648], %swap3A_1651 {strides = array<i32>} : memref<128x256xf32, #tpu.memory_space<vmem>>, vector<1x16xf32>,
      %get3A_1652 = arith.index_cast %add3A_1642 : i32 to index
      %get3A_1653 = arith.constant 16 : index
      %get3A_1654 = tpu.vector_load %arg12[%get3A_1652, %get3A_1653] {strides = array<i32>} : memref<128x64xf32, #tpu.memory_space<vmem>>, vector<1x16xf32>,
      %get3A_1655 = vector.shape_cast %get3A_1654 : vector<1x16xf32> to vector<16xf32>
      %swap3A_1656 = arith.index_cast %add3A_1642 : i32 to index
      %swap3A_1657 = arith.constant 16 : index
      %swap3A_1658 = tpu.vector_load %arg15[%swap3A_1656, %swap3A_1657] {strides = array<i32>} : memref<128x256xf32, #tpu.memory_space<vmem>>, vector<1x16xf32>,
      %swap3A_1659 = vector.shape_cast %swap3A_1658 : vector<1x16xf32> to vector<16xf32>
      %swap3A_1660 = vector.shape_cast %get3A_1655 : vector<16xf32> to vector<1x16xf32>
      tpu.vector_store %arg15[%swap3A_1656, %swap3A_1657], %swap3A_1660 {strides = array<i32>} : memref<128x256xf32, #tpu.memory_space<vmem>>, vector<1x16xf32>,
      %get3A_1661 = arith.index_cast %add3A_1642 : i32 to index
      %get3A_1662 = arith.constant 32 : index
      %get3A_1663 = tpu.vector_load %arg12[%get3A_1661, %get3A_1662] {strides = array<i32>} : memref<128x64xf32, #tpu.memory_space<vmem>>, vector<1x16xf32>,
      %get3A_1664 = vector.shape_cast %get3A_1663 : vector<1x16xf32> to vector<16xf32>
      %swap3A_1665 = arith.index_cast %add3A_1642 : i32 to index
      %swap3A_1666 = arith.constant 32 : index
      %swap3A_1667 = tpu.vector_load %arg15[%swap3A_1665, %swap3A_1666] {strides = array<i32>} : memref<128x256xf32, #tpu.memory_space<vmem>>, vector<1x16xf32>,
      %swap3A_1668 = vector.shape_cast %swap3A_1667 : vector<1x16xf32> to vector<16xf32>
      %swap3A_1669 = vector.shape_cast %get3A_1664 : vector<16xf32> to vector<1x16xf32>
      tpu.vector_store %arg15[%swap3A_1665, %swap3A_1666], %swap3A_1669 {strides = array<i32>} : memref<128x256xf32, #tpu.memory_space<vmem>>, vector<1x16xf32>,
      %get3A_1670 = arith.index_cast %add3A_1642 : i32 to index
      %get3A_1671 = arith.constant 48 : index
      %get3A_1672 = tpu.vector_load %arg12[%get3A_1670, %get3A_1671] {strides = array<i32>} : memref<128x64xf32, #tpu.memory_space<vmem>>, vector<1x16xf32>,
      %get3A_1673 = vector.shape_cast %get3A_1672 : vector<1x16xf32> to vector<16xf32>
      %swap3A_1674 = arith.index_cast %add3A_1642 : i32 to index
      %swap3A_1675 = arith.constant 48 : index
      %swap3A_1676 = tpu.vector_load %arg15[%swap3A_1674, %swap3A_1675] {strides = array<i32>} : memref<128x256xf32, #tpu.memory_space<vmem>>, vector<1x16xf32>,
      %swap3A_1677 = vector.shape_cast %swap3A_1676 : vector<1x16xf32> to vector<16xf32>
      %swap3A_1678 = vector.shape_cast %get3A_1673 : vector<16xf32> to vector<1x16xf32>
      tpu.vector_store %arg15[%swap3A_1674, %swap3A_1675], %swap3A_1678 {strides = array<i32>} : memref<128x256xf32, #tpu.memory_space<vmem>>, vector<1x16xf32>,
      %get3A_1679 = arith.index_cast %add3A_1642 : i32 to index
      %get3A_1680 = arith.constant 0 : index
      %get3A_1681 = tpu.vector_load %arg13[%get3A_1679, %get3A_1680] {strides = array<i32>} : memref<128x64xf32, #tpu.memory_space<vmem>>, vector<1x16xf32>,
      %get3A_1682 = vector.shape_cast %get3A_1681 : vector<1x16xf32> to vector<16xf32>
      %swap3A_1683 = arith.index_cast %add3A_1642 : i32 to index
      %swap3A_1684 = arith.constant 64 : index
      %swap3A_1685 = tpu.vector_load %arg15[%swap3A_1683, %swap3A_1684] {strides = array<i32>} : memref<128x256xf32, #tpu.memory_space<vmem>>, vector<1x16xf32>,
      %swap3A_1686 = vector.shape_cast %swap3A_1685 : vector<1x16xf32> to vector<16xf32>
      %swap3A_1687 = vector.shape_cast %get3A_1682 : vector<16xf32> to vector<1x16xf32>
      tpu.vector_store %arg15[%swap3A_1683, %swap3A_1684], %swap3A_1687 {strides = array<i32>} : memref<128x256xf32, #tpu.memory_space<vmem>>, vector<1x16xf32>,
      %get3A_1688 = arith.index_cast %add3A_1642 : i32 to index
      %get3A_1689 = arith.constant 16 : index
      %get3A_1690 = tpu.vector_load %arg13[%get3A_1688, %get3A_1689] {strides = array<i32>} : memref<128x64xf32, #tpu.memory_space<vmem>>, vector<1x16xf32>,
      %get3A_1691 = vector.shape_cast %get3A_1690 : vector<1x16xf32> to vector<16xf32>
      %swap3A_1692 = arith.index_cast %add3A_1642 : i32 to index
      %swap3A_1693 = arith.constant 80 : index
      %swap3A_1694 = tpu.vector_load %arg15[%swap3A_1692, %swap3A_1693] {strides = array<i32>} : memref<128x256xf32, #tpu.memory_space<vmem>>, vector<1x16xf32>,
      %swap3A_1695 = vector.shape_cast %swap3A_1694 : vector<1x16xf32> to vector<16xf32>
      %swap3A_1696 = vector.shape_cast %get3A_1691 : vector<16xf32> to vector<1x16xf32>
      tpu.vector_store %arg15[%swap3A_1692, %swap3A_1693], %swap3A_1696 {strides = array<i32>} : memref<128x256xf32, #tpu.memory_space<vmem>>, vector<1x16xf32>,
      %get3A_1697 = arith.index_cast %add3A_1642 : i32 to index
      %get3A_1698 = arith.constant 32 : index
      %get3A_1699 = tpu.vector_load %arg13[%get3A_1697, %get3A_1698] {strides = array<i32>} : memref<128x64xf32, #tpu.memory_space<vmem>>, vector<1x16xf32>,
      %get3A_1700 = vector.shape_cast %get3A_1699 : vector<1x16xf32> to vector<16xf32>
      %swap3A_1701 = arith.index_cast %add3A_1642 : i32 to index
      %swap3A_1702 = arith.constant 96 : index
      %swap3A_1703 = tpu.vector_load %arg15[%swap3A_1701, %swap3A_1702] {strides = array<i32>} : memref<128x256xf32, #tpu.memory_space<vmem>>, vector<1x16xf32>,
      %swap3A_1704 = vector.shape_cast %swap3A_1703 : vector<1x16xf32> to vector<16xf32>
      %swap3A_1705 = vector.shape_cast %get3A_1700 : vector<16xf32> to vector<1x16xf32>
      tpu.vector_store %arg15[%swap3A_1701, %swap3A_1702], %swap3A_1705 {strides = array<i32>} : memref<128x256xf32, #tpu.memory_space<vmem>>, vector<1x16xf32>,
      %get3A_1706 = arith.index_cast %add3A_1642 : i32 to index
      %get3A_1707 = arith.constant 48 : index
      %get3A_1708 = tpu.vector_load %arg13[%get3A_1706, %get3A_1707] {strides = array<i32>} : memref<128x64xf32, #tpu.memory_space<vmem>>, vector<1x16xf32>,
      %get3A_1709 = vector.shape_cast %get3A_1708 : vector<1x16xf32> to vector<16xf32>
      %swap3A_1710 = arith.index_cast %add3A_1642 : i32 to index
      %swap3A_1711 = arith.constant 112 : index
      %swap3A_1712 = tpu.vector_load %arg15[%swap3A_1710, %swap3A_1711] {strides = array<i32>} : memref<128x256xf32, #tpu.memory_space<vmem>>, vector<1x16xf32>,
      %swap3A_1713 = vector.shape_cast %swap3A_1712 : vector<1x16xf32> to vector<16xf32>
      %swap3A_1714 = vector.shape_cast %get3A_1709 : vector<16xf32> to vector<1x16xf32>
      tpu.vector_store %arg15[%swap3A_1710, %swap3A_1711], %swap3A_1714 {strides = array<i32>} : memref<128x256xf32, #tpu.memory_space<vmem>>, vector<1x16xf32>,
      %add3A_1715 = arith.constant 0 : i32
      %add3A_1716 = vector.broadcast %add3A_1715 : i32 to vector<16xi32>
      %add3A_1717 = arith.addi %iota3A, %add3A_1716 : vector<16xi32>
      %slice3A_1718 = vector.extract_strided_slice %get3A_25 {offsets = [10], sizes = [1], strides = [1]} : vector<16xi32> to vector<1xi32>
      %squeeze3A_1719 = vector.extract %slice3A_1718[0] : i32 from vector<1xi32>
      %eq3A_1720 = vector.broadcast %squeeze3A_1719 : i32 to vector<16xi32>
      %eq3A_1721 = arith.cmpi eq, %add3A_1717, %eq3A_1720 : vector<16xi32>
      %select_n3A_1722 = arith.select %eq3A_1721, %broadcast_in_dim3A_13, %broadcast_in_dim3A_15 : vector<16xi1>, vector<16xf32>
      %swap3A_1723 = arith.index_cast %add3A_1642 : i32 to index
      %swap3A_1724 = arith.constant 128 : index
      %swap3A_1725 = tpu.vector_load %arg15[%swap3A_1723, %swap3A_1724] {strides = array<i32>} : memref<128x256xf32, #tpu.memory_space<vmem>>, vector<1x16xf32>,
      %swap3A_1726 = vector.shape_cast %swap3A_1725 : vector<1x16xf32> to vector<16xf32>
      %swap3A_1727 = vector.shape_cast %select_n3A_1722 : vector<16xf32> to vector<1x16xf32>
      tpu.vector_store %arg15[%swap3A_1723, %swap3A_1724], %swap3A_1727 {strides = array<i32>} : memref<128x256xf32, #tpu.memory_space<vmem>>, vector<1x16xf32>,
      %add3A_1728 = arith.constant 16 : i32
      %add3A_1729 = vector.broadcast %add3A_1728 : i32 to vector<16xi32>
      %add3A_1730 = arith.addi %iota3A, %add3A_1729 : vector<16xi32>
      %slice3A_1731 = vector.extract_strided_slice %get3A_25 {offsets = [10], sizes = [1], strides = [1]} : vector<16xi32> to vector<1xi32>
      %squeeze3A_1732 = vector.extract %slice3A_1731[0] : i32 from vector<1xi32>
      %eq3A_1733 = vector.broadcast %squeeze3A_1732 : i32 to vector<16xi32>
      %eq3A_1734 = arith.cmpi eq, %add3A_1730, %eq3A_1733 : vector<16xi32>
      %select_n3A_1735 = arith.select %eq3A_1734, %broadcast_in_dim3A_13, %broadcast_in_dim3A_15 : vector<16xi1>, vector<16xf32>
      %swap3A_1736 = arith.index_cast %add3A_1642 : i32 to index
      %swap3A_1737 = arith.constant 144 : index
      %swap3A_1738 = tpu.vector_load %arg15[%swap3A_1736, %swap3A_1737] {strides = array<i32>} : memref<128x256xf32, #tpu.memory_space<vmem>>, vector<1x16xf32>,
      %swap3A_1739 = vector.shape_cast %swap3A_1738 : vector<1x16xf32> to vector<16xf32>
      %swap3A_1740 = vector.shape_cast %select_n3A_1735 : vector<16xf32> to vector<1x16xf32>
      tpu.vector_store %arg15[%swap3A_1736, %swap3A_1737], %swap3A_1740 {strides = array<i32>} : memref<128x256xf32, #tpu.memory_space<vmem>>, vector<1x16xf32>,
      %add3A_1741 = arith.constant 32 : i32
      %add3A_1742 = vector.broadcast %add3A_1741 : i32 to vector<16xi32>
      %add3A_1743 = arith.addi %iota3A, %add3A_1742 : vector<16xi32>
      %slice3A_1744 = vector.extract_strided_slice %get3A_25 {offsets = [10], sizes = [1], strides = [1]} : vector<16xi32> to vector<1xi32>
      %squeeze3A_1745 = vector.extract %slice3A_1744[0] : i32 from vector<1xi32>
      %eq3A_1746 = vector.broadcast %squeeze3A_1745 : i32 to vector<16xi32>
      %eq3A_1747 = arith.cmpi eq, %add3A_1743, %eq3A_1746 : vector<16xi32>
      %select_n3A_1748 = arith.select %eq3A_1747, %broadcast_in_dim3A_13, %broadcast_in_dim3A_15 : vector<16xi1>, vector<16xf32>
      %swap3A_1749 = arith.index_cast %add3A_1642 : i32 to index
      %swap3A_1750 = arith.constant 160 : index
      %swap3A_1751 = tpu.vector_load %arg15[%swap3A_1749, %swap3A_1750] {strides = array<i32>} : memref<128x256xf32, #tpu.memory_space<vmem>>, vector<1x16xf32>,
      %swap3A_1752 = vector.shape_cast %swap3A_1751 : vector<1x16xf32> to vector<16xf32>
      %swap3A_1753 = vector.shape_cast %select_n3A_1748 : vector<16xf32> to vector<1x16xf32>
      tpu.vector_store %arg15[%swap3A_1749, %swap3A_1750], %swap3A_1753 {strides = array<i32>} : memref<128x256xf32, #tpu.memory_space<vmem>>, vector<1x16xf32>,
      %add3A_1754 = arith.constant 48 : i32
      %add3A_1755 = vector.broadcast %add3A_1754 : i32 to vector<16xi32>
      %add3A_1756 = arith.addi %iota3A, %add3A_1755 : vector<16xi32>
      %slice3A_1757 = vector.extract_strided_slice %get3A_25 {offsets = [10], sizes = [1], strides = [1]} : vector<16xi32> to vector<1xi32>
      %squeeze3A_1758 = vector.extract %slice3A_1757[0] : i32 from vector<1xi32>
      %eq3A_1759 = vector.broadcast %squeeze3A_1758 : i32 to vector<16xi32>
      %eq3A_1760 = arith.cmpi eq, %add3A_1756, %eq3A_1759 : vector<16xi32>
      %select_n3A_1761 = arith.select %eq3A_1760, %broadcast_in_dim3A_13, %broadcast_in_dim3A_15 : vector<16xi1>, vector<16xf32>
      %swap3A_1762 = arith.index_cast %add3A_1642 : i32 to index
      %swap3A_1763 = arith.constant 176 : index
      %swap3A_1764 = tpu.vector_load %arg15[%swap3A_1762, %swap3A_1763] {strides = array<i32>} : memref<128x256xf32, #tpu.memory_space<vmem>>, vector<1x16xf32>,
      %swap3A_1765 = vector.shape_cast %swap3A_1764 : vector<1x16xf32> to vector<16xf32>
      %swap3A_1766 = vector.shape_cast %select_n3A_1761 : vector<16xf32> to vector<1x16xf32>
      tpu.vector_store %arg15[%swap3A_1762, %swap3A_1763], %swap3A_1766 {strides = array<i32>} : memref<128x256xf32, #tpu.memory_space<vmem>>, vector<1x16xf32>,
      %get3A_1767 = arith.index_cast %add3A_1642 : i32 to index
      %get3A_1768 = arith.constant 0 : index
      %get3A_1769 = tpu.vector_load %arg14[%get3A_1767, %get3A_1768] {strides = array<i32>} : memref<128x64xf32, #tpu.memory_space<vmem>>, vector<1x16xf32>,
      %get3A_1770 = vector.shape_cast %get3A_1769 : vector<1x16xf32> to vector<16xf32>
      %swap3A_1771 = arith.index_cast %add3A_1642 : i32 to index
      %swap3A_1772 = arith.constant 179 : index
      %swap3A_1773 = tpu.vector_load %arg15[%swap3A_1771, %swap3A_1772] {strides = array<i32>} : memref<128x256xf32, #tpu.memory_space<vmem>>, vector<1x16xf32>,
      %swap3A_1774 = vector.shape_cast %swap3A_1773 : vector<1x16xf32> to vector<16xf32>
      %swap3A_1775 = vector.shape_cast %get3A_1770 : vector<16xf32> to vector<1x16xf32>
      tpu.vector_store %arg15[%swap3A_1771, %swap3A_1772], %swap3A_1775 {strides = array<i32>} : memref<128x256xf32, #tpu.memory_space<vmem>>, vector<1x16xf32>,
      %get3A_1776 = arith.index_cast %add3A_1642 : i32 to index
      %get3A_1777 = arith.constant 16 : index
      %get3A_1778 = tpu.vector_load %arg14[%get3A_1776, %get3A_1777] {strides = array<i32>} : memref<128x64xf32, #tpu.memory_space<vmem>>, vector<1x16xf32>,
      %get3A_1779 = vector.shape_cast %get3A_1778 : vector<1x16xf32> to vector<16xf32>
      %swap3A_1780 = arith.index_cast %add3A_1642 : i32 to index
      %swap3A_1781 = arith.constant 195 : index
      %swap3A_1782 = tpu.vector_load %arg15[%swap3A_1780, %swap3A_1781] {strides = array<i32>} : memref<128x256xf32, #tpu.memory_space<vmem>>, vector<1x16xf32>,
      %swap3A_1783 = vector.shape_cast %swap3A_1782 : vector<1x16xf32> to vector<16xf32>
      %swap3A_1784 = vector.shape_cast %get3A_1779 : vector<16xf32> to vector<1x16xf32>
      tpu.vector_store %arg15[%swap3A_1780, %swap3A_1781], %swap3A_1784 {strides = array<i32>} : memref<128x256xf32, #tpu.memory_space<vmem>>, vector<1x16xf32>,
      %get3A_1785 = arith.index_cast %add3A_1642 : i32 to index
      %get3A_1786 = arith.constant 32 : index
      %get3A_1787 = tpu.vector_load %arg14[%get3A_1785, %get3A_1786] {strides = array<i32>} : memref<128x64xf32, #tpu.memory_space<vmem>>, vector<1x16xf32>,
      %get3A_1788 = vector.shape_cast %get3A_1787 : vector<1x16xf32> to vector<16xf32>
      %swap3A_1789 = arith.index_cast %add3A_1642 : i32 to index
      %swap3A_1790 = arith.constant 211 : index
      %swap3A_1791 = tpu.vector_load %arg15[%swap3A_1789, %swap3A_1790] {strides = array<i32>} : memref<128x256xf32, #tpu.memory_space<vmem>>, vector<1x16xf32>,
      %swap3A_1792 = vector.shape_cast %swap3A_1791 : vector<1x16xf32> to vector<16xf32>
      %swap3A_1793 = vector.shape_cast %get3A_1788 : vector<16xf32> to vector<1x16xf32>
      tpu.vector_store %arg15[%swap3A_1789, %swap3A_1790], %swap3A_1793 {strides = array<i32>} : memref<128x256xf32, #tpu.memory_space<vmem>>, vector<1x16xf32>,
      %get3A_1794 = arith.index_cast %add3A_1642 : i32 to index
      %get3A_1795 = arith.constant 48 : index
      %get3A_1796 = tpu.vector_load %arg14[%get3A_1794, %get3A_1795] {strides = array<i32>} : memref<128x64xf32, #tpu.memory_space<vmem>>, vector<1x16xf32>,
      %get3A_1797 = vector.shape_cast %get3A_1796 : vector<1x16xf32> to vector<16xf32>
      %swap3A_1798 = arith.index_cast %add3A_1642 : i32 to index
      %swap3A_1799 = arith.constant 227 : index
      %swap3A_1800 = tpu.vector_load %arg15[%swap3A_1798, %swap3A_1799] {strides = array<i32>} : memref<128x256xf32, #tpu.memory_space<vmem>>, vector<1x16xf32>,
      %swap3A_1801 = vector.shape_cast %swap3A_1800 : vector<1x16xf32> to vector<16xf32>
      %swap3A_1802 = vector.shape_cast %get3A_1797 : vector<16xf32> to vector<1x16xf32>
      tpu.vector_store %arg15[%swap3A_1798, %swap3A_1799], %swap3A_1802 {strides = array<i32>} : memref<128x256xf32, #tpu.memory_space<vmem>>, vector<1x16xf32>,
      %add3A_1803 = arith.constant 11 : i32
      %add3A_1804 = arith.addi %mul3A_23, %add3A_1803 : i32
      %get3A_1805 = arith.index_cast %add3A_1804 : i32 to index
      %get3A_1806 = arith.constant 0 : index
      %get3A_1807 = tpu.vector_load %arg12[%get3A_1805, %get3A_1806] {strides = array<i32>} : memref<128x64xf32, #tpu.memory_space<vmem>>, vector<1x16xf32>,
      %get3A_1808 = vector.shape_cast %get3A_1807 : vector<1x16xf32> to vector<16xf32>
      %swap3A_1809 = arith.index_cast %add3A_1804 : i32 to index
      %swap3A_1810 = arith.constant 0 : index
      %swap3A_1811 = tpu.vector_load %arg15[%swap3A_1809, %swap3A_1810] {strides = array<i32>} : memref<128x256xf32, #tpu.memory_space<vmem>>, vector<1x16xf32>,
      %swap3A_1812 = vector.shape_cast %swap3A_1811 : vector<1x16xf32> to vector<16xf32>
      %swap3A_1813 = vector.shape_cast %get3A_1808 : vector<16xf32> to vector<1x16xf32>
      tpu.vector_store %arg15[%swap3A_1809, %swap3A_1810], %swap3A_1813 {strides = array<i32>} : memref<128x256xf32, #tpu.memory_space<vmem>>, vector<1x16xf32>,
      %get3A_1814 = arith.index_cast %add3A_1804 : i32 to index
      %get3A_1815 = arith.constant 16 : index
      %get3A_1816 = tpu.vector_load %arg12[%get3A_1814, %get3A_1815] {strides = array<i32>} : memref<128x64xf32, #tpu.memory_space<vmem>>, vector<1x16xf32>,
      %get3A_1817 = vector.shape_cast %get3A_1816 : vector<1x16xf32> to vector<16xf32>
      %swap3A_1818 = arith.index_cast %add3A_1804 : i32 to index
      %swap3A_1819 = arith.constant 16 : index
      %swap3A_1820 = tpu.vector_load %arg15[%swap3A_1818, %swap3A_1819] {strides = array<i32>} : memref<128x256xf32, #tpu.memory_space<vmem>>, vector<1x16xf32>,
      %swap3A_1821 = vector.shape_cast %swap3A_1820 : vector<1x16xf32> to vector<16xf32>
      %swap3A_1822 = vector.shape_cast %get3A_1817 : vector<16xf32> to vector<1x16xf32>
      tpu.vector_store %arg15[%swap3A_1818, %swap3A_1819], %swap3A_1822 {strides = array<i32>} : memref<128x256xf32, #tpu.memory_space<vmem>>, vector<1x16xf32>,
      %get3A_1823 = arith.index_cast %add3A_1804 : i32 to index
      %get3A_1824 = arith.constant 32 : index
      %get3A_1825 = tpu.vector_load %arg12[%get3A_1823, %get3A_1824] {strides = array<i32>} : memref<128x64xf32, #tpu.memory_space<vmem>>, vector<1x16xf32>,
      %get3A_1826 = vector.shape_cast %get3A_1825 : vector<1x16xf32> to vector<16xf32>
      %swap3A_1827 = arith.index_cast %add3A_1804 : i32 to index
      %swap3A_1828 = arith.constant 32 : index
      %swap3A_1829 = tpu.vector_load %arg15[%swap3A_1827, %swap3A_1828] {strides = array<i32>} : memref<128x256xf32, #tpu.memory_space<vmem>>, vector<1x16xf32>,
      %swap3A_1830 = vector.shape_cast %swap3A_1829 : vector<1x16xf32> to vector<16xf32>
      %swap3A_1831 = vector.shape_cast %get3A_1826 : vector<16xf32> to vector<1x16xf32>
      tpu.vector_store %arg15[%swap3A_1827, %swap3A_1828], %swap3A_1831 {strides = array<i32>} : memref<128x256xf32, #tpu.memory_space<vmem>>, vector<1x16xf32>,
      %get3A_1832 = arith.index_cast %add3A_1804 : i32 to index
      %get3A_1833 = arith.constant 48 : index
      %get3A_1834 = tpu.vector_load %arg12[%get3A_1832, %get3A_1833] {strides = array<i32>} : memref<128x64xf32, #tpu.memory_space<vmem>>, vector<1x16xf32>,
      %get3A_1835 = vector.shape_cast %get3A_1834 : vector<1x16xf32> to vector<16xf32>
      %swap3A_1836 = arith.index_cast %add3A_1804 : i32 to index
      %swap3A_1837 = arith.constant 48 : index
      %swap3A_1838 = tpu.vector_load %arg15[%swap3A_1836, %swap3A_1837] {strides = array<i32>} : memref<128x256xf32, #tpu.memory_space<vmem>>, vector<1x16xf32>,
      %swap3A_1839 = vector.shape_cast %swap3A_1838 : vector<1x16xf32> to vector<16xf32>
      %swap3A_1840 = vector.shape_cast %get3A_1835 : vector<16xf32> to vector<1x16xf32>
      tpu.vector_store %arg15[%swap3A_1836, %swap3A_1837], %swap3A_1840 {strides = array<i32>} : memref<128x256xf32, #tpu.memory_space<vmem>>, vector<1x16xf32>,
      %get3A_1841 = arith.index_cast %add3A_1804 : i32 to index
      %get3A_1842 = arith.constant 0 : index
      %get3A_1843 = tpu.vector_load %arg13[%get3A_1841, %get3A_1842] {strides = array<i32>} : memref<128x64xf32, #tpu.memory_space<vmem>>, vector<1x16xf32>,
      %get3A_1844 = vector.shape_cast %get3A_1843 : vector<1x16xf32> to vector<16xf32>
      %swap3A_1845 = arith.index_cast %add3A_1804 : i32 to index
      %swap3A_1846 = arith.constant 64 : index
      %swap3A_1847 = tpu.vector_load %arg15[%swap3A_1845, %swap3A_1846] {strides = array<i32>} : memref<128x256xf32, #tpu.memory_space<vmem>>, vector<1x16xf32>,
      %swap3A_1848 = vector.shape_cast %swap3A_1847 : vector<1x16xf32> to vector<16xf32>
      %swap3A_1849 = vector.shape_cast %get3A_1844 : vector<16xf32> to vector<1x16xf32>
      tpu.vector_store %arg15[%swap3A_1845, %swap3A_1846], %swap3A_1849 {strides = array<i32>} : memref<128x256xf32, #tpu.memory_space<vmem>>, vector<1x16xf32>,
      %get3A_1850 = arith.index_cast %add3A_1804 : i32 to index
      %get3A_1851 = arith.constant 16 : index
      %get3A_1852 = tpu.vector_load %arg13[%get3A_1850, %get3A_1851] {strides = array<i32>} : memref<128x64xf32, #tpu.memory_space<vmem>>, vector<1x16xf32>,
      %get3A_1853 = vector.shape_cast %get3A_1852 : vector<1x16xf32> to vector<16xf32>
      %swap3A_1854 = arith.index_cast %add3A_1804 : i32 to index
      %swap3A_1855 = arith.constant 80 : index
      %swap3A_1856 = tpu.vector_load %arg15[%swap3A_1854, %swap3A_1855] {strides = array<i32>} : memref<128x256xf32, #tpu.memory_space<vmem>>, vector<1x16xf32>,
      %swap3A_1857 = vector.shape_cast %swap3A_1856 : vector<1x16xf32> to vector<16xf32>
      %swap3A_1858 = vector.shape_cast %get3A_1853 : vector<16xf32> to vector<1x16xf32>
      tpu.vector_store %arg15[%swap3A_1854, %swap3A_1855], %swap3A_1858 {strides = array<i32>} : memref<128x256xf32, #tpu.memory_space<vmem>>, vector<1x16xf32>,
      %get3A_1859 = arith.index_cast %add3A_1804 : i32 to index
      %get3A_1860 = arith.constant 32 : index
      %get3A_1861 = tpu.vector_load %arg13[%get3A_1859, %get3A_1860] {strides = array<i32>} : memref<128x64xf32, #tpu.memory_space<vmem>>, vector<1x16xf32>,
      %get3A_1862 = vector.shape_cast %get3A_1861 : vector<1x16xf32> to vector<16xf32>
      %swap3A_1863 = arith.index_cast %add3A_1804 : i32 to index
      %swap3A_1864 = arith.constant 96 : index
      %swap3A_1865 = tpu.vector_load %arg15[%swap3A_1863, %swap3A_1864] {strides = array<i32>} : memref<128x256xf32, #tpu.memory_space<vmem>>, vector<1x16xf32>,
      %swap3A_1866 = vector.shape_cast %swap3A_1865 : vector<1x16xf32> to vector<16xf32>
      %swap3A_1867 = vector.shape_cast %get3A_1862 : vector<16xf32> to vector<1x16xf32>
      tpu.vector_store %arg15[%swap3A_1863, %swap3A_1864], %swap3A_1867 {strides = array<i32>} : memref<128x256xf32, #tpu.memory_space<vmem>>, vector<1x16xf32>,
      %get3A_1868 = arith.index_cast %add3A_1804 : i32 to index
      %get3A_1869 = arith.constant 48 : index
      %get3A_1870 = tpu.vector_load %arg13[%get3A_1868, %get3A_1869] {strides = array<i32>} : memref<128x64xf32, #tpu.memory_space<vmem>>, vector<1x16xf32>,
      %get3A_1871 = vector.shape_cast %get3A_1870 : vector<1x16xf32> to vector<16xf32>
      %swap3A_1872 = arith.index_cast %add3A_1804 : i32 to index
      %swap3A_1873 = arith.constant 112 : index
      %swap3A_1874 = tpu.vector_load %arg15[%swap3A_1872, %swap3A_1873] {strides = array<i32>} : memref<128x256xf32, #tpu.memory_space<vmem>>, vector<1x16xf32>,
      %swap3A_1875 = vector.shape_cast %swap3A_1874 : vector<1x16xf32> to vector<16xf32>
      %swap3A_1876 = vector.shape_cast %get3A_1871 : vector<16xf32> to vector<1x16xf32>
      tpu.vector_store %arg15[%swap3A_1872, %swap3A_1873], %swap3A_1876 {strides = array<i32>} : memref<128x256xf32, #tpu.memory_space<vmem>>, vector<1x16xf32>,
      %add3A_1877 = arith.constant 0 : i32
      %add3A_1878 = vector.broadcast %add3A_1877 : i32 to vector<16xi32>
      %add3A_1879 = arith.addi %iota3A, %add3A_1878 : vector<16xi32>
      %slice3A_1880 = vector.extract_strided_slice %get3A_25 {offsets = [11], sizes = [1], strides = [1]} : vector<16xi32> to vector<1xi32>
      %squeeze3A_1881 = vector.extract %slice3A_1880[0] : i32 from vector<1xi32>
      %eq3A_1882 = vector.broadcast %squeeze3A_1881 : i32 to vector<16xi32>
      %eq3A_1883 = arith.cmpi eq, %add3A_1879, %eq3A_1882 : vector<16xi32>
      %select_n3A_1884 = arith.select %eq3A_1883, %broadcast_in_dim3A_13, %broadcast_in_dim3A_15 : vector<16xi1>, vector<16xf32>
      %swap3A_1885 = arith.index_cast %add3A_1804 : i32 to index
      %swap3A_1886 = arith.constant 128 : index
      %swap3A_1887 = tpu.vector_load %arg15[%swap3A_1885, %swap3A_1886] {strides = array<i32>} : memref<128x256xf32, #tpu.memory_space<vmem>>, vector<1x16xf32>,
      %swap3A_1888 = vector.shape_cast %swap3A_1887 : vector<1x16xf32> to vector<16xf32>
      %swap3A_1889 = vector.shape_cast %select_n3A_1884 : vector<16xf32> to vector<1x16xf32>
      tpu.vector_store %arg15[%swap3A_1885, %swap3A_1886], %swap3A_1889 {strides = array<i32>} : memref<128x256xf32, #tpu.memory_space<vmem>>, vector<1x16xf32>,
      %add3A_1890 = arith.constant 16 : i32
      %add3A_1891 = vector.broadcast %add3A_1890 : i32 to vector<16xi32>
      %add3A_1892 = arith.addi %iota3A, %add3A_1891 : vector<16xi32>
      %slice3A_1893 = vector.extract_strided_slice %get3A_25 {offsets = [11], sizes = [1], strides = [1]} : vector<16xi32> to vector<1xi32>
      %squeeze3A_1894 = vector.extract %slice3A_1893[0] : i32 from vector<1xi32>
      %eq3A_1895 = vector.broadcast %squeeze3A_1894 : i32 to vector<16xi32>
      %eq3A_1896 = arith.cmpi eq, %add3A_1892, %eq3A_1895 : vector<16xi32>
      %select_n3A_1897 = arith.select %eq3A_1896, %broadcast_in_dim3A_13, %broadcast_in_dim3A_15 : vector<16xi1>, vector<16xf32>
      %swap3A_1898 = arith.index_cast %add3A_1804 : i32 to index
      %swap3A_1899 = arith.constant 144 : index
      %swap3A_1900 = tpu.vector_load %arg15[%swap3A_1898, %swap3A_1899] {strides = array<i32>} : memref<128x256xf32, #tpu.memory_space<vmem>>, vector<1x16xf32>,
      %swap3A_1901 = vector.shape_cast %swap3A_1900 : vector<1x16xf32> to vector<16xf32>
      %swap3A_1902 = vector.shape_cast %select_n3A_1897 : vector<16xf32> to vector<1x16xf32>
      tpu.vector_store %arg15[%swap3A_1898, %swap3A_1899], %swap3A_1902 {strides = array<i32>} : memref<128x256xf32, #tpu.memory_space<vmem>>, vector<1x16xf32>,
      %add3A_1903 = arith.constant 32 : i32
      %add3A_1904 = vector.broadcast %add3A_1903 : i32 to vector<16xi32>
      %add3A_1905 = arith.addi %iota3A, %add3A_1904 : vector<16xi32>
      %slice3A_1906 = vector.extract_strided_slice %get3A_25 {offsets = [11], sizes = [1], strides = [1]} : vector<16xi32> to vector<1xi32>
      %squeeze3A_1907 = vector.extract %slice3A_1906[0] : i32 from vector<1xi32>
      %eq3A_1908 = vector.broadcast %squeeze3A_1907 : i32 to vector<16xi32>
      %eq3A_1909 = arith.cmpi eq, %add3A_1905, %eq3A_1908 : vector<16xi32>
      %select_n3A_1910 = arith.select %eq3A_1909, %broadcast_in_dim3A_13, %broadcast_in_dim3A_15 : vector<16xi1>, vector<16xf32>
      %swap3A_1911 = arith.index_cast %add3A_1804 : i32 to index
      %swap3A_1912 = arith.constant 160 : index
      %swap3A_1913 = tpu.vector_load %arg15[%swap3A_1911, %swap3A_1912] {strides = array<i32>} : memref<128x256xf32, #tpu.memory_space<vmem>>, vector<1x16xf32>,
      %swap3A_1914 = vector.shape_cast %swap3A_1913 : vector<1x16xf32> to vector<16xf32>
      %swap3A_1915 = vector.shape_cast %select_n3A_1910 : vector<16xf32> to vector<1x16xf32>
      tpu.vector_store %arg15[%swap3A_1911, %swap3A_1912], %swap3A_1915 {strides = array<i32>} : memref<128x256xf32, #tpu.memory_space<vmem>>, vector<1x16xf32>,
      %add3A_1916 = arith.constant 48 : i32
      %add3A_1917 = vector.broadcast %add3A_1916 : i32 to vector<16xi32>
      %add3A_1918 = arith.addi %iota3A, %add3A_1917 : vector<16xi32>
      %slice3A_1919 = vector.extract_strided_slice %get3A_25 {offsets = [11], sizes = [1], strides = [1]} : vector<16xi32> to vector<1xi32>
      %squeeze3A_1920 = vector.extract %slice3A_1919[0] : i32 from vector<1xi32>
      %eq3A_1921 = vector.broadcast %squeeze3A_1920 : i32 to vector<16xi32>
      %eq3A_1922 = arith.cmpi eq, %add3A_1918, %eq3A_1921 : vector<16xi32>
      %select_n3A_1923 = arith.select %eq3A_1922, %broadcast_in_dim3A_13, %broadcast_in_dim3A_15 : vector<16xi1>, vector<16xf32>
      %swap3A_1924 = arith.index_cast %add3A_1804 : i32 to index
      %swap3A_1925 = arith.constant 176 : index
      %swap3A_1926 = tpu.vector_load %arg15[%swap3A_1924, %swap3A_1925] {strides = array<i32>} : memref<128x256xf32, #tpu.memory_space<vmem>>, vector<1x16xf32>,
      %swap3A_1927 = vector.shape_cast %swap3A_1926 : vector<1x16xf32> to vector<16xf32>
      %swap3A_1928 = vector.shape_cast %select_n3A_1923 : vector<16xf32> to vector<1x16xf32>
      tpu.vector_store %arg15[%swap3A_1924, %swap3A_1925], %swap3A_1928 {strides = array<i32>} : memref<128x256xf32, #tpu.memory_space<vmem>>, vector<1x16xf32>,
      %get3A_1929 = arith.index_cast %add3A_1804 : i32 to index
      %get3A_1930 = arith.constant 0 : index
      %get3A_1931 = tpu.vector_load %arg14[%get3A_1929, %get3A_1930] {strides = array<i32>} : memref<128x64xf32, #tpu.memory_space<vmem>>, vector<1x16xf32>,
      %get3A_1932 = vector.shape_cast %get3A_1931 : vector<1x16xf32> to vector<16xf32>
      %swap3A_1933 = arith.index_cast %add3A_1804 : i32 to index
      %swap3A_1934 = arith.constant 179 : index
      %swap3A_1935 = tpu.vector_load %arg15[%swap3A_1933, %swap3A_1934] {strides = array<i32>} : memref<128x256xf32, #tpu.memory_space<vmem>>, vector<1x16xf32>,
      %swap3A_1936 = vector.shape_cast %swap3A_1935 : vector<1x16xf32> to vector<16xf32>
      %swap3A_1937 = vector.shape_cast %get3A_1932 : vector<16xf32> to vector<1x16xf32>
      tpu.vector_store %arg15[%swap3A_1933, %swap3A_1934], %swap3A_1937 {strides = array<i32>} : memref<128x256xf32, #tpu.memory_space<vmem>>, vector<1x16xf32>,
      %get3A_1938 = arith.index_cast %add3A_1804 : i32 to index
      %get3A_1939 = arith.constant 16 : index
      %get3A_1940 = tpu.vector_load %arg14[%get3A_1938, %get3A_1939] {strides = array<i32>} : memref<128x64xf32, #tpu.memory_space<vmem>>, vector<1x16xf32>,
      %get3A_1941 = vector.shape_cast %get3A_1940 : vector<1x16xf32> to vector<16xf32>
      %swap3A_1942 = arith.index_cast %add3A_1804 : i32 to index
      %swap3A_1943 = arith.constant 195 : index
      %swap3A_1944 = tpu.vector_load %arg15[%swap3A_1942, %swap3A_1943] {strides = array<i32>} : memref<128x256xf32, #tpu.memory_space<vmem>>, vector<1x16xf32>,
      %swap3A_1945 = vector.shape_cast %swap3A_1944 : vector<1x16xf32> to vector<16xf32>
      %swap3A_1946 = vector.shape_cast %get3A_1941 : vector<16xf32> to vector<1x16xf32>
      tpu.vector_store %arg15[%swap3A_1942, %swap3A_1943], %swap3A_1946 {strides = array<i32>} : memref<128x256xf32, #tpu.memory_space<vmem>>, vector<1x16xf32>,
      %get3A_1947 = arith.index_cast %add3A_1804 : i32 to index
      %get3A_1948 = arith.constant 32 : index
      %get3A_1949 = tpu.vector_load %arg14[%get3A_1947, %get3A_1948] {strides = array<i32>} : memref<128x64xf32, #tpu.memory_space<vmem>>, vector<1x16xf32>,
      %get3A_1950 = vector.shape_cast %get3A_1949 : vector<1x16xf32> to vector<16xf32>
      %swap3A_1951 = arith.index_cast %add3A_1804 : i32 to index
      %swap3A_1952 = arith.constant 211 : index
      %swap3A_1953 = tpu.vector_load %arg15[%swap3A_1951, %swap3A_1952] {strides = array<i32>} : memref<128x256xf32, #tpu.memory_space<vmem>>, vector<1x16xf32>,
      %swap3A_1954 = vector.shape_cast %swap3A_1953 : vector<1x16xf32> to vector<16xf32>
      %swap3A_1955 = vector.shape_cast %get3A_1950 : vector<16xf32> to vector<1x16xf32>
      tpu.vector_store %arg15[%swap3A_1951, %swap3A_1952], %swap3A_1955 {strides = array<i32>} : memref<128x256xf32, #tpu.memory_space<vmem>>, vector<1x16xf32>,
      %get3A_1956 = arith.index_cast %add3A_1804 : i32 to index
      %get3A_1957 = arith.constant 48 : index
      %get3A_1958 = tpu.vector_load %arg14[%get3A_1956, %get3A_1957] {strides = array<i32>} : memref<128x64xf32, #tpu.memory_space<vmem>>, vector<1x16xf32>,
      %get3A_1959 = vector.shape_cast %get3A_1958 : vector<1x16xf32> to vector<16xf32>
      %swap3A_1960 = arith.index_cast %add3A_1804 : i32 to index
      %swap3A_1961 = arith.constant 227 : index
      %swap3A_1962 = tpu.vector_load %arg15[%swap3A_1960, %swap3A_1961] {strides = array<i32>} : memref<128x256xf32, #tpu.memory_space<vmem>>, vector<1x16xf32>,
      %swap3A_1963 = vector.shape_cast %swap3A_1962 : vector<1x16xf32> to vector<16xf32>
      %swap3A_1964 = vector.shape_cast %get3A_1959 : vector<16xf32> to vector<1x16xf32>
      tpu.vector_store %arg15[%swap3A_1960, %swap3A_1961], %swap3A_1964 {strides = array<i32>} : memref<128x256xf32, #tpu.memory_space<vmem>>, vector<1x16xf32>,
      %add3A_1965 = arith.constant 12 : i32
      %add3A_1966 = arith.addi %mul3A_23, %add3A_1965 : i32
      %get3A_1967 = arith.index_cast %add3A_1966 : i32 to index
      %get3A_1968 = arith.constant 0 : index
      %get3A_1969 = tpu.vector_load %arg12[%get3A_1967, %get3A_1968] {strides = array<i32>} : memref<128x64xf32, #tpu.memory_space<vmem>>, vector<1x16xf32>,
      %get3A_1970 = vector.shape_cast %get3A_1969 : vector<1x16xf32> to vector<16xf32>
      %swap3A_1971 = arith.index_cast %add3A_1966 : i32 to index
      %swap3A_1972 = arith.constant 0 : index
      %swap3A_1973 = tpu.vector_load %arg15[%swap3A_1971, %swap3A_1972] {strides = array<i32>} : memref<128x256xf32, #tpu.memory_space<vmem>>, vector<1x16xf32>,
      %swap3A_1974 = vector.shape_cast %swap3A_1973 : vector<1x16xf32> to vector<16xf32>
      %swap3A_1975 = vector.shape_cast %get3A_1970 : vector<16xf32> to vector<1x16xf32>
      tpu.vector_store %arg15[%swap3A_1971, %swap3A_1972], %swap3A_1975 {strides = array<i32>} : memref<128x256xf32, #tpu.memory_space<vmem>>, vector<1x16xf32>,
      %get3A_1976 = arith.index_cast %add3A_1966 : i32 to index
      %get3A_1977 = arith.constant 16 : index
      %get3A_1978 = tpu.vector_load %arg12[%get3A_1976, %get3A_1977] {strides = array<i32>} : memref<128x64xf32, #tpu.memory_space<vmem>>, vector<1x16xf32>,
      %get3A_1979 = vector.shape_cast %get3A_1978 : vector<1x16xf32> to vector<16xf32>
      %swap3A_1980 = arith.index_cast %add3A_1966 : i32 to index
      %swap3A_1981 = arith.constant 16 : index
      %swap3A_1982 = tpu.vector_load %arg15[%swap3A_1980, %swap3A_1981] {strides = array<i32>} : memref<128x256xf32, #tpu.memory_space<vmem>>, vector<1x16xf32>,
      %swap3A_1983 = vector.shape_cast %swap3A_1982 : vector<1x16xf32> to vector<16xf32>
      %swap3A_1984 = vector.shape_cast %get3A_1979 : vector<16xf32> to vector<1x16xf32>
      tpu.vector_store %arg15[%swap3A_1980, %swap3A_1981], %swap3A_1984 {strides = array<i32>} : memref<128x256xf32, #tpu.memory_space<vmem>>, vector<1x16xf32>,
      %get3A_1985 = arith.index_cast %add3A_1966 : i32 to index
      %get3A_1986 = arith.constant 32 : index
      %get3A_1987 = tpu.vector_load %arg12[%get3A_1985, %get3A_1986] {strides = array<i32>} : memref<128x64xf32, #tpu.memory_space<vmem>>, vector<1x16xf32>,
      %get3A_1988 = vector.shape_cast %get3A_1987 : vector<1x16xf32> to vector<16xf32>
      %swap3A_1989 = arith.index_cast %add3A_1966 : i32 to index
      %swap3A_1990 = arith.constant 32 : index
      %swap3A_1991 = tpu.vector_load %arg15[%swap3A_1989, %swap3A_1990] {strides = array<i32>} : memref<128x256xf32, #tpu.memory_space<vmem>>, vector<1x16xf32>,
      %swap3A_1992 = vector.shape_cast %swap3A_1991 : vector<1x16xf32> to vector<16xf32>
      %swap3A_1993 = vector.shape_cast %get3A_1988 : vector<16xf32> to vector<1x16xf32>
      tpu.vector_store %arg15[%swap3A_1989, %swap3A_1990], %swap3A_1993 {strides = array<i32>} : memref<128x256xf32, #tpu.memory_space<vmem>>, vector<1x16xf32>,
      %get3A_1994 = arith.index_cast %add3A_1966 : i32 to index
      %get3A_1995 = arith.constant 48 : index
      %get3A_1996 = tpu.vector_load %arg12[%get3A_1994, %get3A_1995] {strides = array<i32>} : memref<128x64xf32, #tpu.memory_space<vmem>>, vector<1x16xf32>,
      %get3A_1997 = vector.shape_cast %get3A_1996 : vector<1x16xf32> to vector<16xf32>
      %swap3A_1998 = arith.index_cast %add3A_1966 : i32 to index
      %swap3A_1999 = arith.constant 48 : index
      %swap3A_2000 = tpu.vector_load %arg15[%swap3A_1998, %swap3A_1999] {strides = array<i32>} : memref<128x256xf32, #tpu.memory_space<vmem>>, vector<1x16xf32>,
      %swap3A_2001 = vector.shape_cast %swap3A_2000 : vector<1x16xf32> to vector<16xf32>
      %swap3A_2002 = vector.shape_cast %get3A_1997 : vector<16xf32> to vector<1x16xf32>
      tpu.vector_store %arg15[%swap3A_1998, %swap3A_1999], %swap3A_2002 {strides = array<i32>} : memref<128x256xf32, #tpu.memory_space<vmem>>, vector<1x16xf32>,
      %get3A_2003 = arith.index_cast %add3A_1966 : i32 to index
      %get3A_2004 = arith.constant 0 : index
      %get3A_2005 = tpu.vector_load %arg13[%get3A_2003, %get3A_2004] {strides = array<i32>} : memref<128x64xf32, #tpu.memory_space<vmem>>, vector<1x16xf32>,
      %get3A_2006 = vector.shape_cast %get3A_2005 : vector<1x16xf32> to vector<16xf32>
      %swap3A_2007 = arith.index_cast %add3A_1966 : i32 to index
      %swap3A_2008 = arith.constant 64 : index
      %swap3A_2009 = tpu.vector_load %arg15[%swap3A_2007, %swap3A_2008] {strides = array<i32>} : memref<128x256xf32, #tpu.memory_space<vmem>>, vector<1x16xf32>,
      %swap3A_2010 = vector.shape_cast %swap3A_2009 : vector<1x16xf32> to vector<16xf32>
      %swap3A_2011 = vector.shape_cast %get3A_2006 : vector<16xf32> to vector<1x16xf32>
      tpu.vector_store %arg15[%swap3A_2007, %swap3A_2008], %swap3A_2011 {strides = array<i32>} : memref<128x256xf32, #tpu.memory_space<vmem>>, vector<1x16xf32>,
      %get3A_2012 = arith.index_cast %add3A_1966 : i32 to index
      %get3A_2013 = arith.constant 16 : index
      %get3A_2014 = tpu.vector_load %arg13[%get3A_2012, %get3A_2013] {strides = array<i32>} : memref<128x64xf32, #tpu.memory_space<vmem>>, vector<1x16xf32>,
      %get3A_2015 = vector.shape_cast %get3A_2014 : vector<1x16xf32> to vector<16xf32>
      %swap3A_2016 = arith.index_cast %add3A_1966 : i32 to index
      %swap3A_2017 = arith.constant 80 : index
      %swap3A_2018 = tpu.vector_load %arg15[%swap3A_2016, %swap3A_2017] {strides = array<i32>} : memref<128x256xf32, #tpu.memory_space<vmem>>, vector<1x16xf32>,
      %swap3A_2019 = vector.shape_cast %swap3A_2018 : vector<1x16xf32> to vector<16xf32>
      %swap3A_2020 = vector.shape_cast %get3A_2015 : vector<16xf32> to vector<1x16xf32>
      tpu.vector_store %arg15[%swap3A_2016, %swap3A_2017], %swap3A_2020 {strides = array<i32>} : memref<128x256xf32, #tpu.memory_space<vmem>>, vector<1x16xf32>,
      %get3A_2021 = arith.index_cast %add3A_1966 : i32 to index
      %get3A_2022 = arith.constant 32 : index
      %get3A_2023 = tpu.vector_load %arg13[%get3A_2021, %get3A_2022] {strides = array<i32>} : memref<128x64xf32, #tpu.memory_space<vmem>>, vector<1x16xf32>,
      %get3A_2024 = vector.shape_cast %get3A_2023 : vector<1x16xf32> to vector<16xf32>
      %swap3A_2025 = arith.index_cast %add3A_1966 : i32 to index
      %swap3A_2026 = arith.constant 96 : index
      %swap3A_2027 = tpu.vector_load %arg15[%swap3A_2025, %swap3A_2026] {strides = array<i32>} : memref<128x256xf32, #tpu.memory_space<vmem>>, vector<1x16xf32>,
      %swap3A_2028 = vector.shape_cast %swap3A_2027 : vector<1x16xf32> to vector<16xf32>
      %swap3A_2029 = vector.shape_cast %get3A_2024 : vector<16xf32> to vector<1x16xf32>
      tpu.vector_store %arg15[%swap3A_2025, %swap3A_2026], %swap3A_2029 {strides = array<i32>} : memref<128x256xf32, #tpu.memory_space<vmem>>, vector<1x16xf32>,
      %get3A_2030 = arith.index_cast %add3A_1966 : i32 to index
      %get3A_2031 = arith.constant 48 : index
      %get3A_2032 = tpu.vector_load %arg13[%get3A_2030, %get3A_2031] {strides = array<i32>} : memref<128x64xf32, #tpu.memory_space<vmem>>, vector<1x16xf32>,
      %get3A_2033 = vector.shape_cast %get3A_2032 : vector<1x16xf32> to vector<16xf32>
      %swap3A_2034 = arith.index_cast %add3A_1966 : i32 to index
      %swap3A_2035 = arith.constant 112 : index
      %swap3A_2036 = tpu.vector_load %arg15[%swap3A_2034, %swap3A_2035] {strides = array<i32>} : memref<128x256xf32, #tpu.memory_space<vmem>>, vector<1x16xf32>,
      %swap3A_2037 = vector.shape_cast %swap3A_2036 : vector<1x16xf32> to vector<16xf32>
      %swap3A_2038 = vector.shape_cast %get3A_2033 : vector<16xf32> to vector<1x16xf32>
      tpu.vector_store %arg15[%swap3A_2034, %swap3A_2035], %swap3A_2038 {strides = array<i32>} : memref<128x256xf32, #tpu.memory_space<vmem>>, vector<1x16xf32>,
      %add3A_2039 = arith.constant 0 : i32
      %add3A_2040 = vector.broadcast %add3A_2039 : i32 to vector<16xi32>
      %add3A_2041 = arith.addi %iota3A, %add3A_2040 : vector<16xi32>
      %slice3A_2042 = vector.extract_strided_slice %get3A_25 {offsets = [12], sizes = [1], strides = [1]} : vector<16xi32> to vector<1xi32>
      %squeeze3A_2043 = vector.extract %slice3A_2042[0] : i32 from vector<1xi32>
      %eq3A_2044 = vector.broadcast %squeeze3A_2043 : i32 to vector<16xi32>
      %eq3A_2045 = arith.cmpi eq, %add3A_2041, %eq3A_2044 : vector<16xi32>
      %select_n3A_2046 = arith.select %eq3A_2045, %broadcast_in_dim3A_13, %broadcast_in_dim3A_15 : vector<16xi1>, vector<16xf32>
      %swap3A_2047 = arith.index_cast %add3A_1966 : i32 to index
      %swap3A_2048 = arith.constant 128 : index
      %swap3A_2049 = tpu.vector_load %arg15[%swap3A_2047, %swap3A_2048] {strides = array<i32>} : memref<128x256xf32, #tpu.memory_space<vmem>>, vector<1x16xf32>,
      %swap3A_2050 = vector.shape_cast %swap3A_2049 : vector<1x16xf32> to vector<16xf32>
      %swap3A_2051 = vector.shape_cast %select_n3A_2046 : vector<16xf32> to vector<1x16xf32>
      tpu.vector_store %arg15[%swap3A_2047, %swap3A_2048], %swap3A_2051 {strides = array<i32>} : memref<128x256xf32, #tpu.memory_space<vmem>>, vector<1x16xf32>,
      %add3A_2052 = arith.constant 16 : i32
      %add3A_2053 = vector.broadcast %add3A_2052 : i32 to vector<16xi32>
      %add3A_2054 = arith.addi %iota3A, %add3A_2053 : vector<16xi32>
      %slice3A_2055 = vector.extract_strided_slice %get3A_25 {offsets = [12], sizes = [1], strides = [1]} : vector<16xi32> to vector<1xi32>
      %squeeze3A_2056 = vector.extract %slice3A_2055[0] : i32 from vector<1xi32>
      %eq3A_2057 = vector.broadcast %squeeze3A_2056 : i32 to vector<16xi32>
      %eq3A_2058 = arith.cmpi eq, %add3A_2054, %eq3A_2057 : vector<16xi32>
      %select_n3A_2059 = arith.select %eq3A_2058, %broadcast_in_dim3A_13, %broadcast_in_dim3A_15 : vector<16xi1>, vector<16xf32>
      %swap3A_2060 = arith.index_cast %add3A_1966 : i32 to index
      %swap3A_2061 = arith.constant 144 : index
      %swap3A_2062 = tpu.vector_load %arg15[%swap3A_2060, %swap3A_2061] {strides = array<i32>} : memref<128x256xf32, #tpu.memory_space<vmem>>, vector<1x16xf32>,
      %swap3A_2063 = vector.shape_cast %swap3A_2062 : vector<1x16xf32> to vector<16xf32>
      %swap3A_2064 = vector.shape_cast %select_n3A_2059 : vector<16xf32> to vector<1x16xf32>
      tpu.vector_store %arg15[%swap3A_2060, %swap3A_2061], %swap3A_2064 {strides = array<i32>} : memref<128x256xf32, #tpu.memory_space<vmem>>, vector<1x16xf32>,
      %add3A_2065 = arith.constant 32 : i32
      %add3A_2066 = vector.broadcast %add3A_2065 : i32 to vector<16xi32>
      %add3A_2067 = arith.addi %iota3A, %add3A_2066 : vector<16xi32>
      %slice3A_2068 = vector.extract_strided_slice %get3A_25 {offsets = [12], sizes = [1], strides = [1]} : vector<16xi32> to vector<1xi32>
      %squeeze3A_2069 = vector.extract %slice3A_2068[0] : i32 from vector<1xi32>
      %eq3A_2070 = vector.broadcast %squeeze3A_2069 : i32 to vector<16xi32>
      %eq3A_2071 = arith.cmpi eq, %add3A_2067, %eq3A_2070 : vector<16xi32>
      %select_n3A_2072 = arith.select %eq3A_2071, %broadcast_in_dim3A_13, %broadcast_in_dim3A_15 : vector<16xi1>, vector<16xf32>
      %swap3A_2073 = arith.index_cast %add3A_1966 : i32 to index
      %swap3A_2074 = arith.constant 160 : index
      %swap3A_2075 = tpu.vector_load %arg15[%swap3A_2073, %swap3A_2074] {strides = array<i32>} : memref<128x256xf32, #tpu.memory_space<vmem>>, vector<1x16xf32>,
      %swap3A_2076 = vector.shape_cast %swap3A_2075 : vector<1x16xf32> to vector<16xf32>
      %swap3A_2077 = vector.shape_cast %select_n3A_2072 : vector<16xf32> to vector<1x16xf32>
      tpu.vector_store %arg15[%swap3A_2073, %swap3A_2074], %swap3A_2077 {strides = array<i32>} : memref<128x256xf32, #tpu.memory_space<vmem>>, vector<1x16xf32>,
      %add3A_2078 = arith.constant 48 : i32
      %add3A_2079 = vector.broadcast %add3A_2078 : i32 to vector<16xi32>
      %add3A_2080 = arith.addi %iota3A, %add3A_2079 : vector<16xi32>
      %slice3A_2081 = vector.extract_strided_slice %get3A_25 {offsets = [12], sizes = [1], strides = [1]} : vector<16xi32> to vector<1xi32>
      %squeeze3A_2082 = vector.extract %slice3A_2081[0] : i32 from vector<1xi32>
      %eq3A_2083 = vector.broadcast %squeeze3A_2082 : i32 to vector<16xi32>
      %eq3A_2084 = arith.cmpi eq, %add3A_2080, %eq3A_2083 : vector<16xi32>
      %select_n3A_2085 = arith.select %eq3A_2084, %broadcast_in_dim3A_13, %broadcast_in_dim3A_15 : vector<16xi1>, vector<16xf32>
      %swap3A_2086 = arith.index_cast %add3A_1966 : i32 to index
      %swap3A_2087 = arith.constant 176 : index
      %swap3A_2088 = tpu.vector_load %arg15[%swap3A_2086, %swap3A_2087] {strides = array<i32>} : memref<128x256xf32, #tpu.memory_space<vmem>>, vector<1x16xf32>,
      %swap3A_2089 = vector.shape_cast %swap3A_2088 : vector<1x16xf32> to vector<16xf32>
      %swap3A_2090 = vector.shape_cast %select_n3A_2085 : vector<16xf32> to vector<1x16xf32>
      tpu.vector_store %arg15[%swap3A_2086, %swap3A_2087], %swap3A_2090 {strides = array<i32>} : memref<128x256xf32, #tpu.memory_space<vmem>>, vector<1x16xf32>,
      %get3A_2091 = arith.index_cast %add3A_1966 : i32 to index
      %get3A_2092 = arith.constant 0 : index
      %get3A_2093 = tpu.vector_load %arg14[%get3A_2091, %get3A_2092] {strides = array<i32>} : memref<128x64xf32, #tpu.memory_space<vmem>>, vector<1x16xf32>,
      %get3A_2094 = vector.shape_cast %get3A_2093 : vector<1x16xf32> to vector<16xf32>
      %swap3A_2095 = arith.index_cast %add3A_1966 : i32 to index
      %swap3A_2096 = arith.constant 179 : index
      %swap3A_2097 = tpu.vector_load %arg15[%swap3A_2095, %swap3A_2096] {strides = array<i32>} : memref<128x256xf32, #tpu.memory_space<vmem>>, vector<1x16xf32>,
      %swap3A_2098 = vector.shape_cast %swap3A_2097 : vector<1x16xf32> to vector<16xf32>
      %swap3A_2099 = vector.shape_cast %get3A_2094 : vector<16xf32> to vector<1x16xf32>
      tpu.vector_store %arg15[%swap3A_2095, %swap3A_2096], %swap3A_2099 {strides = array<i32>} : memref<128x256xf32, #tpu.memory_space<vmem>>, vector<1x16xf32>,
      %get3A_2100 = arith.index_cast %add3A_1966 : i32 to index
      %get3A_2101 = arith.constant 16 : index
      %get3A_2102 = tpu.vector_load %arg14[%get3A_2100, %get3A_2101] {strides = array<i32>} : memref<128x64xf32, #tpu.memory_space<vmem>>, vector<1x16xf32>,
      %get3A_2103 = vector.shape_cast %get3A_2102 : vector<1x16xf32> to vector<16xf32>
      %swap3A_2104 = arith.index_cast %add3A_1966 : i32 to index
      %swap3A_2105 = arith.constant 195 : index
      %swap3A_2106 = tpu.vector_load %arg15[%swap3A_2104, %swap3A_2105] {strides = array<i32>} : memref<128x256xf32, #tpu.memory_space<vmem>>, vector<1x16xf32>,
      %swap3A_2107 = vector.shape_cast %swap3A_2106 : vector<1x16xf32> to vector<16xf32>
      %swap3A_2108 = vector.shape_cast %get3A_2103 : vector<16xf32> to vector<1x16xf32>
      tpu.vector_store %arg15[%swap3A_2104, %swap3A_2105], %swap3A_2108 {strides = array<i32>} : memref<128x256xf32, #tpu.memory_space<vmem>>, vector<1x16xf32>,
      %get3A_2109 = arith.index_cast %add3A_1966 : i32 to index
      %get3A_2110 = arith.constant 32 : index
      %get3A_2111 = tpu.vector_load %arg14[%get3A_2109, %get3A_2110] {strides = array<i32>} : memref<128x64xf32, #tpu.memory_space<vmem>>, vector<1x16xf32>,
      %get3A_2112 = vector.shape_cast %get3A_2111 : vector<1x16xf32> to vector<16xf32>
      %swap3A_2113 = arith.index_cast %add3A_1966 : i32 to index
      %swap3A_2114 = arith.constant 211 : index
      %swap3A_2115 = tpu.vector_load %arg15[%swap3A_2113, %swap3A_2114] {strides = array<i32>} : memref<128x256xf32, #tpu.memory_space<vmem>>, vector<1x16xf32>,
      %swap3A_2116 = vector.shape_cast %swap3A_2115 : vector<1x16xf32> to vector<16xf32>
      %swap3A_2117 = vector.shape_cast %get3A_2112 : vector<16xf32> to vector<1x16xf32>
      tpu.vector_store %arg15[%swap3A_2113, %swap3A_2114], %swap3A_2117 {strides = array<i32>} : memref<128x256xf32, #tpu.memory_space<vmem>>, vector<1x16xf32>,
      %get3A_2118 = arith.index_cast %add3A_1966 : i32 to index
      %get3A_2119 = arith.constant 48 : index
      %get3A_2120 = tpu.vector_load %arg14[%get3A_2118, %get3A_2119] {strides = array<i32>} : memref<128x64xf32, #tpu.memory_space<vmem>>, vector<1x16xf32>,
      %get3A_2121 = vector.shape_cast %get3A_2120 : vector<1x16xf32> to vector<16xf32>
      %swap3A_2122 = arith.index_cast %add3A_1966 : i32 to index
      %swap3A_2123 = arith.constant 227 : index
      %swap3A_2124 = tpu.vector_load %arg15[%swap3A_2122, %swap3A_2123] {strides = array<i32>} : memref<128x256xf32, #tpu.memory_space<vmem>>, vector<1x16xf32>,
      %swap3A_2125 = vector.shape_cast %swap3A_2124 : vector<1x16xf32> to vector<16xf32>
      %swap3A_2126 = vector.shape_cast %get3A_2121 : vector<16xf32> to vector<1x16xf32>
      tpu.vector_store %arg15[%swap3A_2122, %swap3A_2123], %swap3A_2126 {strides = array<i32>} : memref<128x256xf32, #tpu.memory_space<vmem>>, vector<1x16xf32>,
      %add3A_2127 = arith.constant 13 : i32
      %add3A_2128 = arith.addi %mul3A_23, %add3A_2127 : i32
      %get3A_2129 = arith.index_cast %add3A_2128 : i32 to index
      %get3A_2130 = arith.constant 0 : index
      %get3A_2131 = tpu.vector_load %arg12[%get3A_2129, %get3A_2130] {strides = array<i32>} : memref<128x64xf32, #tpu.memory_space<vmem>>, vector<1x16xf32>,
      %get3A_2132 = vector.shape_cast %get3A_2131 : vector<1x16xf32> to vector<16xf32>
      %swap3A_2133 = arith.index_cast %add3A_2128 : i32 to index
      %swap3A_2134 = arith.constant 0 : index
      %swap3A_2135 = tpu.vector_load %arg15[%swap3A_2133, %swap3A_2134] {strides = array<i32>} : memref<128x256xf32, #tpu.memory_space<vmem>>, vector<1x16xf32>,
      %swap3A_2136 = vector.shape_cast %swap3A_2135 : vector<1x16xf32> to vector<16xf32>
      %swap3A_2137 = vector.shape_cast %get3A_2132 : vector<16xf32> to vector<1x16xf32>
      tpu.vector_store %arg15[%swap3A_2133, %swap3A_2134], %swap3A_2137 {strides = array<i32>} : memref<128x256xf32, #tpu.memory_space<vmem>>, vector<1x16xf32>,
      %get3A_2138 = arith.index_cast %add3A_2128 : i32 to index
      %get3A_2139 = arith.constant 16 : index
      %get3A_2140 = tpu.vector_load %arg12[%get3A_2138, %get3A_2139] {strides = array<i32>} : memref<128x64xf32, #tpu.memory_space<vmem>>, vector<1x16xf32>,
      %get3A_2141 = vector.shape_cast %get3A_2140 : vector<1x16xf32> to vector<16xf32>
      %swap3A_2142 = arith.index_cast %add3A_2128 : i32 to index
      %swap3A_2143 = arith.constant 16 : index
      %swap3A_2144 = tpu.vector_load %arg15[%swap3A_2142, %swap3A_2143] {strides = array<i32>} : memref<128x256xf32, #tpu.memory_space<vmem>>, vector<1x16xf32>,
      %swap3A_2145 = vector.shape_cast %swap3A_2144 : vector<1x16xf32> to vector<16xf32>
      %swap3A_2146 = vector.shape_cast %get3A_2141 : vector<16xf32> to vector<1x16xf32>
      tpu.vector_store %arg15[%swap3A_2142, %swap3A_2143], %swap3A_2146 {strides = array<i32>} : memref<128x256xf32, #tpu.memory_space<vmem>>, vector<1x16xf32>,
      %get3A_2147 = arith.index_cast %add3A_2128 : i32 to index
      %get3A_2148 = arith.constant 32 : index
      %get3A_2149 = tpu.vector_load %arg12[%get3A_2147, %get3A_2148] {strides = array<i32>} : memref<128x64xf32, #tpu.memory_space<vmem>>, vector<1x16xf32>,
      %get3A_2150 = vector.shape_cast %get3A_2149 : vector<1x16xf32> to vector<16xf32>
      %swap3A_2151 = arith.index_cast %add3A_2128 : i32 to index
      %swap3A_2152 = arith.constant 32 : index
      %swap3A_2153 = tpu.vector_load %arg15[%swap3A_2151, %swap3A_2152] {strides = array<i32>} : memref<128x256xf32, #tpu.memory_space<vmem>>, vector<1x16xf32>,
      %swap3A_2154 = vector.shape_cast %swap3A_2153 : vector<1x16xf32> to vector<16xf32>
      %swap3A_2155 = vector.shape_cast %get3A_2150 : vector<16xf32> to vector<1x16xf32>
      tpu.vector_store %arg15[%swap3A_2151, %swap3A_2152], %swap3A_2155 {strides = array<i32>} : memref<128x256xf32, #tpu.memory_space<vmem>>, vector<1x16xf32>,
      %get3A_2156 = arith.index_cast %add3A_2128 : i32 to index
      %get3A_2157 = arith.constant 48 : index
      %get3A_2158 = tpu.vector_load %arg12[%get3A_2156, %get3A_2157] {strides = array<i32>} : memref<128x64xf32, #tpu.memory_space<vmem>>, vector<1x16xf32>,
      %get3A_2159 = vector.shape_cast %get3A_2158 : vector<1x16xf32> to vector<16xf32>
      %swap3A_2160 = arith.index_cast %add3A_2128 : i32 to index
      %swap3A_2161 = arith.constant 48 : index
      %swap3A_2162 = tpu.vector_load %arg15[%swap3A_2160, %swap3A_2161] {strides = array<i32>} : memref<128x256xf32, #tpu.memory_space<vmem>>, vector<1x16xf32>,
      %swap3A_2163 = vector.shape_cast %swap3A_2162 : vector<1x16xf32> to vector<16xf32>
      %swap3A_2164 = vector.shape_cast %get3A_2159 : vector<16xf32> to vector<1x16xf32>
      tpu.vector_store %arg15[%swap3A_2160, %swap3A_2161], %swap3A_2164 {strides = array<i32>} : memref<128x256xf32, #tpu.memory_space<vmem>>, vector<1x16xf32>,
      %get3A_2165 = arith.index_cast %add3A_2128 : i32 to index
      %get3A_2166 = arith.constant 0 : index
      %get3A_2167 = tpu.vector_load %arg13[%get3A_2165, %get3A_2166] {strides = array<i32>} : memref<128x64xf32, #tpu.memory_space<vmem>>, vector<1x16xf32>,
      %get3A_2168 = vector.shape_cast %get3A_2167 : vector<1x16xf32> to vector<16xf32>
      %swap3A_2169 = arith.index_cast %add3A_2128 : i32 to index
      %swap3A_2170 = arith.constant 64 : index
      %swap3A_2171 = tpu.vector_load %arg15[%swap3A_2169, %swap3A_2170] {strides = array<i32>} : memref<128x256xf32, #tpu.memory_space<vmem>>, vector<1x16xf32>,
      %swap3A_2172 = vector.shape_cast %swap3A_2171 : vector<1x16xf32> to vector<16xf32>
      %swap3A_2173 = vector.shape_cast %get3A_2168 : vector<16xf32> to vector<1x16xf32>
      tpu.vector_store %arg15[%swap3A_2169, %swap3A_2170], %swap3A_2173 {strides = array<i32>} : memref<128x256xf32, #tpu.memory_space<vmem>>, vector<1x16xf32>,
      %get3A_2174 = arith.index_cast %add3A_2128 : i32 to index
      %get3A_2175 = arith.constant 16 : index
      %get3A_2176 = tpu.vector_load %arg13[%get3A_2174, %get3A_2175] {strides = array<i32>} : memref<128x64xf32, #tpu.memory_space<vmem>>, vector<1x16xf32>,
      %get3A_2177 = vector.shape_cast %get3A_2176 : vector<1x16xf32> to vector<16xf32>
      %swap3A_2178 = arith.index_cast %add3A_2128 : i32 to index
      %swap3A_2179 = arith.constant 80 : index
      %swap3A_2180 = tpu.vector_load %arg15[%swap3A_2178, %swap3A_2179] {strides = array<i32>} : memref<128x256xf32, #tpu.memory_space<vmem>>, vector<1x16xf32>,
      %swap3A_2181 = vector.shape_cast %swap3A_2180 : vector<1x16xf32> to vector<16xf32>
      %swap3A_2182 = vector.shape_cast %get3A_2177 : vector<16xf32> to vector<1x16xf32>
      tpu.vector_store %arg15[%swap3A_2178, %swap3A_2179], %swap3A_2182 {strides = array<i32>} : memref<128x256xf32, #tpu.memory_space<vmem>>, vector<1x16xf32>,
      %get3A_2183 = arith.index_cast %add3A_2128 : i32 to index
      %get3A_2184 = arith.constant 32 : index
      %get3A_2185 = tpu.vector_load %arg13[%get3A_2183, %get3A_2184] {strides = array<i32>} : memref<128x64xf32, #tpu.memory_space<vmem>>, vector<1x16xf32>,
      %get3A_2186 = vector.shape_cast %get3A_2185 : vector<1x16xf32> to vector<16xf32>
      %swap3A_2187 = arith.index_cast %add3A_2128 : i32 to index
      %swap3A_2188 = arith.constant 96 : index
      %swap3A_2189 = tpu.vector_load %arg15[%swap3A_2187, %swap3A_2188] {strides = array<i32>} : memref<128x256xf32, #tpu.memory_space<vmem>>, vector<1x16xf32>,
      %swap3A_2190 = vector.shape_cast %swap3A_2189 : vector<1x16xf32> to vector<16xf32>
      %swap3A_2191 = vector.shape_cast %get3A_2186 : vector<16xf32> to vector<1x16xf32>
      tpu.vector_store %arg15[%swap3A_2187, %swap3A_2188], %swap3A_2191 {strides = array<i32>} : memref<128x256xf32, #tpu.memory_space<vmem>>, vector<1x16xf32>,
      %get3A_2192 = arith.index_cast %add3A_2128 : i32 to index
      %get3A_2193 = arith.constant 48 : index
      %get3A_2194 = tpu.vector_load %arg13[%get3A_2192, %get3A_2193] {strides = array<i32>} : memref<128x64xf32, #tpu.memory_space<vmem>>, vector<1x16xf32>,
      %get3A_2195 = vector.shape_cast %get3A_2194 : vector<1x16xf32> to vector<16xf32>
      %swap3A_2196 = arith.index_cast %add3A_2128 : i32 to index
      %swap3A_2197 = arith.constant 112 : index
      %swap3A_2198 = tpu.vector_load %arg15[%swap3A_2196, %swap3A_2197] {strides = array<i32>} : memref<128x256xf32, #tpu.memory_space<vmem>>, vector<1x16xf32>,
      %swap3A_2199 = vector.shape_cast %swap3A_2198 : vector<1x16xf32> to vector<16xf32>
      %swap3A_2200 = vector.shape_cast %get3A_2195 : vector<16xf32> to vector<1x16xf32>
      tpu.vector_store %arg15[%swap3A_2196, %swap3A_2197], %swap3A_2200 {strides = array<i32>} : memref<128x256xf32, #tpu.memory_space<vmem>>, vector<1x16xf32>,
      %add3A_2201 = arith.constant 0 : i32
      %add3A_2202 = vector.broadcast %add3A_2201 : i32 to vector<16xi32>
      %add3A_2203 = arith.addi %iota3A, %add3A_2202 : vector<16xi32>
      %slice3A_2204 = vector.extract_strided_slice %get3A_25 {offsets = [13], sizes = [1], strides = [1]} : vector<16xi32> to vector<1xi32>
      %squeeze3A_2205 = vector.extract %slice3A_2204[0] : i32 from vector<1xi32>
      %eq3A_2206 = vector.broadcast %squeeze3A_2205 : i32 to vector<16xi32>
      %eq3A_2207 = arith.cmpi eq, %add3A_2203, %eq3A_2206 : vector<16xi32>
      %select_n3A_2208 = arith.select %eq3A_2207, %broadcast_in_dim3A_13, %broadcast_in_dim3A_15 : vector<16xi1>, vector<16xf32>
      %swap3A_2209 = arith.index_cast %add3A_2128 : i32 to index
      %swap3A_2210 = arith.constant 128 : index
      %swap3A_2211 = tpu.vector_load %arg15[%swap3A_2209, %swap3A_2210] {strides = array<i32>} : memref<128x256xf32, #tpu.memory_space<vmem>>, vector<1x16xf32>,
      %swap3A_2212 = vector.shape_cast %swap3A_2211 : vector<1x16xf32> to vector<16xf32>
      %swap3A_2213 = vector.shape_cast %select_n3A_2208 : vector<16xf32> to vector<1x16xf32>
      tpu.vector_store %arg15[%swap3A_2209, %swap3A_2210], %swap3A_2213 {strides = array<i32>} : memref<128x256xf32, #tpu.memory_space<vmem>>, vector<1x16xf32>,
      %add3A_2214 = arith.constant 16 : i32
      %add3A_2215 = vector.broadcast %add3A_2214 : i32 to vector<16xi32>
      %add3A_2216 = arith.addi %iota3A, %add3A_2215 : vector<16xi32>
      %slice3A_2217 = vector.extract_strided_slice %get3A_25 {offsets = [13], sizes = [1], strides = [1]} : vector<16xi32> to vector<1xi32>
      %squeeze3A_2218 = vector.extract %slice3A_2217[0] : i32 from vector<1xi32>
      %eq3A_2219 = vector.broadcast %squeeze3A_2218 : i32 to vector<16xi32>
      %eq3A_2220 = arith.cmpi eq, %add3A_2216, %eq3A_2219 : vector<16xi32>
      %select_n3A_2221 = arith.select %eq3A_2220, %broadcast_in_dim3A_13, %broadcast_in_dim3A_15 : vector<16xi1>, vector<16xf32>
      %swap3A_2222 = arith.index_cast %add3A_2128 : i32 to index
      %swap3A_2223 = arith.constant 144 : index
      %swap3A_2224 = tpu.vector_load %arg15[%swap3A_2222, %swap3A_2223] {strides = array<i32>} : memref<128x256xf32, #tpu.memory_space<vmem>>, vector<1x16xf32>,
      %swap3A_2225 = vector.shape_cast %swap3A_2224 : vector<1x16xf32> to vector<16xf32>
      %swap3A_2226 = vector.shape_cast %select_n3A_2221 : vector<16xf32> to vector<1x16xf32>
      tpu.vector_store %arg15[%swap3A_2222, %swap3A_2223], %swap3A_2226 {strides = array<i32>} : memref<128x256xf32, #tpu.memory_space<vmem>>, vector<1x16xf32>,
      %add3A_2227 = arith.constant 32 : i32
      %add3A_2228 = vector.broadcast %add3A_2227 : i32 to vector<16xi32>
      %add3A_2229 = arith.addi %iota3A, %add3A_2228 : vector<16xi32>
      %slice3A_2230 = vector.extract_strided_slice %get3A_25 {offsets = [13], sizes = [1], strides = [1]} : vector<16xi32> to vector<1xi32>
      %squeeze3A_2231 = vector.extract %slice3A_2230[0] : i32 from vector<1xi32>
      %eq3A_2232 = vector.broadcast %squeeze3A_2231 : i32 to vector<16xi32>
      %eq3A_2233 = arith.cmpi eq, %add3A_2229, %eq3A_2232 : vector<16xi32>
      %select_n3A_2234 = arith.select %eq3A_2233, %broadcast_in_dim3A_13, %broadcast_in_dim3A_15 : vector<16xi1>, vector<16xf32>
      %swap3A_2235 = arith.index_cast %add3A_2128 : i32 to index
      %swap3A_2236 = arith.constant 160 : index
      %swap3A_2237 = tpu.vector_load %arg15[%swap3A_2235, %swap3A_2236] {strides = array<i32>} : memref<128x256xf32, #tpu.memory_space<vmem>>, vector<1x16xf32>,
      %swap3A_2238 = vector.shape_cast %swap3A_2237 : vector<1x16xf32> to vector<16xf32>
      %swap3A_2239 = vector.shape_cast %select_n3A_2234 : vector<16xf32> to vector<1x16xf32>
      tpu.vector_store %arg15[%swap3A_2235, %swap3A_2236], %swap3A_2239 {strides = array<i32>} : memref<128x256xf32, #tpu.memory_space<vmem>>, vector<1x16xf32>,
      %add3A_2240 = arith.constant 48 : i32
      %add3A_2241 = vector.broadcast %add3A_2240 : i32 to vector<16xi32>
      %add3A_2242 = arith.addi %iota3A, %add3A_2241 : vector<16xi32>
      %slice3A_2243 = vector.extract_strided_slice %get3A_25 {offsets = [13], sizes = [1], strides = [1]} : vector<16xi32> to vector<1xi32>
      %squeeze3A_2244 = vector.extract %slice3A_2243[0] : i32 from vector<1xi32>
      %eq3A_2245 = vector.broadcast %squeeze3A_2244 : i32 to vector<16xi32>
      %eq3A_2246 = arith.cmpi eq, %add3A_2242, %eq3A_2245 : vector<16xi32>
      %select_n3A_2247 = arith.select %eq3A_2246, %broadcast_in_dim3A_13, %broadcast_in_dim3A_15 : vector<16xi1>, vector<16xf32>
      %swap3A_2248 = arith.index_cast %add3A_2128 : i32 to index
      %swap3A_2249 = arith.constant 176 : index
      %swap3A_2250 = tpu.vector_load %arg15[%swap3A_2248, %swap3A_2249] {strides = array<i32>} : memref<128x256xf32, #tpu.memory_space<vmem>>, vector<1x16xf32>,
      %swap3A_2251 = vector.shape_cast %swap3A_2250 : vector<1x16xf32> to vector<16xf32>
      %swap3A_2252 = vector.shape_cast %select_n3A_2247 : vector<16xf32> to vector<1x16xf32>
      tpu.vector_store %arg15[%swap3A_2248, %swap3A_2249], %swap3A_2252 {strides = array<i32>} : memref<128x256xf32, #tpu.memory_space<vmem>>, vector<1x16xf32>,
      %get3A_2253 = arith.index_cast %add3A_2128 : i32 to index
      %get3A_2254 = arith.constant 0 : index
      %get3A_2255 = tpu.vector_load %arg14[%get3A_2253, %get3A_2254] {strides = array<i32>} : memref<128x64xf32, #tpu.memory_space<vmem>>, vector<1x16xf32>,
      %get3A_2256 = vector.shape_cast %get3A_2255 : vector<1x16xf32> to vector<16xf32>
      %swap3A_2257 = arith.index_cast %add3A_2128 : i32 to index
      %swap3A_2258 = arith.constant 179 : index
      %swap3A_2259 = tpu.vector_load %arg15[%swap3A_2257, %swap3A_2258] {strides = array<i32>} : memref<128x256xf32, #tpu.memory_space<vmem>>, vector<1x16xf32>,
      %swap3A_2260 = vector.shape_cast %swap3A_2259 : vector<1x16xf32> to vector<16xf32>
      %swap3A_2261 = vector.shape_cast %get3A_2256 : vector<16xf32> to vector<1x16xf32>
      tpu.vector_store %arg15[%swap3A_2257, %swap3A_2258], %swap3A_2261 {strides = array<i32>} : memref<128x256xf32, #tpu.memory_space<vmem>>, vector<1x16xf32>,
      %get3A_2262 = arith.index_cast %add3A_2128 : i32 to index
      %get3A_2263 = arith.constant 16 : index
      %get3A_2264 = tpu.vector_load %arg14[%get3A_2262, %get3A_2263] {strides = array<i32>} : memref<128x64xf32, #tpu.memory_space<vmem>>, vector<1x16xf32>,
      %get3A_2265 = vector.shape_cast %get3A_2264 : vector<1x16xf32> to vector<16xf32>
      %swap3A_2266 = arith.index_cast %add3A_2128 : i32 to index
      %swap3A_2267 = arith.constant 195 : index
      %swap3A_2268 = tpu.vector_load %arg15[%swap3A_2266, %swap3A_2267] {strides = array<i32>} : memref<128x256xf32, #tpu.memory_space<vmem>>, vector<1x16xf32>,
      %swap3A_2269 = vector.shape_cast %swap3A_2268 : vector<1x16xf32> to vector<16xf32>
      %swap3A_2270 = vector.shape_cast %get3A_2265 : vector<16xf32> to vector<1x16xf32>
      tpu.vector_store %arg15[%swap3A_2266, %swap3A_2267], %swap3A_2270 {strides = array<i32>} : memref<128x256xf32, #tpu.memory_space<vmem>>, vector<1x16xf32>,
      %get3A_2271 = arith.index_cast %add3A_2128 : i32 to index
      %get3A_2272 = arith.constant 32 : index
      %get3A_2273 = tpu.vector_load %arg14[%get3A_2271, %get3A_2272] {strides = array<i32>} : memref<128x64xf32, #tpu.memory_space<vmem>>, vector<1x16xf32>,
      %get3A_2274 = vector.shape_cast %get3A_2273 : vector<1x16xf32> to vector<16xf32>
      %swap3A_2275 = arith.index_cast %add3A_2128 : i32 to index
      %swap3A_2276 = arith.constant 211 : index
      %swap3A_2277 = tpu.vector_load %arg15[%swap3A_2275, %swap3A_2276] {strides = array<i32>} : memref<128x256xf32, #tpu.memory_space<vmem>>, vector<1x16xf32>,
      %swap3A_2278 = vector.shape_cast %swap3A_2277 : vector<1x16xf32> to vector<16xf32>
      %swap3A_2279 = vector.shape_cast %get3A_2274 : vector<16xf32> to vector<1x16xf32>
      tpu.vector_store %arg15[%swap3A_2275, %swap3A_2276], %swap3A_2279 {strides = array<i32>} : memref<128x256xf32, #tpu.memory_space<vmem>>, vector<1x16xf32>,
      %get3A_2280 = arith.index_cast %add3A_2128 : i32 to index
      %get3A_2281 = arith.constant 48 : index
      %get3A_2282 = tpu.vector_load %arg14[%get3A_2280, %get3A_2281] {strides = array<i32>} : memref<128x64xf32, #tpu.memory_space<vmem>>, vector<1x16xf32>,
      %get3A_2283 = vector.shape_cast %get3A_2282 : vector<1x16xf32> to vector<16xf32>
      %swap3A_2284 = arith.index_cast %add3A_2128 : i32 to index
      %swap3A_2285 = arith.constant 227 : index
      %swap3A_2286 = tpu.vector_load %arg15[%swap3A_2284, %swap3A_2285] {strides = array<i32>} : memref<128x256xf32, #tpu.memory_space<vmem>>, vector<1x16xf32>,
      %swap3A_2287 = vector.shape_cast %swap3A_2286 : vector<1x16xf32> to vector<16xf32>
      %swap3A_2288 = vector.shape_cast %get3A_2283 : vector<16xf32> to vector<1x16xf32>
      tpu.vector_store %arg15[%swap3A_2284, %swap3A_2285], %swap3A_2288 {strides = array<i32>} : memref<128x256xf32, #tpu.memory_space<vmem>>, vector<1x16xf32>,
      %add3A_2289 = arith.constant 14 : i32
      %add3A_2290 = arith.addi %mul3A_23, %add3A_2289 : i32
      %get3A_2291 = arith.index_cast %add3A_2290 : i32 to index
      %get3A_2292 = arith.constant 0 : index
      %get3A_2293 = tpu.vector_load %arg12[%get3A_2291, %get3A_2292] {strides = array<i32>} : memref<128x64xf32, #tpu.memory_space<vmem>>, vector<1x16xf32>,
      %get3A_2294 = vector.shape_cast %get3A_2293 : vector<1x16xf32> to vector<16xf32>
      %swap3A_2295 = arith.index_cast %add3A_2290 : i32 to index
      %swap3A_2296 = arith.constant 0 : index
      %swap3A_2297 = tpu.vector_load %arg15[%swap3A_2295, %swap3A_2296] {strides = array<i32>} : memref<128x256xf32, #tpu.memory_space<vmem>>, vector<1x16xf32>,
      %swap3A_2298 = vector.shape_cast %swap3A_2297 : vector<1x16xf32> to vector<16xf32>
      %swap3A_2299 = vector.shape_cast %get3A_2294 : vector<16xf32> to vector<1x16xf32>
      tpu.vector_store %arg15[%swap3A_2295, %swap3A_2296], %swap3A_2299 {strides = array<i32>} : memref<128x256xf32, #tpu.memory_space<vmem>>, vector<1x16xf32>,
      %get3A_2300 = arith.index_cast %add3A_2290 : i32 to index
      %get3A_2301 = arith.constant 16 : index
      %get3A_2302 = tpu.vector_load %arg12[%get3A_2300, %get3A_2301] {strides = array<i32>} : memref<128x64xf32, #tpu.memory_space<vmem>>, vector<1x16xf32>,
      %get3A_2303 = vector.shape_cast %get3A_2302 : vector<1x16xf32> to vector<16xf32>
      %swap3A_2304 = arith.index_cast %add3A_2290 : i32 to index
      %swap3A_2305 = arith.constant 16 : index
      %swap3A_2306 = tpu.vector_load %arg15[%swap3A_2304, %swap3A_2305] {strides = array<i32>} : memref<128x256xf32, #tpu.memory_space<vmem>>, vector<1x16xf32>,
      %swap3A_2307 = vector.shape_cast %swap3A_2306 : vector<1x16xf32> to vector<16xf32>
      %swap3A_2308 = vector.shape_cast %get3A_2303 : vector<16xf32> to vector<1x16xf32>
      tpu.vector_store %arg15[%swap3A_2304, %swap3A_2305], %swap3A_2308 {strides = array<i32>} : memref<128x256xf32, #tpu.memory_space<vmem>>, vector<1x16xf32>,
      %get3A_2309 = arith.index_cast %add3A_2290 : i32 to index
      %get3A_2310 = arith.constant 32 : index
      %get3A_2311 = tpu.vector_load %arg12[%get3A_2309, %get3A_2310] {strides = array<i32>} : memref<128x64xf32, #tpu.memory_space<vmem>>, vector<1x16xf32>,
      %get3A_2312 = vector.shape_cast %get3A_2311 : vector<1x16xf32> to vector<16xf32>
      %swap3A_2313 = arith.index_cast %add3A_2290 : i32 to index
      %swap3A_2314 = arith.constant 32 : index
      %swap3A_2315 = tpu.vector_load %arg15[%swap3A_2313, %swap3A_2314] {strides = array<i32>} : memref<128x256xf32, #tpu.memory_space<vmem>>, vector<1x16xf32>,
      %swap3A_2316 = vector.shape_cast %swap3A_2315 : vector<1x16xf32> to vector<16xf32>
      %swap3A_2317 = vector.shape_cast %get3A_2312 : vector<16xf32> to vector<1x16xf32>
      tpu.vector_store %arg15[%swap3A_2313, %swap3A_2314], %swap3A_2317 {strides = array<i32>} : memref<128x256xf32, #tpu.memory_space<vmem>>, vector<1x16xf32>,
      %get3A_2318 = arith.index_cast %add3A_2290 : i32 to index
      %get3A_2319 = arith.constant 48 : index
      %get3A_2320 = tpu.vector_load %arg12[%get3A_2318, %get3A_2319] {strides = array<i32>} : memref<128x64xf32, #tpu.memory_space<vmem>>, vector<1x16xf32>,
      %get3A_2321 = vector.shape_cast %get3A_2320 : vector<1x16xf32> to vector<16xf32>
      %swap3A_2322 = arith.index_cast %add3A_2290 : i32 to index
      %swap3A_2323 = arith.constant 48 : index
      %swap3A_2324 = tpu.vector_load %arg15[%swap3A_2322, %swap3A_2323] {strides = array<i32>} : memref<128x256xf32, #tpu.memory_space<vmem>>, vector<1x16xf32>,
      %swap3A_2325 = vector.shape_cast %swap3A_2324 : vector<1x16xf32> to vector<16xf32>
      %swap3A_2326 = vector.shape_cast %get3A_2321 : vector<16xf32> to vector<1x16xf32>
      tpu.vector_store %arg15[%swap3A_2322, %swap3A_2323], %swap3A_2326 {strides = array<i32>} : memref<128x256xf32, #tpu.memory_space<vmem>>, vector<1x16xf32>,
      %get3A_2327 = arith.index_cast %add3A_2290 : i32 to index
      %get3A_2328 = arith.constant 0 : index
      %get3A_2329 = tpu.vector_load %arg13[%get3A_2327, %get3A_2328] {strides = array<i32>} : memref<128x64xf32, #tpu.memory_space<vmem>>, vector<1x16xf32>,
      %get3A_2330 = vector.shape_cast %get3A_2329 : vector<1x16xf32> to vector<16xf32>
      %swap3A_2331 = arith.index_cast %add3A_2290 : i32 to index
      %swap3A_2332 = arith.constant 64 : index
      %swap3A_2333 = tpu.vector_load %arg15[%swap3A_2331, %swap3A_2332] {strides = array<i32>} : memref<128x256xf32, #tpu.memory_space<vmem>>, vector<1x16xf32>,
      %swap3A_2334 = vector.shape_cast %swap3A_2333 : vector<1x16xf32> to vector<16xf32>
      %swap3A_2335 = vector.shape_cast %get3A_2330 : vector<16xf32> to vector<1x16xf32>
      tpu.vector_store %arg15[%swap3A_2331, %swap3A_2332], %swap3A_2335 {strides = array<i32>} : memref<128x256xf32, #tpu.memory_space<vmem>>, vector<1x16xf32>,
      %get3A_2336 = arith.index_cast %add3A_2290 : i32 to index
      %get3A_2337 = arith.constant 16 : index
      %get3A_2338 = tpu.vector_load %arg13[%get3A_2336, %get3A_2337] {strides = array<i32>} : memref<128x64xf32, #tpu.memory_space<vmem>>, vector<1x16xf32>,
      %get3A_2339 = vector.shape_cast %get3A_2338 : vector<1x16xf32> to vector<16xf32>
      %swap3A_2340 = arith.index_cast %add3A_2290 : i32 to index
      %swap3A_2341 = arith.constant 80 : index
      %swap3A_2342 = tpu.vector_load %arg15[%swap3A_2340, %swap3A_2341] {strides = array<i32>} : memref<128x256xf32, #tpu.memory_space<vmem>>, vector<1x16xf32>,
      %swap3A_2343 = vector.shape_cast %swap3A_2342 : vector<1x16xf32> to vector<16xf32>
      %swap3A_2344 = vector.shape_cast %get3A_2339 : vector<16xf32> to vector<1x16xf32>
      tpu.vector_store %arg15[%swap3A_2340, %swap3A_2341], %swap3A_2344 {strides = array<i32>} : memref<128x256xf32, #tpu.memory_space<vmem>>, vector<1x16xf32>,
      %get3A_2345 = arith.index_cast %add3A_2290 : i32 to index
      %get3A_2346 = arith.constant 32 : index
      %get3A_2347 = tpu.vector_load %arg13[%get3A_2345, %get3A_2346] {strides = array<i32>} : memref<128x64xf32, #tpu.memory_space<vmem>>, vector<1x16xf32>,
      %get3A_2348 = vector.shape_cast %get3A_2347 : vector<1x16xf32> to vector<16xf32>
      %swap3A_2349 = arith.index_cast %add3A_2290 : i32 to index
      %swap3A_2350 = arith.constant 96 : index
      %swap3A_2351 = tpu.vector_load %arg15[%swap3A_2349, %swap3A_2350] {strides = array<i32>} : memref<128x256xf32, #tpu.memory_space<vmem>>, vector<1x16xf32>,
      %swap3A_2352 = vector.shape_cast %swap3A_2351 : vector<1x16xf32> to vector<16xf32>
      %swap3A_2353 = vector.shape_cast %get3A_2348 : vector<16xf32> to vector<1x16xf32>
      tpu.vector_store %arg15[%swap3A_2349, %swap3A_2350], %swap3A_2353 {strides = array<i32>} : memref<128x256xf32, #tpu.memory_space<vmem>>, vector<1x16xf32>,
      %get3A_2354 = arith.index_cast %add3A_2290 : i32 to index
      %get3A_2355 = arith.constant 48 : index
      %get3A_2356 = tpu.vector_load %arg13[%get3A_2354, %get3A_2355] {strides = array<i32>} : memref<128x64xf32, #tpu.memory_space<vmem>>, vector<1x16xf32>,
      %get3A_2357 = vector.shape_cast %get3A_2356 : vector<1x16xf32> to vector<16xf32>
      %swap3A_2358 = arith.index_cast %add3A_2290 : i32 to index
      %swap3A_2359 = arith.constant 112 : index
      %swap3A_2360 = tpu.vector_load %arg15[%swap3A_2358, %swap3A_2359] {strides = array<i32>} : memref<128x256xf32, #tpu.memory_space<vmem>>, vector<1x16xf32>,
      %swap3A_2361 = vector.shape_cast %swap3A_2360 : vector<1x16xf32> to vector<16xf32>
      %swap3A_2362 = vector.shape_cast %get3A_2357 : vector<16xf32> to vector<1x16xf32>
      tpu.vector_store %arg15[%swap3A_2358, %swap3A_2359], %swap3A_2362 {strides = array<i32>} : memref<128x256xf32, #tpu.memory_space<vmem>>, vector<1x16xf32>,
      %add3A_2363 = arith.constant 0 : i32
      %add3A_2364 = vector.broadcast %add3A_2363 : i32 to vector<16xi32>
      %add3A_2365 = arith.addi %iota3A, %add3A_2364 : vector<16xi32>
      %slice3A_2366 = vector.extract_strided_slice %get3A_25 {offsets = [14], sizes = [1], strides = [1]} : vector<16xi32> to vector<1xi32>
      %squeeze3A_2367 = vector.extract %slice3A_2366[0] : i32 from vector<1xi32>
      %eq3A_2368 = vector.broadcast %squeeze3A_2367 : i32 to vector<16xi32>
      %eq3A_2369 = arith.cmpi eq, %add3A_2365, %eq3A_2368 : vector<16xi32>
      %select_n3A_2370 = arith.select %eq3A_2369, %broadcast_in_dim3A_13, %broadcast_in_dim3A_15 : vector<16xi1>, vector<16xf32>
      %swap3A_2371 = arith.index_cast %add3A_2290 : i32 to index
      %swap3A_2372 = arith.constant 128 : index
      %swap3A_2373 = tpu.vector_load %arg15[%swap3A_2371, %swap3A_2372] {strides = array<i32>} : memref<128x256xf32, #tpu.memory_space<vmem>>, vector<1x16xf32>,
      %swap3A_2374 = vector.shape_cast %swap3A_2373 : vector<1x16xf32> to vector<16xf32>
      %swap3A_2375 = vector.shape_cast %select_n3A_2370 : vector<16xf32> to vector<1x16xf32>
      tpu.vector_store %arg15[%swap3A_2371, %swap3A_2372], %swap3A_2375 {strides = array<i32>} : memref<128x256xf32, #tpu.memory_space<vmem>>, vector<1x16xf32>,
      %add3A_2376 = arith.constant 16 : i32
      %add3A_2377 = vector.broadcast %add3A_2376 : i32 to vector<16xi32>
      %add3A_2378 = arith.addi %iota3A, %add3A_2377 : vector<16xi32>
      %slice3A_2379 = vector.extract_strided_slice %get3A_25 {offsets = [14], sizes = [1], strides = [1]} : vector<16xi32> to vector<1xi32>
      %squeeze3A_2380 = vector.extract %slice3A_2379[0] : i32 from vector<1xi32>
      %eq3A_2381 = vector.broadcast %squeeze3A_2380 : i32 to vector<16xi32>
      %eq3A_2382 = arith.cmpi eq, %add3A_2378, %eq3A_2381 : vector<16xi32>
      %select_n3A_2383 = arith.select %eq3A_2382, %broadcast_in_dim3A_13, %broadcast_in_dim3A_15 : vector<16xi1>, vector<16xf32>
      %swap3A_2384 = arith.index_cast %add3A_2290 : i32 to index
      %swap3A_2385 = arith.constant 144 : index
      %swap3A_2386 = tpu.vector_load %arg15[%swap3A_2384, %swap3A_2385] {strides = array<i32>} : memref<128x256xf32, #tpu.memory_space<vmem>>, vector<1x16xf32>,
      %swap3A_2387 = vector.shape_cast %swap3A_2386 : vector<1x16xf32> to vector<16xf32>
      %swap3A_2388 = vector.shape_cast %select_n3A_2383 : vector<16xf32> to vector<1x16xf32>
      tpu.vector_store %arg15[%swap3A_2384, %swap3A_2385], %swap3A_2388 {strides = array<i32>} : memref<128x256xf32, #tpu.memory_space<vmem>>, vector<1x16xf32>,
      %add3A_2389 = arith.constant 32 : i32
      %add3A_2390 = vector.broadcast %add3A_2389 : i32 to vector<16xi32>
      %add3A_2391 = arith.addi %iota3A, %add3A_2390 : vector<16xi32>
      %slice3A_2392 = vector.extract_strided_slice %get3A_25 {offsets = [14], sizes = [1], strides = [1]} : vector<16xi32> to vector<1xi32>
      %squeeze3A_2393 = vector.extract %slice3A_2392[0] : i32 from vector<1xi32>
      %eq3A_2394 = vector.broadcast %squeeze3A_2393 : i32 to vector<16xi32>
      %eq3A_2395 = arith.cmpi eq, %add3A_2391, %eq3A_2394 : vector<16xi32>
      %select_n3A_2396 = arith.select %eq3A_2395, %broadcast_in_dim3A_13, %broadcast_in_dim3A_15 : vector<16xi1>, vector<16xf32>
      %swap3A_2397 = arith.index_cast %add3A_2290 : i32 to index
      %swap3A_2398 = arith.constant 160 : index
      %swap3A_2399 = tpu.vector_load %arg15[%swap3A_2397, %swap3A_2398] {strides = array<i32>} : memref<128x256xf32, #tpu.memory_space<vmem>>, vector<1x16xf32>,
      %swap3A_2400 = vector.shape_cast %swap3A_2399 : vector<1x16xf32> to vector<16xf32>
      %swap3A_2401 = vector.shape_cast %select_n3A_2396 : vector<16xf32> to vector<1x16xf32>
      tpu.vector_store %arg15[%swap3A_2397, %swap3A_2398], %swap3A_2401 {strides = array<i32>} : memref<128x256xf32, #tpu.memory_space<vmem>>, vector<1x16xf32>,
      %add3A_2402 = arith.constant 48 : i32
      %add3A_2403 = vector.broadcast %add3A_2402 : i32 to vector<16xi32>
      %add3A_2404 = arith.addi %iota3A, %add3A_2403 : vector<16xi32>
      %slice3A_2405 = vector.extract_strided_slice %get3A_25 {offsets = [14], sizes = [1], strides = [1]} : vector<16xi32> to vector<1xi32>
      %squeeze3A_2406 = vector.extract %slice3A_2405[0] : i32 from vector<1xi32>
      %eq3A_2407 = vector.broadcast %squeeze3A_2406 : i32 to vector<16xi32>
      %eq3A_2408 = arith.cmpi eq, %add3A_2404, %eq3A_2407 : vector<16xi32>
      %select_n3A_2409 = arith.select %eq3A_2408, %broadcast_in_dim3A_13, %broadcast_in_dim3A_15 : vector<16xi1>, vector<16xf32>
      %swap3A_2410 = arith.index_cast %add3A_2290 : i32 to index
      %swap3A_2411 = arith.constant 176 : index
      %swap3A_2412 = tpu.vector_load %arg15[%swap3A_2410, %swap3A_2411] {strides = array<i32>} : memref<128x256xf32, #tpu.memory_space<vmem>>, vector<1x16xf32>,
      %swap3A_2413 = vector.shape_cast %swap3A_2412 : vector<1x16xf32> to vector<16xf32>
      %swap3A_2414 = vector.shape_cast %select_n3A_2409 : vector<16xf32> to vector<1x16xf32>
      tpu.vector_store %arg15[%swap3A_2410, %swap3A_2411], %swap3A_2414 {strides = array<i32>} : memref<128x256xf32, #tpu.memory_space<vmem>>, vector<1x16xf32>,
      %get3A_2415 = arith.index_cast %add3A_2290 : i32 to index
      %get3A_2416 = arith.constant 0 : index
      %get3A_2417 = tpu.vector_load %arg14[%get3A_2415, %get3A_2416] {strides = array<i32>} : memref<128x64xf32, #tpu.memory_space<vmem>>, vector<1x16xf32>,
      %get3A_2418 = vector.shape_cast %get3A_2417 : vector<1x16xf32> to vector<16xf32>
      %swap3A_2419 = arith.index_cast %add3A_2290 : i32 to index
      %swap3A_2420 = arith.constant 179 : index
      %swap3A_2421 = tpu.vector_load %arg15[%swap3A_2419, %swap3A_2420] {strides = array<i32>} : memref<128x256xf32, #tpu.memory_space<vmem>>, vector<1x16xf32>,
      %swap3A_2422 = vector.shape_cast %swap3A_2421 : vector<1x16xf32> to vector<16xf32>
      %swap3A_2423 = vector.shape_cast %get3A_2418 : vector<16xf32> to vector<1x16xf32>
      tpu.vector_store %arg15[%swap3A_2419, %swap3A_2420], %swap3A_2423 {strides = array<i32>} : memref<128x256xf32, #tpu.memory_space<vmem>>, vector<1x16xf32>,
      %get3A_2424 = arith.index_cast %add3A_2290 : i32 to index
      %get3A_2425 = arith.constant 16 : index
      %get3A_2426 = tpu.vector_load %arg14[%get3A_2424, %get3A_2425] {strides = array<i32>} : memref<128x64xf32, #tpu.memory_space<vmem>>, vector<1x16xf32>,
      %get3A_2427 = vector.shape_cast %get3A_2426 : vector<1x16xf32> to vector<16xf32>
      %swap3A_2428 = arith.index_cast %add3A_2290 : i32 to index
      %swap3A_2429 = arith.constant 195 : index
      %swap3A_2430 = tpu.vector_load %arg15[%swap3A_2428, %swap3A_2429] {strides = array<i32>} : memref<128x256xf32, #tpu.memory_space<vmem>>, vector<1x16xf32>,
      %swap3A_2431 = vector.shape_cast %swap3A_2430 : vector<1x16xf32> to vector<16xf32>
      %swap3A_2432 = vector.shape_cast %get3A_2427 : vector<16xf32> to vector<1x16xf32>
      tpu.vector_store %arg15[%swap3A_2428, %swap3A_2429], %swap3A_2432 {strides = array<i32>} : memref<128x256xf32, #tpu.memory_space<vmem>>, vector<1x16xf32>,
      %get3A_2433 = arith.index_cast %add3A_2290 : i32 to index
      %get3A_2434 = arith.constant 32 : index
      %get3A_2435 = tpu.vector_load %arg14[%get3A_2433, %get3A_2434] {strides = array<i32>} : memref<128x64xf32, #tpu.memory_space<vmem>>, vector<1x16xf32>,
      %get3A_2436 = vector.shape_cast %get3A_2435 : vector<1x16xf32> to vector<16xf32>
      %swap3A_2437 = arith.index_cast %add3A_2290 : i32 to index
      %swap3A_2438 = arith.constant 211 : index
      %swap3A_2439 = tpu.vector_load %arg15[%swap3A_2437, %swap3A_2438] {strides = array<i32>} : memref<128x256xf32, #tpu.memory_space<vmem>>, vector<1x16xf32>,
      %swap3A_2440 = vector.shape_cast %swap3A_2439 : vector<1x16xf32> to vector<16xf32>
      %swap3A_2441 = vector.shape_cast %get3A_2436 : vector<16xf32> to vector<1x16xf32>
      tpu.vector_store %arg15[%swap3A_2437, %swap3A_2438], %swap3A_2441 {strides = array<i32>} : memref<128x256xf32, #tpu.memory_space<vmem>>, vector<1x16xf32>,
      %get3A_2442 = arith.index_cast %add3A_2290 : i32 to index
      %get3A_2443 = arith.constant 48 : index
      %get3A_2444 = tpu.vector_load %arg14[%get3A_2442, %get3A_2443] {strides = array<i32>} : memref<128x64xf32, #tpu.memory_space<vmem>>, vector<1x16xf32>,
      %get3A_2445 = vector.shape_cast %get3A_2444 : vector<1x16xf32> to vector<16xf32>
      %swap3A_2446 = arith.index_cast %add3A_2290 : i32 to index
      %swap3A_2447 = arith.constant 227 : index
      %swap3A_2448 = tpu.vector_load %arg15[%swap3A_2446, %swap3A_2447] {strides = array<i32>} : memref<128x256xf32, #tpu.memory_space<vmem>>, vector<1x16xf32>,
      %swap3A_2449 = vector.shape_cast %swap3A_2448 : vector<1x16xf32> to vector<16xf32>
      %swap3A_2450 = vector.shape_cast %get3A_2445 : vector<16xf32> to vector<1x16xf32>
      tpu.vector_store %arg15[%swap3A_2446, %swap3A_2447], %swap3A_2450 {strides = array<i32>} : memref<128x256xf32, #tpu.memory_space<vmem>>, vector<1x16xf32>,
      %add3A_2451 = arith.constant 15 : i32
      %add3A_2452 = arith.addi %mul3A_23, %add3A_2451 : i32
      %get3A_2453 = arith.index_cast %add3A_2452 : i32 to index
      %get3A_2454 = arith.constant 0 : index
      %get3A_2455 = tpu.vector_load %arg12[%get3A_2453, %get3A_2454] {strides = array<i32>} : memref<128x64xf32, #tpu.memory_space<vmem>>, vector<1x16xf32>,
      %get3A_2456 = vector.shape_cast %get3A_2455 : vector<1x16xf32> to vector<16xf32>
      %swap3A_2457 = arith.index_cast %add3A_2452 : i32 to index
      %swap3A_2458 = arith.constant 0 : index
      %swap3A_2459 = tpu.vector_load %arg15[%swap3A_2457, %swap3A_2458] {strides = array<i32>} : memref<128x256xf32, #tpu.memory_space<vmem>>, vector<1x16xf32>,
      %swap3A_2460 = vector.shape_cast %swap3A_2459 : vector<1x16xf32> to vector<16xf32>
      %swap3A_2461 = vector.shape_cast %get3A_2456 : vector<16xf32> to vector<1x16xf32>
      tpu.vector_store %arg15[%swap3A_2457, %swap3A_2458], %swap3A_2461 {strides = array<i32>} : memref<128x256xf32, #tpu.memory_space<vmem>>, vector<1x16xf32>,
      %get3A_2462 = arith.index_cast %add3A_2452 : i32 to index
      %get3A_2463 = arith.constant 16 : index
      %get3A_2464 = tpu.vector_load %arg12[%get3A_2462, %get3A_2463] {strides = array<i32>} : memref<128x64xf32, #tpu.memory_space<vmem>>, vector<1x16xf32>,
      %get3A_2465 = vector.shape_cast %get3A_2464 : vector<1x16xf32> to vector<16xf32>
      %swap3A_2466 = arith.index_cast %add3A_2452 : i32 to index
      %swap3A_2467 = arith.constant 16 : index
      %swap3A_2468 = tpu.vector_load %arg15[%swap3A_2466, %swap3A_2467] {strides = array<i32>} : memref<128x256xf32, #tpu.memory_space<vmem>>, vector<1x16xf32>,
      %swap3A_2469 = vector.shape_cast %swap3A_2468 : vector<1x16xf32> to vector<16xf32>
      %swap3A_2470 = vector.shape_cast %get3A_2465 : vector<16xf32> to vector<1x16xf32>
      tpu.vector_store %arg15[%swap3A_2466, %swap3A_2467], %swap3A_2470 {strides = array<i32>} : memref<128x256xf32, #tpu.memory_space<vmem>>, vector<1x16xf32>,
      %get3A_2471 = arith.index_cast %add3A_2452 : i32 to index
      %get3A_2472 = arith.constant 32 : index
      %get3A_2473 = tpu.vector_load %arg12[%get3A_2471, %get3A_2472] {strides = array<i32>} : memref<128x64xf32, #tpu.memory_space<vmem>>, vector<1x16xf32>,
      %get3A_2474 = vector.shape_cast %get3A_2473 : vector<1x16xf32> to vector<16xf32>
      %swap3A_2475 = arith.index_cast %add3A_2452 : i32 to index
      %swap3A_2476 = arith.constant 32 : index
      %swap3A_2477 = tpu.vector_load %arg15[%swap3A_2475, %swap3A_2476] {strides = array<i32>} : memref<128x256xf32, #tpu.memory_space<vmem>>, vector<1x16xf32>,
      %swap3A_2478 = vector.shape_cast %swap3A_2477 : vector<1x16xf32> to vector<16xf32>
      %swap3A_2479 = vector.shape_cast %get3A_2474 : vector<16xf32> to vector<1x16xf32>
      tpu.vector_store %arg15[%swap3A_2475, %swap3A_2476], %swap3A_2479 {strides = array<i32>} : memref<128x256xf32, #tpu.memory_space<vmem>>, vector<1x16xf32>,
      %get3A_2480 = arith.index_cast %add3A_2452 : i32 to index
      %get3A_2481 = arith.constant 48 : index
      %get3A_2482 = tpu.vector_load %arg12[%get3A_2480, %get3A_2481] {strides = array<i32>} : memref<128x64xf32, #tpu.memory_space<vmem>>, vector<1x16xf32>,
      %get3A_2483 = vector.shape_cast %get3A_2482 : vector<1x16xf32> to vector<16xf32>
      %swap3A_2484 = arith.index_cast %add3A_2452 : i32 to index
      %swap3A_2485 = arith.constant 48 : index
      %swap3A_2486 = tpu.vector_load %arg15[%swap3A_2484, %swap3A_2485] {strides = array<i32>} : memref<128x256xf32, #tpu.memory_space<vmem>>, vector<1x16xf32>,
      %swap3A_2487 = vector.shape_cast %swap3A_2486 : vector<1x16xf32> to vector<16xf32>
      %swap3A_2488 = vector.shape_cast %get3A_2483 : vector<16xf32> to vector<1x16xf32>
      tpu.vector_store %arg15[%swap3A_2484, %swap3A_2485], %swap3A_2488 {strides = array<i32>} : memref<128x256xf32, #tpu.memory_space<vmem>>, vector<1x16xf32>,
      %get3A_2489 = arith.index_cast %add3A_2452 : i32 to index
      %get3A_2490 = arith.constant 0 : index
      %get3A_2491 = tpu.vector_load %arg13[%get3A_2489, %get3A_2490] {strides = array<i32>} : memref<128x64xf32, #tpu.memory_space<vmem>>, vector<1x16xf32>,
      %get3A_2492 = vector.shape_cast %get3A_2491 : vector<1x16xf32> to vector<16xf32>
      %swap3A_2493 = arith.index_cast %add3A_2452 : i32 to index
      %swap3A_2494 = arith.constant 64 : index
      %swap3A_2495 = tpu.vector_load %arg15[%swap3A_2493, %swap3A_2494] {strides = array<i32>} : memref<128x256xf32, #tpu.memory_space<vmem>>, vector<1x16xf32>,
      %swap3A_2496 = vector.shape_cast %swap3A_2495 : vector<1x16xf32> to vector<16xf32>
      %swap3A_2497 = vector.shape_cast %get3A_2492 : vector<16xf32> to vector<1x16xf32>
      tpu.vector_store %arg15[%swap3A_2493, %swap3A_2494], %swap3A_2497 {strides = array<i32>} : memref<128x256xf32, #tpu.memory_space<vmem>>, vector<1x16xf32>,
      %get3A_2498 = arith.index_cast %add3A_2452 : i32 to index
      %get3A_2499 = arith.constant 16 : index
      %get3A_2500 = tpu.vector_load %arg13[%get3A_2498, %get3A_2499] {strides = array<i32>} : memref<128x64xf32, #tpu.memory_space<vmem>>, vector<1x16xf32>,
      %get3A_2501 = vector.shape_cast %get3A_2500 : vector<1x16xf32> to vector<16xf32>
      %swap3A_2502 = arith.index_cast %add3A_2452 : i32 to index
      %swap3A_2503 = arith.constant 80 : index
      %swap3A_2504 = tpu.vector_load %arg15[%swap3A_2502, %swap3A_2503] {strides = array<i32>} : memref<128x256xf32, #tpu.memory_space<vmem>>, vector<1x16xf32>,
      %swap3A_2505 = vector.shape_cast %swap3A_2504 : vector<1x16xf32> to vector<16xf32>
      %swap3A_2506 = vector.shape_cast %get3A_2501 : vector<16xf32> to vector<1x16xf32>
      tpu.vector_store %arg15[%swap3A_2502, %swap3A_2503], %swap3A_2506 {strides = array<i32>} : memref<128x256xf32, #tpu.memory_space<vmem>>, vector<1x16xf32>,
      %get3A_2507 = arith.index_cast %add3A_2452 : i32 to index
      %get3A_2508 = arith.constant 32 : index
      %get3A_2509 = tpu.vector_load %arg13[%get3A_2507, %get3A_2508] {strides = array<i32>} : memref<128x64xf32, #tpu.memory_space<vmem>>, vector<1x16xf32>,
      %get3A_2510 = vector.shape_cast %get3A_2509 : vector<1x16xf32> to vector<16xf32>
      %swap3A_2511 = arith.index_cast %add3A_2452 : i32 to index
      %swap3A_2512 = arith.constant 96 : index
      %swap3A_2513 = tpu.vector_load %arg15[%swap3A_2511, %swap3A_2512] {strides = array<i32>} : memref<128x256xf32, #tpu.memory_space<vmem>>, vector<1x16xf32>,
      %swap3A_2514 = vector.shape_cast %swap3A_2513 : vector<1x16xf32> to vector<16xf32>
      %swap3A_2515 = vector.shape_cast %get3A_2510 : vector<16xf32> to vector<1x16xf32>
      tpu.vector_store %arg15[%swap3A_2511, %swap3A_2512], %swap3A_2515 {strides = array<i32>} : memref<128x256xf32, #tpu.memory_space<vmem>>, vector<1x16xf32>,
      %get3A_2516 = arith.index_cast %add3A_2452 : i32 to index
      %get3A_2517 = arith.constant 48 : index
      %get3A_2518 = tpu.vector_load %arg13[%get3A_2516, %get3A_2517] {strides = array<i32>} : memref<128x64xf32, #tpu.memory_space<vmem>>, vector<1x16xf32>,
      %get3A_2519 = vector.shape_cast %get3A_2518 : vector<1x16xf32> to vector<16xf32>
      %swap3A_2520 = arith.index_cast %add3A_2452 : i32 to index
      %swap3A_2521 = arith.constant 112 : index
      %swap3A_2522 = tpu.vector_load %arg15[%swap3A_2520, %swap3A_2521] {strides = array<i32>} : memref<128x256xf32, #tpu.memory_space<vmem>>, vector<1x16xf32>,
      %swap3A_2523 = vector.shape_cast %swap3A_2522 : vector<1x16xf32> to vector<16xf32>
      %swap3A_2524 = vector.shape_cast %get3A_2519 : vector<16xf32> to vector<1x16xf32>
      tpu.vector_store %arg15[%swap3A_2520, %swap3A_2521], %swap3A_2524 {strides = array<i32>} : memref<128x256xf32, #tpu.memory_space<vmem>>, vector<1x16xf32>,
      %add3A_2525 = arith.constant 0 : i32
      %add3A_2526 = vector.broadcast %add3A_2525 : i32 to vector<16xi32>
      %add3A_2527 = arith.addi %iota3A, %add3A_2526 : vector<16xi32>
      %slice3A_2528 = vector.extract_strided_slice %get3A_25 {offsets = [15], sizes = [1], strides = [1]} : vector<16xi32> to vector<1xi32>
      %squeeze3A_2529 = vector.extract %slice3A_2528[0] : i32 from vector<1xi32>
      %eq3A_2530 = vector.broadcast %squeeze3A_2529 : i32 to vector<16xi32>
      %eq3A_2531 = arith.cmpi eq, %add3A_2527, %eq3A_2530 : vector<16xi32>
      %select_n3A_2532 = arith.select %eq3A_2531, %broadcast_in_dim3A_13, %broadcast_in_dim3A_15 : vector<16xi1>, vector<16xf32>
      %swap3A_2533 = arith.index_cast %add3A_2452 : i32 to index
      %swap3A_2534 = arith.constant 128 : index
      %swap3A_2535 = tpu.vector_load %arg15[%swap3A_2533, %swap3A_2534] {strides = array<i32>} : memref<128x256xf32, #tpu.memory_space<vmem>>, vector<1x16xf32>,
      %swap3A_2536 = vector.shape_cast %swap3A_2535 : vector<1x16xf32> to vector<16xf32>
      %swap3A_2537 = vector.shape_cast %select_n3A_2532 : vector<16xf32> to vector<1x16xf32>
      tpu.vector_store %arg15[%swap3A_2533, %swap3A_2534], %swap3A_2537 {strides = array<i32>} : memref<128x256xf32, #tpu.memory_space<vmem>>, vector<1x16xf32>,
      %add3A_2538 = arith.constant 16 : i32
      %add3A_2539 = vector.broadcast %add3A_2538 : i32 to vector<16xi32>
      %add3A_2540 = arith.addi %iota3A, %add3A_2539 : vector<16xi32>
      %slice3A_2541 = vector.extract_strided_slice %get3A_25 {offsets = [15], sizes = [1], strides = [1]} : vector<16xi32> to vector<1xi32>
      %squeeze3A_2542 = vector.extract %slice3A_2541[0] : i32 from vector<1xi32>
      %eq3A_2543 = vector.broadcast %squeeze3A_2542 : i32 to vector<16xi32>
      %eq3A_2544 = arith.cmpi eq, %add3A_2540, %eq3A_2543 : vector<16xi32>
      %select_n3A_2545 = arith.select %eq3A_2544, %broadcast_in_dim3A_13, %broadcast_in_dim3A_15 : vector<16xi1>, vector<16xf32>
      %swap3A_2546 = arith.index_cast %add3A_2452 : i32 to index
      %swap3A_2547 = arith.constant 144 : index
      %swap3A_2548 = tpu.vector_load %arg15[%swap3A_2546, %swap3A_2547] {strides = array<i32>} : memref<128x256xf32, #tpu.memory_space<vmem>>, vector<1x16xf32>,
      %swap3A_2549 = vector.shape_cast %swap3A_2548 : vector<1x16xf32> to vector<16xf32>
      %swap3A_2550 = vector.shape_cast %select_n3A_2545 : vector<16xf32> to vector<1x16xf32>
      tpu.vector_store %arg15[%swap3A_2546, %swap3A_2547], %swap3A_2550 {strides = array<i32>} : memref<128x256xf32, #tpu.memory_space<vmem>>, vector<1x16xf32>,
      %add3A_2551 = arith.constant 32 : i32
      %add3A_2552 = vector.broadcast %add3A_2551 : i32 to vector<16xi32>
      %add3A_2553 = arith.addi %iota3A, %add3A_2552 : vector<16xi32>
      %slice3A_2554 = vector.extract_strided_slice %get3A_25 {offsets = [15], sizes = [1], strides = [1]} : vector<16xi32> to vector<1xi32>
      %squeeze3A_2555 = vector.extract %slice3A_2554[0] : i32 from vector<1xi32>
      %eq3A_2556 = vector.broadcast %squeeze3A_2555 : i32 to vector<16xi32>
      %eq3A_2557 = arith.cmpi eq, %add3A_2553, %eq3A_2556 : vector<16xi32>
      %select_n3A_2558 = arith.select %eq3A_2557, %broadcast_in_dim3A_13, %broadcast_in_dim3A_15 : vector<16xi1>, vector<16xf32>
      %swap3A_2559 = arith.index_cast %add3A_2452 : i32 to index
      %swap3A_2560 = arith.constant 160 : index
      %swap3A_2561 = tpu.vector_load %arg15[%swap3A_2559, %swap3A_2560] {strides = array<i32>} : memref<128x256xf32, #tpu.memory_space<vmem>>, vector<1x16xf32>,
      %swap3A_2562 = vector.shape_cast %swap3A_2561 : vector<1x16xf32> to vector<16xf32>
      %swap3A_2563 = vector.shape_cast %select_n3A_2558 : vector<16xf32> to vector<1x16xf32>
      tpu.vector_store %arg15[%swap3A_2559, %swap3A_2560], %swap3A_2563 {strides = array<i32>} : memref<128x256xf32, #tpu.memory_space<vmem>>, vector<1x16xf32>,
      %add3A_2564 = arith.constant 48 : i32
      %add3A_2565 = vector.broadcast %add3A_2564 : i32 to vector<16xi32>
      %add3A_2566 = arith.addi %iota3A, %add3A_2565 : vector<16xi32>
      %slice3A_2567 = vector.extract_strided_slice %get3A_25 {offsets = [15], sizes = [1], strides = [1]} : vector<16xi32> to vector<1xi32>
      %squeeze3A_2568 = vector.extract %slice3A_2567[0] : i32 from vector<1xi32>
      %eq3A_2569 = vector.broadcast %squeeze3A_2568 : i32 to vector<16xi32>
      %eq3A_2570 = arith.cmpi eq, %add3A_2566, %eq3A_2569 : vector<16xi32>
      %select_n3A_2571 = arith.select %eq3A_2570, %broadcast_in_dim3A_13, %broadcast_in_dim3A_15 : vector<16xi1>, vector<16xf32>
      %swap3A_2572 = arith.index_cast %add3A_2452 : i32 to index
      %swap3A_2573 = arith.constant 176 : index
      %swap3A_2574 = tpu.vector_load %arg15[%swap3A_2572, %swap3A_2573] {strides = array<i32>} : memref<128x256xf32, #tpu.memory_space<vmem>>, vector<1x16xf32>,
      %swap3A_2575 = vector.shape_cast %swap3A_2574 : vector<1x16xf32> to vector<16xf32>
      %swap3A_2576 = vector.shape_cast %select_n3A_2571 : vector<16xf32> to vector<1x16xf32>
      tpu.vector_store %arg15[%swap3A_2572, %swap3A_2573], %swap3A_2576 {strides = array<i32>} : memref<128x256xf32, #tpu.memory_space<vmem>>, vector<1x16xf32>,
      %get3A_2577 = arith.index_cast %add3A_2452 : i32 to index
      %get3A_2578 = arith.constant 0 : index
      %get3A_2579 = tpu.vector_load %arg14[%get3A_2577, %get3A_2578] {strides = array<i32>} : memref<128x64xf32, #tpu.memory_space<vmem>>, vector<1x16xf32>,
      %get3A_2580 = vector.shape_cast %get3A_2579 : vector<1x16xf32> to vector<16xf32>
      %swap3A_2581 = arith.index_cast %add3A_2452 : i32 to index
      %swap3A_2582 = arith.constant 179 : index
      %swap3A_2583 = tpu.vector_load %arg15[%swap3A_2581, %swap3A_2582] {strides = array<i32>} : memref<128x256xf32, #tpu.memory_space<vmem>>, vector<1x16xf32>,
      %swap3A_2584 = vector.shape_cast %swap3A_2583 : vector<1x16xf32> to vector<16xf32>
      %swap3A_2585 = vector.shape_cast %get3A_2580 : vector<16xf32> to vector<1x16xf32>
      tpu.vector_store %arg15[%swap3A_2581, %swap3A_2582], %swap3A_2585 {strides = array<i32>} : memref<128x256xf32, #tpu.memory_space<vmem>>, vector<1x16xf32>,
      %get3A_2586 = arith.index_cast %add3A_2452 : i32 to index
      %get3A_2587 = arith.constant 16 : index
      %get3A_2588 = tpu.vector_load %arg14[%get3A_2586, %get3A_2587] {strides = array<i32>} : memref<128x64xf32, #tpu.memory_space<vmem>>, vector<1x16xf32>,
      %get3A_2589 = vector.shape_cast %get3A_2588 : vector<1x16xf32> to vector<16xf32>
      %swap3A_2590 = arith.index_cast %add3A_2452 : i32 to index
      %swap3A_2591 = arith.constant 195 : index
      %swap3A_2592 = tpu.vector_load %arg15[%swap3A_2590, %swap3A_2591] {strides = array<i32>} : memref<128x256xf32, #tpu.memory_space<vmem>>, vector<1x16xf32>,
      %swap3A_2593 = vector.shape_cast %swap3A_2592 : vector<1x16xf32> to vector<16xf32>
      %swap3A_2594 = vector.shape_cast %get3A_2589 : vector<16xf32> to vector<1x16xf32>
      tpu.vector_store %arg15[%swap3A_2590, %swap3A_2591], %swap3A_2594 {strides = array<i32>} : memref<128x256xf32, #tpu.memory_space<vmem>>, vector<1x16xf32>,
      %get3A_2595 = arith.index_cast %add3A_2452 : i32 to index
      %get3A_2596 = arith.constant 32 : index
      %get3A_2597 = tpu.vector_load %arg14[%get3A_2595, %get3A_2596] {strides = array<i32>} : memref<128x64xf32, #tpu.memory_space<vmem>>, vector<1x16xf32>,
      %get3A_2598 = vector.shape_cast %get3A_2597 : vector<1x16xf32> to vector<16xf32>
      %swap3A_2599 = arith.index_cast %add3A_2452 : i32 to index
      %swap3A_2600 = arith.constant 211 : index
      %swap3A_2601 = tpu.vector_load %arg15[%swap3A_2599, %swap3A_2600] {strides = array<i32>} : memref<128x256xf32, #tpu.memory_space<vmem>>, vector<1x16xf32>,
      %swap3A_2602 = vector.shape_cast %swap3A_2601 : vector<1x16xf32> to vector<16xf32>
      %swap3A_2603 = vector.shape_cast %get3A_2598 : vector<16xf32> to vector<1x16xf32>
      tpu.vector_store %arg15[%swap3A_2599, %swap3A_2600], %swap3A_2603 {strides = array<i32>} : memref<128x256xf32, #tpu.memory_space<vmem>>, vector<1x16xf32>,
      %get3A_2604 = arith.index_cast %add3A_2452 : i32 to index
      %get3A_2605 = arith.constant 48 : index
      %get3A_2606 = tpu.vector_load %arg14[%get3A_2604, %get3A_2605] {strides = array<i32>} : memref<128x64xf32, #tpu.memory_space<vmem>>, vector<1x16xf32>,
      %get3A_2607 = vector.shape_cast %get3A_2606 : vector<1x16xf32> to vector<16xf32>
      %swap3A_2608 = arith.index_cast %add3A_2452 : i32 to index
      %swap3A_2609 = arith.constant 227 : index
      %swap3A_2610 = tpu.vector_load %arg15[%swap3A_2608, %swap3A_2609] {strides = array<i32>} : memref<128x256xf32, #tpu.memory_space<vmem>>, vector<1x16xf32>,
      %swap3A_2611 = vector.shape_cast %swap3A_2610 : vector<1x16xf32> to vector<16xf32>
      %swap3A_2612 = vector.shape_cast %get3A_2607 : vector<16xf32> to vector<1x16xf32>
      tpu.vector_store %arg15[%swap3A_2608, %swap3A_2609], %swap3A_2612 {strides = array<i32>} : memref<128x256xf32, #tpu.memory_space<vmem>>, vector<1x16xf32>,
    }
    %scan3A_20 = arith.constant 8 : i32
    "tpu.region"() ({
      %run_scoped3A = tpu.sem_alloc : memref<!tpu.dma_semaphore, #tpu.memory_space<semaphore_mem>>
      %dma_start3A_21 = arith.constant 0 : i32
      %dma_start3A_22 = tpu.memref_slice %arg8[%mul3A_2, %dma_start3A_21] : memref<4096x256xf32, #tpu.memory_space<hbm>> -> memref<128x256xf32, #tpu.memory_space<hbm>>
      %dma_start3A_23 = arith.constant 0 : i32
      %dma_start3A_24 = tpu.memref_slice %arg8[%mul3A_2, %dma_start3A_23] : memref<4096x256xf32, #tpu.memory_space<hbm>> -> memref<128x256xf32, #tpu.memory_space<hbm>>
      tpu.enqueue_dma source(%arg15 : memref<128x256xf32, #tpu.memory_space<vmem>>) target(%dma_start3A_24 : memref<128x256xf32, #tpu.memory_space<hbm>>) target_semaphore(%run_scoped3A : memref<!tpu.dma_semaphore, #tpu.memory_space<semaphore_mem>>)
      %dma_wait3A_25 = arith.constant 0 : i32
      %dma_wait3A_26 = tpu.memref_slice %arg8[%mul3A_2, %dma_wait3A_25] : memref<4096x256xf32, #tpu.memory_space<hbm>> -> memref<128x256xf32, #tpu.memory_space<hbm>>
      %dma_wait3A_27 = arith.constant 0 : i32
      %dma_wait3A_28 = tpu.memref_slice %arg8[%mul3A_2, %dma_wait3A_27] : memref<4096x256xf32, #tpu.memory_space<hbm>> -> memref<128x256xf32, #tpu.memory_space<hbm>>
      tpu.wait_dma2 semaphore(%run_scoped3A : memref<!tpu.dma_semaphore, #tpu.memory_space<semaphore_mem>>) src(%arg15 : memref<128x256xf32, #tpu.memory_space<vmem>>) dst(%dma_wait3A_28 : memref<128x256xf32, #tpu.memory_space<hbm>>)
      tpu.yield
    }) : () -> ()
    return
  }
}

#map = affine_map<(d0, d1) -> (0)>
#map1 = affine_map<(d0, d1) -> (0, 0)>
module attributes {stable_mosaic.version = 14 : i64} {
  func.func @_sc_adv_body(%arg0: i32, %arg1: i32, %arg2: memref<4096xi32, #tpu.memory_space<hbm>>, %arg3: memref<100001x64xf32, #tpu.memory_space<hbm>>, %arg4: memref<4096x64xf32, #tpu.memory_space<hbm>>, %arg5: memref<128xi32, #tpu.memory_space<vmem>>, %arg6: memref<128x64xf32, #tpu.memory_space<vmem>>, %arg7: memref<!tpu.dma_semaphore, #tpu.memory_space<semaphore_mem>>) attributes {dimension_semantics = [#tpu.dimension_semantics<core_parallel>, #tpu.dimension_semantics<subcore_parallel>], iteration_bounds = array<i64: 2, 16>, scalar_prefetch = 0 : i64, scratch_operands = 3 : i64, tpu.core_type = #tpu.core_type<sc_vector_subcore>, window_params = [{transform_indices = #map}, {transform_indices = #map1}, {transform_indices = #map1}]} {
    %mul3A = arith.constant 2 : i32
    %mul3A_0 = arith.muli %arg1, %mul3A : i32
    %add3A = arith.addi %mul3A_0, %arg0 : i32
    %mul3A_1 = arith.constant 128 : i32
    %mul3A_2 = arith.muli %add3A, %mul3A_1 : i32
    "tpu.region"() ({
      %run_scoped3A = tpu.sem_alloc : memref<!tpu.dma_semaphore, #tpu.memory_space<semaphore_mem>>
      %dma_start3A_7 = tpu.memref_slice %arg2[%mul3A_2] : memref<4096xi32, #tpu.memory_space<hbm>> -> memref<128xi32, #tpu.memory_space<hbm>>
      %dma_start3A_8 = tpu.memref_slice %arg2[%mul3A_2] : memref<4096xi32, #tpu.memory_space<hbm>> -> memref<128xi32, #tpu.memory_space<hbm>>
      tpu.enqueue_dma source(%dma_start3A_8 : memref<128xi32, #tpu.memory_space<hbm>>) target(%arg5 : memref<128xi32, #tpu.memory_space<vmem>>) target_semaphore(%run_scoped3A : memref<!tpu.dma_semaphore, #tpu.memory_space<semaphore_mem>>)
      %dma_wait3A_9 = tpu.memref_slice %arg2[%mul3A_2] : memref<4096xi32, #tpu.memory_space<hbm>> -> memref<128xi32, #tpu.memory_space<hbm>>
      %dma_wait3A_10 = tpu.memref_slice %arg2[%mul3A_2] : memref<4096xi32, #tpu.memory_space<hbm>> -> memref<128xi32, #tpu.memory_space<hbm>>
      tpu.wait_dma2 semaphore(%run_scoped3A : memref<!tpu.dma_semaphore, #tpu.memory_space<semaphore_mem>>) src(%dma_wait3A_10 : memref<128xi32, #tpu.memory_space<hbm>>) dst(%arg5 : memref<128xi32, #tpu.memory_space<vmem>>)
      tpu.yield
    }) : () -> ()
    %dma_start3A = arith.constant 0 : i32
    %dma_start3A_3 = arith.constant 0 : i32
    %dma_start3A_4 = tpu.memref_slice %arg3[%dma_start3A, %dma_start3A_3] : memref<100001x64xf32, #tpu.memory_space<hbm>> -> memref<100001x64xf32, #tpu.memory_space<hbm>>
    tpu.enqueue_indirect_dma source(%dma_start3A_4 : memref<100001x64xf32, #tpu.memory_space<hbm>>) target(%arg6 : memref<128x64xf32, #tpu.memory_space<vmem>>) offsets(%arg5 : memref<128xi32, #tpu.memory_space<vmem>>) semaphore(%arg7 : memref<!tpu.dma_semaphore, #tpu.memory_space<semaphore_mem>>)
    %dma_wait3A = arith.constant 0 : i32
    %dma_wait3A_5 = arith.constant 0 : i32
    %dma_wait3A_6 = tpu.memref_slice %arg3[%dma_wait3A, %dma_wait3A_5] : memref<100001x64xf32, #tpu.memory_space<hbm>> -> memref<100001x64xf32, #tpu.memory_space<hbm>>
    tpu.wait_indirect_dma semaphore(%arg7 : memref<!tpu.dma_semaphore, #tpu.memory_space<semaphore_mem>>) src(%dma_wait3A_6 : memref<100001x64xf32, #tpu.memory_space<hbm>>) dst(%arg6 : memref<128x64xf32, #tpu.memory_space<vmem>>)
    "tpu.region"() ({
      %run_scoped3A = tpu.sem_alloc : memref<!tpu.dma_semaphore, #tpu.memory_space<semaphore_mem>>
      %dma_start3A_7 = arith.constant 0 : i32
      %dma_start3A_8 = tpu.memref_slice %arg4[%mul3A_2, %dma_start3A_7] : memref<4096x64xf32, #tpu.memory_space<hbm>> -> memref<128x64xf32, #tpu.memory_space<hbm>>
      %dma_start3A_9 = arith.constant 0 : i32
      %dma_start3A_10 = tpu.memref_slice %arg4[%mul3A_2, %dma_start3A_9] : memref<4096x64xf32, #tpu.memory_space<hbm>> -> memref<128x64xf32, #tpu.memory_space<hbm>>
      tpu.enqueue_dma source(%arg6 : memref<128x64xf32, #tpu.memory_space<vmem>>) target(%dma_start3A_10 : memref<128x64xf32, #tpu.memory_space<hbm>>) target_semaphore(%run_scoped3A : memref<!tpu.dma_semaphore, #tpu.memory_space<semaphore_mem>>)
      %dma_wait3A_11 = arith.constant 0 : i32
      %dma_wait3A_12 = tpu.memref_slice %arg4[%mul3A_2, %dma_wait3A_11] : memref<4096x64xf32, #tpu.memory_space<hbm>> -> memref<128x64xf32, #tpu.memory_space<hbm>>
      %dma_wait3A_13 = arith.constant 0 : i32
      %dma_wait3A_14 = tpu.memref_slice %arg4[%mul3A_2, %dma_wait3A_13] : memref<4096x64xf32, #tpu.memory_space<hbm>> -> memref<128x64xf32, #tpu.memory_space<hbm>>
      tpu.wait_dma2 semaphore(%run_scoped3A : memref<!tpu.dma_semaphore, #tpu.memory_space<semaphore_mem>>) src(%arg6 : memref<128x64xf32, #tpu.memory_space<vmem>>) dst(%dma_wait3A_14 : memref<128x64xf32, #tpu.memory_space<hbm>>)
      tpu.yield
    }) : () -> ()
    return
  }
}

</mosaic_0001>

<sc_bundles>
// kernel: kernel.4.cloned.1.call-start
scs
__scs_entry_jumppad:
0x0: {  	(pc) =	sbr.rel $0x88, $3  }
0x1: {  	(tag) =	ssettag $0x0;
	lr =	simm.s32 $0x1  }
0x2: {  	[smem:$0x3F9A] =	sst lr;
	_ =	strace $0xD0000000  }
0x3: {  	_ = 	snop  }
0x4: {  	_ = 	snop  }
0x5: {  	_ = 	snop  }
0x6: {  	_ = 	snop  }
0x7: {  	_ = 	snop  }
__scs_overlays_trampoline_lowered:
0x8: {  	[smem:$0x3FA9] =	sst s0  }
0x9: {  	[smem:$0x3FAA] =	sst s1  }
0xa: {  	[smem:$0x3FAB] =	sst s2  }
0xb: {  	[smem:$0x3FAC] =	sst s3  }
0xc: {  	[smem:$0x3FAD] =	sst s4  }
0xd: {  	[smem:$0x3FAE] =	sst s5  }
0xe: {  	[smem:$0x3FAF] =	sst s6  }
0xf: {  	[smem:$0x3FB0] =	sst s7  }
0x10: {  	[smem:$0x3FB1] =	sst s8  }
0x11: {  	[smem:$0x3FB2] =	sst s9;
	s0 =	simm.s32 @!p0 $0x0  }
0x12: {  	s1 =	sld [smem:$0x3F98];
	s0 =	simm.s32 @p0 $0x1  }
0x13: {  	[smem:$0x3FB3] =	sst s0;
	s0 =	simm.s32 @!p1 $0x0  }
0x14: {  	s2 =	sld [smem:$0x3F97];
	s0 =	simm.s32 @p1 $0x1  }
0x15: {  	[smem:$0x3FB4] =	sst s0;
	s0 =	simm.s32 @!p2 $0x0  }
0x16: {  	s3 =	sld [smem:$0x3FDB];
	s0 =	simm.s32 @p2 $0x1  }
0x17: {  	s4 =	simm.s32 $0x1BF5;
	[smem:$0x3FB6] =	sst s0  }
0x18: {  	s0 =	sld [smem:$0x3F99];
	_ =	swait.ge [sflag:s4], $0x0  }
0x19: {  	s7 =	sld [smem:$0x3F9A]  }
0x1a: {  	s8 =	sadd.s32 $0xFFFFE003, lr  }
0x1b: {  	s9 =	sadd.s32 $0xFFFFFEF7, lr;
	s5 =	simm.s32 $0xFFFFFFFF;
	p2 =	slt.u32 s8, $0xFFFFF086  }
0x1c: {  	p1 =	slt.u32 s9, $0xF7A;
	s5 =	simm.s32 @!p2 $0x0  }
0x1d: {  	s5 =	simm.s32 @p1 $0x1;
	p0 =	seq.s32 s7, s2  }
0x1e: {  	s7 =	smul.u32 @!p0 $0xF7A, s2;
	p2 =	seq.s32 @!p0 s5, $0x0  }
0x1f: {  	s9 =	smul.u32 $0xF7A, s1;
	s8 =	simm.s32 @!p0 $0x1BF5;
	p2 =	por !p2, p0  }
0x20: {  	[sflag:s8] =	ssyncset.s32 @!p0 $0xFFFFF086;
	s6 =	sadd.s32 @!p0 s3, s7;
	s7 =	simm.s32 @!p0 $0x108  }
0x21: {  	s3 =	sadd.s32 s3, s9;
	s6 =	sadd.s32 @!p0 $0x88, s6;
	s7 =	simm.s32 @p2 $0x1082  }
0x22: {  	[simem:s7], [sflag:s8] =	dma.local @!p0 [hbm:s6], $0xF7A  }
0x23: {  	s9 =	sor.u32 $0xD0000000, s2;
	s6 =	simm.s32 $0x108;
	_ =	swait.ge @!p0 [sflag:s8], $0x0  }
0x24: {  	s3 =	sadd.s32 $0x88, s3;
	s6 =	simm.s32 @!p1 $0x1082;
	[sflag:s4] =	ssyncset.s32 $0xFFFFF086  }
0x25: {  	[simem:s6], [sflag:s4] =	dma.local [hbm:s3], $0xF7A  }
0x26: {  	[smem:$0x3F9A] =	sst s1;
	(tag) =	ssettag s2;
	_ =	strace s9  }
0x27: {  	s1 =	sld [smem:$0x3FAA]  }
0x28: {  	s2 =	sld [smem:$0x3FAB]  }
0x29: {  	s4 =	sld [smem:$0x3FAD]  }
0x2a: {  	p0 =	seq.s32 s5, $0x0;
	s5 =	sld [smem:$0x3FAE]  }
0x2b: {  	s6 =	sld [smem:$0x3FAF]  }
0x2c: {  	s7 =	sld [smem:$0x3FB0]  }
0x2d: {  	s3 =	simm.s32 $0x108;
	s8 =	sld [smem:$0x3FB1]  }
0x2e: {  	s3 =	simm.s32 @!p0 $0x1082;
	s9 =	sld [smem:$0x3FB2]  }
0x2f: {  	lr =	sadd.s32 s0, s3;
	s0 =	sld [smem:$0x3FA9]  }
0x30: {  	s3 =	sld [smem:$0x3FAC]  }
0x31: {  	[smem:$0x3FB5] =	sst s10  }
0x32: {  	s10 =	sld [smem:$0x3FB3];
	_ =	sdelay $0x3  }
0x33: {  	p0 =	seq.s32 s10, $0x1;
	s10 =	sld [smem:$0x3FB5];
	_ =	sdelay $0x3  }
0x34: {  	[smem:$0x3FB5] =	sst s10  }
0x35: {  	s10 =	sld [smem:$0x3FB4];
	_ =	sdelay $0x3  }
0x36: {  	p1 =	seq.s32 s10, $0x1;
	s10 =	sld [smem:$0x3FB5];
	_ =	sdelay $0x3  }
0x37: {  	[smem:$0x3FB5] =	sst s10  }
0x38: {  	s10 =	sld [smem:$0x3FB6]  }
0x39: {  	_ = 	snop;
	(pc) =	sbr.ind lr, $3  }
0x3a: {  	_ = 	snop  }
0x3b: {  	_ = 	snop  }
0x3c: {  	p2 =	seq.s32 s10, $0x1;
	s10 =	sld [smem:$0x3FB5]  }
0x3d: {  	_ =	shalt  }
0x3e: {  	_ =	shalt  }
0x3f: {  	_ =	shalt  }
0x40: {  	_ =	shalt  }
0x41: {  	_ =	shalt  }
0x42: {  	_ =	shalt  }
0x43: {  	_ =	shalt  }
0x44: {  	_ =	shalt  }
0x45: {  	_ =	shalt  }
0x46: {  	_ =	shalt  }
0x47: {  	_ =	shalt  }
0x48: {  	_ =	shalt  }
0x49: {  	_ =	shalt  }
0x4a: {  	_ =	shalt  }
0x4b: {  	_ =	shalt  }
0x4c: {  	_ =	shalt  }
0x4d: {  	_ =	shalt  }
0x4e: {  	_ =	shalt  }
0x4f: {  	_ =	shalt  }
0x50: {  	_ =	shalt  }
0x51: {  	_ =	shalt  }
0x52: {  	_ =	shalt  }
0x53: {  	_ =	shalt  }
0x54: {  	_ =	shalt  }
0x55: {  	_ =	shalt  }
0x56: {  	_ =	shalt  }
0x57: {  	_ =	shalt  }
0x58: {  	_ =	shalt  }
0x59: {  	_ =	shalt  }
0x5a: {  	_ =	shalt  }
0x5b: {  	_ =	shalt  }
0x5c: {  	_ =	shalt  }
0x5d: {  	_ =	shalt  }
0x5e: {  	_ =	shalt  }
0x5f: {  	_ =	shalt  }
0x60: {  	_ =	shalt  }
0x61: {  	_ =	shalt  }
0x62: {  	_ =	shalt  }
0x63: {  	_ =	shalt  }
0x64: {  	_ =	shalt  }
0x65: {  	_ =	shalt  }
0x66: {  	_ =	shalt  }
0x67: {  	_ =	shalt  }
0x68: {  	_ =	shalt  }
0x69: {  	_ =	shalt  }
0x6a: {  	_ =	shalt  }
0x6b: {  	_ =	shalt  }
0x6c: {  	_ =	shalt  }
0x6d: {  	_ =	shalt  }
0x6e: {  	_ =	shalt  }
0x6f: {  	_ =	shalt  }
0x70: {  	_ =	shalt  }
0x71: {  	_ =	shalt  }
0x72: {  	_ =	shalt  }
0x73: {  	_ =	shalt  }
0x74: {  	_ =	shalt  }
0x75: {  	_ =	shalt  }
0x76: {  	_ =	shalt  }
0x77: {  	_ =	shalt  }
0x78: {  	_ =	shalt  }
0x79: {  	_ =	shalt  }
0x7a: {  	_ =	shalt  }
0x7b: {  	_ =	shalt  }
0x7c: {  	_ =	shalt  }
0x7d: {  	_ =	shalt  }
0x7e: {  	_ =	shalt  }
0x7f: {  	_ =	shalt  }
0x80: {  	_ =	shalt  }
0x81: {  	_ =	shalt  }
0x82: {  	_ =	shalt  }
0x83: {  	_ =	shalt  }
0x84: {  	_ =	shalt  }
0x85: {  	_ =	shalt  }
0x86: {  	_ =	shalt  }
0x87: {  	_ =	shalt  }
.Lfunc_end0:
.L_simem_size_0:
called_computation_lowered:
.L_overlay_start_0:
0x88: {  	s2 =	sld [smem:$0x3FD9]  }
0x89: {  	s3 =	sld [smem:$0x3FFE];
	_ =	sdelay $0x1  }
0x8a: {  	s1 =	srdreg.scid  }
0x8b: {  	s0 =	sand.u32 $0x1, s1  }
0x8c: {  	s17 =	sshll.u32 s0, $0xA;
	s2 =	sadd.s32 s3, s2  }
0x8d: {  	s2 =	sadd.s32 s2, s17  }
0x8e: {  	[smem:$0x3FC1] =	sst s2  }
0x8f: {  	_ = 	snop  }
0x90: {  	s2 =	sld [smem:$0x3FC9]  }
0x91: {  	s18 =	sld [smem:$0x3FD0];
	(tm) =	ssettm $0x1  }
0x92: {  	s4 =	sld [smem:$0x3FFB];
	_ =	sdelay $0x3  }
0x93: {  	_ =	strace s4  }
0x94: {  	s4 =	sld [smem:$0x3FFC];
	_ =	sdelay $0x3  }
0x95: {  	_ =	strace s4  }
0x96: {  	s4 =	sld [smem:$0x3FFD];
	_ =	sdelay $0x3  }
0x97: {  	_ =	strace s4  }
0x98: {  	_ =	strace $0x8FFFFFFF  }
0x99: {  	s19 =	sld [smem:$0x3FDB];
	_ =	sdelay $0x1  }
0x9a: {  	s5 =	simm.s32 $_scs_section_size  }
0x9b: {  	s6 =	simm.s32 $_size__tile_overlayer_lowered;
	s7 =	simm.s32 $_tile_overlayer_lowered  }
0x9c: {  	s22 =	simm.s32 $0x1BFF;
	s21 =	sshll.u32 s7, $0x1;
	s4 =	sadd.s32 s5, s19  }
0x9d: {  	s8 =	simm.s32 $0x0;
	s20 =	sshll.u32 s6, $0x1;
	s6 =	sadd.s32 s21, s4  }
0x9e: {  	[timem:s8], [sflag:s22] =	dma.local [hbm:s6], s20  }
0x9f: {  	_ =	swait.ge [sflag:s22], s20  }
0xa0: {  	s5 =	ssub.s32 $0x0, s20;
	[sflag:s22] =	ssyncset.done $0x0  }
0xa1: {  	[sflag:s22] =	ssyncadd.s32 s5;
	_ =	sdelay $0x1  }
0xa2: {  	s23 =	simm.s32 $0x1B8B  }
0xa3: {  	_ =	swait.ge [sflag:s23], $0x1  }
0xa4: {  	[sflag:s23] =	ssyncset.done $0x0  }
0xa5: {  	s25 =	simm.s32 $0x1B8E;
	s24 =	sld [smem:$0x3FFE];
	[sflag:s23] =	ssyncadd.s32 $0xFFFFFFFF  }
0xa6: {  	s26 =	simm.s32 $execute0_lowered;
	[smem:$0x3FD2] =	sst s25  }
0xa7: {  	s6 =	sshll.u32 s26, $0x1;
	_ =	strace $0x80000046;
	[dreg:$0x1] =	wrdreg $0xFFFFFFFF  }
0xa8: {  	s28 =	simm.s32 $_size_execute0_lowered;
	s4 =	sadd.s32 s4, s6;
	[dreg:$0x0] =	wrdreg $0x0  }
0xa9: {  	s6 =	sshll.u32 s28, $0x1;
	[dreg:$0x2] =	wrdreg s4  }
0xaa: {  	[dreg:$0x3] =	wrdreg s6  }
0xab: {  	[dreg:$0x4] =	wrdreg $0xC0  }
0xac: {  	_ =	task [dreg:s8], $0x5FFFF  }
0xad: {  	[dreg:$0x1] =	wrdreg $0xFFFFFFFF  }
0xae: {  	[dreg:$0x0] =	wrdreg $0x60  }
0xaf: {  	[dreg:$0x2] =	wrdreg s2  }
0xb0: {  	[dreg:$0x3] =	wrdreg s24  }
0xb1: {  	[dreg:$0x4] =	wrdreg s18  }
0xb2: {  	[dreg:$0x5] =	wrdreg $0x9  }
0xb3: {  	_ =	task.clear_ibuf [dreg:s8], $0x6FFFF;
	_ =	strace $0x90000046  }
0xb4: {  	s29 =	simm.s32 $0x9;
	_ =	strace $0x80000048  }
0xb5: {  	_ =	swait.ge [sflag:s29], $0x1  }
0xb6: {  	[sflag:s29] =	ssyncadd.s32 $0xFFFFFFFF  }
0xb7: {  	_ =	strace $0x90000048  }
0xb8: {  	_ =	sfence  }
0xb9: {  	s30 =	sld [smem:$0x0];
	_ =	sdelay $0x2  }
0xba: {  	s31 =	sshll.u32 s1, $0xD;
	s1 =	sshrl.u32 s1, $0x2  }
0xbb: {  	s3 =	sand.u32 $0x4000, s31;
	s1 =	sadd.s32 s1, s30  }
0xbc: {  	s0 =	sor.u32 s3, s0;
	s1 =	sshll.u32 s1, $0x11  }
0xbd: {  	s0 =	sor.u32 s1, s0  }
0xbe: {  	s0 =	sadd.s32 $0x8F2B, s0  }
0xbf: {  	[sflag:s0] =	ssyncadd.remote.s32 $0x1  }
0xc0: {  	_ =	sfence.sel $0xFFFF  }
0xc1: {  	[dreg:$0x0] =	wrdreg $0xFFFFFFFF;
	(pc) =	sbr.abs _section_cstart, $3  }
0xc2: {  	[dreg:$0x1] =	wrdreg $0xFFFFFFFF  }
0xc3: {  	_ =	task.clear_ibuf [dreg:s8], $0x2FFFF;
	_ =	strace $0x9FFFFFFF  }
0xc4: {  	(tm) =	ssettm $0x7FFFFFFF  }
0xc5: {  	_ =	shalt  }
tec
execute0_lowered:
.L_overlay_start_1:
0x0: {  	(tag) =	ssettag $0x1  }
0x1: {  	s3 =	rddreg [dreg:$0x0]  }
0x2: {  	s1 =	srdreg.scid;
	s5 =	rddreg [dreg:$0x1]  }
0x3: {  	s0 =	stileid.u32;
	s8 =	rddreg [dreg:$0x2];
	s6 =	sand.u32 $0x1, s1  }
0x4: {  	s2 =	simm.s32 $0x0;
	s4 =	sshll.u32 s0, $0x8;
	s7 =	sshll.u32 s6, $0x7  }
0x5: {  	[smem:$0x7FF] =	sst s2;
	s9 =	sor.u32 s7, s4  }
0x6: {  	s1 =	rddreg [dreg:$0x3];
	_ =	strace $0x80000047;
	s4 =	sshrl.u32 s9, $0x3  }
0x7: {  	s10 =	ssub.s32 $0x2, s6;
	s4 =	sadd.s32 s3, s4;
	s3 =	simm.s32 $0x2  }
0x8: {  	[tilespmem:s2], [sflag:$0x2] =	stream.linear.gather [hbm4b:s4+s2], $0x80, $0x38;
	[tilespmem:$0x2080] =	vst v63  }
0x9: {  	s5 =	sadd.s32 $0x189200, s5;
	s11 =	sshrl.u32 s10, $0x1;
	_ =	swait.ge [sflag:s3], $0x80  }
0xa: {  	s6 =	simm.s32 $0x80;
	s10 =	ssub.s32 s10, s11;
	[sflag:s3] =	ssyncset.done $0x0  }
0xb: {  	s7 =	simm.s32 $0x1;
	s31 =	smax.u32 s10, $0x1;
	[sflag:s3] =	ssyncadd.s32 $0xFFFFFF80  }
0xc: {  	[tilespmem:s6], [sflag:$0x1] =	stream.indirect.gather [hbm4b:s5+s6], $0x40, s2, s6, $0xb8;
	[tilespmem:$0x2080] =	vst v63  }
0xd: {  	p0 =	sne.s32 s31, $0x1;
	_ =	swait.ge [sflag:s7], $0x2000  }
.Ltmp0:
0xe: {  	s9 =	sshll.u32 s9, $0x3;
	[sflag:s7] =	ssyncset.done $0x0;
	(pc) =	sbr.rel @!p0 .LBB2_2-.Ltmp0, $4  }
0xf: {  	s8 =	sadd.s32 s8, s9;
	[sflag:s7] =	ssyncadd.s32 $0xFFFFE000  }
0x10: {  	[hbm4b:s8+s2] =	stream.linear.scatter [tilespmem:s6], [sflag:$0x2], $0x2000, $0x38;
	[tilespmem:$0x2080] =	vst v63  }
0x11: {  	_ =	swait.ge [sflag:s3], $0x2000  }
0x12: {  	s9 =	sadd.s32 $0xFFFFFFFF, s31;
	[sflag:s3] =	ssyncset.done $0x0  }
.LBB2_1:
0x13: {  	p0 =	sne.s32 s9, $0x1;
	s9 =	sadd.s32 $0xFFFFFFFF, s9;
	[sflag:s3] =	ssyncadd.s32 $0xFFFFE000  }
0x14: {  	[tilespmem:s2], [sflag:$0x2] =	stream.linear.gather [hbm4b:s4+s2], $0x80, $0x38;
	[tilespmem:$0x2080] =	vst v63  }
0x15: {  	_ =	swait.ge [sflag:s3], $0x80  }
0x16: {  	[sflag:s3] =	ssyncset.done $0x0  }
0x17: {  	[sflag:s3] =	ssyncadd.s32 $0xFFFFFF80  }
0x18: {  	[tilespmem:s6], [sflag:$0x1] =	stream.indirect.gather [hbm4b:s5+s6], $0x40, s2, s6, $0xb8;
	[tilespmem:$0x2080] =	vst v63  }
0x19: {  	_ =	swait.ge [sflag:s7], $0x2000  }
.Ltmp1:
0x1a: {  	[sflag:s7] =	ssyncset.done $0x0;
	(pc) =	sbr.rel @p0 .LBB2_1-.Ltmp1, $4  }
0x1b: {  	[sflag:s7] =	ssyncadd.s32 $0xFFFFE000  }
0x1c: {  	[hbm4b:s8+s2] =	stream.linear.scatter [tilespmem:s6], [sflag:$0x2], $0x2000, $0x38;
	[tilespmem:$0x2080] =	vst v63  }
0x1d: {  	_ =	swait.ge [sflag:s3], $0x2000  }
0x1e: {  	[sflag:s3] =	ssyncset.done $0x0  }
.LBB2_2:
0x1f: {  	[sflag:s3] =	ssyncadd.s32 $0xFFFFE000  }
0x20: {  	_ =	sfence.sel $0x180000  }
0x21: {  	[bflag:$0x0] =	sbarrier.arrive $0xFFFF  }
0x22: {  	p0 =	sne.s32 s0, $0x0;
	_ =	strace $0x90000047  }
0x23: {  	s0 =	sadd.s32 @!p0 $0x100000, s1;
	[bflag:$0x2] =	sbarrier.arrive $0xFFFF  }
0x24: {  	[sflag:s0] =	ssyncadd.tile.s32 @!p0 $0x1;
	_ =	shalt  }
.Lfunc_end2:
_tile_overlayer_lowered:
.L_overlay_start_2:
0x25: {  	(tag) =	ssettag $0x2  }
0x26: {  	s0 =	rddreg [dreg:$0x0];
	s2 =	stileid.u32  }
0x27: {  	s1 =	rddreg [dreg:$0x1];
	p0 =	sne.s32 s2, $0x0  }
0x28: {  	s3 =	rddreg [dreg:$0x2];
	[bflag:$0x3] =	sbarrier.arrive $0xFFFF;
	s2 =	simm.s32 @!p0 $0x1C02  }
0x29: {  	[timem:s3], [sflag:s2] =	dma.local @!p0 [hbm:s0], s1  }
0x2a: {  	s0 =	simm.s32 @!p0 $0x2  }
0x2b: {  	_ =	swait.ge @!p0 [sflag:s0], s1  }
0x2c: {  	s1 =	ssub.s32 @!p0 $0x0, s1;
	[sflag:s0] =	ssyncset.done @!p0 $0x0  }
0x2d: {  	[sflag:s0] =	ssyncadd.s32 @!p0 s1  }
0x2e: {  	[bflag:$0x3] =	sbarrier.arrive $0xFFFF  }
0x2f: {  	_ =	shalt  }

// kernel: kernel.7.cloned.1.call-start
scs
__scs_entry_jumppad:
0x0: {  	(pc) =	sbr.rel $0x88, $3  }
0x1: {  	(tag) =	ssettag $0x0;
	lr =	simm.s32 $0x1  }
0x2: {  	[smem:$0x3F9A] =	sst lr;
	_ =	strace $0xD0000000  }
0x3: {  	_ = 	snop  }
0x4: {  	_ = 	snop  }
0x5: {  	_ = 	snop  }
0x6: {  	_ = 	snop  }
0x7: {  	_ = 	snop  }
__scs_overlays_trampoline_lowered:
0x8: {  	[smem:$0x3FA9] =	sst s0  }
0x9: {  	[smem:$0x3FAA] =	sst s1  }
0xa: {  	[smem:$0x3FAB] =	sst s2  }
0xb: {  	[smem:$0x3FAC] =	sst s3  }
0xc: {  	[smem:$0x3FAD] =	sst s4  }
0xd: {  	[smem:$0x3FAE] =	sst s5  }
0xe: {  	[smem:$0x3FAF] =	sst s6  }
0xf: {  	[smem:$0x3FB0] =	sst s7  }
0x10: {  	[smem:$0x3FB1] =	sst s8  }
0x11: {  	[smem:$0x3FB2] =	sst s9;
	s0 =	simm.s32 @!p0 $0x0  }
0x12: {  	s1 =	sld [smem:$0x3F98];
	s0 =	simm.s32 @p0 $0x1  }
0x13: {  	[smem:$0x3FB3] =	sst s0;
	s0 =	simm.s32 @!p1 $0x0  }
0x14: {  	s2 =	sld [smem:$0x3F97];
	s0 =	simm.s32 @p1 $0x1  }
0x15: {  	[smem:$0x3FB4] =	sst s0;
	s0 =	simm.s32 @!p2 $0x0  }
0x16: {  	s3 =	sld [smem:$0x3FDB];
	s0 =	simm.s32 @p2 $0x1  }
0x17: {  	s4 =	simm.s32 $0x1BF5;
	[smem:$0x3FB6] =	sst s0  }
0x18: {  	s0 =	sld [smem:$0x3F99];
	_ =	swait.ge [sflag:s4], $0x0  }
0x19: {  	s7 =	sld [smem:$0x3F9A]  }
0x1a: {  	s8 =	sadd.s32 $0xFFFFE003, lr  }
0x1b: {  	s9 =	sadd.s32 $0xFFFFFEF7, lr;
	s5 =	simm.s32 $0xFFFFFFFF;
	p2 =	slt.u32 s8, $0xFFFFF086  }
0x1c: {  	p1 =	slt.u32 s9, $0xF7A;
	s5 =	simm.s32 @!p2 $0x0  }
0x1d: {  	s5 =	simm.s32 @p1 $0x1;
	p0 =	seq.s32 s7, s2  }
0x1e: {  	s7 =	smul.u32 @!p0 $0xF7A, s2;
	p2 =	seq.s32 @!p0 s5, $0x0  }
0x1f: {  	s9 =	smul.u32 $0xF7A, s1;
	s8 =	simm.s32 @!p0 $0x1BF5;
	p2 =	por !p2, p0  }
0x20: {  	[sflag:s8] =	ssyncset.s32 @!p0 $0xFFFFF086;
	s6 =	sadd.s32 @!p0 s3, s7;
	s7 =	simm.s32 @!p0 $0x108  }
0x21: {  	s3 =	sadd.s32 s3, s9;
	s6 =	sadd.s32 @!p0 $0x88, s6;
	s7 =	simm.s32 @p2 $0x1082  }
0x22: {  	[simem:s7], [sflag:s8] =	dma.local @!p0 [hbm:s6], $0xF7A  }
0x23: {  	s9 =	sor.u32 $0xD0000000, s2;
	s6 =	simm.s32 $0x108;
	_ =	swait.ge @!p0 [sflag:s8], $0x0  }
0x24: {  	s3 =	sadd.s32 $0x88, s3;
	s6 =	simm.s32 @!p1 $0x1082;
	[sflag:s4] =	ssyncset.s32 $0xFFFFF086  }
0x25: {  	[simem:s6], [sflag:s4] =	dma.local [hbm:s3], $0xF7A  }
0x26: {  	[smem:$0x3F9A] =	sst s1;
	(tag) =	ssettag s2;
	_ =	strace s9  }
0x27: {  	s1 =	sld [smem:$0x3FAA]  }
0x28: {  	s2 =	sld [smem:$0x3FAB]  }
0x29: {  	s4 =	sld [smem:$0x3FAD]  }
0x2a: {  	p0 =	seq.s32 s5, $0x0;
	s5 =	sld [smem:$0x3FAE]  }
0x2b: {  	s6 =	sld [smem:$0x3FAF]  }
0x2c: {  	s7 =	sld [smem:$0x3FB0]  }
0x2d: {  	s3 =	simm.s32 $0x108;
	s8 =	sld [smem:$0x3FB1]  }
0x2e: {  	s3 =	simm.s32 @!p0 $0x1082;
	s9 =	sld [smem:$0x3FB2]  }
0x2f: {  	lr =	sadd.s32 s0, s3;
	s0 =	sld [smem:$0x3FA9]  }
0x30: {  	s3 =	sld [smem:$0x3FAC]  }
0x31: {  	[smem:$0x3FB5] =	sst s10  }
0x32: {  	s10 =	sld [smem:$0x3FB3];
	_ =	sdelay $0x3  }
0x33: {  	p0 =	seq.s32 s10, $0x1;
	s10 =	sld [smem:$0x3FB5];
	_ =	sdelay $0x3  }
0x34: {  	[smem:$0x3FB5] =	sst s10  }
0x35: {  	s10 =	sld [smem:$0x3FB4];
	_ =	sdelay $0x3  }
0x36: {  	p1 =	seq.s32 s10, $0x1;
	s10 =	sld [smem:$0x3FB5];
	_ =	sdelay $0x3  }
0x37: {  	[smem:$0x3FB5] =	sst s10  }
0x38: {  	s10 =	sld [smem:$0x3FB6]  }
0x39: {  	_ = 	snop;
	(pc) =	sbr.ind lr, $3  }
0x3a: {  	_ = 	snop  }
0x3b: {  	_ = 	snop  }
0x3c: {  	p2 =	seq.s32 s10, $0x1;
	s10 =	sld [smem:$0x3FB5]  }
0x3d: {  	_ =	shalt  }
0x3e: {  	_ =	shalt  }
0x3f: {  	_ =	shalt  }
0x40: {  	_ =	shalt  }
0x41: {  	_ =	shalt  }
0x42: {  	_ =	shalt  }
0x43: {  	_ =	shalt  }
0x44: {  	_ =	shalt  }
0x45: {  	_ =	shalt  }
0x46: {  	_ =	shalt  }
0x47: {  	_ =	shalt  }
0x48: {  	_ =	shalt  }
0x49: {  	_ =	shalt  }
0x4a: {  	_ =	shalt  }
0x4b: {  	_ =	shalt  }
0x4c: {  	_ =	shalt  }
0x4d: {  	_ =	shalt  }
0x4e: {  	_ =	shalt  }
0x4f: {  	_ =	shalt  }
0x50: {  	_ =	shalt  }
0x51: {  	_ =	shalt  }
0x52: {  	_ =	shalt  }
0x53: {  	_ =	shalt  }
0x54: {  	_ =	shalt  }
0x55: {  	_ =	shalt  }
0x56: {  	_ =	shalt  }
0x57: {  	_ =	shalt  }
0x58: {  	_ =	shalt  }
0x59: {  	_ =	shalt  }
0x5a: {  	_ =	shalt  }
0x5b: {  	_ =	shalt  }
0x5c: {  	_ =	shalt  }
0x5d: {  	_ =	shalt  }
0x5e: {  	_ =	shalt  }
0x5f: {  	_ =	shalt  }
0x60: {  	_ =	shalt  }
0x61: {  	_ =	shalt  }
0x62: {  	_ =	shalt  }
0x63: {  	_ =	shalt  }
0x64: {  	_ =	shalt  }
0x65: {  	_ =	shalt  }
0x66: {  	_ =	shalt  }
0x67: {  	_ =	shalt  }
0x68: {  	_ =	shalt  }
0x69: {  	_ =	shalt  }
0x6a: {  	_ =	shalt  }
0x6b: {  	_ =	shalt  }
0x6c: {  	_ =	shalt  }
0x6d: {  	_ =	shalt  }
0x6e: {  	_ =	shalt  }
0x6f: {  	_ =	shalt  }
0x70: {  	_ =	shalt  }
0x71: {  	_ =	shalt  }
0x72: {  	_ =	shalt  }
0x73: {  	_ =	shalt  }
0x74: {  	_ =	shalt  }
0x75: {  	_ =	shalt  }
0x76: {  	_ =	shalt  }
0x77: {  	_ =	shalt  }
0x78: {  	_ =	shalt  }
0x79: {  	_ =	shalt  }
0x7a: {  	_ =	shalt  }
0x7b: {  	_ =	shalt  }
0x7c: {  	_ =	shalt  }
0x7d: {  	_ =	shalt  }
0x7e: {  	_ =	shalt  }
0x7f: {  	_ =	shalt  }
0x80: {  	_ =	shalt  }
0x81: {  	_ =	shalt  }
0x82: {  	_ =	shalt  }
0x83: {  	_ =	shalt  }
0x84: {  	_ =	shalt  }
0x85: {  	_ =	shalt  }
0x86: {  	_ =	shalt  }
0x87: {  	_ =	shalt  }
.Lfunc_end0:
.L_simem_size_0:
called_computation.1_lowered:
.L_overlay_start_0:
0x88: {  	s2 =	sld [smem:$0x3FD9]  }
0x89: {  	s3 =	sld [smem:$0x3FFE];
	_ =	sdelay $0x1  }
0x8a: {  	s1 =	srdreg.scid  }
0x8b: {  	s0 =	sand.u32 $0x1, s1  }
0x8c: {  	s17 =	sshll.u32 s0, $0xA;
	s2 =	sadd.s32 s3, s2  }
0x8d: {  	s2 =	sadd.s32 s2, s17  }
0x8e: {  	[smem:$0x3FC1] =	sst s2  }
0x8f: {  	_ = 	snop  }
0x90: {  	s2 =	sld [smem:$0x3FC8]  }
0x91: {  	s18 =	sld [smem:$0x3FC7]  }
0x92: {  	s4 =	sld [smem:$0x3FC6]  }
0x93: {  	s5 =	sld [smem:$0x3FD0];
	(tm) =	ssettm $0x1  }
0x94: {  	s6 =	sld [smem:$0x3FFB];
	_ =	sdelay $0x3  }
0x95: {  	_ =	strace s6  }
0x96: {  	s6 =	sld [smem:$0x3FFC];
	_ =	sdelay $0x3  }
0x97: {  	_ =	strace s6  }
0x98: {  	s6 =	sld [smem:$0x3FFD];
	_ =	sdelay $0x3  }
0x99: {  	_ =	strace s6  }
0x9a: {  	_ =	strace $0x8FFFFFFF  }
0x9b: {  	s19 =	sld [smem:$0x3FDB];
	_ =	sdelay $0x1  }
0x9c: {  	s7 =	simm.s32 $_scs_section_size  }
0x9d: {  	s8 =	simm.s32 $_size__tile_overlayer_lowered;
	s9 =	simm.s32 $_tile_overlayer_lowered  }
0x9e: {  	s22 =	simm.s32 $0x1BFF;
	s21 =	sshll.u32 s9, $0x1;
	s6 =	sadd.s32 s7, s19  }
0x9f: {  	s10 =	simm.s32 $0x0;
	s20 =	sshll.u32 s8, $0x1;
	s8 =	sadd.s32 s21, s6  }
0xa0: {  	[timem:s10], [sflag:s22] =	dma.local [hbm:s8], s20  }
0xa1: {  	_ =	swait.ge [sflag:s22], s20  }
0xa2: {  	s7 =	ssub.s32 $0x0, s20;
	[sflag:s22] =	ssyncset.done $0x0  }
0xa3: {  	[sflag:s22] =	ssyncadd.s32 s7;
	_ =	sdelay $0x1  }
0xa4: {  	s23 =	simm.s32 $0x1B8B  }
0xa5: {  	_ =	swait.ge [sflag:s23], $0x1  }
0xa6: {  	[sflag:s23] =	ssyncset.done $0x0  }
0xa7: {  	s25 =	simm.s32 $0x1B8E;
	s24 =	sld [smem:$0x3FFE];
	[sflag:s23] =	ssyncadd.s32 $0xFFFFFFFF  }
0xa8: {  	s26 =	simm.s32 $execute0_lowered;
	[smem:$0x3FD2] =	sst s25  }
0xa9: {  	s8 =	sshll.u32 s26, $0x1;
	_ =	strace $0x80000049;
	[dreg:$0x1] =	wrdreg $0xFFFFFFFF  }
0xaa: {  	s28 =	simm.s32 $_size_execute0_lowered;
	s6 =	sadd.s32 s6, s8;
	[dreg:$0x0] =	wrdreg $0x0  }
0xab: {  	s8 =	sshll.u32 s28, $0x1;
	[dreg:$0x2] =	wrdreg s6  }
0xac: {  	[dreg:$0x3] =	wrdreg s8  }
0xad: {  	[dreg:$0x4] =	wrdreg $0xC0  }
0xae: {  	_ =	task [dreg:s10], $0x5FFFF  }
0xaf: {  	[dreg:$0x1] =	wrdreg $0xFFFFFFFF  }
0xb0: {  	[dreg:$0x0] =	wrdreg $0x60  }
0xb1: {  	[dreg:$0x2] =	wrdreg s2  }
0xb2: {  	[dreg:$0x3] =	wrdreg s18  }
0xb3: {  	[dreg:$0x4] =	wrdreg s4  }
0xb4: {  	[dreg:$0x5] =	wrdreg s24  }
0xb5: {  	[dreg:$0x6] =	wrdreg s5  }
0xb6: {  	[dreg:$0x7] =	wrdreg $0x9  }
0xb7: {  	_ =	task.clear_ibuf [dreg:s10], $0x8FFFF;
	_ =	strace $0x90000049  }
0xb8: {  	s29 =	simm.s32 $0x9;
	_ =	strace $0x8000004B  }
0xb9: {  	_ =	swait.ge [sflag:s29], $0x1  }
0xba: {  	[sflag:s29] =	ssyncadd.s32 $0xFFFFFFFF  }
0xbb: {  	_ =	strace $0x9000004B  }
0xbc: {  	_ =	sfence  }
0xbd: {  	s30 =	sld [smem:$0x0];
	_ =	sdelay $0x2  }
0xbe: {  	s31 =	sshll.u32 s1, $0xD;
	s1 =	sshrl.u32 s1, $0x2  }
0xbf: {  	s3 =	sand.u32 $0x4000, s31;
	s1 =	sadd.s32 s1, s30  }
0xc0: {  	s0 =	sor.u32 s3, s0;
	s1 =	sshll.u32 s1, $0x11  }
0xc1: {  	s0 =	sor.u32 s1, s0  }
0xc2: {  	s0 =	sadd.s32 $0x8F2B, s0  }
0xc3: {  	[sflag:s0] =	ssyncadd.remote.s32 $0x1  }
0xc4: {  	_ =	sfence.sel $0xFFFF  }
0xc5: {  	[dreg:$0x0] =	wrdreg $0xFFFFFFFF;
	(pc) =	sbr.abs _section_cstart, $3  }
0xc6: {  	[dreg:$0x1] =	wrdreg $0xFFFFFFFF  }
0xc7: {  	_ =	task.clear_ibuf [dreg:s10], $0x2FFFF;
	_ =	strace $0x9FFFFFFF  }
0xc8: {  	(tm) =	ssettm $0x7FFFFFFF  }
0xc9: {  	_ =	shalt  }
tec
execute0_lowered:
.L_overlay_start_1:
0x0: {  	(tag) =	ssettag $0x1  }
0x1: {  	s5 =	rddreg [dreg:$0x0]  }
0x2: {  	s6 =	rddreg [dreg:$0x1]  }
0x3: {  	s7 =	rddreg [dreg:$0x2]  }
0x4: {  	s8 =	rddreg [dreg:$0x3]  }
0x5: {  	s9 =	rddreg [dreg:$0x4]  }
0x6: {  	s0 =	rddreg [dreg:$0x5];
	s3 =	srdreg.scid  }
0x7: {  	s2 =	simm.s32 $0x0;
	s1 =	stileid.u32;
	s14 =	simm.s32 $0x2180  }
0x8: {  	s15 =	simm.s32 $0x4180;
	s16 =	simm.s32 $0x180;
	s17 =	simm.s32 $0x1  }
0x9: {  	s18 =	simm.s32 $0x2;
	s19 =	simm.s32 $0x6180;
	s20 =	simm.s32 $0x0  }
0xa: {  	s10 =	sand.u32 $0x1, s3;
	[smem:$0x7FF] =	sst s2;
	s4 =	sshll.u32 s1, $0x8  }
0xb: {  	s3 =	sadd.s32 $0x24C800, s8;
	s11 =	sshll.u32 s10, $0x7;
	_ =	strace $0x8000004A  }
0xc: {  	s10 =	ssub.s32 $0x2, s10;
	s11 =	sor.u32 s11, s4;
	s4 =	sadd.s32 $0x2600, s8  }
0xd: {  	s30 =	sshrl.u32 s10, $0x1;
	s12 =	sshll.u32 s11, $0x5;
	s13 =	sshrl.u32 s11, $0x3  }
0xe: {  	s10 =	ssub.s32 s10, s30;
	s31 =	sshll.u32 s11, $0x3;
	s11 =	simm.s32 $0x3  }
0xf: {  	s12 =	sadd.s32 s12, s8;
	s5 =	sadd.s32 s5, s13;
	s6 =	sadd.s32 s6, s13  }
0x10: {  	v0 =	vlaneseq.u32;
	v1 =	vimm.f32 $0.0e+00;
	s7 =	sadd.s32 s7, s13;
	s8 =	sadd.s32 s9, s31;
	s10 =	smax.u32 s10, $0x1  }
0x11: {  	v2 =	vor.u32 $0x10, v0;
	v3 =	vor.u32 $0x20, v0;
	v4 =	vor.u32 $0x30, v0;
	s13 =	simm.s32 $0x100;
	s9 =	sadd.s32 $0x4600, s12;
	s12 =	simm.s32 $0x80  }
.LBB2_1:
0x12: {  	[tilespmem:s2], [sflag:$0x3] =	stream.linear.gather [hbm4b:s5+s2], $0x80, $0x38;
	[tilespmem:$0xE180] =	vst v63  }
0x13: {  	_ =	swait.ge [sflag:s11], $0x80  }
0x14: {  	[sflag:s11] =	ssyncset.done $0x0  }
0x15: {  	[sflag:s11] =	ssyncadd.s32 $0xFFFFFF80  }
0x16: {  	[tilespmem:s12], [sflag:$0x3] =	stream.linear.gather [hbm4b:s6+s2], $0x80, $0x38;
	[tilespmem:$0xE180] =	vst v63  }
0x17: {  	_ =	swait.ge [sflag:s11], $0x80  }
0x18: {  	[sflag:s11] =	ssyncset.done $0x0  }
0x19: {  	[sflag:s11] =	ssyncadd.s32 $0xFFFFFF80  }
0x1a: {  	[tilespmem:s13], [sflag:$0x3] =	stream.linear.gather [hbm4b:s7+s2], $0x80, $0x38;
	[tilespmem:$0xE180] =	vst v63  }
0x1b: {  	_ =	swait.ge [sflag:s11], $0x80  }
0x1c: {  	[sflag:s11] =	ssyncset.done $0x0  }
0x1d: {  	[sflag:s11] =	ssyncadd.s32 $0xFFFFFF80  }
0x1e: {  	[tilespmem:s14], [sflag:$0x1] =	stream.indirect.gather [hbm4b:s3+s12], $0x40, s2, s12, $0xb8;
	[tilespmem:$0xE180] =	vst v63  }
0x1f: {  	_ = 	snop  }
0x20: {  	[tilespmem:s15], [sflag:$0x2] =	stream.indirect.gather [hbm4b:s4+s12], $0x40, s12, s12, $0xb8;
	[tilespmem:$0xE180] =	vst v63  }
0x21: {  	_ = 	snop  }
0x22: {  	[tilespmem:s16], [sflag:$0x3] =	stream.linear.gather [hbm4b:s8+s2], $0x2000, $0x38;
	[tilespmem:$0xE180] =	vst v63  }
0x23: {  	_ =	swait.ge [sflag:s11], $0x2000  }
0x24: {  	[sflag:s11] =	ssyncset.done $0x0  }
0x25: {  	[sflag:s11] =	ssyncadd.s32 $0xFFFFE000  }
0x26: {  	_ =	swait.ge [sflag:s17], $0x2000  }
0x27: {  	[sflag:s17] =	ssyncset.done $0x0  }
0x28: {  	[sflag:s17] =	ssyncadd.s32 $0xFFFFE000  }
0x29: {  	_ =	swait.ge [sflag:s18], $0x2000  }
0x2a: {  	[sflag:s18] =	ssyncset.done $0x0  }
0x2b: {  	s21 =	simm.s32 $0x0;
	[sflag:s18] =	ssyncadd.s32 $0xFFFFE000  }
.LBB2_2:
0x2c: {  	s23 =	sshll.u32 s21, $0xA  }
0x2d: {  	v6 =	vld [tilespmem:s23+$0x180];
	_ =	sdelay $0x2  }
0x2e: {  	s24 =	sshll.u32 s21, $0xC  }
0x2f: {  	s22 =	sshll.u32 s21, $0x4;
	s24 =	sand.u32 $0x3FFFF000, s24  }
0x30: {  	v5 =	vld [tilespmem:s22+$0x100];
	[tilespmem:s24+$0x6180] =	vst v6  }
0x31: {  	v6 =	vld [tilespmem:s23+$0x190];
	_ =	sdelay $0x4  }
0x32: {  	[tilespmem:s24+$0x6190] =	vst v6  }
0x33: {  	v6 =	vld [tilespmem:s23+$0x1A0];
	_ =	sdelay $0x4  }
0x34: {  	[tilespmem:s24+$0x61A0] =	vst v6  }
0x35: {  	v6 =	vld [tilespmem:s23+$0x1B0];
	_ =	sdelay $0x4  }
0x36: {  	[tilespmem:s24+$0x61B0] =	vst v6  }
0x37: {  	v6 =	vld [tilespmem:s23+$0x2180];
	_ =	sdelay $0x4  }
0x38: {  	[tilespmem:s24+$0x61C0] =	vst v6  }
0x39: {  	v6 =	vld [tilespmem:s23+$0x2190];
	_ =	sdelay $0x4  }
0x3a: {  	[tilespmem:s24+$0x61D0] =	vst v6  }
0x3b: {  	v6 =	vld [tilespmem:s23+$0x21A0];
	_ =	sdelay $0x4  }
0x3c: {  	[tilespmem:s24+$0x61E0] =	vst v6  }
0x3d: {  	v6 =	vld [tilespmem:s23+$0x21B0];
	_ =	sdelay $0x1  }
0x3e: {  	v7 =	vbroadcast v5, $0x0;
	_ =	sdelay $0x1  }
0x3f: {  	vm0 =	veq.s32 v7, v0  }
0x40: {  	vm13 =	veq.s32 v7, v2;
	[tilespmem:s24+$0x61F0] =	vst v6;
	v6 =	vsel vm0, $0x3F800000, v1  }
0x41: {  	vm14 =	veq.s32 v7, v3;
	[tilespmem:s24+$0x6200] =	vst v6;
	v6 =	vsel vm13, $0x3F800000, v1  }
0x42: {  	vm15 =	veq.s32 v7, v4;
	[tilespmem:s24+$0x6210] =	vst v6;
	v6 =	vsel vm14, $0x3F800000, v1  }
0x43: {  	[tilespmem:s24+$0x6220] =	vst v6;
	v6 =	vsel vm15, $0x3F800000, v1  }
0x44: {  	[tilespmem:s24+$0x6230] =	vst v6  }
0x45: {  	v6 =	vld [tilespmem:s23+$0x4180];
	_ =	sdelay $0x4  }
0x46: {  	[tilespmem:s24+$0x6233] =	vst v6  }
0x47: {  	v6 =	vld [tilespmem:s23+$0x4190];
	_ =	sdelay $0x4  }
0x48: {  	[tilespmem:s24+$0x6243] =	vst v6  }
0x49: {  	v6 =	vld [tilespmem:s23+$0x41A0];
	_ =	sdelay $0x4  }
0x4a: {  	[tilespmem:s24+$0x6253] =	vst v6  }
0x4b: {  	v6 =	vld [tilespmem:s23+$0x41B0];
	_ =	sdelay $0x3  }
0x4c: {  	s26 =	sor.u32 $0x1, s22  }
0x4d: {  	s28 =	sshll.u32 s26, $0x6;
	[tilespmem:s24+$0x6263] =	vst v6  }
0x4e: {  	v6 =	vld [tilespmem:s28+$0x180];
	_ =	sdelay $0x2  }
0x4f: {  	s23 =	sshll.u32 s26, $0x8  }
0x50: {  	s23 =	sand.u32 $0x3FFFF100, s23  }
0x51: {  	[tilespmem:s23+$0x6180] =	vst v6  }
0x52: {  	v6 =	vld [tilespmem:s28+$0x190];
	_ =	sdelay $0x4  }
0x53: {  	[tilespmem:s23+$0x6190] =	vst v6  }
0x54: {  	v6 =	vld [tilespmem:s28+$0x1A0];
	_ =	sdelay $0x4  }
0x55: {  	[tilespmem:s23+$0x61A0] =	vst v6  }
0x56: {  	v6 =	vld [tilespmem:s28+$0x1B0];
	_ =	sdelay $0x4  }
0x57: {  	[tilespmem:s23+$0x61B0] =	vst v6  }
0x58: {  	v6 =	vld [tilespmem:s28+$0x2180];
	_ =	sdelay $0x4  }
0x59: {  	[tilespmem:s23+$0x61C0] =	vst v6  }
0x5a: {  	v6 =	vld [tilespmem:s28+$0x2190];
	_ =	sdelay $0x4  }
0x5b: {  	[tilespmem:s23+$0x61D0] =	vst v6  }
0x5c: {  	v6 =	vld [tilespmem:s28+$0x21A0];
	_ =	sdelay $0x4  }
0x5d: {  	[tilespmem:s23+$0x61E0] =	vst v6  }
0x5e: {  	v6 =	vld [tilespmem:s28+$0x21B0];
	_ =	sdelay $0x1  }
0x5f: {  	v7 =	vbroadcast v5, $0x1;
	_ =	sdelay $0x1  }
0x60: {  	vm4 =	veq.s32 v7, v0  }
0x61: {  	vm5 =	veq.s32 v7, v2;
	[tilespmem:s23+$0x61F0] =	vst v6;
	v6 =	vsel vm4, $0x3F800000, v1  }
0x62: {  	vm6 =	veq.s32 v7, v3;
	[tilespmem:s23+$0x6200] =	vst v6;
	v6 =	vsel vm5, $0x3F800000, v1  }
0x63: {  	vm7 =	veq.s32 v7, v4;
	[tilespmem:s23+$0x6210] =	vst v6;
	v6 =	vsel vm6, $0x3F800000, v1  }
0x64: {  	[tilespmem:s23+$0x6220] =	vst v6;
	v6 =	vsel vm7, $0x3F800000, v1  }
0x65: {  	[tilespmem:s23+$0x6230] =	vst v6  }
0x66: {  	v6 =	vld [tilespmem:s28+$0x4180];
	_ =	sdelay $0x4  }
0x67: {  	[tilespmem:s23+$0x6233] =	vst v6  }
0x68: {  	v6 =	vld [tilespmem:s28+$0x4190];
	_ =	sdelay $0x4  }
0x69: {  	[tilespmem:s23+$0x6243] =	vst v6  }
0x6a: {  	v6 =	vld [tilespmem:s28+$0x41A0];
	_ =	sdelay $0x4  }
0x6b: {  	[tilespmem:s23+$0x6253] =	vst v6  }
0x6c: {  	v6 =	vld [tilespmem:s28+$0x41B0];
	_ =	sdelay $0x3  }
0x6d: {  	s29 =	sor.u32 $0x2, s22  }
0x6e: {  	s30 =	sshll.u32 s29, $0x6;
	[tilespmem:s23+$0x6263] =	vst v6  }
0x6f: {  	v6 =	vld [tilespmem:s30+$0x180];
	_ =	sdelay $0x2  }
0x70: {  	s24 =	sshll.u32 s29, $0x8  }
0x71: {  	s24 =	sand.u32 $0x3FFFF200, s24  }
0x72: {  	[tilespmem:s24+$0x6180] =	vst v6  }
0x73: {  	v6 =	vld [tilespmem:s30+$0x190];
	_ =	sdelay $0x4  }
0x74: {  	[tilespmem:s24+$0x6190] =	vst v6  }
0x75: {  	v6 =	vld [tilespmem:s30+$0x1A0];
	_ =	sdelay $0x4  }
0x76: {  	[tilespmem:s24+$0x61A0] =	vst v6  }
0x77: {  	v6 =	vld [tilespmem:s30+$0x1B0];
	_ =	sdelay $0x4  }
0x78: {  	[tilespmem:s24+$0x61B0] =	vst v6  }
0x79: {  	v6 =	vld [tilespmem:s30+$0x2180];
	_ =	sdelay $0x4  }
0x7a: {  	[tilespmem:s24+$0x61C0] =	vst v6  }
0x7b: {  	v6 =	vld [tilespmem:s30+$0x2190];
	_ =	sdelay $0x4  }
0x7c: {  	[tilespmem:s24+$0x61D0] =	vst v6  }
0x7d: {  	v6 =	vld [tilespmem:s30+$0x21A0];
	_ =	sdelay $0x4  }
0x7e: {  	[tilespmem:s24+$0x61E0] =	vst v6  }
0x7f: {  	v6 =	vld [tilespmem:s30+$0x21B0];
	_ =	sdelay $0x1  }
0x80: {  	v7 =	vbroadcast v5, $0x2;
	_ =	sdelay $0x1  }
0x81: {  	vm8 =	veq.s32 v7, v0  }
0x82: {  	vm9 =	veq.s32 v7, v2;
	[tilespmem:s24+$0x61F0] =	vst v6;
	v6 =	vsel vm8, $0x3F800000, v1  }
0x83: {  	vm10 =	veq.s32 v7, v3;
	[tilespmem:s24+$0x6200] =	vst v6;
	v6 =	vsel vm9, $0x3F800000, v1  }
0x84: {  	vm11 =	veq.s32 v7, v4;
	[tilespmem:s24+$0x6210] =	vst v6;
	v6 =	vsel vm10, $0x3F800000, v1  }
0x85: {  	[tilespmem:s24+$0x6220] =	vst v6;
	v6 =	vsel vm11, $0x3F800000, v1  }
0x86: {  	[tilespmem:s24+$0x6230] =	vst v6  }
0x87: {  	v6 =	vld [tilespmem:s30+$0x4180];
	_ =	sdelay $0x4  }
0x88: {  	[tilespmem:s24+$0x6233] =	vst v6  }
0x89: {  	v6 =	vld [tilespmem:s30+$0x4190];
	_ =	sdelay $0x4  }
0x8a: {  	[tilespmem:s24+$0x6243] =	vst v6  }
0x8b: {  	v6 =	vld [tilespmem:s30+$0x41A0];
	_ =	sdelay $0x4  }
0x8c: {  	[tilespmem:s24+$0x6253] =	vst v6  }
0x8d: {  	v6 =	vld [tilespmem:s30+$0x41B0];
	_ =	sdelay $0x3  }
0x8e: {  	s31 =	sor.u32 $0x3, s22  }
0x8f: {  	s25 =	sshll.u32 s31, $0x6;
	[tilespmem:s24+$0x6263] =	vst v6  }
0x90: {  	v6 =	vld [tilespmem:s25+$0x180];
	_ =	sdelay $0x2  }
0x91: {  	s23 =	sshll.u32 s31, $0x8  }
0x92: {  	s23 =	sand.u32 $0x3FFFF300, s23  }
0x93: {  	[tilespmem:s23+$0x6180] =	vst v6  }
0x94: {  	v6 =	vld [tilespmem:s25+$0x190];
	_ =	sdelay $0x4  }
0x95: {  	[tilespmem:s23+$0x6190] =	vst v6  }
0x96: {  	v6 =	vld [tilespmem:s25+$0x1A0];
	_ =	sdelay $0x4  }
0x97: {  	[tilespmem:s23+$0x61A0] =	vst v6  }
0x98: {  	v6 =	vld [tilespmem:s25+$0x1B0];
	_ =	sdelay $0x4  }
0x99: {  	[tilespmem:s23+$0x61B0] =	vst v6  }
0x9a: {  	v6 =	vld [tilespmem:s25+$0x2180];
	_ =	sdelay $0x4  }
0x9b: {  	[tilespmem:s23+$0x61C0] =	vst v6  }
0x9c: {  	v6 =	vld [tilespmem:s25+$0x2190];
	_ =	sdelay $0x4  }
0x9d: {  	[tilespmem:s23+$0x61D0] =	vst v6  }
0x9e: {  	v6 =	vld [tilespmem:s25+$0x21A0];
	_ =	sdelay $0x4  }
0x9f: {  	[tilespmem:s23+$0x61E0] =	vst v6  }
0xa0: {  	v6 =	vld [tilespmem:s25+$0x21B0];
	_ =	sdelay $0x1  }
0xa1: {  	v7 =	vbroadcast v5, $0x3;
	_ =	sdelay $0x1  }
0xa2: {  	vm12 =	veq.s32 v7, v0  }
0xa3: {  	vm13 =	veq.s32 v7, v2;
	[tilespmem:s23+$0x61F0] =	vst v6;
	v6 =	vsel vm12, $0x3F800000, v1  }
0xa4: {  	vm14 =	veq.s32 v7, v3;
	[tilespmem:s23+$0x6200] =	vst v6;
	v6 =	vsel vm13, $0x3F800000, v1  }
0xa5: {  	vm15 =	veq.s32 v7, v4;
	[tilespmem:s23+$0x6210] =	vst v6;
	v6 =	vsel vm14, $0x3F800000, v1  }
0xa6: {  	[tilespmem:s23+$0x6220] =	vst v6;
	v6 =	vsel vm15, $0x3F800000, v1  }
0xa7: {  	[tilespmem:s23+$0x6230] =	vst v6  }
0xa8: {  	v6 =	vld [tilespmem:s25+$0x4180];
	_ =	sdelay $0x4  }
0xa9: {  	[tilespmem:s23+$0x6233] =	vst v6  }
0xaa: {  	v6 =	vld [tilespmem:s25+$0x4190];
	_ =	sdelay $0x4  }
0xab: {  	[tilespmem:s23+$0x6243] =	vst v6  }
0xac: {  	v6 =	vld [tilespmem:s25+$0x41A0];
	_ =	sdelay $0x4  }
0xad: {  	[tilespmem:s23+$0x6253] =	vst v6  }
0xae: {  	v6 =	vld [tilespmem:s25+$0x41B0];
	_ =	sdelay $0x3  }
0xaf: {  	s26 =	sor.u32 $0x4, s22  }
0xb0: {  	s28 =	sshll.u32 s26, $0x6;
	[tilespmem:s23+$0x6263] =	vst v6  }
0xb1: {  	v6 =	vld [tilespmem:s28+$0x180];
	_ =	sdelay $0x2  }
0xb2: {  	s24 =	sshll.u32 s26, $0x8  }
0xb3: {  	s24 =	sand.u32 $0x3FFFF400, s24  }
0xb4: {  	[tilespmem:s24+$0x6180] =	vst v6  }
0xb5: {  	v6 =	vld [tilespmem:s28+$0x190];
	_ =	sdelay $0x4  }
0xb6: {  	[tilespmem:s24+$0x6190] =	vst v6  }
0xb7: {  	v6 =	vld [tilespmem:s28+$0x1A0];
	_ =	sdelay $0x4  }
0xb8: {  	[tilespmem:s24+$0x61A0] =	vst v6  }
0xb9: {  	v6 =	vld [tilespmem:s28+$0x1B0];
	_ =	sdelay $0x4  }
0xba: {  	[tilespmem:s24+$0x61B0] =	vst v6  }
0xbb: {  	v6 =	vld [tilespmem:s28+$0x2180];
	_ =	sdelay $0x4  }
0xbc: {  	[tilespmem:s24+$0x61C0] =	vst v6  }
0xbd: {  	v6 =	vld [tilespmem:s28+$0x2190];
	_ =	sdelay $0x4  }
0xbe: {  	[tilespmem:s24+$0x61D0] =	vst v6  }
0xbf: {  	v6 =	vld [tilespmem:s28+$0x21A0];
	_ =	sdelay $0x4  }
0xc0: {  	[tilespmem:s24+$0x61E0] =	vst v6  }
0xc1: {  	v6 =	vld [tilespmem:s28+$0x21B0];
	_ =	sdelay $0x1  }
0xc2: {  	v7 =	vbroadcast v5, $0x4;
	_ =	sdelay $0x1  }
0xc3: {  	vm4 =	veq.s32 v7, v0  }
0xc4: {  	vm5 =	veq.s32 v7, v2;
	[tilespmem:s24+$0x61F0] =	vst v6;
	v6 =	vsel vm4, $0x3F800000, v1  }
0xc5: {  	vm6 =	veq.s32 v7, v3;
	[tilespmem:s24+$0x6200] =	vst v6;
	v6 =	vsel vm5, $0x3F800000, v1  }
0xc6: {  	vm7 =	veq.s32 v7, v4;
	[tilespmem:s24+$0x6210] =	vst v6;
	v6 =	vsel vm6, $0x3F800000, v1  }
0xc7: {  	[tilespmem:s24+$0x6220] =	vst v6;
	v6 =	vsel vm7, $0x3F800000, v1  }
0xc8: {  	[tilespmem:s24+$0x6230] =	vst v6  }
0xc9: {  	v6 =	vld [tilespmem:s28+$0x4180];
	_ =	sdelay $0x4  }
0xca: {  	[tilespmem:s24+$0x6233] =	vst v6  }
0xcb: {  	v6 =	vld [tilespmem:s28+$0x4190];
	_ =	sdelay $0x4  }
0xcc: {  	[tilespmem:s24+$0x6243] =	vst v6  }
0xcd: {  	v6 =	vld [tilespmem:s28+$0x41A0];
	_ =	sdelay $0x4  }
0xce: {  	[tilespmem:s24+$0x6253] =	vst v6  }
0xcf: {  	v6 =	vld [tilespmem:s28+$0x41B0];
	_ =	sdelay $0x3  }
0xd0: {  	s29 =	sor.u32 $0x5, s22  }
0xd1: {  	s30 =	sshll.u32 s29, $0x6;
	[tilespmem:s24+$0x6263] =	vst v6  }
0xd2: {  	v6 =	vld [tilespmem:s30+$0x180];
	_ =	sdelay $0x2  }
0xd3: {  	s23 =	sshll.u32 s29, $0x8  }
0xd4: {  	s23 =	sand.u32 $0x3FFFF500, s23  }
0xd5: {  	[tilespmem:s23+$0x6180] =	vst v6  }
0xd6: {  	v6 =	vld [tilespmem:s30+$0x190];
	_ =	sdelay $0x4  }
0xd7: {  	[tilespmem:s23+$0x6190] =	vst v6  }
0xd8: {  	v6 =	vld [tilespmem:s30+$0x1A0];
	_ =	sdelay $0x4  }
0xd9: {  	[tilespmem:s23+$0x61A0] =	vst v6  }
0xda: {  	v6 =	vld [tilespmem:s30+$0x1B0];
	_ =	sdelay $0x4  }
0xdb: {  	[tilespmem:s23+$0x61B0] =	vst v6  }
0xdc: {  	v6 =	vld [tilespmem:s30+$0x2180];
	_ =	sdelay $0x4  }
0xdd: {  	[tilespmem:s23+$0x61C0] =	vst v6  }
0xde: {  	v6 =	vld [tilespmem:s30+$0x2190];
	_ =	sdelay $0x4  }
0xdf: {  	[tilespmem:s23+$0x61D0] =	vst v6  }
0xe0: {  	v6 =	vld [tilespmem:s30+$0x21A0];
	_ =	sdelay $0x4  }
0xe1: {  	[tilespmem:s23+$0x61E0] =	vst v6  }
0xe2: {  	v6 =	vld [tilespmem:s30+$0x21B0];
	_ =	sdelay $0x1  }
0xe3: {  	v7 =	vbroadcast v5, $0x5;
	_ =	sdelay $0x1  }
0xe4: {  	vm8 =	veq.s32 v7, v0  }
0xe5: {  	vm9 =	veq.s32 v7, v2;
	[tilespmem:s23+$0x61F0] =	vst v6;
	v6 =	vsel vm8, $0x3F800000, v1  }
0xe6: {  	vm10 =	veq.s32 v7, v3;
	[tilespmem:s23+$0x6200] =	vst v6;
	v6 =	vsel vm9, $0x3F800000, v1  }
0xe7: {  	vm11 =	veq.s32 v7, v4;
	[tilespmem:s23+$0x6210] =	vst v6;
	v6 =	vsel vm10, $0x3F800000, v1  }
0xe8: {  	[tilespmem:s23+$0x6220] =	vst v6;
	v6 =	vsel vm11, $0x3F800000, v1  }
0xe9: {  	[tilespmem:s23+$0x6230] =	vst v6  }
0xea: {  	v6 =	vld [tilespmem:s30+$0x4180];
	_ =	sdelay $0x4  }
0xeb: {  	[tilespmem:s23+$0x6233] =	vst v6  }
0xec: {  	v6 =	vld [tilespmem:s30+$0x4190];
	_ =	sdelay $0x4  }
0xed: {  	[tilespmem:s23+$0x6243] =	vst v6  }
0xee: {  	v6 =	vld [tilespmem:s30+$0x41A0];
	_ =	sdelay $0x4  }
0xef: {  	[tilespmem:s23+$0x6253] =	vst v6  }
0xf0: {  	v6 =	vld [tilespmem:s30+$0x41B0];
	_ =	sdelay $0x3  }
0xf1: {  	s31 =	sor.u32 $0x6, s22  }
0xf2: {  	s25 =	sshll.u32 s31, $0x6;
	[tilespmem:s23+$0x6263] =	vst v6  }
0xf3: {  	v6 =	vld [tilespmem:s25+$0x180];
	_ =	sdelay $0x2  }
0xf4: {  	s24 =	sshll.u32 s31, $0x8  }
0xf5: {  	s24 =	sand.u32 $0x3FFFF600, s24  }
0xf6: {  	[tilespmem:s24+$0x6180] =	vst v6  }
0xf7: {  	v6 =	vld [tilespmem:s25+$0x190];
	_ =	sdelay $0x4  }
0xf8: {  	[tilespmem:s24+$0x6190] =	vst v6  }
0xf9: {  	v6 =	vld [tilespmem:s25+$0x1A0];
	_ =	sdelay $0x4  }
0xfa: {  	[tilespmem:s24+$0x61A0] =	vst v6  }
0xfb: {  	v6 =	vld [tilespmem:s25+$0x1B0];
	_ =	sdelay $0x4  }
0xfc: {  	[tilespmem:s24+$0x61B0] =	vst v6  }
0xfd: {  	v6 =	vld [tilespmem:s25+$0x2180];
	_ =	sdelay $0x4  }
0xfe: {  	[tilespmem:s24+$0x61C0] =	vst v6  }
0xff: {  	v6 =	vld [tilespmem:s25+$0x2190];
	_ =	sdelay $0x4  }
0x100: {  	[tilespmem:s24+$0x61D0] =	vst v6  }
0x101: {  	v6 =	vld [tilespmem:s25+$0x21A0];
	_ =	sdelay $0x4  }
0x102: {  	[tilespmem:s24+$0x61E0] =	vst v6  }
0x103: {  	v6 =	vld [tilespmem:s25+$0x21B0];
	_ =	sdelay $0x1  }
0x104: {  	v7 =	vbroadcast v5, $0x6;
	_ =	sdelay $0x1  }
0x105: {  	vm12 =	veq.s32 v7, v0  }
0x106: {  	vm13 =	veq.s32 v7, v2;
	[tilespmem:s24+$0x61F0] =	vst v6;
	v6 =	vsel vm12, $0x3F800000, v1  }
0x107: {  	vm14 =	veq.s32 v7, v3;
	[tilespmem:s24+$0x6200] =	vst v6;
	v6 =	vsel vm13, $0x3F800000, v1  }
0x108: {  	vm15 =	veq.s32 v7, v4;
	[tilespmem:s24+$0x6210] =	vst v6;
	v6 =	vsel vm14, $0x3F800000, v1  }
0x109: {  	[tilespmem:s24+$0x6220] =	vst v6;
	v6 =	vsel vm15, $0x3F800000, v1  }
0x10a: {  	[tilespmem:s24+$0x6230] =	vst v6  }
0x10b: {  	v6 =	vld [tilespmem:s25+$0x4180];
	_ =	sdelay $0x4  }
0x10c: {  	[tilespmem:s24+$0x6233] =	vst v6  }
0x10d: {  	v6 =	vld [tilespmem:s25+$0x4190];
	_ =	sdelay $0x4  }
0x10e: {  	[tilespmem:s24+$0x6243] =	vst v6  }
0x10f: {  	v6 =	vld [tilespmem:s25+$0x41A0];
	_ =	sdelay $0x4  }
0x110: {  	[tilespmem:s24+$0x6253] =	vst v6  }
0x111: {  	v6 =	vld [tilespmem:s25+$0x41B0];
	_ =	sdelay $0x3  }
0x112: {  	s26 =	sor.u32 $0x7, s22  }
0x113: {  	s28 =	sshll.u32 s26, $0x6;
	[tilespmem:s24+$0x6263] =	vst v6  }
0x114: {  	v6 =	vld [tilespmem:s28+$0x180];
	_ =	sdelay $0x2  }
0x115: {  	s23 =	sshll.u32 s26, $0x8  }
0x116: {  	s23 =	sand.u32 $0x3FFFF700, s23  }
0x117: {  	[tilespmem:s23+$0x6180] =	vst v6  }
0x118: {  	v6 =	vld [tilespmem:s28+$0x190];
	_ =	sdelay $0x4  }
0x119: {  	[tilespmem:s23+$0x6190] =	vst v6  }
0x11a: {  	v6 =	vld [tilespmem:s28+$0x1A0];
	_ =	sdelay $0x4  }
0x11b: {  	[tilespmem:s23+$0x61A0] =	vst v6  }
0x11c: {  	v6 =	vld [tilespmem:s28+$0x1B0];
	_ =	sdelay $0x4  }
0x11d: {  	[tilespmem:s23+$0x61B0] =	vst v6  }
0x11e: {  	v6 =	vld [tilespmem:s28+$0x2180];
	_ =	sdelay $0x4  }
0x11f: {  	[tilespmem:s23+$0x61C0] =	vst v6  }
0x120: {  	v6 =	vld [tilespmem:s28+$0x2190];
	_ =	sdelay $0x4  }
0x121: {  	[tilespmem:s23+$0x61D0] =	vst v6  }
0x122: {  	v6 =	vld [tilespmem:s28+$0x21A0];
	_ =	sdelay $0x4  }
0x123: {  	[tilespmem:s23+$0x61E0] =	vst v6  }
0x124: {  	v6 =	vld [tilespmem:s28+$0x21B0];
	_ =	sdelay $0x1  }
0x125: {  	v7 =	vbroadcast v5, $0x7;
	_ =	sdelay $0x1  }
0x126: {  	vm4 =	veq.s32 v7, v0  }
0x127: {  	vm5 =	veq.s32 v7, v2;
	[tilespmem:s23+$0x61F0] =	vst v6;
	v6 =	vsel vm4, $0x3F800000, v1  }
0x128: {  	vm6 =	veq.s32 v7, v3;
	[tilespmem:s23+$0x6200] =	vst v6;
	v6 =	vsel vm5, $0x3F800000, v1  }
0x129: {  	vm7 =	veq.s32 v7, v4;
	[tilespmem:s23+$0x6210] =	vst v6;
	v6 =	vsel vm6, $0x3F800000, v1  }
0x12a: {  	[tilespmem:s23+$0x6220] =	vst v6;
	v6 =	vsel vm7, $0x3F800000, v1  }
0x12b: {  	[tilespmem:s23+$0x6230] =	vst v6  }
0x12c: {  	v6 =	vld [tilespmem:s28+$0x4180];
	_ =	sdelay $0x4  }
0x12d: {  	[tilespmem:s23+$0x6233] =	vst v6  }
0x12e: {  	v6 =	vld [tilespmem:s28+$0x4190];
	_ =	sdelay $0x4  }
0x12f: {  	[tilespmem:s23+$0x6243] =	vst v6  }
0x130: {  	v6 =	vld [tilespmem:s28+$0x41A0];
	_ =	sdelay $0x4  }
0x131: {  	[tilespmem:s23+$0x6253] =	vst v6  }
0x132: {  	v6 =	vld [tilespmem:s28+$0x41B0];
	_ =	sdelay $0x3  }
0x133: {  	s29 =	sor.u32 $0x8, s22  }
0x134: {  	s30 =	sshll.u32 s29, $0x6;
	[tilespmem:s23+$0x6263] =	vst v6  }
0x135: {  	v6 =	vld [tilespmem:s30+$0x180];
	_ =	sdelay $0x2  }
0x136: {  	s24 =	sshll.u32 s29, $0x8  }
0x137: {  	s24 =	sand.u32 $0x3FFFF800, s24  }
0x138: {  	[tilespmem:s24+$0x6180] =	vst v6  }
0x139: {  	v6 =	vld [tilespmem:s30+$0x190];
	_ =	sdelay $0x4  }
0x13a: {  	[tilespmem:s24+$0x6190] =	vst v6  }
0x13b: {  	v6 =	vld [tilespmem:s30+$0x1A0];
	_ =	sdelay $0x4  }
0x13c: {  	[tilespmem:s24+$0x61A0] =	vst v6  }
0x13d: {  	v6 =	vld [tilespmem:s30+$0x1B0];
	_ =	sdelay $0x4  }
0x13e: {  	[tilespmem:s24+$0x61B0] =	vst v6  }
0x13f: {  	v6 =	vld [tilespmem:s30+$0x2180];
	_ =	sdelay $0x4  }
0x140: {  	[tilespmem:s24+$0x61C0] =	vst v6  }
0x141: {  	v6 =	vld [tilespmem:s30+$0x2190];
	_ =	sdelay $0x4  }
0x142: {  	[tilespmem:s24+$0x61D0] =	vst v6  }
0x143: {  	v6 =	vld [tilespmem:s30+$0x21A0];
	_ =	sdelay $0x4  }
0x144: {  	[tilespmem:s24+$0x61E0] =	vst v6  }
0x145: {  	v6 =	vld [tilespmem:s30+$0x21B0];
	_ =	sdelay $0x1  }
0x146: {  	v7 =	vbroadcast v5, $0x8;
	_ =	sdelay $0x1  }
0x147: {  	vm8 =	veq.s32 v7, v0  }
0x148: {  	vm9 =	veq.s32 v7, v2;
	[tilespmem:s24+$0x61F0] =	vst v6;
	v6 =	vsel vm8, $0x3F800000, v1  }
0x149: {  	vm10 =	veq.s32 v7, v3;
	[tilespmem:s24+$0x6200] =	vst v6;
	v6 =	vsel vm9, $0x3F800000, v1  }
0x14a: {  	vm11 =	veq.s32 v7, v4;
	[tilespmem:s24+$0x6210] =	vst v6;
	v6 =	vsel vm10, $0x3F800000, v1  }
0x14b: {  	[tilespmem:s24+$0x6220] =	vst v6;
	v6 =	vsel vm11, $0x3F800000, v1  }
0x14c: {  	[tilespmem:s24+$0x6230] =	vst v6  }
0x14d: {  	v6 =	vld [tilespmem:s30+$0x4180];
	_ =	sdelay $0x4  }
0x14e: {  	[tilespmem:s24+$0x6233] =	vst v6  }
0x14f: {  	v6 =	vld [tilespmem:s30+$0x4190];
	_ =	sdelay $0x4  }
0x150: {  	[tilespmem:s24+$0x6243] =	vst v6  }
0x151: {  	v6 =	vld [tilespmem:s30+$0x41A0];
	_ =	sdelay $0x4  }
0x152: {  	[tilespmem:s24+$0x6253] =	vst v6  }
0x153: {  	v6 =	vld [tilespmem:s30+$0x41B0];
	_ =	sdelay $0x3  }
0x154: {  	s31 =	sor.u32 $0x9, s22  }
0x155: {  	s25 =	sshll.u32 s31, $0x6;
	[tilespmem:s24+$0x6263] =	vst v6  }
0x156: {  	v6 =	vld [tilespmem:s25+$0x180];
	_ =	sdelay $0x2  }
0x157: {  	s23 =	sshll.u32 s31, $0x8  }
0x158: {  	s23 =	sand.u32 $0x3FFFF900, s23  }
0x159: {  	[tilespmem:s23+$0x6180] =	vst v6  }
0x15a: {  	v6 =	vld [tilespmem:s25+$0x190];
	_ =	sdelay $0x4  }
0x15b: {  	[tilespmem:s23+$0x6190] =	vst v6  }
0x15c: {  	v6 =	vld [tilespmem:s25+$0x1A0];
	_ =	sdelay $0x4  }
0x15d: {  	[tilespmem:s23+$0x61A0] =	vst v6  }
0x15e: {  	v6 =	vld [tilespmem:s25+$0x1B0];
	_ =	sdelay $0x4  }
0x15f: {  	[tilespmem:s23+$0x61B0] =	vst v6  }
0x160: {  	v6 =	vld [tilespmem:s25+$0x2180];
	_ =	sdelay $0x4  }
0x161: {  	[tilespmem:s23+$0x61C0] =	vst v6  }
0x162: {  	v6 =	vld [tilespmem:s25+$0x2190];
	_ =	sdelay $0x4  }
0x163: {  	[tilespmem:s23+$0x61D0] =	vst v6  }
0x164: {  	v6 =	vld [tilespmem:s25+$0x21A0];
	_ =	sdelay $0x4  }
0x165: {  	[tilespmem:s23+$0x61E0] =	vst v6  }
0x166: {  	v6 =	vld [tilespmem:s25+$0x21B0];
	_ =	sdelay $0x1  }
0x167: {  	v7 =	vbroadcast v5, $0x9;
	_ =	sdelay $0x1  }
0x168: {  	vm12 =	veq.s32 v7, v0  }
0x169: {  	vm13 =	veq.s32 v7, v2;
	[tilespmem:s23+$0x61F0] =	vst v6;
	v6 =	vsel vm12, $0x3F800000, v1  }
0x16a: {  	vm14 =	veq.s32 v7, v3;
	[tilespmem:s23+$0x6200] =	vst v6;
	v6 =	vsel vm13, $0x3F800000, v1  }
0x16b: {  	vm15 =	veq.s32 v7, v4;
	[tilespmem:s23+$0x6210] =	vst v6;
	v6 =	vsel vm14, $0x3F800000, v1  }
0x16c: {  	[tilespmem:s23+$0x6220] =	vst v6;
	v6 =	vsel vm15, $0x3F800000, v1  }
0x16d: {  	[tilespmem:s23+$0x6230] =	vst v6  }
0x16e: {  	v6 =	vld [tilespmem:s25+$0x4180];
	_ =	sdelay $0x4  }
0x16f: {  	[tilespmem:s23+$0x6233] =	vst v6  }
0x170: {  	v6 =	vld [tilespmem:s25+$0x4190];
	_ =	sdelay $0x4  }
0x171: {  	[tilespmem:s23+$0x6243] =	vst v6  }
0x172: {  	v6 =	vld [tilespmem:s25+$0x41A0];
	_ =	sdelay $0x4  }
0x173: {  	[tilespmem:s23+$0x6253] =	vst v6  }
0x174: {  	v6 =	vld [tilespmem:s25+$0x41B0];
	_ =	sdelay $0x3  }
0x175: {  	s26 =	sor.u32 $0xA, s22  }
0x176: {  	s28 =	sshll.u32 s26, $0x6;
	[tilespmem:s23+$0x6263] =	vst v6  }
0x177: {  	v6 =	vld [tilespmem:s28+$0x180];
	_ =	sdelay $0x2  }
0x178: {  	s24 =	sshll.u32 s26, $0x8  }
0x179: {  	s24 =	sand.u32 $0x3FFFFA00, s24  }
0x17a: {  	[tilespmem:s24+$0x6180] =	vst v6  }
0x17b: {  	v6 =	vld [tilespmem:s28+$0x190];
	_ =	sdelay $0x4  }
0x17c: {  	[tilespmem:s24+$0x6190] =	vst v6  }
0x17d: {  	v6 =	vld [tilespmem:s28+$0x1A0];
	_ =	sdelay $0x4  }
0x17e: {  	[tilespmem:s24+$0x61A0] =	vst v6  }
0x17f: {  	v6 =	vld [tilespmem:s28+$0x1B0];
	_ =	sdelay $0x4  }
0x180: {  	[tilespmem:s24+$0x61B0] =	vst v6  }
0x181: {  	v6 =	vld [tilespmem:s28+$0x2180];
	_ =	sdelay $0x4  }
0x182: {  	[tilespmem:s24+$0x61C0] =	vst v6  }
0x183: {  	v6 =	vld [tilespmem:s28+$0x2190];
	_ =	sdelay $0x4  }
0x184: {  	[tilespmem:s24+$0x61D0] =	vst v6  }
0x185: {  	v6 =	vld [tilespmem:s28+$0x21A0];
	_ =	sdelay $0x4  }
0x186: {  	[tilespmem:s24+$0x61E0] =	vst v6  }
0x187: {  	v6 =	vld [tilespmem:s28+$0x21B0];
	_ =	sdelay $0x1  }
0x188: {  	v7 =	vbroadcast v5, $0xA;
	_ =	sdelay $0x1  }
0x189: {  	vm4 =	veq.s32 v7, v0  }
0x18a: {  	vm5 =	veq.s32 v7, v2;
	[tilespmem:s24+$0x61F0] =	vst v6;
	v6 =	vsel vm4, $0x3F800000, v1  }
0x18b: {  	vm6 =	veq.s32 v7, v3;
	[tilespmem:s24+$0x6200] =	vst v6;
	v6 =	vsel vm5, $0x3F800000, v1  }
0x18c: {  	vm7 =	veq.s32 v7, v4;
	[tilespmem:s24+$0x6210] =	vst v6;
	v6 =	vsel vm6, $0x3F800000, v1  }
0x18d: {  	[tilespmem:s24+$0x6220] =	vst v6;
	v6 =	vsel vm7, $0x3F800000, v1  }
0x18e: {  	[tilespmem:s24+$0x6230] =	vst v6  }
0x18f: {  	v6 =	vld [tilespmem:s28+$0x4180];
	_ =	sdelay $0x4  }
0x190: {  	[tilespmem:s24+$0x6233] =	vst v6  }
0x191: {  	v6 =	vld [tilespmem:s28+$0x4190];
	_ =	sdelay $0x4  }
0x192: {  	[tilespmem:s24+$0x6243] =	vst v6  }
0x193: {  	v6 =	vld [tilespmem:s28+$0x41A0];
	_ =	sdelay $0x4  }
0x194: {  	[tilespmem:s24+$0x6253] =	vst v6  }
0x195: {  	v6 =	vld [tilespmem:s28+$0x41B0];
	_ =	sdelay $0x3  }
0x196: {  	s29 =	sor.u32 $0xB, s22  }
0x197: {  	s30 =	sshll.u32 s29, $0x6;
	[tilespmem:s24+$0x6263] =	vst v6  }
0x198: {  	v6 =	vld [tilespmem:s30+$0x180];
	_ =	sdelay $0x2  }
0x199: {  	s23 =	sshll.u32 s29, $0x8  }
0x19a: {  	s23 =	sand.u32 $0x3FFFFB00, s23  }
0x19b: {  	[tilespmem:s23+$0x6180] =	vst v6  }
0x19c: {  	v6 =	vld [tilespmem:s30+$0x190];
	_ =	sdelay $0x4  }
0x19d: {  	[tilespmem:s23+$0x6190] =	vst v6  }
0x19e: {  	v6 =	vld [tilespmem:s30+$0x1A0];
	_ =	sdelay $0x4  }
0x19f: {  	[tilespmem:s23+$0x61A0] =	vst v6  }
0x1a0: {  	v6 =	vld [tilespmem:s30+$0x1B0];
	_ =	sdelay $0x4  }
0x1a1: {  	[tilespmem:s23+$0x61B0] =	vst v6  }
0x1a2: {  	v6 =	vld [tilespmem:s30+$0x2180];
	_ =	sdelay $0x4  }
0x1a3: {  	[tilespmem:s23+$0x61C0] =	vst v6  }
0x1a4: {  	v6 =	vld [tilespmem:s30+$0x2190];
	_ =	sdelay $0x4  }
0x1a5: {  	[tilespmem:s23+$0x61D0] =	vst v6  }
0x1a6: {  	v6 =	vld [tilespmem:s30+$0x21A0];
	_ =	sdelay $0x4  }
0x1a7: {  	[tilespmem:s23+$0x61E0] =	vst v6  }
0x1a8: {  	v6 =	vld [tilespmem:s30+$0x21B0];
	_ =	sdelay $0x1  }
0x1a9: {  	v7 =	vbroadcast v5, $0xB;
	_ =	sdelay $0x1  }
0x1aa: {  	vm8 =	veq.s32 v7, v0  }
0x1ab: {  	vm9 =	veq.s32 v7, v2;
	[tilespmem:s23+$0x61F0] =	vst v6;
	v6 =	vsel vm8, $0x3F800000, v1  }
0x1ac: {  	vm10 =	veq.s32 v7, v3;
	[tilespmem:s23+$0x6200] =	vst v6;
	v6 =	vsel vm9, $0x3F800000, v1  }
0x1ad: {  	vm11 =	veq.s32 v7, v4;
	[tilespmem:s23+$0x6210] =	vst v6;
	v6 =	vsel vm10, $0x3F800000, v1  }
0x1ae: {  	[tilespmem:s23+$0x6220] =	vst v6;
	v6 =	vsel vm11, $0x3F800000, v1  }
0x1af: {  	[tilespmem:s23+$0x6230] =	vst v6  }
0x1b0: {  	v6 =	vld [tilespmem:s30+$0x4180];
	_ =	sdelay $0x4  }
0x1b1: {  	[tilespmem:s23+$0x6233] =	vst v6  }
0x1b2: {  	v6 =	vld [tilespmem:s30+$0x4190];
	_ =	sdelay $0x4  }
0x1b3: {  	[tilespmem:s23+$0x6243] =	vst v6  }
0x1b4: {  	v6 =	vld [tilespmem:s30+$0x41A0];
	_ =	sdelay $0x4  }
0x1b5: {  	[tilespmem:s23+$0x6253] =	vst v6  }
0x1b6: {  	v6 =	vld [tilespmem:s30+$0x41B0];
	_ =	sdelay $0x3  }
0x1b7: {  	s31 =	sor.u32 $0xC, s22  }
0x1b8: {  	s25 =	sshll.u32 s31, $0x6;
	[tilespmem:s23+$0x6263] =	vst v6  }
0x1b9: {  	v6 =	vld [tilespmem:s25+$0x180];
	_ =	sdelay $0x2  }
0x1ba: {  	s24 =	sshll.u32 s31, $0x8  }
0x1bb: {  	s24 =	sand.u32 $0x3FFFFC00, s24  }
0x1bc: {  	[tilespmem:s24+$0x6180] =	vst v6  }
0x1bd: {  	v6 =	vld [tilespmem:s25+$0x190];
	_ =	sdelay $0x4  }
0x1be: {  	[tilespmem:s24+$0x6190] =	vst v6  }
0x1bf: {  	v6 =	vld [tilespmem:s25+$0x1A0];
	_ =	sdelay $0x4  }
0x1c0: {  	[tilespmem:s24+$0x61A0] =	vst v6  }
0x1c1: {  	v6 =	vld [tilespmem:s25+$0x1B0];
	_ =	sdelay $0x4  }
0x1c2: {  	[tilespmem:s24+$0x61B0] =	vst v6  }
0x1c3: {  	v6 =	vld [tilespmem:s25+$0x2180];
	_ =	sdelay $0x4  }
0x1c4: {  	[tilespmem:s24+$0x61C0] =	vst v6  }
0x1c5: {  	v6 =	vld [tilespmem:s25+$0x2190];
	_ =	sdelay $0x4  }
0x1c6: {  	[tilespmem:s24+$0x61D0] =	vst v6  }
0x1c7: {  	v6 =	vld [tilespmem:s25+$0x21A0];
	_ =	sdelay $0x4  }
0x1c8: {  	[tilespmem:s24+$0x61E0] =	vst v6  }
0x1c9: {  	v6 =	vld [tilespmem:s25+$0x21B0];
	_ =	sdelay $0x1  }
0x1ca: {  	v7 =	vbroadcast v5, $0xC;
	_ =	sdelay $0x1  }
0x1cb: {  	vm12 =	veq.s32 v7, v0  }
0x1cc: {  	vm13 =	veq.s32 v7, v2;
	[tilespmem:s24+$0x61F0] =	vst v6;
	v6 =	vsel vm12, $0x3F800000, v1  }
0x1cd: {  	vm14 =	veq.s32 v7, v3;
	[tilespmem:s24+$0x6200] =	vst v6;
	v6 =	vsel vm13, $0x3F800000, v1  }
0x1ce: {  	vm15 =	veq.s32 v7, v4;
	[tilespmem:s24+$0x6210] =	vst v6;
	v6 =	vsel vm14, $0x3F800000, v1  }
0x1cf: {  	[tilespmem:s24+$0x6220] =	vst v6;
	v6 =	vsel vm15, $0x3F800000, v1  }
0x1d0: {  	[tilespmem:s24+$0x6230] =	vst v6  }
0x1d1: {  	v6 =	vld [tilespmem:s25+$0x4180];
	_ =	sdelay $0x4  }
0x1d2: {  	[tilespmem:s24+$0x6233] =	vst v6  }
0x1d3: {  	v6 =	vld [tilespmem:s25+$0x4190];
	_ =	sdelay $0x4  }
0x1d4: {  	[tilespmem:s24+$0x6243] =	vst v6  }
0x1d5: {  	v6 =	vld [tilespmem:s25+$0x41A0];
	_ =	sdelay $0x4  }
0x1d6: {  	[tilespmem:s24+$0x6253] =	vst v6  }
0x1d7: {  	v6 =	vld [tilespmem:s25+$0x41B0];
	_ =	sdelay $0x3  }
0x1d8: {  	s26 =	sor.u32 $0xD, s22  }
0x1d9: {  	s28 =	sshll.u32 s26, $0x6;
	[tilespmem:s24+$0x6263] =	vst v6  }
0x1da: {  	v6 =	vld [tilespmem:s28+$0x180];
	_ =	sdelay $0x2  }
0x1db: {  	s23 =	sshll.u32 s26, $0x8  }
0x1dc: {  	s23 =	sand.u32 $0x3FFFFD00, s23  }
0x1dd: {  	[tilespmem:s23+$0x6180] =	vst v6  }
0x1de: {  	v6 =	vld [tilespmem:s28+$0x190];
	_ =	sdelay $0x4  }
0x1df: {  	[tilespmem:s23+$0x6190] =	vst v6  }
0x1e0: {  	v6 =	vld [tilespmem:s28+$0x1A0];
	_ =	sdelay $0x4  }
0x1e1: {  	[tilespmem:s23+$0x61A0] =	vst v6  }
0x1e2: {  	v6 =	vld [tilespmem:s28+$0x1B0];
	_ =	sdelay $0x4  }
0x1e3: {  	[tilespmem:s23+$0x61B0] =	vst v6  }
0x1e4: {  	v6 =	vld [tilespmem:s28+$0x2180];
	_ =	sdelay $0x4  }
0x1e5: {  	[tilespmem:s23+$0x61C0] =	vst v6  }
0x1e6: {  	v6 =	vld [tilespmem:s28+$0x2190];
	_ =	sdelay $0x4  }
0x1e7: {  	[tilespmem:s23+$0x61D0] =	vst v6  }
0x1e8: {  	v6 =	vld [tilespmem:s28+$0x21A0];
	_ =	sdelay $0x4  }
0x1e9: {  	[tilespmem:s23+$0x61E0] =	vst v6  }
0x1ea: {  	v6 =	vld [tilespmem:s28+$0x21B0];
	_ =	sdelay $0x1  }
0x1eb: {  	v7 =	vbroadcast v5, $0xD;
	_ =	sdelay $0x1  }
0x1ec: {  	vm4 =	veq.s32 v7, v0  }
0x1ed: {  	vm5 =	veq.s32 v7, v2;
	[tilespmem:s23+$0x61F0] =	vst v6;
	v6 =	vsel vm4, $0x3F800000, v1  }
0x1ee: {  	vm6 =	veq.s32 v7, v3;
	[tilespmem:s23+$0x6200] =	vst v6;
	v6 =	vsel vm5, $0x3F800000, v1  }
0x1ef: {  	vm7 =	veq.s32 v7, v4;
	[tilespmem:s23+$0x6210] =	vst v6;
	v6 =	vsel vm6, $0x3F800000, v1  }
0x1f0: {  	[tilespmem:s23+$0x6220] =	vst v6;
	v6 =	vsel vm7, $0x3F800000, v1  }
0x1f1: {  	[tilespmem:s23+$0x6230] =	vst v6  }
0x1f2: {  	v6 =	vld [tilespmem:s28+$0x4180];
	_ =	sdelay $0x4  }
0x1f3: {  	[tilespmem:s23+$0x6233] =	vst v6  }
0x1f4: {  	v6 =	vld [tilespmem:s28+$0x4190];
	_ =	sdelay $0x4  }
0x1f5: {  	[tilespmem:s23+$0x6243] =	vst v6  }
0x1f6: {  	v6 =	vld [tilespmem:s28+$0x41A0];
	_ =	sdelay $0x4  }
0x1f7: {  	[tilespmem:s23+$0x6253] =	vst v6  }
0x1f8: {  	v6 =	vld [tilespmem:s28+$0x41B0];
	_ =	sdelay $0x3  }
0x1f9: {  	s22 =	sor.u32 $0xE, s22  }
0x1fa: {  	s29 =	sshll.u32 s22, $0x6;
	[tilespmem:s23+$0x6263] =	vst v6  }
0x1fb: {  	v6 =	vld [tilespmem:s29+$0x180];
	_ =	sdelay $0x2  }
0x1fc: {  	s22 =	sshll.u32 s22, $0x8  }
0x1fd: {  	s22 =	sand.u32 $0x3FFFFE00, s22  }
0x1fe: {  	[tilespmem:s22+$0x6180] =	vst v6  }
0x1ff: {  	v6 =	vld [tilespmem:s29+$0x190];
	_ =	sdelay $0x4  }
0x200: {  	[tilespmem:s22+$0x6190] =	vst v6  }
0x201: {  	v6 =	vld [tilespmem:s29+$0x1A0];
	_ =	sdelay $0x4  }
0x202: {  	[tilespmem:s22+$0x61A0] =	vst v6  }
0x203: {  	v6 =	vld [tilespmem:s29+$0x1B0];
	_ =	sdelay $0x4  }
0x204: {  	[tilespmem:s22+$0x61B0] =	vst v6  }
0x205: {  	v6 =	vld [tilespmem:s29+$0x2180];
	_ =	sdelay $0x4  }
0x206: {  	[tilespmem:s22+$0x61C0] =	vst v6  }
0x207: {  	v6 =	vld [tilespmem:s29+$0x2190];
	_ =	sdelay $0x4  }
0x208: {  	[tilespmem:s22+$0x61D0] =	vst v6  }
0x209: {  	v6 =	vld [tilespmem:s29+$0x21A0];
	_ =	sdelay $0x4  }
0x20a: {  	[tilespmem:s22+$0x61E0] =	vst v6  }
0x20b: {  	v6 =	vld [tilespmem:s29+$0x21B0];
	_ =	sdelay $0x1  }
0x20c: {  	v7 =	vbroadcast v5, $0xE;
	_ =	sdelay $0x1  }
0x20d: {  	vm8 =	veq.s32 v7, v0  }
0x20e: {  	vm9 =	veq.s32 v7, v2;
	[tilespmem:s22+$0x61F0] =	vst v6;
	v6 =	vsel vm8, $0x3F800000, v1  }
0x20f: {  	vm10 =	veq.s32 v7, v3;
	[tilespmem:s22+$0x6200] =	vst v6;
	v6 =	vsel vm9, $0x3F800000, v1  }
0x210: {  	vm11 =	veq.s32 v7, v4;
	[tilespmem:s22+$0x6210] =	vst v6;
	v6 =	vsel vm10, $0x3F800000, v1  }
0x211: {  	[tilespmem:s22+$0x6220] =	vst v6;
	v6 =	vsel vm11, $0x3F800000, v1  }
0x212: {  	[tilespmem:s22+$0x6230] =	vst v6  }
0x213: {  	v6 =	vld [tilespmem:s29+$0x4180];
	_ =	sdelay $0x4  }
0x214: {  	[tilespmem:s22+$0x6233] =	vst v6  }
0x215: {  	v6 =	vld [tilespmem:s29+$0x4190];
	_ =	sdelay $0x4  }
0x216: {  	[tilespmem:s22+$0x6243] =	vst v6  }
0x217: {  	v6 =	vld [tilespmem:s29+$0x41A0];
	_ =	sdelay $0x4  }
0x218: {  	[tilespmem:s22+$0x6253] =	vst v6  }
0x219: {  	v6 =	vld [tilespmem:s29+$0x41B0];
	_ =	sdelay $0x3  }
0x21a: {  	s30 =	sshllo.u32 s21, $0x4  }
0x21b: {  	s31 =	sshll.u32 s30, $0x6;
	[tilespmem:s22+$0x6263] =	vst v6  }
0x21c: {  	v6 =	vld [tilespmem:s31+$0x180];
	_ =	sdelay $0x2  }
0x21d: {  	s23 =	sshll.u32 s30, $0x8  }
0x21e: {  	s23 =	sand.u32 $0x3FFFFF00, s23  }
0x21f: {  	[tilespmem:s23+$0x6180] =	vst v6  }
0x220: {  	v6 =	vld [tilespmem:s31+$0x190];
	_ =	sdelay $0x4  }
0x221: {  	[tilespmem:s23+$0x6190] =	vst v6  }
0x222: {  	v6 =	vld [tilespmem:s31+$0x1A0];
	_ =	sdelay $0x4  }
0x223: {  	[tilespmem:s23+$0x61A0] =	vst v6  }
0x224: {  	v6 =	vld [tilespmem:s31+$0x1B0];
	_ =	sdelay $0x4  }
0x225: {  	[tilespmem:s23+$0x61B0] =	vst v6  }
0x226: {  	v6 =	vld [tilespmem:s31+$0x2180];
	_ =	sdelay $0x4  }
0x227: {  	[tilespmem:s23+$0x61C0] =	vst v6  }
0x228: {  	v6 =	vld [tilespmem:s31+$0x2190];
	_ =	sdelay $0x4  }
0x229: {  	[tilespmem:s23+$0x61D0] =	vst v6  }
0x22a: {  	v6 =	vld [tilespmem:s31+$0x21A0];
	_ =	sdelay $0x4  }
0x22b: {  	[tilespmem:s23+$0x61E0] =	vst v6  }
0x22c: {  	v5 =	vbroadcast v5, $0xF;
	v6 =	vld [tilespmem:s31+$0x21B0];
	_ =	sdelay $0x1  }
0x22d: {  	vm12 =	veq.s32 v5, v0;
	vm15 =	veq.s32 v5, v4  }
0x22e: {  	vm13 =	veq.s32 v5, v2;
	vm14 =	veq.s32 v5, v3;
	v5 =	vsel vm15, $0x3F800000, v1  }
0x22f: {  	[tilespmem:s23+$0x6230] =	vst v5  }
0x230: {  	[tilespmem:s23+$0x61F0] =	vst v6;
	v6 =	vsel vm12, $0x3F800000, v1  }
0x231: {  	[tilespmem:s23+$0x6200] =	vst v6;
	v6 =	vsel vm13, $0x3F800000, v1  }
0x232: {  	[tilespmem:s23+$0x6210] =	vst v6;
	v6 =	vsel vm14, $0x3F800000, v1  }
0x233: {  	[tilespmem:s23+$0x6220] =	vst v6  }
0x234: {  	v5 =	vld [tilespmem:s31+$0x4180];
	_ =	sdelay $0x4  }
0x235: {  	[tilespmem:s23+$0x6233] =	vst v5  }
0x236: {  	v5 =	vld [tilespmem:s31+$0x4190];
	_ =	sdelay $0x4  }
0x237: {  	[tilespmem:s23+$0x6243] =	vst v5  }
0x238: {  	v5 =	vld [tilespmem:s31+$0x41A0];
	_ =	sdelay $0x4  }
0x239: {  	[tilespmem:s23+$0x6253] =	vst v5  }
0x23a: {  	p0 =	sne.s32 s21, $0x7;
	v5 =	vld [tilespmem:s31+$0x41B0]  }
.Ltmp0:
0x23b: {  	_ = 	snop;
	(pc) =	sbr.rel @p0 .LBB2_2-.Ltmp0, $2  }
0x23c: {  	_ =	sdelay $0x2  }
0x23d: {  	s21 =	sadd.s32 $0x1, s21;
	[tilespmem:s23+$0x6263] =	vst v5  }
0x23e: {  	s20 =	sadd.s32 $0x1, s20  }
0x23f: {  	p0 =	sne.s32 s20, s10  }
.Ltmp1:
0x240: {  	_ = 	snop;
	(pc) =	sbr.rel @p0 .LBB2_1-.Ltmp1, $4  }
0x241: {  	[hbm4b:s9+s2] =	stream.linear.scatter [tilespmem:s19], [sflag:$0x3], $0x8000, $0x38;
	[tilespmem:$0xE180] =	vst v63  }
0x242: {  	_ =	swait.ge [sflag:s11], $0x8000  }
0x243: {  	[sflag:s11] =	ssyncset.done $0x0  }
0x244: {  	[sflag:s11] =	ssyncadd.s32 $0xFFFF8000  }
0x245: {  	_ =	sfence.sel $0x180000  }
0x246: {  	[bflag:$0x0] =	sbarrier.arrive $0xFFFF  }
0x247: {  	p0 =	sne.s32 s1, $0x0;
	_ =	strace $0x9000004A  }
0x248: {  	s0 =	sadd.s32 @!p0 $0x100000, s0;
	[bflag:$0x2] =	sbarrier.arrive $0xFFFF  }
0x249: {  	[sflag:s0] =	ssyncadd.tile.s32 @!p0 $0x1;
	_ =	shalt  }
.Lfunc_end2:
_tile_overlayer_lowered:
.L_overlay_start_2:
0x24a: {  	(tag) =	ssettag $0x2  }
0x24b: {  	s0 =	rddreg [dreg:$0x0];
	s2 =	stileid.u32  }
0x24c: {  	s1 =	rddreg [dreg:$0x1];
	p0 =	sne.s32 s2, $0x0  }
0x24d: {  	s3 =	rddreg [dreg:$0x2];
	[bflag:$0x3] =	sbarrier.arrive $0xFFFF;
	s2 =	simm.s32 @!p0 $0x1C03  }
0x24e: {  	[timem:s3], [sflag:s2] =	dma.local @!p0 [hbm:s0], s1  }
0x24f: {  	s0 =	simm.s32 @!p0 $0x3  }
0x250: {  	_ =	swait.ge @!p0 [sflag:s0], s1  }
0x251: {  	s1 =	ssub.s32 @!p0 $0x0, s1;
	[sflag:s0] =	ssyncset.done @!p0 $0x0  }
0x252: {  	[sflag:s0] =	ssyncadd.s32 @!p0 s1  }
0x253: {  	[bflag:$0x3] =	sbarrier.arrive $0xFFFF  }
0x254: {  	_ =	shalt  }

</sc_bundles>
